<compile_context>
chip_gen: v7x
topology: tpu7x:2x2x1
jax: 0.10.2.dev20260603
libtpu: 0.0.44.dev20260713+nightly
codegen_flags: <defaults>
</compile_context>

<pallas_src>
import jax
import jax.numpy as jnp
import numpy as np
from jax import lax
from jax.experimental import pallas as pl
from jax.experimental.pallas import tpu as pltpu
from jax.experimental.pallas import tpu_sc as plsc

N = 10000
E = 320000
H = 128
ED = 4
G = 64

DX = 144
EB = 128
NBLK = E // EB
NCH = 2
NBLKC = NBLK // NCH
EC = NBLKC * EB
NC = 2
NS = 16
NW = NC * NS
NBT = -(-NBLKC // NW)
NPAIR = (NBT + 1) // 2
NPT = N // NS
NPC = 125

_f32 = jnp.float32


def _silu(v):
    return v * jax.nn.sigmoid(v)


def _tile_blocks(wid):
    q, r = NBLKC // NW, NBLKC % NW
    start = q * wid + jnp.minimum(wid, r)
    nb = jnp.where(wid < r, q + 1, q)
    return start, nb


def _load_idx(src_hbm, start, nb, dst):
    @pl.when(nb == NBT)
    def _():
        pltpu.sync_copy(src_hbm.at[pl.ds(start, NBT)], dst)

    @pl.when(nb < NBT)
    def _():
        pltpu.sync_copy(src_hbm.at[pl.ds(start, NBT - 1)],
                        dst.at[pl.ds(0, NBT - 1)])



def _pre_body(h_ref, xp_ref, w1a_ref, w1b_ref, be1_ref, a_ref, b_ref):
    hb = h_ref[...]
    a = jnp.dot(hb, w1a_ref[...], preferred_element_type=_f32) + be1_ref[...]
    b = jnp.dot(hb, w1b_ref[...], preferred_element_type=_f32)
    a_ref[:, :H] = a
    a_ref[:, H:] = xp_ref[...]
    b_ref[:, :H] = b
    b_ref[:, H:] = xp_ref[...]


def _precompute(h, xp, w1a, w1b, be1):
    R = 2000
    grid = N // R
    return pl.pallas_call(
        _pre_body,
        grid=(grid,),
        in_specs=[
            pl.BlockSpec((R, H), lambda i: (i, 0)),
            pl.BlockSpec((R, DX - H), lambda i: (i, 0)),
            pl.BlockSpec((H, H), lambda i: (0, 0)),
            pl.BlockSpec((H, H), lambda i: (0, 0)),
            pl.BlockSpec((1, H), lambda i: (0, 0)),
        ],
        out_specs=[
            pl.BlockSpec((R, DX), lambda i: (i, 0)),
            pl.BlockSpec((R, DX), lambda i: (i, 0)),
        ],
        out_shape=[
            jax.ShapeDtypeStruct((N, DX), _f32),
            jax.ShapeDtypeStruct((N, DX), _f32),
        ],
    )(h, xp, w1a, w1b, be1)



def _sc_edge_body(a_hbm, b_hbm, row2_hbm, col2_hbm, w1r_hbm, t_hbm,
                  idxr_v, idxc_v, ar0, br0, ar1, br1, tb0, tb1, w1r_v,
                  sa0, sb0, sa1, sb1, st0, st1):
    wid = lax.axis_index("s") * NC + lax.axis_index("c")
    start, nb = _tile_blocks(wid)
    pltpu.sync_copy(w1r_hbm, w1r_v)
    _load_idx(row2_hbm, start, nb, idxr_v)
    _load_idx(col2_hbm, start, nb, idxc_v)

    def fetch(k, ar, br, sa, sb):
        pltpu.async_copy(a_hbm.at[idxr_v.at[k]], ar, sa)
        pltpu.async_copy(b_hbm.at[idxc_v.at[k]], br, sb)

    def compute(ar, br, tb):
        @plsc.parallel_loop(0, EB, unroll=2)
        def _edges(e):
            xa = ar[e, pl.ds(H, 16)]
            xb = br[e, pl.ds(H, 16)]
            d = xa - xb
            dd = d * d
            r = dd[0] + dd[1] + dd[2]
            for j in range(H // 16):
                s = pl.ds(16 * j, 16)
                tb[e, s] = ar[e, s] + br[e, s] + r * w1r_v[s]

    def phase(j, k, ar, br, tb, sa, sb, st):
        @pl.when(k < nb)
        def _():
            pltpu.make_async_copy(a_hbm.at[idxr_v.at[0]], ar, sa).wait()
            pltpu.make_async_copy(b_hbm.at[idxc_v.at[0]], br, sb).wait()

            @pl.when(j > 0)
            def _():
                pltpu.make_async_copy(tb, t_hbm.at[pl.ds(0, EB)], st).wait()

            compute(ar, br, tb)
            pltpu.async_copy(tb, t_hbm.at[pl.ds((start + k) * EB, EB)], st)

        @pl.when(k + 2 < nb)
        def _():
            fetch(k + 2, ar, br, sa, sb)

    fetch(0, ar0, br0, sa0, sb0)
    fetch(1, ar1, br1, sa1, sb1)

    @pl.loop(0, NPAIR)
    def _pairs(j):
        phase(j, 2 * j, ar0, br0, tb0, sa0, sb0, st0)
        phase(j, 2 * j + 1, ar1, br1, tb1, sa1, sb1, st1)

    pltpu.make_async_copy(tb0, t_hbm.at[pl.ds(0, EB)], st0).wait()
    pltpu.make_async_copy(tb1, t_hbm.at[pl.ds(0, EB)], st1).wait()


def _sc_edge(a_ext, b_ext, row2c, col2c, w1r):
    mesh = plsc.VectorSubcoreMesh(core_axis_name="c", subcore_axis_name="s")
    fn = pl.kernel(
        _sc_edge_body,
        out_type=jax.ShapeDtypeStruct((EC, H), _f32),
        mesh=mesh,
        compiler_params=pltpu.CompilerParams(use_tc_tiling_on_sc=False),
        scratch_types=[
            pltpu.VMEM((NBT, EB), jnp.int32),
            pltpu.VMEM((NBT, EB), jnp.int32),
            pltpu.VMEM((EB, DX), _f32),
            pltpu.VMEM((EB, DX), _f32),
            pltpu.VMEM((EB, DX), _f32),
            pltpu.VMEM((EB, DX), _f32),
            pltpu.VMEM((EB, H), _f32),
            pltpu.VMEM((EB, H), _f32),
            pltpu.VMEM((H,), _f32),
            pltpu.SemaphoreType.DMA,
            pltpu.SemaphoreType.DMA,
            pltpu.SemaphoreType.DMA,
            pltpu.SemaphoreType.DMA,
            pltpu.SemaphoreType.DMA,
            pltpu.SemaphoreType.DMA,
        ],
    )
    return fn(a_ext, b_ext, row2c, col2c, w1r)



def _mlp2_body(t_ref, eat_ref, w1d_ref, we2_ref, be2_ref, o_ref):
    ea_term = lax.dot_general(eat_ref[...], w1d_ref[...],
                              (((0,), (0,)), ((), ())),
                              preferred_element_type=_f32)
    ef = _silu(t_ref[...] + ea_term)
    o_ref[...] = _silu(jnp.dot(ef, we2_ref[...],
                               preferred_element_type=_f32) + be2_ref[...])


def _mlp2(t, eat, w1d, we2, be2):
    R = 6400
    grid = EC // R
    return pl.pallas_call(
        _mlp2_body,
        grid=(grid,),
        in_specs=[
            pl.BlockSpec((R, H), lambda i: (i, 0)),
            pl.BlockSpec((ED, R), lambda i: (0, i)),
            pl.BlockSpec((ED, H), lambda i: (0, 0)),
            pl.BlockSpec((H, H), lambda i: (0, 0)),
            pl.BlockSpec((1, H), lambda i: (0, 0)),
        ],
        out_specs=pl.BlockSpec((R, H), lambda i: (i, 0)),
        out_shape=jax.ShapeDtypeStruct((EC, H), _f32),
    )(t, eat, w1d, we2, be2)



def _sc_scatter_body(ef2_hbm, row2_hbm, agg_hbm,
                     idx_v, fb0, fb1, acc_sh, sf0, sf1, ss0, ss1):
    cid = lax.axis_index("c")
    sid = lax.axis_index("s")
    wid = sid * NC + cid
    start, nb = _tile_blocks(wid)
    _load_idx(row2_hbm, start, nb, idx_v)

    zero16 = jnp.zeros((16,), _f32)

    @pl.loop(0, NPC)
    def _zrow(e):
        for j in range(H // 16):
            fb0[e, pl.ds(16 * j, 16)] = zero16
    for i in range(NPT // NPC):
        pltpu.sync_copy(fb0.at[pl.ds(0, NPC)],
                        acc_sh.at[pl.ds(sid * NPT + i * NPC, NPC)])
    plsc.subcore_barrier()

    def phase_fetch(j, k, fb, sf, ss):
        @pl.when(k < nb)
        def _():
            @pl.when(j > 0)
            def _():
                pltpu.make_async_copy(fb, acc_sh.at[idx_v.at[0]], ss).wait()
            pltpu.async_copy(ef2_hbm.at[pl.ds((start + k) * EB, EB)], fb, sf)

    def phase_scatter(k, fb, sf, ss):
        @pl.when(k < nb)
        def _():
            pltpu.make_async_copy(
                ef2_hbm.at[pl.ds(0, EB)], fb, sf).wait()
            pltpu.async_copy(fb, acc_sh.at[idx_v.at[k]], ss, add=True)

    @pl.loop(0, NPAIR)
    def _pairs(j):
        phase_fetch(j, 2 * j, fb0, sf0, ss0)
        phase_fetch(j, 2 * j + 1, fb1, sf1, ss1)
        phase_scatter(2 * j, fb0, sf0, ss0)
        phase_scatter(2 * j + 1, fb1, sf1, ss1)

    pltpu.make_async_copy(fb0, acc_sh.at[idx_v.at[0]], ss0).wait()
    pltpu.make_async_copy(fb1, acc_sh.at[idx_v.at[0]], ss1).wait()

    plsc.subcore_barrier()
    for i in range(NPT // NPC):
        base = sid * NPT + i * NPC
        pltpu.sync_copy(acc_sh.at[pl.ds(base, NPC)], fb0.at[pl.ds(0, NPC)])
        pltpu.sync_copy(fb0.at[pl.ds(0, NPC)], agg_hbm.at[cid, pl.ds(base, NPC)])


def _sc_scatter(ef2c, row2c):
    mesh = plsc.VectorSubcoreMesh(core_axis_name="c", subcore_axis_name="s")
    fn = pl.kernel(
        _sc_scatter_body,
        out_type=jax.ShapeDtypeStruct((NC, N, H), _f32),
        mesh=mesh,
        compiler_params=pltpu.CompilerParams(use_tc_tiling_on_sc=False),
        scratch_types=[
            pltpu.VMEM((NBT, EB), jnp.int32),
            pltpu.VMEM((EB, H), _f32),
            pltpu.VMEM((EB, H), _f32),
            pltpu.VMEM_SHARED((N, H), _f32),
            pltpu.SemaphoreType.DMA,
            pltpu.SemaphoreType.DMA,
            pltpu.SemaphoreType.DMA,
            pltpu.SemaphoreType.DMA,
        ],
    )
    return fn(ef2c, row2c)



def _node_body(h_ref, agga_ref, aggb_ref, wn1a_ref, wn1b_ref, bn1_ref,
               wn2_ref, bn2_ref, batch_ref, p_ref, sums, cnt):
    i = pl.program_id(0)

    @pl.when(i == 0)
    def _init():
        sums[...] = jnp.zeros((G, H), _f32)
        cnt[...] = jnp.zeros((G, H), _f32)

    hb = h_ref[...]
    agg = (agga_ref[0] + agga_ref[1]) + (aggb_ref[0] + aggb_ref[1])
    pre = (jnp.dot(hb, wn1a_ref[...], preferred_element_type=_f32)
           + jnp.dot(agg, wn1b_ref[...], preferred_element_type=_f32)
           + bn1_ref[...])
    o = _silu(pre)
    o2 = jnp.dot(o, wn2_ref[...], preferred_element_type=_f32) + bn2_ref[...]
    h2 = hb + o2

    bvec = batch_ref[0, 0, :]
    R = h2.shape[0]
    oh = (bvec[:, None] == lax.broadcasted_iota(jnp.int32, (R, G), 1))
    ohf = oh.astype(_f32)
    sums[...] += lax.dot_general(ohf, h2, (((0,), (0,)), ((), ())),
                                 preferred_element_type=_f32)
    cnt[...] += jnp.sum(ohf, axis=0)[:, None]

    @pl.when(i == pl.num_programs(0) - 1)
    def _fin():
        p_ref[...] = sums[...] / jnp.maximum(cnt[...], 1.0)


def _node_pool(h, agga, aggb, wn1a, wn1b, bn1, wn2, bn2, batch3):
    R = 2000
    grid = N // R
    return pl.pallas_call(
        _node_body,
        grid=(grid,),
        in_specs=[
            pl.BlockSpec((R, H), lambda i: (i, 0)),
            pl.BlockSpec((NC, R, H), lambda i: (0, i, 0)),
            pl.BlockSpec((NC, R, H), lambda i: (0, i, 0)),
            pl.BlockSpec((H, H), lambda i: (0, 0)),
            pl.BlockSpec((H, H), lambda i: (0, 0)),
            pl.BlockSpec((1, H), lambda i: (0, 0)),
            pl.BlockSpec((H, H), lambda i: (0, 0)),
            pl.BlockSpec((1, H), lambda i: (0, 0)),
            pl.BlockSpec((1, 1, R), lambda i: (i, 0, 0)),
        ],
        out_specs=pl.BlockSpec((G, H), lambda i: (0, 0)),
        out_shape=jax.ShapeDtypeStruct((G, H), _f32),
        scratch_shapes=[
            pltpu.VMEM((G, H), _f32),
            pltpu.VMEM((G, H), _f32),
        ],
    )(h, agga, aggb, wn1a, wn1b, bn1, wn2, bn2, batch3)



def kernel(h, edge_index, x, edge_attr, batch, We1, be1, We2, be2,
           Wn1, bn1, Wn2, bn2):
    row2 = edge_index[0].reshape(NBLK, EB)
    col2 = edge_index[1].reshape(NBLK, EB)
    xp = jnp.zeros((N, DX - H), _f32).at[:, :3].set(x)

    w1a = We1[:H]
    w1b = We1[H:2 * H]
    w1r = We1[2 * H]
    w1d = We1[2 * H + 1:]

    a_ext, b_ext = _precompute(h, xp, w1a, w1b, be1.reshape(1, H))

    eat = edge_attr.T

    aggs = []
    for c in range(NCH):
        r2c = row2[c * NBLKC:(c + 1) * NBLKC]
        c2c = col2[c * NBLKC:(c + 1) * NBLKC]
        eatc = eat[:, c * EC:(c + 1) * EC]
        t = _sc_edge(a_ext, b_ext, r2c, c2c, w1r)
        ef2 = _mlp2(t, eatc, w1d, We2, be2.reshape(1, H))
        aggs.append(_sc_scatter(ef2, r2c))

    p = _node_pool(h, aggs[0], aggs[1], Wn1[:H], Wn1[H:], bn1.reshape(1, H),
                   Wn2, bn2.reshape(1, H), batch.reshape(N // 2000, 1, 2000))
    return p

# --- scband reference (transcript-rebuilt; emitter-appended) ---
"""Pipeline reference for scband-e3-pooling-76510547411040 (READ-ONLY COPY).

The authoritative reference and input builder live on the scoring server;
editing this copy changes nothing except your own understanding.
"""

import jax, jax.numpy as jnp
import numpy as np

N = 10000
E = 320000
H = 128
ED = 4
G = 64

def _silu(x):
    return x * jax.nn.sigmoid(x)

def _linear_params(key, fan_in, fan_out):
    k1, k2 = jax.random.split(key)
    bound = 1.0 / np.sqrt(fan_in)
    w = jax.random.uniform(k1, (fan_in, fan_out), minval=-bound, maxval=bound, dtype=jnp.float32)
    b = jax.random.uniform(k2, (fan_out,), minval=-bound, maxval=bound, dtype=jnp.float32)
    return w, b

def setup_inputs(seed: int = 0):
    key = jax.random.key(seed)
    ks = jax.random.split(key, 10)
    h = jax.random.normal(ks[0], (N, H), dtype=jnp.float32)
    edge_index = jax.random.randint(ks[1], (2, E), 0, N, dtype=jnp.int32)
    x = jax.random.normal(ks[2], (N, 3), dtype=jnp.float32)
    edge_attr = jax.random.normal(ks[3], (E, ED), dtype=jnp.float32)
    batch = jnp.sort(jax.random.randint(ks[4], (N,), 0, G, dtype=jnp.int32))
    We1, be1 = _linear_params(ks[5], 2 * H + 1 + ED, H)
    We2, be2 = _linear_params(ks[6], H, H)
    Wn1, bn1 = _linear_params(ks[7], 2 * H, H)
    Wn2, bn2 = _linear_params(ks[8], H, H)
    return {"h": h, "edge_index": edge_index, "x": x, "edge_attr": edge_attr, "batch": batch,
            "We1": We1, "be1": be1, "We2": We2, "be2": be2,
            "Wn1": Wn1, "bn1": bn1, "Wn2": Wn2, "bn2": bn2}

def reference(h, edge_index, x, edge_attr, batch, We1, be1, We2, be2, Wn1, bn1, Wn2, bn2):
    row = edge_index[0]
    col = edge_index[1]
    # coord2radial
    coord_diff = x[row] - x[col]
    radial = jnp.sum(coord_diff ** 2, axis=1, keepdims=True)
    # edge_model: MLP(concat(h_i, h_j, radial, edge_attr))
    ef = jnp.concatenate([h[row], h[col], radial, edge_attr], axis=1)
    ef = _silu(ef @ We1 + be1)
    ef = _silu(ef @ We2 + be2)
    # node_model: unsorted_segment_sum of edge features onto source nodes (row)
    agg = jnp.zeros((N, H), dtype=h.dtype).at[row].add(ef)
    nm_in = jnp.concatenate([h, agg], axis=1)
    out = _silu(nm_in @ Wn1 + bn1)
    out = out @ Wn2 + bn2
    h2 = h + out  # recurrent=True
    # global_mean_pool over batch (pooling=True skips coordinate update)
    sums = jax.ops.segment_sum(h2, batch, num_segments=G)
    cnt = jax.ops.segment_sum(jnp.ones((N,), dtype=h.dtype), batch, num_segments=G)
    p = sums / jnp.maximum(cnt, 1.0)[:, None]
    return p

if __name__ == "__main__":
    import jax
    _d = setup_inputs()
    print(jax.jit(kernel)(*tuple(_d.values())))

</pallas_src>

<mosaic_0001>
#map = affine_map<(d0, d1) -> (0, 0)>
#map1 = affine_map<(d0, d1) -> (0)>
module attributes {stable_mosaic.version = 14 : i64} {
  func.func @_sc_edge_body(%arg0: i32, %arg1: i32, %arg2: memref<10000x144xf32, #tpu.memory_space<hbm>>, %arg3: memref<10000x144xf32, #tpu.memory_space<hbm>>, %arg4: memref<1250x128xi32, #tpu.memory_space<hbm>>, %arg5: memref<1250x128xi32, #tpu.memory_space<hbm>>, %arg6: memref<128xf32, #tpu.memory_space<hbm>>, %arg7: memref<160000x128xf32, #tpu.memory_space<hbm>>, %arg8: memref<40x128xi32, #tpu.memory_space<vmem>>, %arg9: memref<40x128xi32, #tpu.memory_space<vmem>>, %arg10: memref<128x144xf32, #tpu.memory_space<vmem>>, %arg11: memref<128x144xf32, #tpu.memory_space<vmem>>, %arg12: memref<128x144xf32, #tpu.memory_space<vmem>>, %arg13: memref<128x144xf32, #tpu.memory_space<vmem>>, %arg14: memref<128x128xf32, #tpu.memory_space<vmem>>, %arg15: memref<128x128xf32, #tpu.memory_space<vmem>>, %arg16: memref<128xf32, #tpu.memory_space<vmem>>, %arg17: memref<!tpu.dma_semaphore, #tpu.memory_space<semaphore_mem>>, %arg18: memref<!tpu.dma_semaphore, #tpu.memory_space<semaphore_mem>>, %arg19: memref<!tpu.dma_semaphore, #tpu.memory_space<semaphore_mem>>, %arg20: memref<!tpu.dma_semaphore, #tpu.memory_space<semaphore_mem>>, %arg21: memref<!tpu.dma_semaphore, #tpu.memory_space<semaphore_mem>>, %arg22: memref<!tpu.dma_semaphore, #tpu.memory_space<semaphore_mem>>) attributes {dimension_semantics = [#tpu.dimension_semantics<core_parallel>, #tpu.dimension_semantics<subcore_parallel>], iteration_bounds = array<i64: 2, 16>, scalar_prefetch = 0 : i64, scratch_operands = 15 : i64, tpu.core_type = #tpu.core_type<sc_vector_subcore>, window_params = [{transform_indices = #map}, {transform_indices = #map}, {transform_indices = #map}, {transform_indices = #map}, {transform_indices = #map1}, {transform_indices = #map}]} {
    %mul3A = arith.constant 2 : i32
    %mul3A_0 = arith.muli %arg1, %mul3A : i32
    %add3A = arith.addi %mul3A_0, %arg0 : i32
    %mul3A_1 = arith.constant 39 : i32
    %mul3A_2 = arith.muli %mul3A_1, %add3A : i32
    %min3A = arith.constant 2 : i32
    %min3A_3 = arith.minsi %add3A, %min3A : i32
    %add3A_4 = arith.addi %mul3A_2, %min3A_3 : i32
    %lt3A = arith.constant 2 : i32
    %lt3A_5 = arith.cmpi slt, %add3A, %lt3A : i32
    %jit3A = arith.constant 40 : i32
    %jit3A_6 = arith.constant 39 : i32
    %select_n3A = arith.select %lt3A_5, %jit3A, %jit3A_6 : i32
    "tpu.region"() ({
      %run_scoped3A = tpu.sem_alloc : memref<!tpu.dma_semaphore, #tpu.memory_space<semaphore_mem>>
      tpu.enqueue_dma source(%arg6 : memref<128xf32, #tpu.memory_space<hbm>>) target(%arg16 : memref<128xf32, #tpu.memory_space<vmem>>) target_semaphore(%run_scoped3A : memref<!tpu.dma_semaphore, #tpu.memory_space<semaphore_mem>>)
      tpu.wait_dma2 semaphore(%run_scoped3A : memref<!tpu.dma_semaphore, #tpu.memory_space<semaphore_mem>>) src(%arg6 : memref<128xf32, #tpu.memory_space<hbm>>) dst(%arg16 : memref<128xf32, #tpu.memory_space<vmem>>)
      tpu.yield
    }) : () -> ()
    %eq3A = arith.constant 40 : i32
    %eq3A_7 = arith.cmpi eq, %select_n3A, %eq3A : i32
    %convert_element_type3A = arith.extui %eq3A_7 : i1 to i32
    %cond3A = arith.constant 0 : i32
    %cond3A_8 = arith.cmpi ne, %convert_element_type3A, %cond3A : i32
    scf.if %cond3A_8 {
      "tpu.region"() ({
        %run_scoped3A = tpu.sem_alloc : memref<!tpu.dma_semaphore, #tpu.memory_space<semaphore_mem>>
        %dma_start3A_66 = arith.constant 0 : i32
        %dma_start3A_67 = tpu.memref_slice %arg4[%add3A_4, %dma_start3A_66] : memref<1250x128xi32, #tpu.memory_space<hbm>> -> memref<40x128xi32, #tpu.memory_space<hbm>>
        %dma_start3A_68 = arith.constant 0 : i32
        %dma_start3A_69 = tpu.memref_slice %arg4[%add3A_4, %dma_start3A_68] : memref<1250x128xi32, #tpu.memory_space<hbm>> -> memref<40x128xi32, #tpu.memory_space<hbm>>
        tpu.enqueue_dma source(%dma_start3A_69 : memref<40x128xi32, #tpu.memory_space<hbm>>) target(%arg8 : memref<40x128xi32, #tpu.memory_space<vmem>>) target_semaphore(%run_scoped3A : memref<!tpu.dma_semaphore, #tpu.memory_space<semaphore_mem>>)
        %dma_wait3A_70 = arith.constant 0 : i32
        %dma_wait3A_71 = tpu.memref_slice %arg4[%add3A_4, %dma_wait3A_70] : memref<1250x128xi32, #tpu.memory_space<hbm>> -> memref<40x128xi32, #tpu.memory_space<hbm>>
        %dma_wait3A_72 = arith.constant 0 : i32
        %dma_wait3A_73 = tpu.memref_slice %arg4[%add3A_4, %dma_wait3A_72] : memref<1250x128xi32, #tpu.memory_space<hbm>> -> memref<40x128xi32, #tpu.memory_space<hbm>>
        tpu.wait_dma2 semaphore(%run_scoped3A : memref<!tpu.dma_semaphore, #tpu.memory_space<semaphore_mem>>) src(%dma_wait3A_73 : memref<40x128xi32, #tpu.memory_space<hbm>>) dst(%arg8 : memref<40x128xi32, #tpu.memory_space<vmem>>)
        tpu.yield
      }) : () -> ()
    } else {
    }
    %lt3A_9 = arith.constant 40 : i32
    %lt3A_10 = arith.cmpi slt, %select_n3A, %lt3A_9 : i32
    %convert_element_type3A_11 = arith.extui %lt3A_10 : i1 to i32
    %cond3A_12 = arith.constant 0 : i32
    %cond3A_13 = arith.cmpi ne, %convert_element_type3A_11, %cond3A_12 : i32
    scf.if %cond3A_13 {
      "tpu.region"() ({
        %run_scoped3A = tpu.sem_alloc : memref<!tpu.dma_semaphore, #tpu.memory_space<semaphore_mem>>
        %dma_start3A_66 = arith.constant 0 : i32
        %dma_start3A_67 = arith.constant 0 : i32
        %dma_start3A_68 = tpu.memref_slice %arg8[%dma_start3A_66, %dma_start3A_67] : memref<40x128xi32, #tpu.memory_space<vmem>> -> memref<39x128xi32, #tpu.memory_space<vmem>>
        %dma_start3A_69 = arith.constant 0 : i32
        %dma_start3A_70 = tpu.memref_slice %arg4[%add3A_4, %dma_start3A_69] : memref<1250x128xi32, #tpu.memory_space<hbm>> -> memref<39x128xi32, #tpu.memory_space<hbm>>
        %dma_start3A_71 = arith.constant 0 : i32
        %dma_start3A_72 = arith.constant 0 : i32
        %dma_start3A_73 = tpu.memref_slice %arg8[%dma_start3A_71, %dma_start3A_72] : memref<40x128xi32, #tpu.memory_space<vmem>> -> memref<39x128xi32, #tpu.memory_space<vmem>>
        %dma_start3A_74 = arith.constant 0 : i32
        %dma_start3A_75 = tpu.memref_slice %arg4[%add3A_4, %dma_start3A_74] : memref<1250x128xi32, #tpu.memory_space<hbm>> -> memref<39x128xi32, #tpu.memory_space<hbm>>
        tpu.enqueue_dma source(%dma_start3A_75 : memref<39x128xi32, #tpu.memory_space<hbm>>) target(%dma_start3A_73 : memref<39x128xi32, #tpu.memory_space<vmem>>) target_semaphore(%run_scoped3A : memref<!tpu.dma_semaphore, #tpu.memory_space<semaphore_mem>>)
        %dma_wait3A_76 = arith.constant 0 : i32
        %dma_wait3A_77 = arith.constant 0 : i32
        %dma_wait3A_78 = tpu.memref_slice %arg8[%dma_wait3A_76, %dma_wait3A_77] : memref<40x128xi32, #tpu.memory_space<vmem>> -> memref<39x128xi32, #tpu.memory_space<vmem>>
        %dma_wait3A_79 = arith.constant 0 : i32
        %dma_wait3A_80 = tpu.memref_slice %arg4[%add3A_4, %dma_wait3A_79] : memref<1250x128xi32, #tpu.memory_space<hbm>> -> memref<39x128xi32, #tpu.memory_space<hbm>>
        %dma_wait3A_81 = arith.constant 0 : i32
        %dma_wait3A_82 = arith.constant 0 : i32
        %dma_wait3A_83 = tpu.memref_slice %arg8[%dma_wait3A_81, %dma_wait3A_82] : memref<40x128xi32, #tpu.memory_space<vmem>> -> memref<39x128xi32, #tpu.memory_space<vmem>>
        %dma_wait3A_84 = arith.constant 0 : i32
        %dma_wait3A_85 = tpu.memref_slice %arg4[%add3A_4, %dma_wait3A_84] : memref<1250x128xi32, #tpu.memory_space<hbm>> -> memref<39x128xi32, #tpu.memory_space<hbm>>
        tpu.wait_dma2 semaphore(%run_scoped3A : memref<!tpu.dma_semaphore, #tpu.memory_space<semaphore_mem>>) src(%dma_wait3A_85 : memref<39x128xi32, #tpu.memory_space<hbm>>) dst(%dma_wait3A_83 : memref<39x128xi32, #tpu.memory_space<vmem>>)
        tpu.yield
      }) : () -> ()
    } else {
    }
    %eq3A_14 = arith.constant 40 : i32
    %eq3A_15 = arith.cmpi eq, %select_n3A, %eq3A_14 : i32
    %convert_element_type3A_16 = arith.extui %eq3A_15 : i1 to i32
    %cond3A_17 = arith.constant 0 : i32
    %cond3A_18 = arith.cmpi ne, %convert_element_type3A_16, %cond3A_17 : i32
    scf.if %cond3A_18 {
      "tpu.region"() ({
        %run_scoped3A = tpu.sem_alloc : memref<!tpu.dma_semaphore, #tpu.memory_space<semaphore_mem>>
        %dma_start3A_66 = arith.constant 0 : i32
        %dma_start3A_67 = tpu.memref_slice %arg5[%add3A_4, %dma_start3A_66] : memref<1250x128xi32, #tpu.memory_space<hbm>> -> memref<40x128xi32, #tpu.memory_space<hbm>>
        %dma_start3A_68 = arith.constant 0 : i32
        %dma_start3A_69 = tpu.memref_slice %arg5[%add3A_4, %dma_start3A_68] : memref<1250x128xi32, #tpu.memory_space<hbm>> -> memref<40x128xi32, #tpu.memory_space<hbm>>
        tpu.enqueue_dma source(%dma_start3A_69 : memref<40x128xi32, #tpu.memory_space<hbm>>) target(%arg9 : memref<40x128xi32, #tpu.memory_space<vmem>>) target_semaphore(%run_scoped3A : memref<!tpu.dma_semaphore, #tpu.memory_space<semaphore_mem>>)
        %dma_wait3A_70 = arith.constant 0 : i32
        %dma_wait3A_71 = tpu.memref_slice %arg5[%add3A_4, %dma_wait3A_70] : memref<1250x128xi32, #tpu.memory_space<hbm>> -> memref<40x128xi32, #tpu.memory_space<hbm>>
        %dma_wait3A_72 = arith.constant 0 : i32
        %dma_wait3A_73 = tpu.memref_slice %arg5[%add3A_4, %dma_wait3A_72] : memref<1250x128xi32, #tpu.memory_space<hbm>> -> memref<40x128xi32, #tpu.memory_space<hbm>>
        tpu.wait_dma2 semaphore(%run_scoped3A : memref<!tpu.dma_semaphore, #tpu.memory_space<semaphore_mem>>) src(%dma_wait3A_73 : memref<40x128xi32, #tpu.memory_space<hbm>>) dst(%arg9 : memref<40x128xi32, #tpu.memory_space<vmem>>)
        tpu.yield
      }) : () -> ()
    } else {
    }
    %lt3A_19 = arith.constant 40 : i32
    %lt3A_20 = arith.cmpi slt, %select_n3A, %lt3A_19 : i32
    %convert_element_type3A_21 = arith.extui %lt3A_20 : i1 to i32
    %cond3A_22 = arith.constant 0 : i32
    %cond3A_23 = arith.cmpi ne, %convert_element_type3A_21, %cond3A_22 : i32
    scf.if %cond3A_23 {
      "tpu.region"() ({
        %run_scoped3A = tpu.sem_alloc : memref<!tpu.dma_semaphore, #tpu.memory_space<semaphore_mem>>
        %dma_start3A_66 = arith.constant 0 : i32
        %dma_start3A_67 = arith.constant 0 : i32
        %dma_start3A_68 = tpu.memref_slice %arg9[%dma_start3A_66, %dma_start3A_67] : memref<40x128xi32, #tpu.memory_space<vmem>> -> memref<39x128xi32, #tpu.memory_space<vmem>>
        %dma_start3A_69 = arith.constant 0 : i32
        %dma_start3A_70 = tpu.memref_slice %arg5[%add3A_4, %dma_start3A_69] : memref<1250x128xi32, #tpu.memory_space<hbm>> -> memref<39x128xi32, #tpu.memory_space<hbm>>
        %dma_start3A_71 = arith.constant 0 : i32
        %dma_start3A_72 = arith.constant 0 : i32
        %dma_start3A_73 = tpu.memref_slice %arg9[%dma_start3A_71, %dma_start3A_72] : memref<40x128xi32, #tpu.memory_space<vmem>> -> memref<39x128xi32, #tpu.memory_space<vmem>>
        %dma_start3A_74 = arith.constant 0 : i32
        %dma_start3A_75 = tpu.memref_slice %arg5[%add3A_4, %dma_start3A_74] : memref<1250x128xi32, #tpu.memory_space<hbm>> -> memref<39x128xi32, #tpu.memory_space<hbm>>
        tpu.enqueue_dma source(%dma_start3A_75 : memref<39x128xi32, #tpu.memory_space<hbm>>) target(%dma_start3A_73 : memref<39x128xi32, #tpu.memory_space<vmem>>) target_semaphore(%run_scoped3A : memref<!tpu.dma_semaphore, #tpu.memory_space<semaphore_mem>>)
        %dma_wait3A_76 = arith.constant 0 : i32
        %dma_wait3A_77 = arith.constant 0 : i32
        %dma_wait3A_78 = tpu.memref_slice %arg9[%dma_wait3A_76, %dma_wait3A_77] : memref<40x128xi32, #tpu.memory_space<vmem>> -> memref<39x128xi32, #tpu.memory_space<vmem>>
        %dma_wait3A_79 = arith.constant 0 : i32
        %dma_wait3A_80 = tpu.memref_slice %arg5[%add3A_4, %dma_wait3A_79] : memref<1250x128xi32, #tpu.memory_space<hbm>> -> memref<39x128xi32, #tpu.memory_space<hbm>>
        %dma_wait3A_81 = arith.constant 0 : i32
        %dma_wait3A_82 = arith.constant 0 : i32
        %dma_wait3A_83 = tpu.memref_slice %arg9[%dma_wait3A_81, %dma_wait3A_82] : memref<40x128xi32, #tpu.memory_space<vmem>> -> memref<39x128xi32, #tpu.memory_space<vmem>>
        %dma_wait3A_84 = arith.constant 0 : i32
        %dma_wait3A_85 = tpu.memref_slice %arg5[%add3A_4, %dma_wait3A_84] : memref<1250x128xi32, #tpu.memory_space<hbm>> -> memref<39x128xi32, #tpu.memory_space<hbm>>
        tpu.wait_dma2 semaphore(%run_scoped3A : memref<!tpu.dma_semaphore, #tpu.memory_space<semaphore_mem>>) src(%dma_wait3A_85 : memref<39x128xi32, #tpu.memory_space<hbm>>) dst(%dma_wait3A_83 : memref<39x128xi32, #tpu.memory_space<vmem>>)
        tpu.yield
      }) : () -> ()
    } else {
    }
    %dma_start3A = arith.constant 0 : i32
    %dma_start3A_24 = arith.constant 0 : i32
    %dma_start3A_25 = tpu.memref_slice %arg8[%dma_start3A, %dma_start3A_24] : memref<40x128xi32, #tpu.memory_space<vmem>> -> memref<1x128xi32, #tpu.memory_space<vmem>>
    %dma_start3A_26 = tpu.memref_squeeze %dma_start3A_25 : memref<1x128xi32, #tpu.memory_space<vmem>> -> memref<128xi32, #tpu.memory_space<vmem>>
    %dma_start3A_27 = arith.constant 0 : i32
    %dma_start3A_28 = arith.constant 0 : i32
    %dma_start3A_29 = tpu.memref_slice %arg2[%dma_start3A_27, %dma_start3A_28] : memref<10000x144xf32, #tpu.memory_space<hbm>> -> memref<10000x144xf32, #tpu.memory_space<hbm>>
    tpu.enqueue_indirect_dma source(%dma_start3A_29 : memref<10000x144xf32, #tpu.memory_space<hbm>>) target(%arg10 : memref<128x144xf32, #tpu.memory_space<vmem>>) offsets(%dma_start3A_26 : memref<128xi32, #tpu.memory_space<vmem>>) semaphore(%arg17 : memref<!tpu.dma_semaphore, #tpu.memory_space<semaphore_mem>>)
    %dma_start3A_30 = arith.constant 0 : i32
    %dma_start3A_31 = arith.constant 0 : i32
    %dma_start3A_32 = tpu.memref_slice %arg9[%dma_start3A_30, %dma_start3A_31] : memref<40x128xi32, #tpu.memory_space<vmem>> -> memref<1x128xi32, #tpu.memory_space<vmem>>
    %dma_start3A_33 = tpu.memref_squeeze %dma_start3A_32 : memref<1x128xi32, #tpu.memory_space<vmem>> -> memref<128xi32, #tpu.memory_space<vmem>>
    %dma_start3A_34 = arith.constant 0 : i32
    %dma_start3A_35 = arith.constant 0 : i32
    %dma_start3A_36 = tpu.memref_slice %arg3[%dma_start3A_34, %dma_start3A_35] : memref<10000x144xf32, #tpu.memory_space<hbm>> -> memref<10000x144xf32, #tpu.memory_space<hbm>>
    tpu.enqueue_indirect_dma source(%dma_start3A_36 : memref<10000x144xf32, #tpu.memory_space<hbm>>) target(%arg11 : memref<128x144xf32, #tpu.memory_space<vmem>>) offsets(%dma_start3A_33 : memref<128xi32, #tpu.memory_space<vmem>>) semaphore(%arg18 : memref<!tpu.dma_semaphore, #tpu.memory_space<semaphore_mem>>)
    %dma_start3A_37 = arith.constant 1 : i32
    %dma_start3A_38 = arith.constant 0 : i32
    %dma_start3A_39 = tpu.memref_slice %arg8[%dma_start3A_37, %dma_start3A_38] : memref<40x128xi32, #tpu.memory_space<vmem>> -> memref<1x128xi32, #tpu.memory_space<vmem>>
    %dma_start3A_40 = tpu.memref_squeeze %dma_start3A_39 : memref<1x128xi32, #tpu.memory_space<vmem>> -> memref<128xi32, #tpu.memory_space<vmem>>
    %dma_start3A_41 = arith.constant 0 : i32
    %dma_start3A_42 = arith.constant 0 : i32
    %dma_start3A_43 = tpu.memref_slice %arg2[%dma_start3A_41, %dma_start3A_42] : memref<10000x144xf32, #tpu.memory_space<hbm>> -> memref<10000x144xf32, #tpu.memory_space<hbm>>
    tpu.enqueue_indirect_dma source(%dma_start3A_43 : memref<10000x144xf32, #tpu.memory_space<hbm>>) target(%arg12 : memref<128x144xf32, #tpu.memory_space<vmem>>) offsets(%dma_start3A_40 : memref<128xi32, #tpu.memory_space<vmem>>) semaphore(%arg19 : memref<!tpu.dma_semaphore, #tpu.memory_space<semaphore_mem>>)
    %dma_start3A_44 = arith.constant 1 : i32
    %dma_start3A_45 = arith.constant 0 : i32
    %dma_start3A_46 = tpu.memref_slice %arg9[%dma_start3A_44, %dma_start3A_45] : memref<40x128xi32, #tpu.memory_space<vmem>> -> memref<1x128xi32, #tpu.memory_space<vmem>>
    %dma_start3A_47 = tpu.memref_squeeze %dma_start3A_46 : memref<1x128xi32, #tpu.memory_space<vmem>> -> memref<128xi32, #tpu.memory_space<vmem>>
    %dma_start3A_48 = arith.constant 0 : i32
    %dma_start3A_49 = arith.constant 0 : i32
    %dma_start3A_50 = tpu.memref_slice %arg3[%dma_start3A_48, %dma_start3A_49] : memref<10000x144xf32, #tpu.memory_space<hbm>> -> memref<10000x144xf32, #tpu.memory_space<hbm>>
    tpu.enqueue_indirect_dma source(%dma_start3A_50 : memref<10000x144xf32, #tpu.memory_space<hbm>>) target(%arg13 : memref<128x144xf32, #tpu.memory_space<vmem>>) offsets(%dma_start3A_47 : memref<128xi32, #tpu.memory_space<vmem>>) semaphore(%arg20 : memref<!tpu.dma_semaphore, #tpu.memory_space<semaphore_mem>>)
    %scan3A = arith.constant 0 : i32
    %scan3A_51 = arith.constant 20 : i32
    %scan3A_52 = arith.addi %scan3A, %scan3A_51 : i32
    %scan3A_53 = arith.constant 1 : i32
    scf.for %scan3A_66 = %scan3A to %scan3A_52 step %scan3A_53  : i32 {
      %mul3A_67 = arith.constant 1 : i32
      %mul3A_68 = arith.muli %scan3A_66, %mul3A_67 : i32
      %add3A_69 = arith.constant 0 : i32
      %add3A_70 = arith.addi %add3A_69, %mul3A_68 : i32
      %mul3A_71 = arith.constant 2 : i32
      %mul3A_72 = arith.muli %mul3A_71, %add3A_70 : i32
      %lt3A_73 = arith.cmpi slt, %mul3A_72, %select_n3A : i32
      %convert_element_type3A_74 = arith.extui %lt3A_73 : i1 to i32
      %cond3A_75 = arith.constant 0 : i32
      %cond3A_76 = arith.cmpi ne, %convert_element_type3A_74, %cond3A_75 : i32
      scf.if %cond3A_76 {
        %dma_wait3A_97 = arith.constant 0 : i32
        %dma_wait3A_98 = arith.constant 0 : i32
        %dma_wait3A_99 = tpu.memref_slice %arg8[%dma_wait3A_97, %dma_wait3A_98] : memref<40x128xi32, #tpu.memory_space<vmem>> -> memref<1x128xi32, #tpu.memory_space<vmem>>
        %dma_wait3A_100 = tpu.memref_squeeze %dma_wait3A_99 : memref<1x128xi32, #tpu.memory_space<vmem>> -> memref<128xi32, #tpu.memory_space<vmem>>
        %dma_wait3A_101 = arith.constant 0 : i32
        %dma_wait3A_102 = arith.constant 0 : i32
        %dma_wait3A_103 = tpu.memref_slice %arg2[%dma_wait3A_101, %dma_wait3A_102] : memref<10000x144xf32, #tpu.memory_space<hbm>> -> memref<10000x144xf32, #tpu.memory_space<hbm>>
        tpu.wait_indirect_dma semaphore(%arg17 : memref<!tpu.dma_semaphore, #tpu.memory_space<semaphore_mem>>) src(%dma_wait3A_103 : memref<10000x144xf32, #tpu.memory_space<hbm>>) dst(%arg10 : memref<128x144xf32, #tpu.memory_space<vmem>>)
        %dma_wait3A_104 = arith.constant 0 : i32
        %dma_wait3A_105 = arith.constant 0 : i32
        %dma_wait3A_106 = tpu.memref_slice %arg9[%dma_wait3A_104, %dma_wait3A_105] : memref<40x128xi32, #tpu.memory_space<vmem>> -> memref<1x128xi32, #tpu.memory_space<vmem>>
        %dma_wait3A_107 = tpu.memref_squeeze %dma_wait3A_106 : memref<1x128xi32, #tpu.memory_space<vmem>> -> memref<128xi32, #tpu.memory_space<vmem>>
        %dma_wait3A_108 = arith.constant 0 : i32
        %dma_wait3A_109 = arith.constant 0 : i32
        %dma_wait3A_110 = tpu.memref_slice %arg3[%dma_wait3A_108, %dma_wait3A_109] : memref<10000x144xf32, #tpu.memory_space<hbm>> -> memref<10000x144xf32, #tpu.memory_space<hbm>>
        tpu.wait_indirect_dma semaphore(%arg18 : memref<!tpu.dma_semaphore, #tpu.memory_space<semaphore_mem>>) src(%dma_wait3A_110 : memref<10000x144xf32, #tpu.memory_space<hbm>>) dst(%arg11 : memref<128x144xf32, #tpu.memory_space<vmem>>)
        %gt3A = arith.constant 0 : i32
        %gt3A_111 = arith.cmpi sgt, %add3A_70, %gt3A : i32
        %convert_element_type3A_112 = arith.extui %gt3A_111 : i1 to i32
        %cond3A_113 = arith.constant 0 : i32
        %cond3A_114 = arith.cmpi ne, %convert_element_type3A_112, %cond3A_113 : i32
        scf.if %cond3A_114 {
          %dma_wait3A_124 = arith.constant 0 : i32
          %dma_wait3A_125 = arith.constant 0 : i32
          %dma_wait3A_126 = tpu.memref_slice %arg7[%dma_wait3A_124, %dma_wait3A_125] : memref<160000x128xf32, #tpu.memory_space<hbm>> -> memref<128x128xf32, #tpu.memory_space<hbm>>
          %dma_wait3A_127 = arith.constant 0 : i32
          %dma_wait3A_128 = arith.constant 0 : i32
          %dma_wait3A_129 = tpu.memref_slice %arg7[%dma_wait3A_127, %dma_wait3A_128] : memref<160000x128xf32, #tpu.memory_space<hbm>> -> memref<128x128xf32, #tpu.memory_space<hbm>>
          tpu.wait_dma2 semaphore(%arg21 : memref<!tpu.dma_semaphore, #tpu.memory_space<semaphore_mem>>) src(%arg14 : memref<128x128xf32, #tpu.memory_space<vmem>>) dst(%dma_wait3A_129 : memref<128x128xf32, #tpu.memory_space<hbm>>)
        } else {
        }
        %parallel_loop3A = arith.constant 0 : i32
        %parallel_loop3A_115 = arith.constant 128 : i32
        %parallel_loop3A_116 = arith.constant 1 : i32
        scf.for %parallel_loop3A_124 = %parallel_loop3A to %parallel_loop3A_115 step %parallel_loop3A_116  : i32 {
          %parallel_loop3A_125 = arith.index_cast %parallel_loop3A_124 : i32 to index
          %parallel_loop3A_126 = arith.constant 128 : index
          %parallel_loop3A_127 = tpu.vector_load %arg10[%parallel_loop3A_125, %parallel_loop3A_126] {strides = array<i32>} : memref<128x144xf32, #tpu.memory_space<vmem>>, vector<1x16xf32>,
          %parallel_loop3A_128 = vector.shape_cast %parallel_loop3A_127 : vector<1x16xf32> to vector<16xf32>
          %parallel_loop3A_129 = arith.index_cast %parallel_loop3A_124 : i32 to index
          %parallel_loop3A_130 = arith.constant 128 : index
          %parallel_loop3A_131 = tpu.vector_load %arg11[%parallel_loop3A_129, %parallel_loop3A_130] {strides = array<i32>} : memref<128x144xf32, #tpu.memory_space<vmem>>, vector<1x16xf32>,
          %parallel_loop3A_132 = vector.shape_cast %parallel_loop3A_131 : vector<1x16xf32> to vector<16xf32>
          %parallel_loop3A_133 = arith.subf %parallel_loop3A_128, %parallel_loop3A_132 : vector<16xf32>
          %parallel_loop3A_134 = arith.mulf %parallel_loop3A_133, %parallel_loop3A_133 : vector<16xf32>
          %parallel_loop3A_135 = vector.extract_strided_slice %parallel_loop3A_134 {offsets = [0], sizes = [1], strides = [1]} : vector<16xf32> to vector<1xf32>
          %parallel_loop3A_136 = vector.extract %parallel_loop3A_135[0] : f32 from vector<1xf32>
          %parallel_loop3A_137 = vector.extract_strided_slice %parallel_loop3A_134 {offsets = [1], sizes = [1], strides = [1]} : vector<16xf32> to vector<1xf32>
          %parallel_loop3A_138 = vector.extract %parallel_loop3A_137[0] : f32 from vector<1xf32>
          %parallel_loop3A_139 = arith.addf %parallel_loop3A_136, %parallel_loop3A_138 : f32
          %parallel_loop3A_140 = vector.extract_strided_slice %parallel_loop3A_134 {offsets = [2], sizes = [1], strides = [1]} : vector<16xf32> to vector<1xf32>
          %parallel_loop3A_141 = vector.extract %parallel_loop3A_140[0] : f32 from vector<1xf32>
          %parallel_loop3A_142 = arith.addf %parallel_loop3A_139, %parallel_loop3A_141 : f32
          %parallel_loop3A_143 = arith.index_cast %parallel_loop3A_124 : i32 to index
          %parallel_loop3A_144 = arith.constant 0 : index
          %parallel_loop3A_145 = tpu.vector_load %arg10[%parallel_loop3A_143, %parallel_loop3A_144] {strides = array<i32>} : memref<128x144xf32, #tpu.memory_space<vmem>>, vector<1x16xf32>,
          %parallel_loop3A_146 = vector.shape_cast %parallel_loop3A_145 : vector<1x16xf32> to vector<16xf32>
          %parallel_loop3A_147 = arith.index_cast %parallel_loop3A_124 : i32 to index
          %parallel_loop3A_148 = arith.constant 0 : index
          %parallel_loop3A_149 = tpu.vector_load %arg11[%parallel_loop3A_147, %parallel_loop3A_148] {strides = array<i32>} : memref<128x144xf32, #tpu.memory_space<vmem>>, vector<1x16xf32>,
          %parallel_loop3A_150 = vector.shape_cast %parallel_loop3A_149 : vector<1x16xf32> to vector<16xf32>
          %parallel_loop3A_151 = arith.addf %parallel_loop3A_146, %parallel_loop3A_150 : vector<16xf32>
          %parallel_loop3A_152 = arith.constant 0 : index
          %parallel_loop3A_153 = tpu.vector_load %arg16[%parallel_loop3A_152] {strides = array<i32>} : memref<128xf32, #tpu.memory_space<vmem>>, vector<16xf32>,
          %parallel_loop3A_154 = vector.shape_cast %parallel_loop3A_153 : vector<16xf32> to vector<16xf32>
          %parallel_loop3A_155 = vector.broadcast %parallel_loop3A_142 : f32 to vector<16xf32>
          %parallel_loop3A_156 = arith.mulf %parallel_loop3A_155, %parallel_loop3A_154 : vector<16xf32>
          %parallel_loop3A_157 = arith.addf %parallel_loop3A_151, %parallel_loop3A_156 : vector<16xf32>
          %parallel_loop3A_158 = arith.index_cast %parallel_loop3A_124 : i32 to index
          %parallel_loop3A_159 = arith.constant 0 : index
          %parallel_loop3A_160 = tpu.vector_load %arg14[%parallel_loop3A_158, %parallel_loop3A_159] {strides = array<i32>} : memref<128x128xf32, #tpu.memory_space<vmem>>, vector<1x16xf32>,
          %parallel_loop3A_161 = vector.shape_cast %parallel_loop3A_160 : vector<1x16xf32> to vector<16xf32>
          %parallel_loop3A_162 = vector.shape_cast %parallel_loop3A_157 : vector<16xf32> to vector<1x16xf32>
          tpu.vector_store %arg14[%parallel_loop3A_158, %parallel_loop3A_159], %parallel_loop3A_162 {strides = array<i32>} : memref<128x128xf32, #tpu.memory_space<vmem>>, vector<1x16xf32>,
          %parallel_loop3A_163 = arith.index_cast %parallel_loop3A_124 : i32 to index
          %parallel_loop3A_164 = arith.constant 16 : index
          %parallel_loop3A_165 = tpu.vector_load %arg10[%parallel_loop3A_163, %parallel_loop3A_164] {strides = array<i32>} : memref<128x144xf32, #tpu.memory_space<vmem>>, vector<1x16xf32>,
          %parallel_loop3A_166 = vector.shape_cast %parallel_loop3A_165 : vector<1x16xf32> to vector<16xf32>
          %parallel_loop3A_167 = arith.index_cast %parallel_loop3A_124 : i32 to index
          %parallel_loop3A_168 = arith.constant 16 : index
          %parallel_loop3A_169 = tpu.vector_load %arg11[%parallel_loop3A_167, %parallel_loop3A_168] {strides = array<i32>} : memref<128x144xf32, #tpu.memory_space<vmem>>, vector<1x16xf32>,
          %parallel_loop3A_170 = vector.shape_cast %parallel_loop3A_169 : vector<1x16xf32> to vector<16xf32>
          %parallel_loop3A_171 = arith.addf %parallel_loop3A_166, %parallel_loop3A_170 : vector<16xf32>
          %parallel_loop3A_172 = arith.constant 16 : index
          %parallel_loop3A_173 = tpu.vector_load %arg16[%parallel_loop3A_172] {strides = array<i32>} : memref<128xf32, #tpu.memory_space<vmem>>, vector<16xf32>,
          %parallel_loop3A_174 = vector.shape_cast %parallel_loop3A_173 : vector<16xf32> to vector<16xf32>
          %parallel_loop3A_175 = vector.broadcast %parallel_loop3A_142 : f32 to vector<16xf32>
          %parallel_loop3A_176 = arith.mulf %parallel_loop3A_175, %parallel_loop3A_174 : vector<16xf32>
          %parallel_loop3A_177 = arith.addf %parallel_loop3A_171, %parallel_loop3A_176 : vector<16xf32>
          %parallel_loop3A_178 = arith.index_cast %parallel_loop3A_124 : i32 to index
          %parallel_loop3A_179 = arith.constant 16 : index
          %parallel_loop3A_180 = tpu.vector_load %arg14[%parallel_loop3A_178, %parallel_loop3A_179] {strides = array<i32>} : memref<128x128xf32, #tpu.memory_space<vmem>>, vector<1x16xf32>,
          %parallel_loop3A_181 = vector.shape_cast %parallel_loop3A_180 : vector<1x16xf32> to vector<16xf32>
          %parallel_loop3A_182 = vector.shape_cast %parallel_loop3A_177 : vector<16xf32> to vector<1x16xf32>
          tpu.vector_store %arg14[%parallel_loop3A_178, %parallel_loop3A_179], %parallel_loop3A_182 {strides = array<i32>} : memref<128x128xf32, #tpu.memory_space<vmem>>, vector<1x16xf32>,
          %parallel_loop3A_183 = arith.index_cast %parallel_loop3A_124 : i32 to index
          %parallel_loop3A_184 = arith.constant 32 : index
          %parallel_loop3A_185 = tpu.vector_load %arg10[%parallel_loop3A_183, %parallel_loop3A_184] {strides = array<i32>} : memref<128x144xf32, #tpu.memory_space<vmem>>, vector<1x16xf32>,
          %parallel_loop3A_186 = vector.shape_cast %parallel_loop3A_185 : vector<1x16xf32> to vector<16xf32>
          %parallel_loop3A_187 = arith.index_cast %parallel_loop3A_124 : i32 to index
          %parallel_loop3A_188 = arith.constant 32 : index
          %parallel_loop3A_189 = tpu.vector_load %arg11[%parallel_loop3A_187, %parallel_loop3A_188] {strides = array<i32>} : memref<128x144xf32, #tpu.memory_space<vmem>>, vector<1x16xf32>,
          %parallel_loop3A_190 = vector.shape_cast %parallel_loop3A_189 : vector<1x16xf32> to vector<16xf32>
          %parallel_loop3A_191 = arith.addf %parallel_loop3A_186, %parallel_loop3A_190 : vector<16xf32>
          %parallel_loop3A_192 = arith.constant 32 : index
          %parallel_loop3A_193 = tpu.vector_load %arg16[%parallel_loop3A_192] {strides = array<i32>} : memref<128xf32, #tpu.memory_space<vmem>>, vector<16xf32>,
          %parallel_loop3A_194 = vector.shape_cast %parallel_loop3A_193 : vector<16xf32> to vector<16xf32>
          %parallel_loop3A_195 = vector.broadcast %parallel_loop3A_142 : f32 to vector<16xf32>
          %parallel_loop3A_196 = arith.mulf %parallel_loop3A_195, %parallel_loop3A_194 : vector<16xf32>
          %parallel_loop3A_197 = arith.addf %parallel_loop3A_191, %parallel_loop3A_196 : vector<16xf32>
          %parallel_loop3A_198 = arith.index_cast %parallel_loop3A_124 : i32 to index
          %parallel_loop3A_199 = arith.constant 32 : index
          %parallel_loop3A_200 = tpu.vector_load %arg14[%parallel_loop3A_198, %parallel_loop3A_199] {strides = array<i32>} : memref<128x128xf32, #tpu.memory_space<vmem>>, vector<1x16xf32>,
          %parallel_loop3A_201 = vector.shape_cast %parallel_loop3A_200 : vector<1x16xf32> to vector<16xf32>
          %parallel_loop3A_202 = vector.shape_cast %parallel_loop3A_197 : vector<16xf32> to vector<1x16xf32>
          tpu.vector_store %arg14[%parallel_loop3A_198, %parallel_loop3A_199], %parallel_loop3A_202 {strides = array<i32>} : memref<128x128xf32, #tpu.memory_space<vmem>>, vector<1x16xf32>,
          %parallel_loop3A_203 = arith.index_cast %parallel_loop3A_124 : i32 to index
          %parallel_loop3A_204 = arith.constant 48 : index
          %parallel_loop3A_205 = tpu.vector_load %arg10[%parallel_loop3A_203, %parallel_loop3A_204] {strides = array<i32>} : memref<128x144xf32, #tpu.memory_space<vmem>>, vector<1x16xf32>,
          %parallel_loop3A_206 = vector.shape_cast %parallel_loop3A_205 : vector<1x16xf32> to vector<16xf32>
          %parallel_loop3A_207 = arith.index_cast %parallel_loop3A_124 : i32 to index
          %parallel_loop3A_208 = arith.constant 48 : index
          %parallel_loop3A_209 = tpu.vector_load %arg11[%parallel_loop3A_207, %parallel_loop3A_208] {strides = array<i32>} : memref<128x144xf32, #tpu.memory_space<vmem>>, vector<1x16xf32>,
          %parallel_loop3A_210 = vector.shape_cast %parallel_loop3A_209 : vector<1x16xf32> to vector<16xf32>
          %parallel_loop3A_211 = arith.addf %parallel_loop3A_206, %parallel_loop3A_210 : vector<16xf32>
          %parallel_loop3A_212 = arith.constant 48 : index
          %parallel_loop3A_213 = tpu.vector_load %arg16[%parallel_loop3A_212] {strides = array<i32>} : memref<128xf32, #tpu.memory_space<vmem>>, vector<16xf32>,
          %parallel_loop3A_214 = vector.shape_cast %parallel_loop3A_213 : vector<16xf32> to vector<16xf32>
          %parallel_loop3A_215 = vector.broadcast %parallel_loop3A_142 : f32 to vector<16xf32>
          %parallel_loop3A_216 = arith.mulf %parallel_loop3A_215, %parallel_loop3A_214 : vector<16xf32>
          %parallel_loop3A_217 = arith.addf %parallel_loop3A_211, %parallel_loop3A_216 : vector<16xf32>
          %parallel_loop3A_218 = arith.index_cast %parallel_loop3A_124 : i32 to index
          %parallel_loop3A_219 = arith.constant 48 : index
          %parallel_loop3A_220 = tpu.vector_load %arg14[%parallel_loop3A_218, %parallel_loop3A_219] {strides = array<i32>} : memref<128x128xf32, #tpu.memory_space<vmem>>, vector<1x16xf32>,
          %parallel_loop3A_221 = vector.shape_cast %parallel_loop3A_220 : vector<1x16xf32> to vector<16xf32>
          %parallel_loop3A_222 = vector.shape_cast %parallel_loop3A_217 : vector<16xf32> to vector<1x16xf32>
          tpu.vector_store %arg14[%parallel_loop3A_218, %parallel_loop3A_219], %parallel_loop3A_222 {strides = array<i32>} : memref<128x128xf32, #tpu.memory_space<vmem>>, vector<1x16xf32>,
          %parallel_loop3A_223 = arith.index_cast %parallel_loop3A_124 : i32 to index
          %parallel_loop3A_224 = arith.constant 64 : index
          %parallel_loop3A_225 = tpu.vector_load %arg10[%parallel_loop3A_223, %parallel_loop3A_224] {strides = array<i32>} : memref<128x144xf32, #tpu.memory_space<vmem>>, vector<1x16xf32>,
          %parallel_loop3A_226 = vector.shape_cast %parallel_loop3A_225 : vector<1x16xf32> to vector<16xf32>
          %parallel_loop3A_227 = arith.index_cast %parallel_loop3A_124 : i32 to index
          %parallel_loop3A_228 = arith.constant 64 : index
          %parallel_loop3A_229 = tpu.vector_load %arg11[%parallel_loop3A_227, %parallel_loop3A_228] {strides = array<i32>} : memref<128x144xf32, #tpu.memory_space<vmem>>, vector<1x16xf32>,
          %parallel_loop3A_230 = vector.shape_cast %parallel_loop3A_229 : vector<1x16xf32> to vector<16xf32>
          %parallel_loop3A_231 = arith.addf %parallel_loop3A_226, %parallel_loop3A_230 : vector<16xf32>
          %parallel_loop3A_232 = arith.constant 64 : index
          %parallel_loop3A_233 = tpu.vector_load %arg16[%parallel_loop3A_232] {strides = array<i32>} : memref<128xf32, #tpu.memory_space<vmem>>, vector<16xf32>,
          %parallel_loop3A_234 = vector.shape_cast %parallel_loop3A_233 : vector<16xf32> to vector<16xf32>
          %parallel_loop3A_235 = vector.broadcast %parallel_loop3A_142 : f32 to vector<16xf32>
          %parallel_loop3A_236 = arith.mulf %parallel_loop3A_235, %parallel_loop3A_234 : vector<16xf32>
          %parallel_loop3A_237 = arith.addf %parallel_loop3A_231, %parallel_loop3A_236 : vector<16xf32>
          %parallel_loop3A_238 = arith.index_cast %parallel_loop3A_124 : i32 to index
          %parallel_loop3A_239 = arith.constant 64 : index
          %parallel_loop3A_240 = tpu.vector_load %arg14[%parallel_loop3A_238, %parallel_loop3A_239] {strides = array<i32>} : memref<128x128xf32, #tpu.memory_space<vmem>>, vector<1x16xf32>,
          %parallel_loop3A_241 = vector.shape_cast %parallel_loop3A_240 : vector<1x16xf32> to vector<16xf32>
          %parallel_loop3A_242 = vector.shape_cast %parallel_loop3A_237 : vector<16xf32> to vector<1x16xf32>
          tpu.vector_store %arg14[%parallel_loop3A_238, %parallel_loop3A_239], %parallel_loop3A_242 {strides = array<i32>} : memref<128x128xf32, #tpu.memory_space<vmem>>, vector<1x16xf32>,
          %parallel_loop3A_243 = arith.index_cast %parallel_loop3A_124 : i32 to index
          %parallel_loop3A_244 = arith.constant 80 : index
          %parallel_loop3A_245 = tpu.vector_load %arg10[%parallel_loop3A_243, %parallel_loop3A_244] {strides = array<i32>} : memref<128x144xf32, #tpu.memory_space<vmem>>, vector<1x16xf32>,
          %parallel_loop3A_246 = vector.shape_cast %parallel_loop3A_245 : vector<1x16xf32> to vector<16xf32>
          %parallel_loop3A_247 = arith.index_cast %parallel_loop3A_124 : i32 to index
          %parallel_loop3A_248 = arith.constant 80 : index
          %parallel_loop3A_249 = tpu.vector_load %arg11[%parallel_loop3A_247, %parallel_loop3A_248] {strides = array<i32>} : memref<128x144xf32, #tpu.memory_space<vmem>>, vector<1x16xf32>,
          %parallel_loop3A_250 = vector.shape_cast %parallel_loop3A_249 : vector<1x16xf32> to vector<16xf32>
          %parallel_loop3A_251 = arith.addf %parallel_loop3A_246, %parallel_loop3A_250 : vector<16xf32>
          %parallel_loop3A_252 = arith.constant 80 : index
          %parallel_loop3A_253 = tpu.vector_load %arg16[%parallel_loop3A_252] {strides = array<i32>} : memref<128xf32, #tpu.memory_space<vmem>>, vector<16xf32>,
          %parallel_loop3A_254 = vector.shape_cast %parallel_loop3A_253 : vector<16xf32> to vector<16xf32>
          %parallel_loop3A_255 = vector.broadcast %parallel_loop3A_142 : f32 to vector<16xf32>
          %parallel_loop3A_256 = arith.mulf %parallel_loop3A_255, %parallel_loop3A_254 : vector<16xf32>
          %parallel_loop3A_257 = arith.addf %parallel_loop3A_251, %parallel_loop3A_256 : vector<16xf32>
          %parallel_loop3A_258 = arith.index_cast %parallel_loop3A_124 : i32 to index
          %parallel_loop3A_259 = arith.constant 80 : index
          %parallel_loop3A_260 = tpu.vector_load %arg14[%parallel_loop3A_258, %parallel_loop3A_259] {strides = array<i32>} : memref<128x128xf32, #tpu.memory_space<vmem>>, vector<1x16xf32>,
          %parallel_loop3A_261 = vector.shape_cast %parallel_loop3A_260 : vector<1x16xf32> to vector<16xf32>
          %parallel_loop3A_262 = vector.shape_cast %parallel_loop3A_257 : vector<16xf32> to vector<1x16xf32>
          tpu.vector_store %arg14[%parallel_loop3A_258, %parallel_loop3A_259], %parallel_loop3A_262 {strides = array<i32>} : memref<128x128xf32, #tpu.memory_space<vmem>>, vector<1x16xf32>,
          %parallel_loop3A_263 = arith.index_cast %parallel_loop3A_124 : i32 to index
          %parallel_loop3A_264 = arith.constant 96 : index
          %parallel_loop3A_265 = tpu.vector_load %arg10[%parallel_loop3A_263, %parallel_loop3A_264] {strides = array<i32>} : memref<128x144xf32, #tpu.memory_space<vmem>>, vector<1x16xf32>,
          %parallel_loop3A_266 = vector.shape_cast %parallel_loop3A_265 : vector<1x16xf32> to vector<16xf32>
          %parallel_loop3A_267 = arith.index_cast %parallel_loop3A_124 : i32 to index
          %parallel_loop3A_268 = arith.constant 96 : index
          %parallel_loop3A_269 = tpu.vector_load %arg11[%parallel_loop3A_267, %parallel_loop3A_268] {strides = array<i32>} : memref<128x144xf32, #tpu.memory_space<vmem>>, vector<1x16xf32>,
          %parallel_loop3A_270 = vector.shape_cast %parallel_loop3A_269 : vector<1x16xf32> to vector<16xf32>
          %parallel_loop3A_271 = arith.addf %parallel_loop3A_266, %parallel_loop3A_270 : vector<16xf32>
          %parallel_loop3A_272 = arith.constant 96 : index
          %parallel_loop3A_273 = tpu.vector_load %arg16[%parallel_loop3A_272] {strides = array<i32>} : memref<128xf32, #tpu.memory_space<vmem>>, vector<16xf32>,
          %parallel_loop3A_274 = vector.shape_cast %parallel_loop3A_273 : vector<16xf32> to vector<16xf32>
          %parallel_loop3A_275 = vector.broadcast %parallel_loop3A_142 : f32 to vector<16xf32>
          %parallel_loop3A_276 = arith.mulf %parallel_loop3A_275, %parallel_loop3A_274 : vector<16xf32>
          %parallel_loop3A_277 = arith.addf %parallel_loop3A_271, %parallel_loop3A_276 : vector<16xf32>
          %parallel_loop3A_278 = arith.index_cast %parallel_loop3A_124 : i32 to index
          %parallel_loop3A_279 = arith.constant 96 : index
          %parallel_loop3A_280 = tpu.vector_load %arg14[%parallel_loop3A_278, %parallel_loop3A_279] {strides = array<i32>} : memref<128x128xf32, #tpu.memory_space<vmem>>, vector<1x16xf32>,
          %parallel_loop3A_281 = vector.shape_cast %parallel_loop3A_280 : vector<1x16xf32> to vector<16xf32>
          %parallel_loop3A_282 = vector.shape_cast %parallel_loop3A_277 : vector<16xf32> to vector<1x16xf32>
          tpu.vector_store %arg14[%parallel_loop3A_278, %parallel_loop3A_279], %parallel_loop3A_282 {strides = array<i32>} : memref<128x128xf32, #tpu.memory_space<vmem>>, vector<1x16xf32>,
          %parallel_loop3A_283 = arith.index_cast %parallel_loop3A_124 : i32 to index
          %parallel_loop3A_284 = arith.constant 112 : index
          %parallel_loop3A_285 = tpu.vector_load %arg10[%parallel_loop3A_283, %parallel_loop3A_284] {strides = array<i32>} : memref<128x144xf32, #tpu.memory_space<vmem>>, vector<1x16xf32>,
          %parallel_loop3A_286 = vector.shape_cast %parallel_loop3A_285 : vector<1x16xf32> to vector<16xf32>
          %parallel_loop3A_287 = arith.index_cast %parallel_loop3A_124 : i32 to index
          %parallel_loop3A_288 = arith.constant 112 : index
          %parallel_loop3A_289 = tpu.vector_load %arg11[%parallel_loop3A_287, %parallel_loop3A_288] {strides = array<i32>} : memref<128x144xf32, #tpu.memory_space<vmem>>, vector<1x16xf32>,
          %parallel_loop3A_290 = vector.shape_cast %parallel_loop3A_289 : vector<1x16xf32> to vector<16xf32>
          %parallel_loop3A_291 = arith.addf %parallel_loop3A_286, %parallel_loop3A_290 : vector<16xf32>
          %parallel_loop3A_292 = arith.constant 112 : index
          %parallel_loop3A_293 = tpu.vector_load %arg16[%parallel_loop3A_292] {strides = array<i32>} : memref<128xf32, #tpu.memory_space<vmem>>, vector<16xf32>,
          %parallel_loop3A_294 = vector.shape_cast %parallel_loop3A_293 : vector<16xf32> to vector<16xf32>
          %parallel_loop3A_295 = vector.broadcast %parallel_loop3A_142 : f32 to vector<16xf32>
          %parallel_loop3A_296 = arith.mulf %parallel_loop3A_295, %parallel_loop3A_294 : vector<16xf32>
          %parallel_loop3A_297 = arith.addf %parallel_loop3A_291, %parallel_loop3A_296 : vector<16xf32>
          %parallel_loop3A_298 = arith.index_cast %parallel_loop3A_124 : i32 to index
          %parallel_loop3A_299 = arith.constant 112 : index
          %parallel_loop3A_300 = tpu.vector_load %arg14[%parallel_loop3A_298, %parallel_loop3A_299] {strides = array<i32>} : memref<128x128xf32, #tpu.memory_space<vmem>>, vector<1x16xf32>,
          %parallel_loop3A_301 = vector.shape_cast %parallel_loop3A_300 : vector<1x16xf32> to vector<16xf32>
          %parallel_loop3A_302 = vector.shape_cast %parallel_loop3A_297 : vector<16xf32> to vector<1x16xf32>
          tpu.vector_store %arg14[%parallel_loop3A_298, %parallel_loop3A_299], %parallel_loop3A_302 {strides = array<i32>} : memref<128x128xf32, #tpu.memory_space<vmem>>, vector<1x16xf32>,
        } {sc.loop_unroll_factor = 2 : i64, sc.parallel_access}
        %add3A_117 = arith.addi %add3A_4, %mul3A_72 : i32
        %mul3A_118 = arith.constant 128 : i32
        %mul3A_119 = arith.muli %add3A_117, %mul3A_118 : i32
        %dma_start3A_120 = arith.constant 0 : i32
        %dma_start3A_121 = tpu.memref_slice %arg7[%mul3A_119, %dma_start3A_120] : memref<160000x128xf32, #tpu.memory_space<hbm>> -> memref<128x128xf32, #tpu.memory_space<hbm>>
        %dma_start3A_122 = arith.constant 0 : i32
        %dma_start3A_123 = tpu.memref_slice %arg7[%mul3A_119, %dma_start3A_122] : memref<160000x128xf32, #tpu.memory_space<hbm>> -> memref<128x128xf32, #tpu.memory_space<hbm>>
        tpu.enqueue_dma source(%arg14 : memref<128x128xf32, #tpu.memory_space<vmem>>) target(%dma_start3A_123 : memref<128x128xf32, #tpu.memory_space<hbm>>) target_semaphore(%arg21 : memref<!tpu.dma_semaphore, #tpu.memory_space<semaphore_mem>>)
      } else {
      }
      %add3A_77 = arith.constant 2 : i32
      %add3A_78 = arith.addi %mul3A_72, %add3A_77 : i32
      %lt3A_79 = arith.cmpi slt, %add3A_78, %select_n3A : i32
      %convert_element_type3A_80 = arith.extui %lt3A_79 : i1 to i32
      %cond3A_81 = arith.constant 0 : i32
      %cond3A_82 = arith.cmpi ne, %convert_element_type3A_80, %cond3A_81 : i32
      scf.if %cond3A_82 {
        %add3A_97 = arith.constant 2 : i32
        %add3A_98 = arith.addi %mul3A_72, %add3A_97 : i32
        %dma_start3A_99 = arith.constant 0 : i32
        %dma_start3A_100 = tpu.memref_slice %arg8[%add3A_98, %dma_start3A_99] : memref<40x128xi32, #tpu.memory_space<vmem>> -> memref<1x128xi32, #tpu.memory_space<vmem>>
        %dma_start3A_101 = tpu.memref_squeeze %dma_start3A_100 : memref<1x128xi32, #tpu.memory_space<vmem>> -> memref<128xi32, #tpu.memory_space<vmem>>
        %dma_start3A_102 = arith.constant 0 : i32
        %dma_start3A_103 = arith.constant 0 : i32
        %dma_start3A_104 = tpu.memref_slice %arg2[%dma_start3A_102, %dma_start3A_103] : memref<10000x144xf32, #tpu.memory_space<hbm>> -> memref<10000x144xf32, #tpu.memory_space<hbm>>
        tpu.enqueue_indirect_dma source(%dma_start3A_104 : memref<10000x144xf32, #tpu.memory_space<hbm>>) target(%arg10 : memref<128x144xf32, #tpu.memory_space<vmem>>) offsets(%dma_start3A_101 : memref<128xi32, #tpu.memory_space<vmem>>) semaphore(%arg17 : memref<!tpu.dma_semaphore, #tpu.memory_space<semaphore_mem>>)
        %dma_start3A_105 = arith.constant 0 : i32
        %dma_start3A_106 = tpu.memref_slice %arg9[%add3A_98, %dma_start3A_105] : memref<40x128xi32, #tpu.memory_space<vmem>> -> memref<1x128xi32, #tpu.memory_space<vmem>>
        %dma_start3A_107 = tpu.memref_squeeze %dma_start3A_106 : memref<1x128xi32, #tpu.memory_space<vmem>> -> memref<128xi32, #tpu.memory_space<vmem>>
        %dma_start3A_108 = arith.constant 0 : i32
        %dma_start3A_109 = arith.constant 0 : i32
        %dma_start3A_110 = tpu.memref_slice %arg3[%dma_start3A_108, %dma_start3A_109] : memref<10000x144xf32, #tpu.memory_space<hbm>> -> memref<10000x144xf32, #tpu.memory_space<hbm>>
        tpu.enqueue_indirect_dma source(%dma_start3A_110 : memref<10000x144xf32, #tpu.memory_space<hbm>>) target(%arg11 : memref<128x144xf32, #tpu.memory_space<vmem>>) offsets(%dma_start3A_107 : memref<128xi32, #tpu.memory_space<vmem>>) semaphore(%arg18 : memref<!tpu.dma_semaphore, #tpu.memory_space<semaphore_mem>>)
      } else {
      }
      %mul3A_83 = arith.constant 2 : i32
      %mul3A_84 = arith.muli %mul3A_83, %add3A_70 : i32
      %add3A_85 = arith.constant 1 : i32
      %add3A_86 = arith.addi %mul3A_84, %add3A_85 : i32
      %lt3A_87 = arith.cmpi slt, %add3A_86, %select_n3A : i32
      %convert_element_type3A_88 = arith.extui %lt3A_87 : i1 to i32
      %cond3A_89 = arith.constant 0 : i32
      %cond3A_90 = arith.cmpi ne, %convert_element_type3A_88, %cond3A_89 : i32
      scf.if %cond3A_90 {
        %dma_wait3A_97 = arith.constant 0 : i32
        %dma_wait3A_98 = arith.constant 0 : i32
        %dma_wait3A_99 = tpu.memref_slice %arg8[%dma_wait3A_97, %dma_wait3A_98] : memref<40x128xi32, #tpu.memory_space<vmem>> -> memref<1x128xi32, #tpu.memory_space<vmem>>
        %dma_wait3A_100 = tpu.memref_squeeze %dma_wait3A_99 : memref<1x128xi32, #tpu.memory_space<vmem>> -> memref<128xi32, #tpu.memory_space<vmem>>
        %dma_wait3A_101 = arith.constant 0 : i32
        %dma_wait3A_102 = arith.constant 0 : i32
        %dma_wait3A_103 = tpu.memref_slice %arg2[%dma_wait3A_101, %dma_wait3A_102] : memref<10000x144xf32, #tpu.memory_space<hbm>> -> memref<10000x144xf32, #tpu.memory_space<hbm>>
        tpu.wait_indirect_dma semaphore(%arg19 : memref<!tpu.dma_semaphore, #tpu.memory_space<semaphore_mem>>) src(%dma_wait3A_103 : memref<10000x144xf32, #tpu.memory_space<hbm>>) dst(%arg12 : memref<128x144xf32, #tpu.memory_space<vmem>>)
        %dma_wait3A_104 = arith.constant 0 : i32
        %dma_wait3A_105 = arith.constant 0 : i32
        %dma_wait3A_106 = tpu.memref_slice %arg9[%dma_wait3A_104, %dma_wait3A_105] : memref<40x128xi32, #tpu.memory_space<vmem>> -> memref<1x128xi32, #tpu.memory_space<vmem>>
        %dma_wait3A_107 = tpu.memref_squeeze %dma_wait3A_106 : memref<1x128xi32, #tpu.memory_space<vmem>> -> memref<128xi32, #tpu.memory_space<vmem>>
        %dma_wait3A_108 = arith.constant 0 : i32
        %dma_wait3A_109 = arith.constant 0 : i32
        %dma_wait3A_110 = tpu.memref_slice %arg3[%dma_wait3A_108, %dma_wait3A_109] : memref<10000x144xf32, #tpu.memory_space<hbm>> -> memref<10000x144xf32, #tpu.memory_space<hbm>>
        tpu.wait_indirect_dma semaphore(%arg20 : memref<!tpu.dma_semaphore, #tpu.memory_space<semaphore_mem>>) src(%dma_wait3A_110 : memref<10000x144xf32, #tpu.memory_space<hbm>>) dst(%arg13 : memref<128x144xf32, #tpu.memory_space<vmem>>)
        %gt3A = arith.constant 0 : i32
        %gt3A_111 = arith.cmpi sgt, %add3A_70, %gt3A : i32
        %convert_element_type3A_112 = arith.extui %gt3A_111 : i1 to i32
        %cond3A_113 = arith.constant 0 : i32
        %cond3A_114 = arith.cmpi ne, %convert_element_type3A_112, %cond3A_113 : i32
        scf.if %cond3A_114 {
          %dma_wait3A_124 = arith.constant 0 : i32
          %dma_wait3A_125 = arith.constant 0 : i32
          %dma_wait3A_126 = tpu.memref_slice %arg7[%dma_wait3A_124, %dma_wait3A_125] : memref<160000x128xf32, #tpu.memory_space<hbm>> -> memref<128x128xf32, #tpu.memory_space<hbm>>
          %dma_wait3A_127 = arith.constant 0 : i32
          %dma_wait3A_128 = arith.constant 0 : i32
          %dma_wait3A_129 = tpu.memref_slice %arg7[%dma_wait3A_127, %dma_wait3A_128] : memref<160000x128xf32, #tpu.memory_space<hbm>> -> memref<128x128xf32, #tpu.memory_space<hbm>>
          tpu.wait_dma2 semaphore(%arg22 : memref<!tpu.dma_semaphore, #tpu.memory_space<semaphore_mem>>) src(%arg15 : memref<128x128xf32, #tpu.memory_space<vmem>>) dst(%dma_wait3A_129 : memref<128x128xf32, #tpu.memory_space<hbm>>)
        } else {
        }
        %parallel_loop3A = arith.constant 0 : i32
        %parallel_loop3A_115 = arith.constant 128 : i32
        %parallel_loop3A_116 = arith.constant 1 : i32
        scf.for %parallel_loop3A_124 = %parallel_loop3A to %parallel_loop3A_115 step %parallel_loop3A_116  : i32 {
          %parallel_loop3A_125 = arith.index_cast %parallel_loop3A_124 : i32 to index
          %parallel_loop3A_126 = arith.constant 128 : index
          %parallel_loop3A_127 = tpu.vector_load %arg12[%parallel_loop3A_125, %parallel_loop3A_126] {strides = array<i32>} : memref<128x144xf32, #tpu.memory_space<vmem>>, vector<1x16xf32>,
          %parallel_loop3A_128 = vector.shape_cast %parallel_loop3A_127 : vector<1x16xf32> to vector<16xf32>
          %parallel_loop3A_129 = arith.index_cast %parallel_loop3A_124 : i32 to index
          %parallel_loop3A_130 = arith.constant 128 : index
          %parallel_loop3A_131 = tpu.vector_load %arg13[%parallel_loop3A_129, %parallel_loop3A_130] {strides = array<i32>} : memref<128x144xf32, #tpu.memory_space<vmem>>, vector<1x16xf32>,
          %parallel_loop3A_132 = vector.shape_cast %parallel_loop3A_131 : vector<1x16xf32> to vector<16xf32>
          %parallel_loop3A_133 = arith.subf %parallel_loop3A_128, %parallel_loop3A_132 : vector<16xf32>
          %parallel_loop3A_134 = arith.mulf %parallel_loop3A_133, %parallel_loop3A_133 : vector<16xf32>
          %parallel_loop3A_135 = vector.extract_strided_slice %parallel_loop3A_134 {offsets = [0], sizes = [1], strides = [1]} : vector<16xf32> to vector<1xf32>
          %parallel_loop3A_136 = vector.extract %parallel_loop3A_135[0] : f32 from vector<1xf32>
          %parallel_loop3A_137 = vector.extract_strided_slice %parallel_loop3A_134 {offsets = [1], sizes = [1], strides = [1]} : vector<16xf32> to vector<1xf32>
          %parallel_loop3A_138 = vector.extract %parallel_loop3A_137[0] : f32 from vector<1xf32>
          %parallel_loop3A_139 = arith.addf %parallel_loop3A_136, %parallel_loop3A_138 : f32
          %parallel_loop3A_140 = vector.extract_strided_slice %parallel_loop3A_134 {offsets = [2], sizes = [1], strides = [1]} : vector<16xf32> to vector<1xf32>
          %parallel_loop3A_141 = vector.extract %parallel_loop3A_140[0] : f32 from vector<1xf32>
          %parallel_loop3A_142 = arith.addf %parallel_loop3A_139, %parallel_loop3A_141 : f32
          %parallel_loop3A_143 = arith.index_cast %parallel_loop3A_124 : i32 to index
          %parallel_loop3A_144 = arith.constant 0 : index
          %parallel_loop3A_145 = tpu.vector_load %arg12[%parallel_loop3A_143, %parallel_loop3A_144] {strides = array<i32>} : memref<128x144xf32, #tpu.memory_space<vmem>>, vector<1x16xf32>,
          %parallel_loop3A_146 = vector.shape_cast %parallel_loop3A_145 : vector<1x16xf32> to vector<16xf32>
          %parallel_loop3A_147 = arith.index_cast %parallel_loop3A_124 : i32 to index
          %parallel_loop3A_148 = arith.constant 0 : index
          %parallel_loop3A_149 = tpu.vector_load %arg13[%parallel_loop3A_147, %parallel_loop3A_148] {strides = array<i32>} : memref<128x144xf32, #tpu.memory_space<vmem>>, vector<1x16xf32>,
          %parallel_loop3A_150 = vector.shape_cast %parallel_loop3A_149 : vector<1x16xf32> to vector<16xf32>
          %parallel_loop3A_151 = arith.addf %parallel_loop3A_146, %parallel_loop3A_150 : vector<16xf32>
          %parallel_loop3A_152 = arith.constant 0 : index
          %parallel_loop3A_153 = tpu.vector_load %arg16[%parallel_loop3A_152] {strides = array<i32>} : memref<128xf32, #tpu.memory_space<vmem>>, vector<16xf32>,
          %parallel_loop3A_154 = vector.shape_cast %parallel_loop3A_153 : vector<16xf32> to vector<16xf32>
          %parallel_loop3A_155 = vector.broadcast %parallel_loop3A_142 : f32 to vector<16xf32>
          %parallel_loop3A_156 = arith.mulf %parallel_loop3A_155, %parallel_loop3A_154 : vector<16xf32>
          %parallel_loop3A_157 = arith.addf %parallel_loop3A_151, %parallel_loop3A_156 : vector<16xf32>
          %parallel_loop3A_158 = arith.index_cast %parallel_loop3A_124 : i32 to index
          %parallel_loop3A_159 = arith.constant 0 : index
          %parallel_loop3A_160 = tpu.vector_load %arg15[%parallel_loop3A_158, %parallel_loop3A_159] {strides = array<i32>} : memref<128x128xf32, #tpu.memory_space<vmem>>, vector<1x16xf32>,
          %parallel_loop3A_161 = vector.shape_cast %parallel_loop3A_160 : vector<1x16xf32> to vector<16xf32>
          %parallel_loop3A_162 = vector.shape_cast %parallel_loop3A_157 : vector<16xf32> to vector<1x16xf32>
          tpu.vector_store %arg15[%parallel_loop3A_158, %parallel_loop3A_159], %parallel_loop3A_162 {strides = array<i32>} : memref<128x128xf32, #tpu.memory_space<vmem>>, vector<1x16xf32>,
          %parallel_loop3A_163 = arith.index_cast %parallel_loop3A_124 : i32 to index
          %parallel_loop3A_164 = arith.constant 16 : index
          %parallel_loop3A_165 = tpu.vector_load %arg12[%parallel_loop3A_163, %parallel_loop3A_164] {strides = array<i32>} : memref<128x144xf32, #tpu.memory_space<vmem>>, vector<1x16xf32>,
          %parallel_loop3A_166 = vector.shape_cast %parallel_loop3A_165 : vector<1x16xf32> to vector<16xf32>
          %parallel_loop3A_167 = arith.index_cast %parallel_loop3A_124 : i32 to index
          %parallel_loop3A_168 = arith.constant 16 : index
          %parallel_loop3A_169 = tpu.vector_load %arg13[%parallel_loop3A_167, %parallel_loop3A_168] {strides = array<i32>} : memref<128x144xf32, #tpu.memory_space<vmem>>, vector<1x16xf32>,
          %parallel_loop3A_170 = vector.shape_cast %parallel_loop3A_169 : vector<1x16xf32> to vector<16xf32>
          %parallel_loop3A_171 = arith.addf %parallel_loop3A_166, %parallel_loop3A_170 : vector<16xf32>
          %parallel_loop3A_172 = arith.constant 16 : index
          %parallel_loop3A_173 = tpu.vector_load %arg16[%parallel_loop3A_172] {strides = array<i32>} : memref<128xf32, #tpu.memory_space<vmem>>, vector<16xf32>,
          %parallel_loop3A_174 = vector.shape_cast %parallel_loop3A_173 : vector<16xf32> to vector<16xf32>
          %parallel_loop3A_175 = vector.broadcast %parallel_loop3A_142 : f32 to vector<16xf32>
          %parallel_loop3A_176 = arith.mulf %parallel_loop3A_175, %parallel_loop3A_174 : vector<16xf32>
          %parallel_loop3A_177 = arith.addf %parallel_loop3A_171, %parallel_loop3A_176 : vector<16xf32>
          %parallel_loop3A_178 = arith.index_cast %parallel_loop3A_124 : i32 to index
          %parallel_loop3A_179 = arith.constant 16 : index
          %parallel_loop3A_180 = tpu.vector_load %arg15[%parallel_loop3A_178, %parallel_loop3A_179] {strides = array<i32>} : memref<128x128xf32, #tpu.memory_space<vmem>>, vector<1x16xf32>,
          %parallel_loop3A_181 = vector.shape_cast %parallel_loop3A_180 : vector<1x16xf32> to vector<16xf32>
          %parallel_loop3A_182 = vector.shape_cast %parallel_loop3A_177 : vector<16xf32> to vector<1x16xf32>
          tpu.vector_store %arg15[%parallel_loop3A_178, %parallel_loop3A_179], %parallel_loop3A_182 {strides = array<i32>} : memref<128x128xf32, #tpu.memory_space<vmem>>, vector<1x16xf32>,
          %parallel_loop3A_183 = arith.index_cast %parallel_loop3A_124 : i32 to index
          %parallel_loop3A_184 = arith.constant 32 : index
          %parallel_loop3A_185 = tpu.vector_load %arg12[%parallel_loop3A_183, %parallel_loop3A_184] {strides = array<i32>} : memref<128x144xf32, #tpu.memory_space<vmem>>, vector<1x16xf32>,
          %parallel_loop3A_186 = vector.shape_cast %parallel_loop3A_185 : vector<1x16xf32> to vector<16xf32>
          %parallel_loop3A_187 = arith.index_cast %parallel_loop3A_124 : i32 to index
          %parallel_loop3A_188 = arith.constant 32 : index
          %parallel_loop3A_189 = tpu.vector_load %arg13[%parallel_loop3A_187, %parallel_loop3A_188] {strides = array<i32>} : memref<128x144xf32, #tpu.memory_space<vmem>>, vector<1x16xf32>,
          %parallel_loop3A_190 = vector.shape_cast %parallel_loop3A_189 : vector<1x16xf32> to vector<16xf32>
          %parallel_loop3A_191 = arith.addf %parallel_loop3A_186, %parallel_loop3A_190 : vector<16xf32>
          %parallel_loop3A_192 = arith.constant 32 : index
          %parallel_loop3A_193 = tpu.vector_load %arg16[%parallel_loop3A_192] {strides = array<i32>} : memref<128xf32, #tpu.memory_space<vmem>>, vector<16xf32>,
          %parallel_loop3A_194 = vector.shape_cast %parallel_loop3A_193 : vector<16xf32> to vector<16xf32>
          %parallel_loop3A_195 = vector.broadcast %parallel_loop3A_142 : f32 to vector<16xf32>
          %parallel_loop3A_196 = arith.mulf %parallel_loop3A_195, %parallel_loop3A_194 : vector<16xf32>
          %parallel_loop3A_197 = arith.addf %parallel_loop3A_191, %parallel_loop3A_196 : vector<16xf32>
          %parallel_loop3A_198 = arith.index_cast %parallel_loop3A_124 : i32 to index
          %parallel_loop3A_199 = arith.constant 32 : index
          %parallel_loop3A_200 = tpu.vector_load %arg15[%parallel_loop3A_198, %parallel_loop3A_199] {strides = array<i32>} : memref<128x128xf32, #tpu.memory_space<vmem>>, vector<1x16xf32>,
          %parallel_loop3A_201 = vector.shape_cast %parallel_loop3A_200 : vector<1x16xf32> to vector<16xf32>
          %parallel_loop3A_202 = vector.shape_cast %parallel_loop3A_197 : vector<16xf32> to vector<1x16xf32>
          tpu.vector_store %arg15[%parallel_loop3A_198, %parallel_loop3A_199], %parallel_loop3A_202 {strides = array<i32>} : memref<128x128xf32, #tpu.memory_space<vmem>>, vector<1x16xf32>,
          %parallel_loop3A_203 = arith.index_cast %parallel_loop3A_124 : i32 to index
          %parallel_loop3A_204 = arith.constant 48 : index
          %parallel_loop3A_205 = tpu.vector_load %arg12[%parallel_loop3A_203, %parallel_loop3A_204] {strides = array<i32>} : memref<128x144xf32, #tpu.memory_space<vmem>>, vector<1x16xf32>,
          %parallel_loop3A_206 = vector.shape_cast %parallel_loop3A_205 : vector<1x16xf32> to vector<16xf32>
          %parallel_loop3A_207 = arith.index_cast %parallel_loop3A_124 : i32 to index
          %parallel_loop3A_208 = arith.constant 48 : index
          %parallel_loop3A_209 = tpu.vector_load %arg13[%parallel_loop3A_207, %parallel_loop3A_208] {strides = array<i32>} : memref<128x144xf32, #tpu.memory_space<vmem>>, vector<1x16xf32>,
          %parallel_loop3A_210 = vector.shape_cast %parallel_loop3A_209 : vector<1x16xf32> to vector<16xf32>
          %parallel_loop3A_211 = arith.addf %parallel_loop3A_206, %parallel_loop3A_210 : vector<16xf32>
          %parallel_loop3A_212 = arith.constant 48 : index
          %parallel_loop3A_213 = tpu.vector_load %arg16[%parallel_loop3A_212] {strides = array<i32>} : memref<128xf32, #tpu.memory_space<vmem>>, vector<16xf32>,
          %parallel_loop3A_214 = vector.shape_cast %parallel_loop3A_213 : vector<16xf32> to vector<16xf32>
          %parallel_loop3A_215 = vector.broadcast %parallel_loop3A_142 : f32 to vector<16xf32>
          %parallel_loop3A_216 = arith.mulf %parallel_loop3A_215, %parallel_loop3A_214 : vector<16xf32>
          %parallel_loop3A_217 = arith.addf %parallel_loop3A_211, %parallel_loop3A_216 : vector<16xf32>
          %parallel_loop3A_218 = arith.index_cast %parallel_loop3A_124 : i32 to index
          %parallel_loop3A_219 = arith.constant 48 : index
          %parallel_loop3A_220 = tpu.vector_load %arg15[%parallel_loop3A_218, %parallel_loop3A_219] {strides = array<i32>} : memref<128x128xf32, #tpu.memory_space<vmem>>, vector<1x16xf32>,
          %parallel_loop3A_221 = vector.shape_cast %parallel_loop3A_220 : vector<1x16xf32> to vector<16xf32>
          %parallel_loop3A_222 = vector.shape_cast %parallel_loop3A_217 : vector<16xf32> to vector<1x16xf32>
          tpu.vector_store %arg15[%parallel_loop3A_218, %parallel_loop3A_219], %parallel_loop3A_222 {strides = array<i32>} : memref<128x128xf32, #tpu.memory_space<vmem>>, vector<1x16xf32>,
          %parallel_loop3A_223 = arith.index_cast %parallel_loop3A_124 : i32 to index
          %parallel_loop3A_224 = arith.constant 64 : index
          %parallel_loop3A_225 = tpu.vector_load %arg12[%parallel_loop3A_223, %parallel_loop3A_224] {strides = array<i32>} : memref<128x144xf32, #tpu.memory_space<vmem>>, vector<1x16xf32>,
          %parallel_loop3A_226 = vector.shape_cast %parallel_loop3A_225 : vector<1x16xf32> to vector<16xf32>
          %parallel_loop3A_227 = arith.index_cast %parallel_loop3A_124 : i32 to index
          %parallel_loop3A_228 = arith.constant 64 : index
          %parallel_loop3A_229 = tpu.vector_load %arg13[%parallel_loop3A_227, %parallel_loop3A_228] {strides = array<i32>} : memref<128x144xf32, #tpu.memory_space<vmem>>, vector<1x16xf32>,
          %parallel_loop3A_230 = vector.shape_cast %parallel_loop3A_229 : vector<1x16xf32> to vector<16xf32>
          %parallel_loop3A_231 = arith.addf %parallel_loop3A_226, %parallel_loop3A_230 : vector<16xf32>
          %parallel_loop3A_232 = arith.constant 64 : index
          %parallel_loop3A_233 = tpu.vector_load %arg16[%parallel_loop3A_232] {strides = array<i32>} : memref<128xf32, #tpu.memory_space<vmem>>, vector<16xf32>,
          %parallel_loop3A_234 = vector.shape_cast %parallel_loop3A_233 : vector<16xf32> to vector<16xf32>
          %parallel_loop3A_235 = vector.broadcast %parallel_loop3A_142 : f32 to vector<16xf32>
          %parallel_loop3A_236 = arith.mulf %parallel_loop3A_235, %parallel_loop3A_234 : vector<16xf32>
          %parallel_loop3A_237 = arith.addf %parallel_loop3A_231, %parallel_loop3A_236 : vector<16xf32>
          %parallel_loop3A_238 = arith.index_cast %parallel_loop3A_124 : i32 to index
          %parallel_loop3A_239 = arith.constant 64 : index
          %parallel_loop3A_240 = tpu.vector_load %arg15[%parallel_loop3A_238, %parallel_loop3A_239] {strides = array<i32>} : memref<128x128xf32, #tpu.memory_space<vmem>>, vector<1x16xf32>,
          %parallel_loop3A_241 = vector.shape_cast %parallel_loop3A_240 : vector<1x16xf32> to vector<16xf32>
          %parallel_loop3A_242 = vector.shape_cast %parallel_loop3A_237 : vector<16xf32> to vector<1x16xf32>
          tpu.vector_store %arg15[%parallel_loop3A_238, %parallel_loop3A_239], %parallel_loop3A_242 {strides = array<i32>} : memref<128x128xf32, #tpu.memory_space<vmem>>, vector<1x16xf32>,
          %parallel_loop3A_243 = arith.index_cast %parallel_loop3A_124 : i32 to index
          %parallel_loop3A_244 = arith.constant 80 : index
          %parallel_loop3A_245 = tpu.vector_load %arg12[%parallel_loop3A_243, %parallel_loop3A_244] {strides = array<i32>} : memref<128x144xf32, #tpu.memory_space<vmem>>, vector<1x16xf32>,
          %parallel_loop3A_246 = vector.shape_cast %parallel_loop3A_245 : vector<1x16xf32> to vector<16xf32>
          %parallel_loop3A_247 = arith.index_cast %parallel_loop3A_124 : i32 to index
          %parallel_loop3A_248 = arith.constant 80 : index
          %parallel_loop3A_249 = tpu.vector_load %arg13[%parallel_loop3A_247, %parallel_loop3A_248] {strides = array<i32>} : memref<128x144xf32, #tpu.memory_space<vmem>>, vector<1x16xf32>,
          %parallel_loop3A_250 = vector.shape_cast %parallel_loop3A_249 : vector<1x16xf32> to vector<16xf32>
          %parallel_loop3A_251 = arith.addf %parallel_loop3A_246, %parallel_loop3A_250 : vector<16xf32>
          %parallel_loop3A_252 = arith.constant 80 : index
          %parallel_loop3A_253 = tpu.vector_load %arg16[%parallel_loop3A_252] {strides = array<i32>} : memref<128xf32, #tpu.memory_space<vmem>>, vector<16xf32>,
          %parallel_loop3A_254 = vector.shape_cast %parallel_loop3A_253 : vector<16xf32> to vector<16xf32>
          %parallel_loop3A_255 = vector.broadcast %parallel_loop3A_142 : f32 to vector<16xf32>
          %parallel_loop3A_256 = arith.mulf %parallel_loop3A_255, %parallel_loop3A_254 : vector<16xf32>
          %parallel_loop3A_257 = arith.addf %parallel_loop3A_251, %parallel_loop3A_256 : vector<16xf32>
          %parallel_loop3A_258 = arith.index_cast %parallel_loop3A_124 : i32 to index
          %parallel_loop3A_259 = arith.constant 80 : index
          %parallel_loop3A_260 = tpu.vector_load %arg15[%parallel_loop3A_258, %parallel_loop3A_259] {strides = array<i32>} : memref<128x128xf32, #tpu.memory_space<vmem>>, vector<1x16xf32>,
          %parallel_loop3A_261 = vector.shape_cast %parallel_loop3A_260 : vector<1x16xf32> to vector<16xf32>
          %parallel_loop3A_262 = vector.shape_cast %parallel_loop3A_257 : vector<16xf32> to vector<1x16xf32>
          tpu.vector_store %arg15[%parallel_loop3A_258, %parallel_loop3A_259], %parallel_loop3A_262 {strides = array<i32>} : memref<128x128xf32, #tpu.memory_space<vmem>>, vector<1x16xf32>,
          %parallel_loop3A_263 = arith.index_cast %parallel_loop3A_124 : i32 to index
          %parallel_loop3A_264 = arith.constant 96 : index
          %parallel_loop3A_265 = tpu.vector_load %arg12[%parallel_loop3A_263, %parallel_loop3A_264] {strides = array<i32>} : memref<128x144xf32, #tpu.memory_space<vmem>>, vector<1x16xf32>,
          %parallel_loop3A_266 = vector.shape_cast %parallel_loop3A_265 : vector<1x16xf32> to vector<16xf32>
          %parallel_loop3A_267 = arith.index_cast %parallel_loop3A_124 : i32 to index
          %parallel_loop3A_268 = arith.constant 96 : index
          %parallel_loop3A_269 = tpu.vector_load %arg13[%parallel_loop3A_267, %parallel_loop3A_268] {strides = array<i32>} : memref<128x144xf32, #tpu.memory_space<vmem>>, vector<1x16xf32>,
          %parallel_loop3A_270 = vector.shape_cast %parallel_loop3A_269 : vector<1x16xf32> to vector<16xf32>
          %parallel_loop3A_271 = arith.addf %parallel_loop3A_266, %parallel_loop3A_270 : vector<16xf32>
          %parallel_loop3A_272 = arith.constant 96 : index
          %parallel_loop3A_273 = tpu.vector_load %arg16[%parallel_loop3A_272] {strides = array<i32>} : memref<128xf32, #tpu.memory_space<vmem>>, vector<16xf32>,
          %parallel_loop3A_274 = vector.shape_cast %parallel_loop3A_273 : vector<16xf32> to vector<16xf32>
          %parallel_loop3A_275 = vector.broadcast %parallel_loop3A_142 : f32 to vector<16xf32>
          %parallel_loop3A_276 = arith.mulf %parallel_loop3A_275, %parallel_loop3A_274 : vector<16xf32>
          %parallel_loop3A_277 = arith.addf %parallel_loop3A_271, %parallel_loop3A_276 : vector<16xf32>
          %parallel_loop3A_278 = arith.index_cast %parallel_loop3A_124 : i32 to index
          %parallel_loop3A_279 = arith.constant 96 : index
          %parallel_loop3A_280 = tpu.vector_load %arg15[%parallel_loop3A_278, %parallel_loop3A_279] {strides = array<i32>} : memref<128x128xf32, #tpu.memory_space<vmem>>, vector<1x16xf32>,
          %parallel_loop3A_281 = vector.shape_cast %parallel_loop3A_280 : vector<1x16xf32> to vector<16xf32>
          %parallel_loop3A_282 = vector.shape_cast %parallel_loop3A_277 : vector<16xf32> to vector<1x16xf32>
          tpu.vector_store %arg15[%parallel_loop3A_278, %parallel_loop3A_279], %parallel_loop3A_282 {strides = array<i32>} : memref<128x128xf32, #tpu.memory_space<vmem>>, vector<1x16xf32>,
          %parallel_loop3A_283 = arith.index_cast %parallel_loop3A_124 : i32 to index
          %parallel_loop3A_284 = arith.constant 112 : index
          %parallel_loop3A_285 = tpu.vector_load %arg12[%parallel_loop3A_283, %parallel_loop3A_284] {strides = array<i32>} : memref<128x144xf32, #tpu.memory_space<vmem>>, vector<1x16xf32>,
          %parallel_loop3A_286 = vector.shape_cast %parallel_loop3A_285 : vector<1x16xf32> to vector<16xf32>
          %parallel_loop3A_287 = arith.index_cast %parallel_loop3A_124 : i32 to index
          %parallel_loop3A_288 = arith.constant 112 : index
          %parallel_loop3A_289 = tpu.vector_load %arg13[%parallel_loop3A_287, %parallel_loop3A_288] {strides = array<i32>} : memref<128x144xf32, #tpu.memory_space<vmem>>, vector<1x16xf32>,
          %parallel_loop3A_290 = vector.shape_cast %parallel_loop3A_289 : vector<1x16xf32> to vector<16xf32>
          %parallel_loop3A_291 = arith.addf %parallel_loop3A_286, %parallel_loop3A_290 : vector<16xf32>
          %parallel_loop3A_292 = arith.constant 112 : index
          %parallel_loop3A_293 = tpu.vector_load %arg16[%parallel_loop3A_292] {strides = array<i32>} : memref<128xf32, #tpu.memory_space<vmem>>, vector<16xf32>,
          %parallel_loop3A_294 = vector.shape_cast %parallel_loop3A_293 : vector<16xf32> to vector<16xf32>
          %parallel_loop3A_295 = vector.broadcast %parallel_loop3A_142 : f32 to vector<16xf32>
          %parallel_loop3A_296 = arith.mulf %parallel_loop3A_295, %parallel_loop3A_294 : vector<16xf32>
          %parallel_loop3A_297 = arith.addf %parallel_loop3A_291, %parallel_loop3A_296 : vector<16xf32>
          %parallel_loop3A_298 = arith.index_cast %parallel_loop3A_124 : i32 to index
          %parallel_loop3A_299 = arith.constant 112 : index
          %parallel_loop3A_300 = tpu.vector_load %arg15[%parallel_loop3A_298, %parallel_loop3A_299] {strides = array<i32>} : memref<128x128xf32, #tpu.memory_space<vmem>>, vector<1x16xf32>,
          %parallel_loop3A_301 = vector.shape_cast %parallel_loop3A_300 : vector<1x16xf32> to vector<16xf32>
          %parallel_loop3A_302 = vector.shape_cast %parallel_loop3A_297 : vector<16xf32> to vector<1x16xf32>
          tpu.vector_store %arg15[%parallel_loop3A_298, %parallel_loop3A_299], %parallel_loop3A_302 {strides = array<i32>} : memref<128x128xf32, #tpu.memory_space<vmem>>, vector<1x16xf32>,
        } {sc.loop_unroll_factor = 2 : i64, sc.parallel_access}
        %add3A_117 = arith.addi %add3A_4, %add3A_86 : i32
        %mul3A_118 = arith.constant 128 : i32
        %mul3A_119 = arith.muli %add3A_117, %mul3A_118 : i32
        %dma_start3A_120 = arith.constant 0 : i32
        %dma_start3A_121 = tpu.memref_slice %arg7[%mul3A_119, %dma_start3A_120] : memref<160000x128xf32, #tpu.memory_space<hbm>> -> memref<128x128xf32, #tpu.memory_space<hbm>>
        %dma_start3A_122 = arith.constant 0 : i32
        %dma_start3A_123 = tpu.memref_slice %arg7[%mul3A_119, %dma_start3A_122] : memref<160000x128xf32, #tpu.memory_space<hbm>> -> memref<128x128xf32, #tpu.memory_space<hbm>>
        tpu.enqueue_dma source(%arg15 : memref<128x128xf32, #tpu.memory_space<vmem>>) target(%dma_start3A_123 : memref<128x128xf32, #tpu.memory_space<hbm>>) target_semaphore(%arg22 : memref<!tpu.dma_semaphore, #tpu.memory_space<semaphore_mem>>)
      } else {
      }
      %add3A_91 = arith.constant 2 : i32
      %add3A_92 = arith.addi %add3A_86, %add3A_91 : i32
      %lt3A_93 = arith.cmpi slt, %add3A_92, %select_n3A : i32
      %convert_element_type3A_94 = arith.extui %lt3A_93 : i1 to i32
      %cond3A_95 = arith.constant 0 : i32
      %cond3A_96 = arith.cmpi ne, %convert_element_type3A_94, %cond3A_95 : i32
      scf.if %cond3A_96 {
        %add3A_97 = arith.constant 2 : i32
        %add3A_98 = arith.addi %add3A_86, %add3A_97 : i32
        %dma_start3A_99 = arith.constant 0 : i32
        %dma_start3A_100 = tpu.memref_slice %arg8[%add3A_98, %dma_start3A_99] : memref<40x128xi32, #tpu.memory_space<vmem>> -> memref<1x128xi32, #tpu.memory_space<vmem>>
        %dma_start3A_101 = tpu.memref_squeeze %dma_start3A_100 : memref<1x128xi32, #tpu.memory_space<vmem>> -> memref<128xi32, #tpu.memory_space<vmem>>
        %dma_start3A_102 = arith.constant 0 : i32
        %dma_start3A_103 = arith.constant 0 : i32
        %dma_start3A_104 = tpu.memref_slice %arg2[%dma_start3A_102, %dma_start3A_103] : memref<10000x144xf32, #tpu.memory_space<hbm>> -> memref<10000x144xf32, #tpu.memory_space<hbm>>
        tpu.enqueue_indirect_dma source(%dma_start3A_104 : memref<10000x144xf32, #tpu.memory_space<hbm>>) target(%arg12 : memref<128x144xf32, #tpu.memory_space<vmem>>) offsets(%dma_start3A_101 : memref<128xi32, #tpu.memory_space<vmem>>) semaphore(%arg19 : memref<!tpu.dma_semaphore, #tpu.memory_space<semaphore_mem>>)
        %dma_start3A_105 = arith.constant 0 : i32
        %dma_start3A_106 = tpu.memref_slice %arg9[%add3A_98, %dma_start3A_105] : memref<40x128xi32, #tpu.memory_space<vmem>> -> memref<1x128xi32, #tpu.memory_space<vmem>>
        %dma_start3A_107 = tpu.memref_squeeze %dma_start3A_106 : memref<1x128xi32, #tpu.memory_space<vmem>> -> memref<128xi32, #tpu.memory_space<vmem>>
        %dma_start3A_108 = arith.constant 0 : i32
        %dma_start3A_109 = arith.constant 0 : i32
        %dma_start3A_110 = tpu.memref_slice %arg3[%dma_start3A_108, %dma_start3A_109] : memref<10000x144xf32, #tpu.memory_space<hbm>> -> memref<10000x144xf32, #tpu.memory_space<hbm>>
        tpu.enqueue_indirect_dma source(%dma_start3A_110 : memref<10000x144xf32, #tpu.memory_space<hbm>>) target(%arg13 : memref<128x144xf32, #tpu.memory_space<vmem>>) offsets(%dma_start3A_107 : memref<128xi32, #tpu.memory_space<vmem>>) semaphore(%arg20 : memref<!tpu.dma_semaphore, #tpu.memory_space<semaphore_mem>>)
      } else {
      }
    }
    %scan3A_54 = arith.constant 20 : i32
    %dma_wait3A = arith.constant 0 : i32
    %dma_wait3A_55 = arith.constant 0 : i32
    %dma_wait3A_56 = tpu.memref_slice %arg7[%dma_wait3A, %dma_wait3A_55] : memref<160000x128xf32, #tpu.memory_space<hbm>> -> memref<128x128xf32, #tpu.memory_space<hbm>>
    %dma_wait3A_57 = arith.constant 0 : i32
    %dma_wait3A_58 = arith.constant 0 : i32
    %dma_wait3A_59 = tpu.memref_slice %arg7[%dma_wait3A_57, %dma_wait3A_58] : memref<160000x128xf32, #tpu.memory_space<hbm>> -> memref<128x128xf32, #tpu.memory_space<hbm>>
    tpu.wait_dma2 semaphore(%arg21 : memref<!tpu.dma_semaphore, #tpu.memory_space<semaphore_mem>>) src(%arg14 : memref<128x128xf32, #tpu.memory_space<vmem>>) dst(%dma_wait3A_59 : memref<128x128xf32, #tpu.memory_space<hbm>>)
    %dma_wait3A_60 = arith.constant 0 : i32
    %dma_wait3A_61 = arith.constant 0 : i32
    %dma_wait3A_62 = tpu.memref_slice %arg7[%dma_wait3A_60, %dma_wait3A_61] : memref<160000x128xf32, #tpu.memory_space<hbm>> -> memref<128x128xf32, #tpu.memory_space<hbm>>
    %dma_wait3A_63 = arith.constant 0 : i32
    %dma_wait3A_64 = arith.constant 0 : i32
    %dma_wait3A_65 = tpu.memref_slice %arg7[%dma_wait3A_63, %dma_wait3A_64] : memref<160000x128xf32, #tpu.memory_space<hbm>> -> memref<128x128xf32, #tpu.memory_space<hbm>>
    tpu.wait_dma2 semaphore(%arg22 : memref<!tpu.dma_semaphore, #tpu.memory_space<semaphore_mem>>) src(%arg15 : memref<128x128xf32, #tpu.memory_space<vmem>>) dst(%dma_wait3A_65 : memref<128x128xf32, #tpu.memory_space<hbm>>)
    return
  }
}

#map = affine_map<(d0, d1) -> (0, 0)>
#map1 = affine_map<(d0, d1) -> (0)>
module attributes {stable_mosaic.version = 14 : i64} {
  func.func @_sc_edge_body(%arg0: i32, %arg1: i32, %arg2: memref<10000x144xf32, #tpu.memory_space<hbm>>, %arg3: memref<10000x144xf32, #tpu.memory_space<hbm>>, %arg4: memref<1250x128xi32, #tpu.memory_space<hbm>>, %arg5: memref<1250x128xi32, #tpu.memory_space<hbm>>, %arg6: memref<128xf32, #tpu.memory_space<hbm>>, %arg7: memref<160000x128xf32, #tpu.memory_space<hbm>>, %arg8: memref<40x128xi32, #tpu.memory_space<vmem>>, %arg9: memref<40x128xi32, #tpu.memory_space<vmem>>, %arg10: memref<128x144xf32, #tpu.memory_space<vmem>>, %arg11: memref<128x144xf32, #tpu.memory_space<vmem>>, %arg12: memref<128x144xf32, #tpu.memory_space<vmem>>, %arg13: memref<128x144xf32, #tpu.memory_space<vmem>>, %arg14: memref<128x128xf32, #tpu.memory_space<vmem>>, %arg15: memref<128x128xf32, #tpu.memory_space<vmem>>, %arg16: memref<128xf32, #tpu.memory_space<vmem>>, %arg17: memref<!tpu.dma_semaphore, #tpu.memory_space<semaphore_mem>>, %arg18: memref<!tpu.dma_semaphore, #tpu.memory_space<semaphore_mem>>, %arg19: memref<!tpu.dma_semaphore, #tpu.memory_space<semaphore_mem>>, %arg20: memref<!tpu.dma_semaphore, #tpu.memory_space<semaphore_mem>>, %arg21: memref<!tpu.dma_semaphore, #tpu.memory_space<semaphore_mem>>, %arg22: memref<!tpu.dma_semaphore, #tpu.memory_space<semaphore_mem>>) attributes {dimension_semantics = [#tpu.dimension_semantics<core_parallel>, #tpu.dimension_semantics<subcore_parallel>], iteration_bounds = array<i64: 2, 16>, scalar_prefetch = 0 : i64, scratch_operands = 15 : i64, tpu.core_type = #tpu.core_type<sc_vector_subcore>, window_params = [{transform_indices = #map}, {transform_indices = #map}, {transform_indices = #map}, {transform_indices = #map}, {transform_indices = #map1}, {transform_indices = #map}]} {
    %mul3A = arith.constant 2 : i32
    %mul3A_0 = arith.muli %arg1, %mul3A : i32
    %add3A = arith.addi %mul3A_0, %arg0 : i32
    %mul3A_1 = arith.constant 39 : i32
    %mul3A_2 = arith.muli %mul3A_1, %add3A : i32
    %min3A = arith.constant 2 : i32
    %min3A_3 = arith.minsi %add3A, %min3A : i32
    %add3A_4 = arith.addi %mul3A_2, %min3A_3 : i32
    %lt3A = arith.constant 2 : i32
    %lt3A_5 = arith.cmpi slt, %add3A, %lt3A : i32
    %jit3A = arith.constant 40 : i32
    %jit3A_6 = arith.constant 39 : i32
    %select_n3A = arith.select %lt3A_5, %jit3A, %jit3A_6 : i32
    "tpu.region"() ({
      %run_scoped3A = tpu.sem_alloc : memref<!tpu.dma_semaphore, #tpu.memory_space<semaphore_mem>>
      tpu.enqueue_dma source(%arg6 : memref<128xf32, #tpu.memory_space<hbm>>) target(%arg16 : memref<128xf32, #tpu.memory_space<vmem>>) target_semaphore(%run_scoped3A : memref<!tpu.dma_semaphore, #tpu.memory_space<semaphore_mem>>)
      tpu.wait_dma2 semaphore(%run_scoped3A : memref<!tpu.dma_semaphore, #tpu.memory_space<semaphore_mem>>) src(%arg6 : memref<128xf32, #tpu.memory_space<hbm>>) dst(%arg16 : memref<128xf32, #tpu.memory_space<vmem>>)
      tpu.yield
    }) : () -> ()
    %eq3A = arith.constant 40 : i32
    %eq3A_7 = arith.cmpi eq, %select_n3A, %eq3A : i32
    %convert_element_type3A = arith.extui %eq3A_7 : i1 to i32
    %cond3A = arith.constant 0 : i32
    %cond3A_8 = arith.cmpi ne, %convert_element_type3A, %cond3A : i32
    scf.if %cond3A_8 {
      "tpu.region"() ({
        %run_scoped3A = tpu.sem_alloc : memref<!tpu.dma_semaphore, #tpu.memory_space<semaphore_mem>>
        %dma_start3A_66 = arith.constant 0 : i32
        %dma_start3A_67 = tpu.memref_slice %arg4[%add3A_4, %dma_start3A_66] : memref<1250x128xi32, #tpu.memory_space<hbm>> -> memref<40x128xi32, #tpu.memory_space<hbm>>
        %dma_start3A_68 = arith.constant 0 : i32
        %dma_start3A_69 = tpu.memref_slice %arg4[%add3A_4, %dma_start3A_68] : memref<1250x128xi32, #tpu.memory_space<hbm>> -> memref<40x128xi32, #tpu.memory_space<hbm>>
        tpu.enqueue_dma source(%dma_start3A_69 : memref<40x128xi32, #tpu.memory_space<hbm>>) target(%arg8 : memref<40x128xi32, #tpu.memory_space<vmem>>) target_semaphore(%run_scoped3A : memref<!tpu.dma_semaphore, #tpu.memory_space<semaphore_mem>>)
        %dma_wait3A_70 = arith.constant 0 : i32
        %dma_wait3A_71 = tpu.memref_slice %arg4[%add3A_4, %dma_wait3A_70] : memref<1250x128xi32, #tpu.memory_space<hbm>> -> memref<40x128xi32, #tpu.memory_space<hbm>>
        %dma_wait3A_72 = arith.constant 0 : i32
        %dma_wait3A_73 = tpu.memref_slice %arg4[%add3A_4, %dma_wait3A_72] : memref<1250x128xi32, #tpu.memory_space<hbm>> -> memref<40x128xi32, #tpu.memory_space<hbm>>
        tpu.wait_dma2 semaphore(%run_scoped3A : memref<!tpu.dma_semaphore, #tpu.memory_space<semaphore_mem>>) src(%dma_wait3A_73 : memref<40x128xi32, #tpu.memory_space<hbm>>) dst(%arg8 : memref<40x128xi32, #tpu.memory_space<vmem>>)
        tpu.yield
      }) : () -> ()
    } else {
    }
    %lt3A_9 = arith.constant 40 : i32
    %lt3A_10 = arith.cmpi slt, %select_n3A, %lt3A_9 : i32
    %convert_element_type3A_11 = arith.extui %lt3A_10 : i1 to i32
    %cond3A_12 = arith.constant 0 : i32
    %cond3A_13 = arith.cmpi ne, %convert_element_type3A_11, %cond3A_12 : i32
    scf.if %cond3A_13 {
      "tpu.region"() ({
        %run_scoped3A = tpu.sem_alloc : memref<!tpu.dma_semaphore, #tpu.memory_space<semaphore_mem>>
        %dma_start3A_66 = arith.constant 0 : i32
        %dma_start3A_67 = arith.constant 0 : i32
        %dma_start3A_68 = tpu.memref_slice %arg8[%dma_start3A_66, %dma_start3A_67] : memref<40x128xi32, #tpu.memory_space<vmem>> -> memref<39x128xi32, #tpu.memory_space<vmem>>
        %dma_start3A_69 = arith.constant 0 : i32
        %dma_start3A_70 = tpu.memref_slice %arg4[%add3A_4, %dma_start3A_69] : memref<1250x128xi32, #tpu.memory_space<hbm>> -> memref<39x128xi32, #tpu.memory_space<hbm>>
        %dma_start3A_71 = arith.constant 0 : i32
        %dma_start3A_72 = arith.constant 0 : i32
        %dma_start3A_73 = tpu.memref_slice %arg8[%dma_start3A_71, %dma_start3A_72] : memref<40x128xi32, #tpu.memory_space<vmem>> -> memref<39x128xi32, #tpu.memory_space<vmem>>
        %dma_start3A_74 = arith.constant 0 : i32
        %dma_start3A_75 = tpu.memref_slice %arg4[%add3A_4, %dma_start3A_74] : memref<1250x128xi32, #tpu.memory_space<hbm>> -> memref<39x128xi32, #tpu.memory_space<hbm>>
        tpu.enqueue_dma source(%dma_start3A_75 : memref<39x128xi32, #tpu.memory_space<hbm>>) target(%dma_start3A_73 : memref<39x128xi32, #tpu.memory_space<vmem>>) target_semaphore(%run_scoped3A : memref<!tpu.dma_semaphore, #tpu.memory_space<semaphore_mem>>)
        %dma_wait3A_76 = arith.constant 0 : i32
        %dma_wait3A_77 = arith.constant 0 : i32
        %dma_wait3A_78 = tpu.memref_slice %arg8[%dma_wait3A_76, %dma_wait3A_77] : memref<40x128xi32, #tpu.memory_space<vmem>> -> memref<39x128xi32, #tpu.memory_space<vmem>>
        %dma_wait3A_79 = arith.constant 0 : i32
        %dma_wait3A_80 = tpu.memref_slice %arg4[%add3A_4, %dma_wait3A_79] : memref<1250x128xi32, #tpu.memory_space<hbm>> -> memref<39x128xi32, #tpu.memory_space<hbm>>
        %dma_wait3A_81 = arith.constant 0 : i32
        %dma_wait3A_82 = arith.constant 0 : i32
        %dma_wait3A_83 = tpu.memref_slice %arg8[%dma_wait3A_81, %dma_wait3A_82] : memref<40x128xi32, #tpu.memory_space<vmem>> -> memref<39x128xi32, #tpu.memory_space<vmem>>
        %dma_wait3A_84 = arith.constant 0 : i32
        %dma_wait3A_85 = tpu.memref_slice %arg4[%add3A_4, %dma_wait3A_84] : memref<1250x128xi32, #tpu.memory_space<hbm>> -> memref<39x128xi32, #tpu.memory_space<hbm>>
        tpu.wait_dma2 semaphore(%run_scoped3A : memref<!tpu.dma_semaphore, #tpu.memory_space<semaphore_mem>>) src(%dma_wait3A_85 : memref<39x128xi32, #tpu.memory_space<hbm>>) dst(%dma_wait3A_83 : memref<39x128xi32, #tpu.memory_space<vmem>>)
        tpu.yield
      }) : () -> ()
    } else {
    }
    %eq3A_14 = arith.constant 40 : i32
    %eq3A_15 = arith.cmpi eq, %select_n3A, %eq3A_14 : i32
    %convert_element_type3A_16 = arith.extui %eq3A_15 : i1 to i32
    %cond3A_17 = arith.constant 0 : i32
    %cond3A_18 = arith.cmpi ne, %convert_element_type3A_16, %cond3A_17 : i32
    scf.if %cond3A_18 {
      "tpu.region"() ({
        %run_scoped3A = tpu.sem_alloc : memref<!tpu.dma_semaphore, #tpu.memory_space<semaphore_mem>>
        %dma_start3A_66 = arith.constant 0 : i32
        %dma_start3A_67 = tpu.memref_slice %arg5[%add3A_4, %dma_start3A_66] : memref<1250x128xi32, #tpu.memory_space<hbm>> -> memref<40x128xi32, #tpu.memory_space<hbm>>
        %dma_start3A_68 = arith.constant 0 : i32
        %dma_start3A_69 = tpu.memref_slice %arg5[%add3A_4, %dma_start3A_68] : memref<1250x128xi32, #tpu.memory_space<hbm>> -> memref<40x128xi32, #tpu.memory_space<hbm>>
        tpu.enqueue_dma source(%dma_start3A_69 : memref<40x128xi32, #tpu.memory_space<hbm>>) target(%arg9 : memref<40x128xi32, #tpu.memory_space<vmem>>) target_semaphore(%run_scoped3A : memref<!tpu.dma_semaphore, #tpu.memory_space<semaphore_mem>>)
        %dma_wait3A_70 = arith.constant 0 : i32
        %dma_wait3A_71 = tpu.memref_slice %arg5[%add3A_4, %dma_wait3A_70] : memref<1250x128xi32, #tpu.memory_space<hbm>> -> memref<40x128xi32, #tpu.memory_space<hbm>>
        %dma_wait3A_72 = arith.constant 0 : i32
        %dma_wait3A_73 = tpu.memref_slice %arg5[%add3A_4, %dma_wait3A_72] : memref<1250x128xi32, #tpu.memory_space<hbm>> -> memref<40x128xi32, #tpu.memory_space<hbm>>
        tpu.wait_dma2 semaphore(%run_scoped3A : memref<!tpu.dma_semaphore, #tpu.memory_space<semaphore_mem>>) src(%dma_wait3A_73 : memref<40x128xi32, #tpu.memory_space<hbm>>) dst(%arg9 : memref<40x128xi32, #tpu.memory_space<vmem>>)
        tpu.yield
      }) : () -> ()
    } else {
    }
    %lt3A_19 = arith.constant 40 : i32
    %lt3A_20 = arith.cmpi slt, %select_n3A, %lt3A_19 : i32
    %convert_element_type3A_21 = arith.extui %lt3A_20 : i1 to i32
    %cond3A_22 = arith.constant 0 : i32
    %cond3A_23 = arith.cmpi ne, %convert_element_type3A_21, %cond3A_22 : i32
    scf.if %cond3A_23 {
      "tpu.region"() ({
        %run_scoped3A = tpu.sem_alloc : memref<!tpu.dma_semaphore, #tpu.memory_space<semaphore_mem>>
        %dma_start3A_66 = arith.constant 0 : i32
        %dma_start3A_67 = arith.constant 0 : i32
        %dma_start3A_68 = tpu.memref_slice %arg9[%dma_start3A_66, %dma_start3A_67] : memref<40x128xi32, #tpu.memory_space<vmem>> -> memref<39x128xi32, #tpu.memory_space<vmem>>
        %dma_start3A_69 = arith.constant 0 : i32
        %dma_start3A_70 = tpu.memref_slice %arg5[%add3A_4, %dma_start3A_69] : memref<1250x128xi32, #tpu.memory_space<hbm>> -> memref<39x128xi32, #tpu.memory_space<hbm>>
        %dma_start3A_71 = arith.constant 0 : i32
        %dma_start3A_72 = arith.constant 0 : i32
        %dma_start3A_73 = tpu.memref_slice %arg9[%dma_start3A_71, %dma_start3A_72] : memref<40x128xi32, #tpu.memory_space<vmem>> -> memref<39x128xi32, #tpu.memory_space<vmem>>
        %dma_start3A_74 = arith.constant 0 : i32
        %dma_start3A_75 = tpu.memref_slice %arg5[%add3A_4, %dma_start3A_74] : memref<1250x128xi32, #tpu.memory_space<hbm>> -> memref<39x128xi32, #tpu.memory_space<hbm>>
        tpu.enqueue_dma source(%dma_start3A_75 : memref<39x128xi32, #tpu.memory_space<hbm>>) target(%dma_start3A_73 : memref<39x128xi32, #tpu.memory_space<vmem>>) target_semaphore(%run_scoped3A : memref<!tpu.dma_semaphore, #tpu.memory_space<semaphore_mem>>)
        %dma_wait3A_76 = arith.constant 0 : i32
        %dma_wait3A_77 = arith.constant 0 : i32
        %dma_wait3A_78 = tpu.memref_slice %arg9[%dma_wait3A_76, %dma_wait3A_77] : memref<40x128xi32, #tpu.memory_space<vmem>> -> memref<39x128xi32, #tpu.memory_space<vmem>>
        %dma_wait3A_79 = arith.constant 0 : i32
        %dma_wait3A_80 = tpu.memref_slice %arg5[%add3A_4, %dma_wait3A_79] : memref<1250x128xi32, #tpu.memory_space<hbm>> -> memref<39x128xi32, #tpu.memory_space<hbm>>
        %dma_wait3A_81 = arith.constant 0 : i32
        %dma_wait3A_82 = arith.constant 0 : i32
        %dma_wait3A_83 = tpu.memref_slice %arg9[%dma_wait3A_81, %dma_wait3A_82] : memref<40x128xi32, #tpu.memory_space<vmem>> -> memref<39x128xi32, #tpu.memory_space<vmem>>
        %dma_wait3A_84 = arith.constant 0 : i32
        %dma_wait3A_85 = tpu.memref_slice %arg5[%add3A_4, %dma_wait3A_84] : memref<1250x128xi32, #tpu.memory_space<hbm>> -> memref<39x128xi32, #tpu.memory_space<hbm>>
        tpu.wait_dma2 semaphore(%run_scoped3A : memref<!tpu.dma_semaphore, #tpu.memory_space<semaphore_mem>>) src(%dma_wait3A_85 : memref<39x128xi32, #tpu.memory_space<hbm>>) dst(%dma_wait3A_83 : memref<39x128xi32, #tpu.memory_space<vmem>>)
        tpu.yield
      }) : () -> ()
    } else {
    }
    %dma_start3A = arith.constant 0 : i32
    %dma_start3A_24 = arith.constant 0 : i32
    %dma_start3A_25 = tpu.memref_slice %arg8[%dma_start3A, %dma_start3A_24] : memref<40x128xi32, #tpu.memory_space<vmem>> -> memref<1x128xi32, #tpu.memory_space<vmem>>
    %dma_start3A_26 = tpu.memref_squeeze %dma_start3A_25 : memref<1x128xi32, #tpu.memory_space<vmem>> -> memref<128xi32, #tpu.memory_space<vmem>>
    %dma_start3A_27 = arith.constant 0 : i32
    %dma_start3A_28 = arith.constant 0 : i32
    %dma_start3A_29 = tpu.memref_slice %arg2[%dma_start3A_27, %dma_start3A_28] : memref<10000x144xf32, #tpu.memory_space<hbm>> -> memref<10000x144xf32, #tpu.memory_space<hbm>>
    tpu.enqueue_indirect_dma source(%dma_start3A_29 : memref<10000x144xf32, #tpu.memory_space<hbm>>) target(%arg10 : memref<128x144xf32, #tpu.memory_space<vmem>>) offsets(%dma_start3A_26 : memref<128xi32, #tpu.memory_space<vmem>>) semaphore(%arg17 : memref<!tpu.dma_semaphore, #tpu.memory_space<semaphore_mem>>)
    %dma_start3A_30 = arith.constant 0 : i32
    %dma_start3A_31 = arith.constant 0 : i32
    %dma_start3A_32 = tpu.memref_slice %arg9[%dma_start3A_30, %dma_start3A_31] : memref<40x128xi32, #tpu.memory_space<vmem>> -> memref<1x128xi32, #tpu.memory_space<vmem>>
    %dma_start3A_33 = tpu.memref_squeeze %dma_start3A_32 : memref<1x128xi32, #tpu.memory_space<vmem>> -> memref<128xi32, #tpu.memory_space<vmem>>
    %dma_start3A_34 = arith.constant 0 : i32
    %dma_start3A_35 = arith.constant 0 : i32
    %dma_start3A_36 = tpu.memref_slice %arg3[%dma_start3A_34, %dma_start3A_35] : memref<10000x144xf32, #tpu.memory_space<hbm>> -> memref<10000x144xf32, #tpu.memory_space<hbm>>
    tpu.enqueue_indirect_dma source(%dma_start3A_36 : memref<10000x144xf32, #tpu.memory_space<hbm>>) target(%arg11 : memref<128x144xf32, #tpu.memory_space<vmem>>) offsets(%dma_start3A_33 : memref<128xi32, #tpu.memory_space<vmem>>) semaphore(%arg18 : memref<!tpu.dma_semaphore, #tpu.memory_space<semaphore_mem>>)
    %dma_start3A_37 = arith.constant 1 : i32
    %dma_start3A_38 = arith.constant 0 : i32
    %dma_start3A_39 = tpu.memref_slice %arg8[%dma_start3A_37, %dma_start3A_38] : memref<40x128xi32, #tpu.memory_space<vmem>> -> memref<1x128xi32, #tpu.memory_space<vmem>>
    %dma_start3A_40 = tpu.memref_squeeze %dma_start3A_39 : memref<1x128xi32, #tpu.memory_space<vmem>> -> memref<128xi32, #tpu.memory_space<vmem>>
    %dma_start3A_41 = arith.constant 0 : i32
    %dma_start3A_42 = arith.constant 0 : i32
    %dma_start3A_43 = tpu.memref_slice %arg2[%dma_start3A_41, %dma_start3A_42] : memref<10000x144xf32, #tpu.memory_space<hbm>> -> memref<10000x144xf32, #tpu.memory_space<hbm>>
    tpu.enqueue_indirect_dma source(%dma_start3A_43 : memref<10000x144xf32, #tpu.memory_space<hbm>>) target(%arg12 : memref<128x144xf32, #tpu.memory_space<vmem>>) offsets(%dma_start3A_40 : memref<128xi32, #tpu.memory_space<vmem>>) semaphore(%arg19 : memref<!tpu.dma_semaphore, #tpu.memory_space<semaphore_mem>>)
    %dma_start3A_44 = arith.constant 1 : i32
    %dma_start3A_45 = arith.constant 0 : i32
    %dma_start3A_46 = tpu.memref_slice %arg9[%dma_start3A_44, %dma_start3A_45] : memref<40x128xi32, #tpu.memory_space<vmem>> -> memref<1x128xi32, #tpu.memory_space<vmem>>
    %dma_start3A_47 = tpu.memref_squeeze %dma_start3A_46 : memref<1x128xi32, #tpu.memory_space<vmem>> -> memref<128xi32, #tpu.memory_space<vmem>>
    %dma_start3A_48 = arith.constant 0 : i32
    %dma_start3A_49 = arith.constant 0 : i32
    %dma_start3A_50 = tpu.memref_slice %arg3[%dma_start3A_48, %dma_start3A_49] : memref<10000x144xf32, #tpu.memory_space<hbm>> -> memref<10000x144xf32, #tpu.memory_space<hbm>>
    tpu.enqueue_indirect_dma source(%dma_start3A_50 : memref<10000x144xf32, #tpu.memory_space<hbm>>) target(%arg13 : memref<128x144xf32, #tpu.memory_space<vmem>>) offsets(%dma_start3A_47 : memref<128xi32, #tpu.memory_space<vmem>>) semaphore(%arg20 : memref<!tpu.dma_semaphore, #tpu.memory_space<semaphore_mem>>)
    %scan3A = arith.constant 0 : i32
    %scan3A_51 = arith.constant 20 : i32
    %scan3A_52 = arith.addi %scan3A, %scan3A_51 : i32
    %scan3A_53 = arith.constant 1 : i32
    scf.for %scan3A_66 = %scan3A to %scan3A_52 step %scan3A_53  : i32 {
      %mul3A_67 = arith.constant 1 : i32
      %mul3A_68 = arith.muli %scan3A_66, %mul3A_67 : i32
      %add3A_69 = arith.constant 0 : i32
      %add3A_70 = arith.addi %add3A_69, %mul3A_68 : i32
      %mul3A_71 = arith.constant 2 : i32
      %mul3A_72 = arith.muli %mul3A_71, %add3A_70 : i32
      %lt3A_73 = arith.cmpi slt, %mul3A_72, %select_n3A : i32
      %convert_element_type3A_74 = arith.extui %lt3A_73 : i1 to i32
      %cond3A_75 = arith.constant 0 : i32
      %cond3A_76 = arith.cmpi ne, %convert_element_type3A_74, %cond3A_75 : i32
      scf.if %cond3A_76 {
        %dma_wait3A_97 = arith.constant 0 : i32
        %dma_wait3A_98 = arith.constant 0 : i32
        %dma_wait3A_99 = tpu.memref_slice %arg8[%dma_wait3A_97, %dma_wait3A_98] : memref<40x128xi32, #tpu.memory_space<vmem>> -> memref<1x128xi32, #tpu.memory_space<vmem>>
        %dma_wait3A_100 = tpu.memref_squeeze %dma_wait3A_99 : memref<1x128xi32, #tpu.memory_space<vmem>> -> memref<128xi32, #tpu.memory_space<vmem>>
        %dma_wait3A_101 = arith.constant 0 : i32
        %dma_wait3A_102 = arith.constant 0 : i32
        %dma_wait3A_103 = tpu.memref_slice %arg2[%dma_wait3A_101, %dma_wait3A_102] : memref<10000x144xf32, #tpu.memory_space<hbm>> -> memref<10000x144xf32, #tpu.memory_space<hbm>>
        tpu.wait_indirect_dma semaphore(%arg17 : memref<!tpu.dma_semaphore, #tpu.memory_space<semaphore_mem>>) src(%dma_wait3A_103 : memref<10000x144xf32, #tpu.memory_space<hbm>>) dst(%arg10 : memref<128x144xf32, #tpu.memory_space<vmem>>)
        %dma_wait3A_104 = arith.constant 0 : i32
        %dma_wait3A_105 = arith.constant 0 : i32
        %dma_wait3A_106 = tpu.memref_slice %arg9[%dma_wait3A_104, %dma_wait3A_105] : memref<40x128xi32, #tpu.memory_space<vmem>> -> memref<1x128xi32, #tpu.memory_space<vmem>>
        %dma_wait3A_107 = tpu.memref_squeeze %dma_wait3A_106 : memref<1x128xi32, #tpu.memory_space<vmem>> -> memref<128xi32, #tpu.memory_space<vmem>>
        %dma_wait3A_108 = arith.constant 0 : i32
        %dma_wait3A_109 = arith.constant 0 : i32
        %dma_wait3A_110 = tpu.memref_slice %arg3[%dma_wait3A_108, %dma_wait3A_109] : memref<10000x144xf32, #tpu.memory_space<hbm>> -> memref<10000x144xf32, #tpu.memory_space<hbm>>
        tpu.wait_indirect_dma semaphore(%arg18 : memref<!tpu.dma_semaphore, #tpu.memory_space<semaphore_mem>>) src(%dma_wait3A_110 : memref<10000x144xf32, #tpu.memory_space<hbm>>) dst(%arg11 : memref<128x144xf32, #tpu.memory_space<vmem>>)
        %gt3A = arith.constant 0 : i32
        %gt3A_111 = arith.cmpi sgt, %add3A_70, %gt3A : i32
        %convert_element_type3A_112 = arith.extui %gt3A_111 : i1 to i32
        %cond3A_113 = arith.constant 0 : i32
        %cond3A_114 = arith.cmpi ne, %convert_element_type3A_112, %cond3A_113 : i32
        scf.if %cond3A_114 {
          %dma_wait3A_124 = arith.constant 0 : i32
          %dma_wait3A_125 = arith.constant 0 : i32
          %dma_wait3A_126 = tpu.memref_slice %arg7[%dma_wait3A_124, %dma_wait3A_125] : memref<160000x128xf32, #tpu.memory_space<hbm>> -> memref<128x128xf32, #tpu.memory_space<hbm>>
          %dma_wait3A_127 = arith.constant 0 : i32
          %dma_wait3A_128 = arith.constant 0 : i32
          %dma_wait3A_129 = tpu.memref_slice %arg7[%dma_wait3A_127, %dma_wait3A_128] : memref<160000x128xf32, #tpu.memory_space<hbm>> -> memref<128x128xf32, #tpu.memory_space<hbm>>
          tpu.wait_dma2 semaphore(%arg21 : memref<!tpu.dma_semaphore, #tpu.memory_space<semaphore_mem>>) src(%arg14 : memref<128x128xf32, #tpu.memory_space<vmem>>) dst(%dma_wait3A_129 : memref<128x128xf32, #tpu.memory_space<hbm>>)
        } else {
        }
        %parallel_loop3A = arith.constant 0 : i32
        %parallel_loop3A_115 = arith.constant 128 : i32
        %parallel_loop3A_116 = arith.constant 1 : i32
        scf.for %parallel_loop3A_124 = %parallel_loop3A to %parallel_loop3A_115 step %parallel_loop3A_116  : i32 {
          %parallel_loop3A_125 = arith.index_cast %parallel_loop3A_124 : i32 to index
          %parallel_loop3A_126 = arith.constant 128 : index
          %parallel_loop3A_127 = tpu.vector_load %arg10[%parallel_loop3A_125, %parallel_loop3A_126] {strides = array<i32>} : memref<128x144xf32, #tpu.memory_space<vmem>>, vector<1x16xf32>,
          %parallel_loop3A_128 = vector.shape_cast %parallel_loop3A_127 : vector<1x16xf32> to vector<16xf32>
          %parallel_loop3A_129 = arith.index_cast %parallel_loop3A_124 : i32 to index
          %parallel_loop3A_130 = arith.constant 128 : index
          %parallel_loop3A_131 = tpu.vector_load %arg11[%parallel_loop3A_129, %parallel_loop3A_130] {strides = array<i32>} : memref<128x144xf32, #tpu.memory_space<vmem>>, vector<1x16xf32>,
          %parallel_loop3A_132 = vector.shape_cast %parallel_loop3A_131 : vector<1x16xf32> to vector<16xf32>
          %parallel_loop3A_133 = arith.subf %parallel_loop3A_128, %parallel_loop3A_132 : vector<16xf32>
          %parallel_loop3A_134 = arith.mulf %parallel_loop3A_133, %parallel_loop3A_133 : vector<16xf32>
          %parallel_loop3A_135 = vector.extract_strided_slice %parallel_loop3A_134 {offsets = [0], sizes = [1], strides = [1]} : vector<16xf32> to vector<1xf32>
          %parallel_loop3A_136 = vector.extract %parallel_loop3A_135[0] : f32 from vector<1xf32>
          %parallel_loop3A_137 = vector.extract_strided_slice %parallel_loop3A_134 {offsets = [1], sizes = [1], strides = [1]} : vector<16xf32> to vector<1xf32>
          %parallel_loop3A_138 = vector.extract %parallel_loop3A_137[0] : f32 from vector<1xf32>
          %parallel_loop3A_139 = arith.addf %parallel_loop3A_136, %parallel_loop3A_138 : f32
          %parallel_loop3A_140 = vector.extract_strided_slice %parallel_loop3A_134 {offsets = [2], sizes = [1], strides = [1]} : vector<16xf32> to vector<1xf32>
          %parallel_loop3A_141 = vector.extract %parallel_loop3A_140[0] : f32 from vector<1xf32>
          %parallel_loop3A_142 = arith.addf %parallel_loop3A_139, %parallel_loop3A_141 : f32
          %parallel_loop3A_143 = arith.index_cast %parallel_loop3A_124 : i32 to index
          %parallel_loop3A_144 = arith.constant 0 : index
          %parallel_loop3A_145 = tpu.vector_load %arg10[%parallel_loop3A_143, %parallel_loop3A_144] {strides = array<i32>} : memref<128x144xf32, #tpu.memory_space<vmem>>, vector<1x16xf32>,
          %parallel_loop3A_146 = vector.shape_cast %parallel_loop3A_145 : vector<1x16xf32> to vector<16xf32>
          %parallel_loop3A_147 = arith.index_cast %parallel_loop3A_124 : i32 to index
          %parallel_loop3A_148 = arith.constant 0 : index
          %parallel_loop3A_149 = tpu.vector_load %arg11[%parallel_loop3A_147, %parallel_loop3A_148] {strides = array<i32>} : memref<128x144xf32, #tpu.memory_space<vmem>>, vector<1x16xf32>,
          %parallel_loop3A_150 = vector.shape_cast %parallel_loop3A_149 : vector<1x16xf32> to vector<16xf32>
          %parallel_loop3A_151 = arith.addf %parallel_loop3A_146, %parallel_loop3A_150 : vector<16xf32>
          %parallel_loop3A_152 = arith.constant 0 : index
          %parallel_loop3A_153 = tpu.vector_load %arg16[%parallel_loop3A_152] {strides = array<i32>} : memref<128xf32, #tpu.memory_space<vmem>>, vector<16xf32>,
          %parallel_loop3A_154 = vector.shape_cast %parallel_loop3A_153 : vector<16xf32> to vector<16xf32>
          %parallel_loop3A_155 = vector.broadcast %parallel_loop3A_142 : f32 to vector<16xf32>
          %parallel_loop3A_156 = arith.mulf %parallel_loop3A_155, %parallel_loop3A_154 : vector<16xf32>
          %parallel_loop3A_157 = arith.addf %parallel_loop3A_151, %parallel_loop3A_156 : vector<16xf32>
          %parallel_loop3A_158 = arith.index_cast %parallel_loop3A_124 : i32 to index
          %parallel_loop3A_159 = arith.constant 0 : index
          %parallel_loop3A_160 = tpu.vector_load %arg14[%parallel_loop3A_158, %parallel_loop3A_159] {strides = array<i32>} : memref<128x128xf32, #tpu.memory_space<vmem>>, vector<1x16xf32>,
          %parallel_loop3A_161 = vector.shape_cast %parallel_loop3A_160 : vector<1x16xf32> to vector<16xf32>
          %parallel_loop3A_162 = vector.shape_cast %parallel_loop3A_157 : vector<16xf32> to vector<1x16xf32>
          tpu.vector_store %arg14[%parallel_loop3A_158, %parallel_loop3A_159], %parallel_loop3A_162 {strides = array<i32>} : memref<128x128xf32, #tpu.memory_space<vmem>>, vector<1x16xf32>,
          %parallel_loop3A_163 = arith.index_cast %parallel_loop3A_124 : i32 to index
          %parallel_loop3A_164 = arith.constant 16 : index
          %parallel_loop3A_165 = tpu.vector_load %arg10[%parallel_loop3A_163, %parallel_loop3A_164] {strides = array<i32>} : memref<128x144xf32, #tpu.memory_space<vmem>>, vector<1x16xf32>,
          %parallel_loop3A_166 = vector.shape_cast %parallel_loop3A_165 : vector<1x16xf32> to vector<16xf32>
          %parallel_loop3A_167 = arith.index_cast %parallel_loop3A_124 : i32 to index
          %parallel_loop3A_168 = arith.constant 16 : index
          %parallel_loop3A_169 = tpu.vector_load %arg11[%parallel_loop3A_167, %parallel_loop3A_168] {strides = array<i32>} : memref<128x144xf32, #tpu.memory_space<vmem>>, vector<1x16xf32>,
          %parallel_loop3A_170 = vector.shape_cast %parallel_loop3A_169 : vector<1x16xf32> to vector<16xf32>
          %parallel_loop3A_171 = arith.addf %parallel_loop3A_166, %parallel_loop3A_170 : vector<16xf32>
          %parallel_loop3A_172 = arith.constant 16 : index
          %parallel_loop3A_173 = tpu.vector_load %arg16[%parallel_loop3A_172] {strides = array<i32>} : memref<128xf32, #tpu.memory_space<vmem>>, vector<16xf32>,
          %parallel_loop3A_174 = vector.shape_cast %parallel_loop3A_173 : vector<16xf32> to vector<16xf32>
          %parallel_loop3A_175 = vector.broadcast %parallel_loop3A_142 : f32 to vector<16xf32>
          %parallel_loop3A_176 = arith.mulf %parallel_loop3A_175, %parallel_loop3A_174 : vector<16xf32>
          %parallel_loop3A_177 = arith.addf %parallel_loop3A_171, %parallel_loop3A_176 : vector<16xf32>
          %parallel_loop3A_178 = arith.index_cast %parallel_loop3A_124 : i32 to index
          %parallel_loop3A_179 = arith.constant 16 : index
          %parallel_loop3A_180 = tpu.vector_load %arg14[%parallel_loop3A_178, %parallel_loop3A_179] {strides = array<i32>} : memref<128x128xf32, #tpu.memory_space<vmem>>, vector<1x16xf32>,
          %parallel_loop3A_181 = vector.shape_cast %parallel_loop3A_180 : vector<1x16xf32> to vector<16xf32>
          %parallel_loop3A_182 = vector.shape_cast %parallel_loop3A_177 : vector<16xf32> to vector<1x16xf32>
          tpu.vector_store %arg14[%parallel_loop3A_178, %parallel_loop3A_179], %parallel_loop3A_182 {strides = array<i32>} : memref<128x128xf32, #tpu.memory_space<vmem>>, vector<1x16xf32>,
          %parallel_loop3A_183 = arith.index_cast %parallel_loop3A_124 : i32 to index
          %parallel_loop3A_184 = arith.constant 32 : index
          %parallel_loop3A_185 = tpu.vector_load %arg10[%parallel_loop3A_183, %parallel_loop3A_184] {strides = array<i32>} : memref<128x144xf32, #tpu.memory_space<vmem>>, vector<1x16xf32>,
          %parallel_loop3A_186 = vector.shape_cast %parallel_loop3A_185 : vector<1x16xf32> to vector<16xf32>
          %parallel_loop3A_187 = arith.index_cast %parallel_loop3A_124 : i32 to index
          %parallel_loop3A_188 = arith.constant 32 : index
          %parallel_loop3A_189 = tpu.vector_load %arg11[%parallel_loop3A_187, %parallel_loop3A_188] {strides = array<i32>} : memref<128x144xf32, #tpu.memory_space<vmem>>, vector<1x16xf32>,
          %parallel_loop3A_190 = vector.shape_cast %parallel_loop3A_189 : vector<1x16xf32> to vector<16xf32>
          %parallel_loop3A_191 = arith.addf %parallel_loop3A_186, %parallel_loop3A_190 : vector<16xf32>
          %parallel_loop3A_192 = arith.constant 32 : index
          %parallel_loop3A_193 = tpu.vector_load %arg16[%parallel_loop3A_192] {strides = array<i32>} : memref<128xf32, #tpu.memory_space<vmem>>, vector<16xf32>,
          %parallel_loop3A_194 = vector.shape_cast %parallel_loop3A_193 : vector<16xf32> to vector<16xf32>
          %parallel_loop3A_195 = vector.broadcast %parallel_loop3A_142 : f32 to vector<16xf32>
          %parallel_loop3A_196 = arith.mulf %parallel_loop3A_195, %parallel_loop3A_194 : vector<16xf32>
          %parallel_loop3A_197 = arith.addf %parallel_loop3A_191, %parallel_loop3A_196 : vector<16xf32>
          %parallel_loop3A_198 = arith.index_cast %parallel_loop3A_124 : i32 to index
          %parallel_loop3A_199 = arith.constant 32 : index
          %parallel_loop3A_200 = tpu.vector_load %arg14[%parallel_loop3A_198, %parallel_loop3A_199] {strides = array<i32>} : memref<128x128xf32, #tpu.memory_space<vmem>>, vector<1x16xf32>,
          %parallel_loop3A_201 = vector.shape_cast %parallel_loop3A_200 : vector<1x16xf32> to vector<16xf32>
          %parallel_loop3A_202 = vector.shape_cast %parallel_loop3A_197 : vector<16xf32> to vector<1x16xf32>
          tpu.vector_store %arg14[%parallel_loop3A_198, %parallel_loop3A_199], %parallel_loop3A_202 {strides = array<i32>} : memref<128x128xf32, #tpu.memory_space<vmem>>, vector<1x16xf32>,
          %parallel_loop3A_203 = arith.index_cast %parallel_loop3A_124 : i32 to index
          %parallel_loop3A_204 = arith.constant 48 : index
          %parallel_loop3A_205 = tpu.vector_load %arg10[%parallel_loop3A_203, %parallel_loop3A_204] {strides = array<i32>} : memref<128x144xf32, #tpu.memory_space<vmem>>, vector<1x16xf32>,
          %parallel_loop3A_206 = vector.shape_cast %parallel_loop3A_205 : vector<1x16xf32> to vector<16xf32>
          %parallel_loop3A_207 = arith.index_cast %parallel_loop3A_124 : i32 to index
          %parallel_loop3A_208 = arith.constant 48 : index
          %parallel_loop3A_209 = tpu.vector_load %arg11[%parallel_loop3A_207, %parallel_loop3A_208] {strides = array<i32>} : memref<128x144xf32, #tpu.memory_space<vmem>>, vector<1x16xf32>,
          %parallel_loop3A_210 = vector.shape_cast %parallel_loop3A_209 : vector<1x16xf32> to vector<16xf32>
          %parallel_loop3A_211 = arith.addf %parallel_loop3A_206, %parallel_loop3A_210 : vector<16xf32>
          %parallel_loop3A_212 = arith.constant 48 : index
          %parallel_loop3A_213 = tpu.vector_load %arg16[%parallel_loop3A_212] {strides = array<i32>} : memref<128xf32, #tpu.memory_space<vmem>>, vector<16xf32>,
          %parallel_loop3A_214 = vector.shape_cast %parallel_loop3A_213 : vector<16xf32> to vector<16xf32>
          %parallel_loop3A_215 = vector.broadcast %parallel_loop3A_142 : f32 to vector<16xf32>
          %parallel_loop3A_216 = arith.mulf %parallel_loop3A_215, %parallel_loop3A_214 : vector<16xf32>
          %parallel_loop3A_217 = arith.addf %parallel_loop3A_211, %parallel_loop3A_216 : vector<16xf32>
          %parallel_loop3A_218 = arith.index_cast %parallel_loop3A_124 : i32 to index
          %parallel_loop3A_219 = arith.constant 48 : index
          %parallel_loop3A_220 = tpu.vector_load %arg14[%parallel_loop3A_218, %parallel_loop3A_219] {strides = array<i32>} : memref<128x128xf32, #tpu.memory_space<vmem>>, vector<1x16xf32>,
          %parallel_loop3A_221 = vector.shape_cast %parallel_loop3A_220 : vector<1x16xf32> to vector<16xf32>
          %parallel_loop3A_222 = vector.shape_cast %parallel_loop3A_217 : vector<16xf32> to vector<1x16xf32>
          tpu.vector_store %arg14[%parallel_loop3A_218, %parallel_loop3A_219], %parallel_loop3A_222 {strides = array<i32>} : memref<128x128xf32, #tpu.memory_space<vmem>>, vector<1x16xf32>,
          %parallel_loop3A_223 = arith.index_cast %parallel_loop3A_124 : i32 to index
          %parallel_loop3A_224 = arith.constant 64 : index
          %parallel_loop3A_225 = tpu.vector_load %arg10[%parallel_loop3A_223, %parallel_loop3A_224] {strides = array<i32>} : memref<128x144xf32, #tpu.memory_space<vmem>>, vector<1x16xf32>,
          %parallel_loop3A_226 = vector.shape_cast %parallel_loop3A_225 : vector<1x16xf32> to vector<16xf32>
          %parallel_loop3A_227 = arith.index_cast %parallel_loop3A_124 : i32 to index
          %parallel_loop3A_228 = arith.constant 64 : index
          %parallel_loop3A_229 = tpu.vector_load %arg11[%parallel_loop3A_227, %parallel_loop3A_228] {strides = array<i32>} : memref<128x144xf32, #tpu.memory_space<vmem>>, vector<1x16xf32>,
          %parallel_loop3A_230 = vector.shape_cast %parallel_loop3A_229 : vector<1x16xf32> to vector<16xf32>
          %parallel_loop3A_231 = arith.addf %parallel_loop3A_226, %parallel_loop3A_230 : vector<16xf32>
          %parallel_loop3A_232 = arith.constant 64 : index
          %parallel_loop3A_233 = tpu.vector_load %arg16[%parallel_loop3A_232] {strides = array<i32>} : memref<128xf32, #tpu.memory_space<vmem>>, vector<16xf32>,
          %parallel_loop3A_234 = vector.shape_cast %parallel_loop3A_233 : vector<16xf32> to vector<16xf32>
          %parallel_loop3A_235 = vector.broadcast %parallel_loop3A_142 : f32 to vector<16xf32>
          %parallel_loop3A_236 = arith.mulf %parallel_loop3A_235, %parallel_loop3A_234 : vector<16xf32>
          %parallel_loop3A_237 = arith.addf %parallel_loop3A_231, %parallel_loop3A_236 : vector<16xf32>
          %parallel_loop3A_238 = arith.index_cast %parallel_loop3A_124 : i32 to index
          %parallel_loop3A_239 = arith.constant 64 : index
          %parallel_loop3A_240 = tpu.vector_load %arg14[%parallel_loop3A_238, %parallel_loop3A_239] {strides = array<i32>} : memref<128x128xf32, #tpu.memory_space<vmem>>, vector<1x16xf32>,
          %parallel_loop3A_241 = vector.shape_cast %parallel_loop3A_240 : vector<1x16xf32> to vector<16xf32>
          %parallel_loop3A_242 = vector.shape_cast %parallel_loop3A_237 : vector<16xf32> to vector<1x16xf32>
          tpu.vector_store %arg14[%parallel_loop3A_238, %parallel_loop3A_239], %parallel_loop3A_242 {strides = array<i32>} : memref<128x128xf32, #tpu.memory_space<vmem>>, vector<1x16xf32>,
          %parallel_loop3A_243 = arith.index_cast %parallel_loop3A_124 : i32 to index
          %parallel_loop3A_244 = arith.constant 80 : index
          %parallel_loop3A_245 = tpu.vector_load %arg10[%parallel_loop3A_243, %parallel_loop3A_244] {strides = array<i32>} : memref<128x144xf32, #tpu.memory_space<vmem>>, vector<1x16xf32>,
          %parallel_loop3A_246 = vector.shape_cast %parallel_loop3A_245 : vector<1x16xf32> to vector<16xf32>
          %parallel_loop3A_247 = arith.index_cast %parallel_loop3A_124 : i32 to index
          %parallel_loop3A_248 = arith.constant 80 : index
          %parallel_loop3A_249 = tpu.vector_load %arg11[%parallel_loop3A_247, %parallel_loop3A_248] {strides = array<i32>} : memref<128x144xf32, #tpu.memory_space<vmem>>, vector<1x16xf32>,
          %parallel_loop3A_250 = vector.shape_cast %parallel_loop3A_249 : vector<1x16xf32> to vector<16xf32>
          %parallel_loop3A_251 = arith.addf %parallel_loop3A_246, %parallel_loop3A_250 : vector<16xf32>
          %parallel_loop3A_252 = arith.constant 80 : index
          %parallel_loop3A_253 = tpu.vector_load %arg16[%parallel_loop3A_252] {strides = array<i32>} : memref<128xf32, #tpu.memory_space<vmem>>, vector<16xf32>,
          %parallel_loop3A_254 = vector.shape_cast %parallel_loop3A_253 : vector<16xf32> to vector<16xf32>
          %parallel_loop3A_255 = vector.broadcast %parallel_loop3A_142 : f32 to vector<16xf32>
          %parallel_loop3A_256 = arith.mulf %parallel_loop3A_255, %parallel_loop3A_254 : vector<16xf32>
          %parallel_loop3A_257 = arith.addf %parallel_loop3A_251, %parallel_loop3A_256 : vector<16xf32>
          %parallel_loop3A_258 = arith.index_cast %parallel_loop3A_124 : i32 to index
          %parallel_loop3A_259 = arith.constant 80 : index
          %parallel_loop3A_260 = tpu.vector_load %arg14[%parallel_loop3A_258, %parallel_loop3A_259] {strides = array<i32>} : memref<128x128xf32, #tpu.memory_space<vmem>>, vector<1x16xf32>,
          %parallel_loop3A_261 = vector.shape_cast %parallel_loop3A_260 : vector<1x16xf32> to vector<16xf32>
          %parallel_loop3A_262 = vector.shape_cast %parallel_loop3A_257 : vector<16xf32> to vector<1x16xf32>
          tpu.vector_store %arg14[%parallel_loop3A_258, %parallel_loop3A_259], %parallel_loop3A_262 {strides = array<i32>} : memref<128x128xf32, #tpu.memory_space<vmem>>, vector<1x16xf32>,
          %parallel_loop3A_263 = arith.index_cast %parallel_loop3A_124 : i32 to index
          %parallel_loop3A_264 = arith.constant 96 : index
          %parallel_loop3A_265 = tpu.vector_load %arg10[%parallel_loop3A_263, %parallel_loop3A_264] {strides = array<i32>} : memref<128x144xf32, #tpu.memory_space<vmem>>, vector<1x16xf32>,
          %parallel_loop3A_266 = vector.shape_cast %parallel_loop3A_265 : vector<1x16xf32> to vector<16xf32>
          %parallel_loop3A_267 = arith.index_cast %parallel_loop3A_124 : i32 to index
          %parallel_loop3A_268 = arith.constant 96 : index
          %parallel_loop3A_269 = tpu.vector_load %arg11[%parallel_loop3A_267, %parallel_loop3A_268] {strides = array<i32>} : memref<128x144xf32, #tpu.memory_space<vmem>>, vector<1x16xf32>,
          %parallel_loop3A_270 = vector.shape_cast %parallel_loop3A_269 : vector<1x16xf32> to vector<16xf32>
          %parallel_loop3A_271 = arith.addf %parallel_loop3A_266, %parallel_loop3A_270 : vector<16xf32>
          %parallel_loop3A_272 = arith.constant 96 : index
          %parallel_loop3A_273 = tpu.vector_load %arg16[%parallel_loop3A_272] {strides = array<i32>} : memref<128xf32, #tpu.memory_space<vmem>>, vector<16xf32>,
          %parallel_loop3A_274 = vector.shape_cast %parallel_loop3A_273 : vector<16xf32> to vector<16xf32>
          %parallel_loop3A_275 = vector.broadcast %parallel_loop3A_142 : f32 to vector<16xf32>
          %parallel_loop3A_276 = arith.mulf %parallel_loop3A_275, %parallel_loop3A_274 : vector<16xf32>
          %parallel_loop3A_277 = arith.addf %parallel_loop3A_271, %parallel_loop3A_276 : vector<16xf32>
          %parallel_loop3A_278 = arith.index_cast %parallel_loop3A_124 : i32 to index
          %parallel_loop3A_279 = arith.constant 96 : index
          %parallel_loop3A_280 = tpu.vector_load %arg14[%parallel_loop3A_278, %parallel_loop3A_279] {strides = array<i32>} : memref<128x128xf32, #tpu.memory_space<vmem>>, vector<1x16xf32>,
          %parallel_loop3A_281 = vector.shape_cast %parallel_loop3A_280 : vector<1x16xf32> to vector<16xf32>
          %parallel_loop3A_282 = vector.shape_cast %parallel_loop3A_277 : vector<16xf32> to vector<1x16xf32>
          tpu.vector_store %arg14[%parallel_loop3A_278, %parallel_loop3A_279], %parallel_loop3A_282 {strides = array<i32>} : memref<128x128xf32, #tpu.memory_space<vmem>>, vector<1x16xf32>,
          %parallel_loop3A_283 = arith.index_cast %parallel_loop3A_124 : i32 to index
          %parallel_loop3A_284 = arith.constant 112 : index
          %parallel_loop3A_285 = tpu.vector_load %arg10[%parallel_loop3A_283, %parallel_loop3A_284] {strides = array<i32>} : memref<128x144xf32, #tpu.memory_space<vmem>>, vector<1x16xf32>,
          %parallel_loop3A_286 = vector.shape_cast %parallel_loop3A_285 : vector<1x16xf32> to vector<16xf32>
          %parallel_loop3A_287 = arith.index_cast %parallel_loop3A_124 : i32 to index
          %parallel_loop3A_288 = arith.constant 112 : index
          %parallel_loop3A_289 = tpu.vector_load %arg11[%parallel_loop3A_287, %parallel_loop3A_288] {strides = array<i32>} : memref<128x144xf32, #tpu.memory_space<vmem>>, vector<1x16xf32>,
          %parallel_loop3A_290 = vector.shape_cast %parallel_loop3A_289 : vector<1x16xf32> to vector<16xf32>
          %parallel_loop3A_291 = arith.addf %parallel_loop3A_286, %parallel_loop3A_290 : vector<16xf32>
          %parallel_loop3A_292 = arith.constant 112 : index
          %parallel_loop3A_293 = tpu.vector_load %arg16[%parallel_loop3A_292] {strides = array<i32>} : memref<128xf32, #tpu.memory_space<vmem>>, vector<16xf32>,
          %parallel_loop3A_294 = vector.shape_cast %parallel_loop3A_293 : vector<16xf32> to vector<16xf32>
          %parallel_loop3A_295 = vector.broadcast %parallel_loop3A_142 : f32 to vector<16xf32>
          %parallel_loop3A_296 = arith.mulf %parallel_loop3A_295, %parallel_loop3A_294 : vector<16xf32>
          %parallel_loop3A_297 = arith.addf %parallel_loop3A_291, %parallel_loop3A_296 : vector<16xf32>
          %parallel_loop3A_298 = arith.index_cast %parallel_loop3A_124 : i32 to index
          %parallel_loop3A_299 = arith.constant 112 : index
          %parallel_loop3A_300 = tpu.vector_load %arg14[%parallel_loop3A_298, %parallel_loop3A_299] {strides = array<i32>} : memref<128x128xf32, #tpu.memory_space<vmem>>, vector<1x16xf32>,
          %parallel_loop3A_301 = vector.shape_cast %parallel_loop3A_300 : vector<1x16xf32> to vector<16xf32>
          %parallel_loop3A_302 = vector.shape_cast %parallel_loop3A_297 : vector<16xf32> to vector<1x16xf32>
          tpu.vector_store %arg14[%parallel_loop3A_298, %parallel_loop3A_299], %parallel_loop3A_302 {strides = array<i32>} : memref<128x128xf32, #tpu.memory_space<vmem>>, vector<1x16xf32>,
        } {sc.loop_unroll_factor = 2 : i64, sc.parallel_access}
        %add3A_117 = arith.addi %add3A_4, %mul3A_72 : i32
        %mul3A_118 = arith.constant 128 : i32
        %mul3A_119 = arith.muli %add3A_117, %mul3A_118 : i32
        %dma_start3A_120 = arith.constant 0 : i32
        %dma_start3A_121 = tpu.memref_slice %arg7[%mul3A_119, %dma_start3A_120] : memref<160000x128xf32, #tpu.memory_space<hbm>> -> memref<128x128xf32, #tpu.memory_space<hbm>>
        %dma_start3A_122 = arith.constant 0 : i32
        %dma_start3A_123 = tpu.memref_slice %arg7[%mul3A_119, %dma_start3A_122] : memref<160000x128xf32, #tpu.memory_space<hbm>> -> memref<128x128xf32, #tpu.memory_space<hbm>>
        tpu.enqueue_dma source(%arg14 : memref<128x128xf32, #tpu.memory_space<vmem>>) target(%dma_start3A_123 : memref<128x128xf32, #tpu.memory_space<hbm>>) target_semaphore(%arg21 : memref<!tpu.dma_semaphore, #tpu.memory_space<semaphore_mem>>)
      } else {
      }
      %add3A_77 = arith.constant 2 : i32
      %add3A_78 = arith.addi %mul3A_72, %add3A_77 : i32
      %lt3A_79 = arith.cmpi slt, %add3A_78, %select_n3A : i32
      %convert_element_type3A_80 = arith.extui %lt3A_79 : i1 to i32
      %cond3A_81 = arith.constant 0 : i32
      %cond3A_82 = arith.cmpi ne, %convert_element_type3A_80, %cond3A_81 : i32
      scf.if %cond3A_82 {
        %add3A_97 = arith.constant 2 : i32
        %add3A_98 = arith.addi %mul3A_72, %add3A_97 : i32
        %dma_start3A_99 = arith.constant 0 : i32
        %dma_start3A_100 = tpu.memref_slice %arg8[%add3A_98, %dma_start3A_99] : memref<40x128xi32, #tpu.memory_space<vmem>> -> memref<1x128xi32, #tpu.memory_space<vmem>>
        %dma_start3A_101 = tpu.memref_squeeze %dma_start3A_100 : memref<1x128xi32, #tpu.memory_space<vmem>> -> memref<128xi32, #tpu.memory_space<vmem>>
        %dma_start3A_102 = arith.constant 0 : i32
        %dma_start3A_103 = arith.constant 0 : i32
        %dma_start3A_104 = tpu.memref_slice %arg2[%dma_start3A_102, %dma_start3A_103] : memref<10000x144xf32, #tpu.memory_space<hbm>> -> memref<10000x144xf32, #tpu.memory_space<hbm>>
        tpu.enqueue_indirect_dma source(%dma_start3A_104 : memref<10000x144xf32, #tpu.memory_space<hbm>>) target(%arg10 : memref<128x144xf32, #tpu.memory_space<vmem>>) offsets(%dma_start3A_101 : memref<128xi32, #tpu.memory_space<vmem>>) semaphore(%arg17 : memref<!tpu.dma_semaphore, #tpu.memory_space<semaphore_mem>>)
        %dma_start3A_105 = arith.constant 0 : i32
        %dma_start3A_106 = tpu.memref_slice %arg9[%add3A_98, %dma_start3A_105] : memref<40x128xi32, #tpu.memory_space<vmem>> -> memref<1x128xi32, #tpu.memory_space<vmem>>
        %dma_start3A_107 = tpu.memref_squeeze %dma_start3A_106 : memref<1x128xi32, #tpu.memory_space<vmem>> -> memref<128xi32, #tpu.memory_space<vmem>>
        %dma_start3A_108 = arith.constant 0 : i32
        %dma_start3A_109 = arith.constant 0 : i32
        %dma_start3A_110 = tpu.memref_slice %arg3[%dma_start3A_108, %dma_start3A_109] : memref<10000x144xf32, #tpu.memory_space<hbm>> -> memref<10000x144xf32, #tpu.memory_space<hbm>>
        tpu.enqueue_indirect_dma source(%dma_start3A_110 : memref<10000x144xf32, #tpu.memory_space<hbm>>) target(%arg11 : memref<128x144xf32, #tpu.memory_space<vmem>>) offsets(%dma_start3A_107 : memref<128xi32, #tpu.memory_space<vmem>>) semaphore(%arg18 : memref<!tpu.dma_semaphore, #tpu.memory_space<semaphore_mem>>)
      } else {
      }
      %mul3A_83 = arith.constant 2 : i32
      %mul3A_84 = arith.muli %mul3A_83, %add3A_70 : i32
      %add3A_85 = arith.constant 1 : i32
      %add3A_86 = arith.addi %mul3A_84, %add3A_85 : i32
      %lt3A_87 = arith.cmpi slt, %add3A_86, %select_n3A : i32
      %convert_element_type3A_88 = arith.extui %lt3A_87 : i1 to i32
      %cond3A_89 = arith.constant 0 : i32
      %cond3A_90 = arith.cmpi ne, %convert_element_type3A_88, %cond3A_89 : i32
      scf.if %cond3A_90 {
        %dma_wait3A_97 = arith.constant 0 : i32
        %dma_wait3A_98 = arith.constant 0 : i32
        %dma_wait3A_99 = tpu.memref_slice %arg8[%dma_wait3A_97, %dma_wait3A_98] : memref<40x128xi32, #tpu.memory_space<vmem>> -> memref<1x128xi32, #tpu.memory_space<vmem>>
        %dma_wait3A_100 = tpu.memref_squeeze %dma_wait3A_99 : memref<1x128xi32, #tpu.memory_space<vmem>> -> memref<128xi32, #tpu.memory_space<vmem>>
        %dma_wait3A_101 = arith.constant 0 : i32
        %dma_wait3A_102 = arith.constant 0 : i32
        %dma_wait3A_103 = tpu.memref_slice %arg2[%dma_wait3A_101, %dma_wait3A_102] : memref<10000x144xf32, #tpu.memory_space<hbm>> -> memref<10000x144xf32, #tpu.memory_space<hbm>>
        tpu.wait_indirect_dma semaphore(%arg19 : memref<!tpu.dma_semaphore, #tpu.memory_space<semaphore_mem>>) src(%dma_wait3A_103 : memref<10000x144xf32, #tpu.memory_space<hbm>>) dst(%arg12 : memref<128x144xf32, #tpu.memory_space<vmem>>)
        %dma_wait3A_104 = arith.constant 0 : i32
        %dma_wait3A_105 = arith.constant 0 : i32
        %dma_wait3A_106 = tpu.memref_slice %arg9[%dma_wait3A_104, %dma_wait3A_105] : memref<40x128xi32, #tpu.memory_space<vmem>> -> memref<1x128xi32, #tpu.memory_space<vmem>>
        %dma_wait3A_107 = tpu.memref_squeeze %dma_wait3A_106 : memref<1x128xi32, #tpu.memory_space<vmem>> -> memref<128xi32, #tpu.memory_space<vmem>>
        %dma_wait3A_108 = arith.constant 0 : i32
        %dma_wait3A_109 = arith.constant 0 : i32
        %dma_wait3A_110 = tpu.memref_slice %arg3[%dma_wait3A_108, %dma_wait3A_109] : memref<10000x144xf32, #tpu.memory_space<hbm>> -> memref<10000x144xf32, #tpu.memory_space<hbm>>
        tpu.wait_indirect_dma semaphore(%arg20 : memref<!tpu.dma_semaphore, #tpu.memory_space<semaphore_mem>>) src(%dma_wait3A_110 : memref<10000x144xf32, #tpu.memory_space<hbm>>) dst(%arg13 : memref<128x144xf32, #tpu.memory_space<vmem>>)
        %gt3A = arith.constant 0 : i32
        %gt3A_111 = arith.cmpi sgt, %add3A_70, %gt3A : i32
        %convert_element_type3A_112 = arith.extui %gt3A_111 : i1 to i32
        %cond3A_113 = arith.constant 0 : i32
        %cond3A_114 = arith.cmpi ne, %convert_element_type3A_112, %cond3A_113 : i32
        scf.if %cond3A_114 {
          %dma_wait3A_124 = arith.constant 0 : i32
          %dma_wait3A_125 = arith.constant 0 : i32
          %dma_wait3A_126 = tpu.memref_slice %arg7[%dma_wait3A_124, %dma_wait3A_125] : memref<160000x128xf32, #tpu.memory_space<hbm>> -> memref<128x128xf32, #tpu.memory_space<hbm>>
          %dma_wait3A_127 = arith.constant 0 : i32
          %dma_wait3A_128 = arith.constant 0 : i32
          %dma_wait3A_129 = tpu.memref_slice %arg7[%dma_wait3A_127, %dma_wait3A_128] : memref<160000x128xf32, #tpu.memory_space<hbm>> -> memref<128x128xf32, #tpu.memory_space<hbm>>
          tpu.wait_dma2 semaphore(%arg22 : memref<!tpu.dma_semaphore, #tpu.memory_space<semaphore_mem>>) src(%arg15 : memref<128x128xf32, #tpu.memory_space<vmem>>) dst(%dma_wait3A_129 : memref<128x128xf32, #tpu.memory_space<hbm>>)
        } else {
        }
        %parallel_loop3A = arith.constant 0 : i32
        %parallel_loop3A_115 = arith.constant 128 : i32
        %parallel_loop3A_116 = arith.constant 1 : i32
        scf.for %parallel_loop3A_124 = %parallel_loop3A to %parallel_loop3A_115 step %parallel_loop3A_116  : i32 {
          %parallel_loop3A_125 = arith.index_cast %parallel_loop3A_124 : i32 to index
          %parallel_loop3A_126 = arith.constant 128 : index
          %parallel_loop3A_127 = tpu.vector_load %arg12[%parallel_loop3A_125, %parallel_loop3A_126] {strides = array<i32>} : memref<128x144xf32, #tpu.memory_space<vmem>>, vector<1x16xf32>,
          %parallel_loop3A_128 = vector.shape_cast %parallel_loop3A_127 : vector<1x16xf32> to vector<16xf32>
          %parallel_loop3A_129 = arith.index_cast %parallel_loop3A_124 : i32 to index
          %parallel_loop3A_130 = arith.constant 128 : index
          %parallel_loop3A_131 = tpu.vector_load %arg13[%parallel_loop3A_129, %parallel_loop3A_130] {strides = array<i32>} : memref<128x144xf32, #tpu.memory_space<vmem>>, vector<1x16xf32>,
          %parallel_loop3A_132 = vector.shape_cast %parallel_loop3A_131 : vector<1x16xf32> to vector<16xf32>
          %parallel_loop3A_133 = arith.subf %parallel_loop3A_128, %parallel_loop3A_132 : vector<16xf32>
          %parallel_loop3A_134 = arith.mulf %parallel_loop3A_133, %parallel_loop3A_133 : vector<16xf32>
          %parallel_loop3A_135 = vector.extract_strided_slice %parallel_loop3A_134 {offsets = [0], sizes = [1], strides = [1]} : vector<16xf32> to vector<1xf32>
          %parallel_loop3A_136 = vector.extract %parallel_loop3A_135[0] : f32 from vector<1xf32>
          %parallel_loop3A_137 = vector.extract_strided_slice %parallel_loop3A_134 {offsets = [1], sizes = [1], strides = [1]} : vector<16xf32> to vector<1xf32>
          %parallel_loop3A_138 = vector.extract %parallel_loop3A_137[0] : f32 from vector<1xf32>
          %parallel_loop3A_139 = arith.addf %parallel_loop3A_136, %parallel_loop3A_138 : f32
          %parallel_loop3A_140 = vector.extract_strided_slice %parallel_loop3A_134 {offsets = [2], sizes = [1], strides = [1]} : vector<16xf32> to vector<1xf32>
          %parallel_loop3A_141 = vector.extract %parallel_loop3A_140[0] : f32 from vector<1xf32>
          %parallel_loop3A_142 = arith.addf %parallel_loop3A_139, %parallel_loop3A_141 : f32
          %parallel_loop3A_143 = arith.index_cast %parallel_loop3A_124 : i32 to index
          %parallel_loop3A_144 = arith.constant 0 : index
          %parallel_loop3A_145 = tpu.vector_load %arg12[%parallel_loop3A_143, %parallel_loop3A_144] {strides = array<i32>} : memref<128x144xf32, #tpu.memory_space<vmem>>, vector<1x16xf32>,
          %parallel_loop3A_146 = vector.shape_cast %parallel_loop3A_145 : vector<1x16xf32> to vector<16xf32>
          %parallel_loop3A_147 = arith.index_cast %parallel_loop3A_124 : i32 to index
          %parallel_loop3A_148 = arith.constant 0 : index
          %parallel_loop3A_149 = tpu.vector_load %arg13[%parallel_loop3A_147, %parallel_loop3A_148] {strides = array<i32>} : memref<128x144xf32, #tpu.memory_space<vmem>>, vector<1x16xf32>,
          %parallel_loop3A_150 = vector.shape_cast %parallel_loop3A_149 : vector<1x16xf32> to vector<16xf32>
          %parallel_loop3A_151 = arith.addf %parallel_loop3A_146, %parallel_loop3A_150 : vector<16xf32>
          %parallel_loop3A_152 = arith.constant 0 : index
          %parallel_loop3A_153 = tpu.vector_load %arg16[%parallel_loop3A_152] {strides = array<i32>} : memref<128xf32, #tpu.memory_space<vmem>>, vector<16xf32>,
          %parallel_loop3A_154 = vector.shape_cast %parallel_loop3A_153 : vector<16xf32> to vector<16xf32>
          %parallel_loop3A_155 = vector.broadcast %parallel_loop3A_142 : f32 to vector<16xf32>
          %parallel_loop3A_156 = arith.mulf %parallel_loop3A_155, %parallel_loop3A_154 : vector<16xf32>
          %parallel_loop3A_157 = arith.addf %parallel_loop3A_151, %parallel_loop3A_156 : vector<16xf32>
          %parallel_loop3A_158 = arith.index_cast %parallel_loop3A_124 : i32 to index
          %parallel_loop3A_159 = arith.constant 0 : index
          %parallel_loop3A_160 = tpu.vector_load %arg15[%parallel_loop3A_158, %parallel_loop3A_159] {strides = array<i32>} : memref<128x128xf32, #tpu.memory_space<vmem>>, vector<1x16xf32>,
          %parallel_loop3A_161 = vector.shape_cast %parallel_loop3A_160 : vector<1x16xf32> to vector<16xf32>
          %parallel_loop3A_162 = vector.shape_cast %parallel_loop3A_157 : vector<16xf32> to vector<1x16xf32>
          tpu.vector_store %arg15[%parallel_loop3A_158, %parallel_loop3A_159], %parallel_loop3A_162 {strides = array<i32>} : memref<128x128xf32, #tpu.memory_space<vmem>>, vector<1x16xf32>,
          %parallel_loop3A_163 = arith.index_cast %parallel_loop3A_124 : i32 to index
          %parallel_loop3A_164 = arith.constant 16 : index
          %parallel_loop3A_165 = tpu.vector_load %arg12[%parallel_loop3A_163, %parallel_loop3A_164] {strides = array<i32>} : memref<128x144xf32, #tpu.memory_space<vmem>>, vector<1x16xf32>,
          %parallel_loop3A_166 = vector.shape_cast %parallel_loop3A_165 : vector<1x16xf32> to vector<16xf32>
          %parallel_loop3A_167 = arith.index_cast %parallel_loop3A_124 : i32 to index
          %parallel_loop3A_168 = arith.constant 16 : index
          %parallel_loop3A_169 = tpu.vector_load %arg13[%parallel_loop3A_167, %parallel_loop3A_168] {strides = array<i32>} : memref<128x144xf32, #tpu.memory_space<vmem>>, vector<1x16xf32>,
          %parallel_loop3A_170 = vector.shape_cast %parallel_loop3A_169 : vector<1x16xf32> to vector<16xf32>
          %parallel_loop3A_171 = arith.addf %parallel_loop3A_166, %parallel_loop3A_170 : vector<16xf32>
          %parallel_loop3A_172 = arith.constant 16 : index
          %parallel_loop3A_173 = tpu.vector_load %arg16[%parallel_loop3A_172] {strides = array<i32>} : memref<128xf32, #tpu.memory_space<vmem>>, vector<16xf32>,
          %parallel_loop3A_174 = vector.shape_cast %parallel_loop3A_173 : vector<16xf32> to vector<16xf32>
          %parallel_loop3A_175 = vector.broadcast %parallel_loop3A_142 : f32 to vector<16xf32>
          %parallel_loop3A_176 = arith.mulf %parallel_loop3A_175, %parallel_loop3A_174 : vector<16xf32>
          %parallel_loop3A_177 = arith.addf %parallel_loop3A_171, %parallel_loop3A_176 : vector<16xf32>
          %parallel_loop3A_178 = arith.index_cast %parallel_loop3A_124 : i32 to index
          %parallel_loop3A_179 = arith.constant 16 : index
          %parallel_loop3A_180 = tpu.vector_load %arg15[%parallel_loop3A_178, %parallel_loop3A_179] {strides = array<i32>} : memref<128x128xf32, #tpu.memory_space<vmem>>, vector<1x16xf32>,
          %parallel_loop3A_181 = vector.shape_cast %parallel_loop3A_180 : vector<1x16xf32> to vector<16xf32>
          %parallel_loop3A_182 = vector.shape_cast %parallel_loop3A_177 : vector<16xf32> to vector<1x16xf32>
          tpu.vector_store %arg15[%parallel_loop3A_178, %parallel_loop3A_179], %parallel_loop3A_182 {strides = array<i32>} : memref<128x128xf32, #tpu.memory_space<vmem>>, vector<1x16xf32>,
          %parallel_loop3A_183 = arith.index_cast %parallel_loop3A_124 : i32 to index
          %parallel_loop3A_184 = arith.constant 32 : index
          %parallel_loop3A_185 = tpu.vector_load %arg12[%parallel_loop3A_183, %parallel_loop3A_184] {strides = array<i32>} : memref<128x144xf32, #tpu.memory_space<vmem>>, vector<1x16xf32>,
          %parallel_loop3A_186 = vector.shape_cast %parallel_loop3A_185 : vector<1x16xf32> to vector<16xf32>
          %parallel_loop3A_187 = arith.index_cast %parallel_loop3A_124 : i32 to index
          %parallel_loop3A_188 = arith.constant 32 : index
          %parallel_loop3A_189 = tpu.vector_load %arg13[%parallel_loop3A_187, %parallel_loop3A_188] {strides = array<i32>} : memref<128x144xf32, #tpu.memory_space<vmem>>, vector<1x16xf32>,
          %parallel_loop3A_190 = vector.shape_cast %parallel_loop3A_189 : vector<1x16xf32> to vector<16xf32>
          %parallel_loop3A_191 = arith.addf %parallel_loop3A_186, %parallel_loop3A_190 : vector<16xf32>
          %parallel_loop3A_192 = arith.constant 32 : index
          %parallel_loop3A_193 = tpu.vector_load %arg16[%parallel_loop3A_192] {strides = array<i32>} : memref<128xf32, #tpu.memory_space<vmem>>, vector<16xf32>,
          %parallel_loop3A_194 = vector.shape_cast %parallel_loop3A_193 : vector<16xf32> to vector<16xf32>
          %parallel_loop3A_195 = vector.broadcast %parallel_loop3A_142 : f32 to vector<16xf32>
          %parallel_loop3A_196 = arith.mulf %parallel_loop3A_195, %parallel_loop3A_194 : vector<16xf32>
          %parallel_loop3A_197 = arith.addf %parallel_loop3A_191, %parallel_loop3A_196 : vector<16xf32>
          %parallel_loop3A_198 = arith.index_cast %parallel_loop3A_124 : i32 to index
          %parallel_loop3A_199 = arith.constant 32 : index
          %parallel_loop3A_200 = tpu.vector_load %arg15[%parallel_loop3A_198, %parallel_loop3A_199] {strides = array<i32>} : memref<128x128xf32, #tpu.memory_space<vmem>>, vector<1x16xf32>,
          %parallel_loop3A_201 = vector.shape_cast %parallel_loop3A_200 : vector<1x16xf32> to vector<16xf32>
          %parallel_loop3A_202 = vector.shape_cast %parallel_loop3A_197 : vector<16xf32> to vector<1x16xf32>
          tpu.vector_store %arg15[%parallel_loop3A_198, %parallel_loop3A_199], %parallel_loop3A_202 {strides = array<i32>} : memref<128x128xf32, #tpu.memory_space<vmem>>, vector<1x16xf32>,
          %parallel_loop3A_203 = arith.index_cast %parallel_loop3A_124 : i32 to index
          %parallel_loop3A_204 = arith.constant 48 : index
          %parallel_loop3A_205 = tpu.vector_load %arg12[%parallel_loop3A_203, %parallel_loop3A_204] {strides = array<i32>} : memref<128x144xf32, #tpu.memory_space<vmem>>, vector<1x16xf32>,
          %parallel_loop3A_206 = vector.shape_cast %parallel_loop3A_205 : vector<1x16xf32> to vector<16xf32>
          %parallel_loop3A_207 = arith.index_cast %parallel_loop3A_124 : i32 to index
          %parallel_loop3A_208 = arith.constant 48 : index
          %parallel_loop3A_209 = tpu.vector_load %arg13[%parallel_loop3A_207, %parallel_loop3A_208] {strides = array<i32>} : memref<128x144xf32, #tpu.memory_space<vmem>>, vector<1x16xf32>,
          %parallel_loop3A_210 = vector.shape_cast %parallel_loop3A_209 : vector<1x16xf32> to vector<16xf32>
          %parallel_loop3A_211 = arith.addf %parallel_loop3A_206, %parallel_loop3A_210 : vector<16xf32>
          %parallel_loop3A_212 = arith.constant 48 : index
          %parallel_loop3A_213 = tpu.vector_load %arg16[%parallel_loop3A_212] {strides = array<i32>} : memref<128xf32, #tpu.memory_space<vmem>>, vector<16xf32>,
          %parallel_loop3A_214 = vector.shape_cast %parallel_loop3A_213 : vector<16xf32> to vector<16xf32>
          %parallel_loop3A_215 = vector.broadcast %parallel_loop3A_142 : f32 to vector<16xf32>
          %parallel_loop3A_216 = arith.mulf %parallel_loop3A_215, %parallel_loop3A_214 : vector<16xf32>
          %parallel_loop3A_217 = arith.addf %parallel_loop3A_211, %parallel_loop3A_216 : vector<16xf32>
          %parallel_loop3A_218 = arith.index_cast %parallel_loop3A_124 : i32 to index
          %parallel_loop3A_219 = arith.constant 48 : index
          %parallel_loop3A_220 = tpu.vector_load %arg15[%parallel_loop3A_218, %parallel_loop3A_219] {strides = array<i32>} : memref<128x128xf32, #tpu.memory_space<vmem>>, vector<1x16xf32>,
          %parallel_loop3A_221 = vector.shape_cast %parallel_loop3A_220 : vector<1x16xf32> to vector<16xf32>
          %parallel_loop3A_222 = vector.shape_cast %parallel_loop3A_217 : vector<16xf32> to vector<1x16xf32>
          tpu.vector_store %arg15[%parallel_loop3A_218, %parallel_loop3A_219], %parallel_loop3A_222 {strides = array<i32>} : memref<128x128xf32, #tpu.memory_space<vmem>>, vector<1x16xf32>,
          %parallel_loop3A_223 = arith.index_cast %parallel_loop3A_124 : i32 to index
          %parallel_loop3A_224 = arith.constant 64 : index
          %parallel_loop3A_225 = tpu.vector_load %arg12[%parallel_loop3A_223, %parallel_loop3A_224] {strides = array<i32>} : memref<128x144xf32, #tpu.memory_space<vmem>>, vector<1x16xf32>,
          %parallel_loop3A_226 = vector.shape_cast %parallel_loop3A_225 : vector<1x16xf32> to vector<16xf32>
          %parallel_loop3A_227 = arith.index_cast %parallel_loop3A_124 : i32 to index
          %parallel_loop3A_228 = arith.constant 64 : index
          %parallel_loop3A_229 = tpu.vector_load %arg13[%parallel_loop3A_227, %parallel_loop3A_228] {strides = array<i32>} : memref<128x144xf32, #tpu.memory_space<vmem>>, vector<1x16xf32>,
          %parallel_loop3A_230 = vector.shape_cast %parallel_loop3A_229 : vector<1x16xf32> to vector<16xf32>
          %parallel_loop3A_231 = arith.addf %parallel_loop3A_226, %parallel_loop3A_230 : vector<16xf32>
          %parallel_loop3A_232 = arith.constant 64 : index
          %parallel_loop3A_233 = tpu.vector_load %arg16[%parallel_loop3A_232] {strides = array<i32>} : memref<128xf32, #tpu.memory_space<vmem>>, vector<16xf32>,
          %parallel_loop3A_234 = vector.shape_cast %parallel_loop3A_233 : vector<16xf32> to vector<16xf32>
          %parallel_loop3A_235 = vector.broadcast %parallel_loop3A_142 : f32 to vector<16xf32>
          %parallel_loop3A_236 = arith.mulf %parallel_loop3A_235, %parallel_loop3A_234 : vector<16xf32>
          %parallel_loop3A_237 = arith.addf %parallel_loop3A_231, %parallel_loop3A_236 : vector<16xf32>
          %parallel_loop3A_238 = arith.index_cast %parallel_loop3A_124 : i32 to index
          %parallel_loop3A_239 = arith.constant 64 : index
          %parallel_loop3A_240 = tpu.vector_load %arg15[%parallel_loop3A_238, %parallel_loop3A_239] {strides = array<i32>} : memref<128x128xf32, #tpu.memory_space<vmem>>, vector<1x16xf32>,
          %parallel_loop3A_241 = vector.shape_cast %parallel_loop3A_240 : vector<1x16xf32> to vector<16xf32>
          %parallel_loop3A_242 = vector.shape_cast %parallel_loop3A_237 : vector<16xf32> to vector<1x16xf32>
          tpu.vector_store %arg15[%parallel_loop3A_238, %parallel_loop3A_239], %parallel_loop3A_242 {strides = array<i32>} : memref<128x128xf32, #tpu.memory_space<vmem>>, vector<1x16xf32>,
          %parallel_loop3A_243 = arith.index_cast %parallel_loop3A_124 : i32 to index
          %parallel_loop3A_244 = arith.constant 80 : index
          %parallel_loop3A_245 = tpu.vector_load %arg12[%parallel_loop3A_243, %parallel_loop3A_244] {strides = array<i32>} : memref<128x144xf32, #tpu.memory_space<vmem>>, vector<1x16xf32>,
          %parallel_loop3A_246 = vector.shape_cast %parallel_loop3A_245 : vector<1x16xf32> to vector<16xf32>
          %parallel_loop3A_247 = arith.index_cast %parallel_loop3A_124 : i32 to index
          %parallel_loop3A_248 = arith.constant 80 : index
          %parallel_loop3A_249 = tpu.vector_load %arg13[%parallel_loop3A_247, %parallel_loop3A_248] {strides = array<i32>} : memref<128x144xf32, #tpu.memory_space<vmem>>, vector<1x16xf32>,
          %parallel_loop3A_250 = vector.shape_cast %parallel_loop3A_249 : vector<1x16xf32> to vector<16xf32>
          %parallel_loop3A_251 = arith.addf %parallel_loop3A_246, %parallel_loop3A_250 : vector<16xf32>
          %parallel_loop3A_252 = arith.constant 80 : index
          %parallel_loop3A_253 = tpu.vector_load %arg16[%parallel_loop3A_252] {strides = array<i32>} : memref<128xf32, #tpu.memory_space<vmem>>, vector<16xf32>,
          %parallel_loop3A_254 = vector.shape_cast %parallel_loop3A_253 : vector<16xf32> to vector<16xf32>
          %parallel_loop3A_255 = vector.broadcast %parallel_loop3A_142 : f32 to vector<16xf32>
          %parallel_loop3A_256 = arith.mulf %parallel_loop3A_255, %parallel_loop3A_254 : vector<16xf32>
          %parallel_loop3A_257 = arith.addf %parallel_loop3A_251, %parallel_loop3A_256 : vector<16xf32>
          %parallel_loop3A_258 = arith.index_cast %parallel_loop3A_124 : i32 to index
          %parallel_loop3A_259 = arith.constant 80 : index
          %parallel_loop3A_260 = tpu.vector_load %arg15[%parallel_loop3A_258, %parallel_loop3A_259] {strides = array<i32>} : memref<128x128xf32, #tpu.memory_space<vmem>>, vector<1x16xf32>,
          %parallel_loop3A_261 = vector.shape_cast %parallel_loop3A_260 : vector<1x16xf32> to vector<16xf32>
          %parallel_loop3A_262 = vector.shape_cast %parallel_loop3A_257 : vector<16xf32> to vector<1x16xf32>
          tpu.vector_store %arg15[%parallel_loop3A_258, %parallel_loop3A_259], %parallel_loop3A_262 {strides = array<i32>} : memref<128x128xf32, #tpu.memory_space<vmem>>, vector<1x16xf32>,
          %parallel_loop3A_263 = arith.index_cast %parallel_loop3A_124 : i32 to index
          %parallel_loop3A_264 = arith.constant 96 : index
          %parallel_loop3A_265 = tpu.vector_load %arg12[%parallel_loop3A_263, %parallel_loop3A_264] {strides = array<i32>} : memref<128x144xf32, #tpu.memory_space<vmem>>, vector<1x16xf32>,
          %parallel_loop3A_266 = vector.shape_cast %parallel_loop3A_265 : vector<1x16xf32> to vector<16xf32>
          %parallel_loop3A_267 = arith.index_cast %parallel_loop3A_124 : i32 to index
          %parallel_loop3A_268 = arith.constant 96 : index
          %parallel_loop3A_269 = tpu.vector_load %arg13[%parallel_loop3A_267, %parallel_loop3A_268] {strides = array<i32>} : memref<128x144xf32, #tpu.memory_space<vmem>>, vector<1x16xf32>,
          %parallel_loop3A_270 = vector.shape_cast %parallel_loop3A_269 : vector<1x16xf32> to vector<16xf32>
          %parallel_loop3A_271 = arith.addf %parallel_loop3A_266, %parallel_loop3A_270 : vector<16xf32>
          %parallel_loop3A_272 = arith.constant 96 : index
          %parallel_loop3A_273 = tpu.vector_load %arg16[%parallel_loop3A_272] {strides = array<i32>} : memref<128xf32, #tpu.memory_space<vmem>>, vector<16xf32>,
          %parallel_loop3A_274 = vector.shape_cast %parallel_loop3A_273 : vector<16xf32> to vector<16xf32>
          %parallel_loop3A_275 = vector.broadcast %parallel_loop3A_142 : f32 to vector<16xf32>
          %parallel_loop3A_276 = arith.mulf %parallel_loop3A_275, %parallel_loop3A_274 : vector<16xf32>
          %parallel_loop3A_277 = arith.addf %parallel_loop3A_271, %parallel_loop3A_276 : vector<16xf32>
          %parallel_loop3A_278 = arith.index_cast %parallel_loop3A_124 : i32 to index
          %parallel_loop3A_279 = arith.constant 96 : index
          %parallel_loop3A_280 = tpu.vector_load %arg15[%parallel_loop3A_278, %parallel_loop3A_279] {strides = array<i32>} : memref<128x128xf32, #tpu.memory_space<vmem>>, vector<1x16xf32>,
          %parallel_loop3A_281 = vector.shape_cast %parallel_loop3A_280 : vector<1x16xf32> to vector<16xf32>
          %parallel_loop3A_282 = vector.shape_cast %parallel_loop3A_277 : vector<16xf32> to vector<1x16xf32>
          tpu.vector_store %arg15[%parallel_loop3A_278, %parallel_loop3A_279], %parallel_loop3A_282 {strides = array<i32>} : memref<128x128xf32, #tpu.memory_space<vmem>>, vector<1x16xf32>,
          %parallel_loop3A_283 = arith.index_cast %parallel_loop3A_124 : i32 to index
          %parallel_loop3A_284 = arith.constant 112 : index
          %parallel_loop3A_285 = tpu.vector_load %arg12[%parallel_loop3A_283, %parallel_loop3A_284] {strides = array<i32>} : memref<128x144xf32, #tpu.memory_space<vmem>>, vector<1x16xf32>,
          %parallel_loop3A_286 = vector.shape_cast %parallel_loop3A_285 : vector<1x16xf32> to vector<16xf32>
          %parallel_loop3A_287 = arith.index_cast %parallel_loop3A_124 : i32 to index
          %parallel_loop3A_288 = arith.constant 112 : index
          %parallel_loop3A_289 = tpu.vector_load %arg13[%parallel_loop3A_287, %parallel_loop3A_288] {strides = array<i32>} : memref<128x144xf32, #tpu.memory_space<vmem>>, vector<1x16xf32>,
          %parallel_loop3A_290 = vector.shape_cast %parallel_loop3A_289 : vector<1x16xf32> to vector<16xf32>
          %parallel_loop3A_291 = arith.addf %parallel_loop3A_286, %parallel_loop3A_290 : vector<16xf32>
          %parallel_loop3A_292 = arith.constant 112 : index
          %parallel_loop3A_293 = tpu.vector_load %arg16[%parallel_loop3A_292] {strides = array<i32>} : memref<128xf32, #tpu.memory_space<vmem>>, vector<16xf32>,
          %parallel_loop3A_294 = vector.shape_cast %parallel_loop3A_293 : vector<16xf32> to vector<16xf32>
          %parallel_loop3A_295 = vector.broadcast %parallel_loop3A_142 : f32 to vector<16xf32>
          %parallel_loop3A_296 = arith.mulf %parallel_loop3A_295, %parallel_loop3A_294 : vector<16xf32>
          %parallel_loop3A_297 = arith.addf %parallel_loop3A_291, %parallel_loop3A_296 : vector<16xf32>
          %parallel_loop3A_298 = arith.index_cast %parallel_loop3A_124 : i32 to index
          %parallel_loop3A_299 = arith.constant 112 : index
          %parallel_loop3A_300 = tpu.vector_load %arg15[%parallel_loop3A_298, %parallel_loop3A_299] {strides = array<i32>} : memref<128x128xf32, #tpu.memory_space<vmem>>, vector<1x16xf32>,
          %parallel_loop3A_301 = vector.shape_cast %parallel_loop3A_300 : vector<1x16xf32> to vector<16xf32>
          %parallel_loop3A_302 = vector.shape_cast %parallel_loop3A_297 : vector<16xf32> to vector<1x16xf32>
          tpu.vector_store %arg15[%parallel_loop3A_298, %parallel_loop3A_299], %parallel_loop3A_302 {strides = array<i32>} : memref<128x128xf32, #tpu.memory_space<vmem>>, vector<1x16xf32>,
        } {sc.loop_unroll_factor = 2 : i64, sc.parallel_access}
        %add3A_117 = arith.addi %add3A_4, %add3A_86 : i32
        %mul3A_118 = arith.constant 128 : i32
        %mul3A_119 = arith.muli %add3A_117, %mul3A_118 : i32
        %dma_start3A_120 = arith.constant 0 : i32
        %dma_start3A_121 = tpu.memref_slice %arg7[%mul3A_119, %dma_start3A_120] : memref<160000x128xf32, #tpu.memory_space<hbm>> -> memref<128x128xf32, #tpu.memory_space<hbm>>
        %dma_start3A_122 = arith.constant 0 : i32
        %dma_start3A_123 = tpu.memref_slice %arg7[%mul3A_119, %dma_start3A_122] : memref<160000x128xf32, #tpu.memory_space<hbm>> -> memref<128x128xf32, #tpu.memory_space<hbm>>
        tpu.enqueue_dma source(%arg15 : memref<128x128xf32, #tpu.memory_space<vmem>>) target(%dma_start3A_123 : memref<128x128xf32, #tpu.memory_space<hbm>>) target_semaphore(%arg22 : memref<!tpu.dma_semaphore, #tpu.memory_space<semaphore_mem>>)
      } else {
      }
      %add3A_91 = arith.constant 2 : i32
      %add3A_92 = arith.addi %add3A_86, %add3A_91 : i32
      %lt3A_93 = arith.cmpi slt, %add3A_92, %select_n3A : i32
      %convert_element_type3A_94 = arith.extui %lt3A_93 : i1 to i32
      %cond3A_95 = arith.constant 0 : i32
      %cond3A_96 = arith.cmpi ne, %convert_element_type3A_94, %cond3A_95 : i32
      scf.if %cond3A_96 {
        %add3A_97 = arith.constant 2 : i32
        %add3A_98 = arith.addi %add3A_86, %add3A_97 : i32
        %dma_start3A_99 = arith.constant 0 : i32
        %dma_start3A_100 = tpu.memref_slice %arg8[%add3A_98, %dma_start3A_99] : memref<40x128xi32, #tpu.memory_space<vmem>> -> memref<1x128xi32, #tpu.memory_space<vmem>>
        %dma_start3A_101 = tpu.memref_squeeze %dma_start3A_100 : memref<1x128xi32, #tpu.memory_space<vmem>> -> memref<128xi32, #tpu.memory_space<vmem>>
        %dma_start3A_102 = arith.constant 0 : i32
        %dma_start3A_103 = arith.constant 0 : i32
        %dma_start3A_104 = tpu.memref_slice %arg2[%dma_start3A_102, %dma_start3A_103] : memref<10000x144xf32, #tpu.memory_space<hbm>> -> memref<10000x144xf32, #tpu.memory_space<hbm>>
        tpu.enqueue_indirect_dma source(%dma_start3A_104 : memref<10000x144xf32, #tpu.memory_space<hbm>>) target(%arg12 : memref<128x144xf32, #tpu.memory_space<vmem>>) offsets(%dma_start3A_101 : memref<128xi32, #tpu.memory_space<vmem>>) semaphore(%arg19 : memref<!tpu.dma_semaphore, #tpu.memory_space<semaphore_mem>>)
        %dma_start3A_105 = arith.constant 0 : i32
        %dma_start3A_106 = tpu.memref_slice %arg9[%add3A_98, %dma_start3A_105] : memref<40x128xi32, #tpu.memory_space<vmem>> -> memref<1x128xi32, #tpu.memory_space<vmem>>
        %dma_start3A_107 = tpu.memref_squeeze %dma_start3A_106 : memref<1x128xi32, #tpu.memory_space<vmem>> -> memref<128xi32, #tpu.memory_space<vmem>>
        %dma_start3A_108 = arith.constant 0 : i32
        %dma_start3A_109 = arith.constant 0 : i32
        %dma_start3A_110 = tpu.memref_slice %arg3[%dma_start3A_108, %dma_start3A_109] : memref<10000x144xf32, #tpu.memory_space<hbm>> -> memref<10000x144xf32, #tpu.memory_space<hbm>>
        tpu.enqueue_indirect_dma source(%dma_start3A_110 : memref<10000x144xf32, #tpu.memory_space<hbm>>) target(%arg13 : memref<128x144xf32, #tpu.memory_space<vmem>>) offsets(%dma_start3A_107 : memref<128xi32, #tpu.memory_space<vmem>>) semaphore(%arg20 : memref<!tpu.dma_semaphore, #tpu.memory_space<semaphore_mem>>)
      } else {
      }
    }
    %scan3A_54 = arith.constant 20 : i32
    %dma_wait3A = arith.constant 0 : i32
    %dma_wait3A_55 = arith.constant 0 : i32
    %dma_wait3A_56 = tpu.memref_slice %arg7[%dma_wait3A, %dma_wait3A_55] : memref<160000x128xf32, #tpu.memory_space<hbm>> -> memref<128x128xf32, #tpu.memory_space<hbm>>
    %dma_wait3A_57 = arith.constant 0 : i32
    %dma_wait3A_58 = arith.constant 0 : i32
    %dma_wait3A_59 = tpu.memref_slice %arg7[%dma_wait3A_57, %dma_wait3A_58] : memref<160000x128xf32, #tpu.memory_space<hbm>> -> memref<128x128xf32, #tpu.memory_space<hbm>>
    tpu.wait_dma2 semaphore(%arg21 : memref<!tpu.dma_semaphore, #tpu.memory_space<semaphore_mem>>) src(%arg14 : memref<128x128xf32, #tpu.memory_space<vmem>>) dst(%dma_wait3A_59 : memref<128x128xf32, #tpu.memory_space<hbm>>)
    %dma_wait3A_60 = arith.constant 0 : i32
    %dma_wait3A_61 = arith.constant 0 : i32
    %dma_wait3A_62 = tpu.memref_slice %arg7[%dma_wait3A_60, %dma_wait3A_61] : memref<160000x128xf32, #tpu.memory_space<hbm>> -> memref<128x128xf32, #tpu.memory_space<hbm>>
    %dma_wait3A_63 = arith.constant 0 : i32
    %dma_wait3A_64 = arith.constant 0 : i32
    %dma_wait3A_65 = tpu.memref_slice %arg7[%dma_wait3A_63, %dma_wait3A_64] : memref<160000x128xf32, #tpu.memory_space<hbm>> -> memref<128x128xf32, #tpu.memory_space<hbm>>
    tpu.wait_dma2 semaphore(%arg22 : memref<!tpu.dma_semaphore, #tpu.memory_space<semaphore_mem>>) src(%arg15 : memref<128x128xf32, #tpu.memory_space<vmem>>) dst(%dma_wait3A_65 : memref<128x128xf32, #tpu.memory_space<hbm>>)
    return
  }
}

#map = affine_map<(d0, d1) -> (0, 0)>
#map1 = affine_map<(d0, d1) -> (0, 0, 0)>
module attributes {stable_mosaic.version = 14 : i64} {
  func.func @_sc_scatter_body(%arg0: i32, %arg1: i32, %arg2: memref<160000x128xf32, #tpu.memory_space<hbm>>, %arg3: memref<1250x128xi32, #tpu.memory_space<hbm>>, %arg4: memref<2x10000x128xf32, #tpu.memory_space<hbm>>, %arg5: memref<40x128xi32, #tpu.memory_space<vmem>>, %arg6: memref<128x128xf32, #tpu.memory_space<vmem>>, %arg7: memref<128x128xf32, #tpu.memory_space<vmem>>, %arg8: memref<10000x128xf32, #tpu.memory_space<vmem_shared>>, %arg9: memref<!tpu.dma_semaphore, #tpu.memory_space<semaphore_mem>>, %arg10: memref<!tpu.dma_semaphore, #tpu.memory_space<semaphore_mem>>, %arg11: memref<!tpu.dma_semaphore, #tpu.memory_space<semaphore_mem>>, %arg12: memref<!tpu.dma_semaphore, #tpu.memory_space<semaphore_mem>>) attributes {dimension_semantics = [#tpu.dimension_semantics<core_parallel>, #tpu.dimension_semantics<subcore_parallel>], iteration_bounds = array<i64: 2, 16>, scalar_prefetch = 0 : i64, scratch_operands = 8 : i64, tpu.core_type = #tpu.core_type<sc_vector_subcore>, window_params = [{transform_indices = #map}, {transform_indices = #map}, {transform_indices = #map1}]} {
    %mul3A = arith.constant 2 : i32
    %mul3A_0 = arith.muli %arg1, %mul3A : i32
    %add3A = arith.addi %mul3A_0, %arg0 : i32
    %mul3A_1 = arith.constant 39 : i32
    %mul3A_2 = arith.muli %mul3A_1, %add3A : i32
    %min3A = arith.constant 2 : i32
    %min3A_3 = arith.minsi %add3A, %min3A : i32
    %add3A_4 = arith.addi %mul3A_2, %min3A_3 : i32
    %lt3A = arith.constant 2 : i32
    %lt3A_5 = arith.cmpi slt, %add3A, %lt3A : i32
    %jit3A = arith.constant 40 : i32
    %jit3A_6 = arith.constant 39 : i32
    %select_n3A = arith.select %lt3A_5, %jit3A, %jit3A_6 : i32
    %eq3A = arith.constant 40 : i32
    %eq3A_7 = arith.cmpi eq, %select_n3A, %eq3A : i32
    %convert_element_type3A = arith.extui %eq3A_7 : i1 to i32
    %cond3A = arith.constant 0 : i32
    %cond3A_8 = arith.cmpi ne, %convert_element_type3A, %cond3A : i32
    scf.if %cond3A_8 {
      "tpu.region"() ({
        %run_scoped3A = tpu.sem_alloc : memref<!tpu.dma_semaphore, #tpu.memory_space<semaphore_mem>>
        %dma_start3A = arith.constant 0 : i32
        %dma_start3A_78 = tpu.memref_slice %arg3[%add3A_4, %dma_start3A] : memref<1250x128xi32, #tpu.memory_space<hbm>> -> memref<40x128xi32, #tpu.memory_space<hbm>>
        %dma_start3A_79 = arith.constant 0 : i32
        %dma_start3A_80 = tpu.memref_slice %arg3[%add3A_4, %dma_start3A_79] : memref<1250x128xi32, #tpu.memory_space<hbm>> -> memref<40x128xi32, #tpu.memory_space<hbm>>
        tpu.enqueue_dma source(%dma_start3A_80 : memref<40x128xi32, #tpu.memory_space<hbm>>) target(%arg5 : memref<40x128xi32, #tpu.memory_space<vmem>>) target_semaphore(%run_scoped3A : memref<!tpu.dma_semaphore, #tpu.memory_space<semaphore_mem>>)
        %dma_wait3A_81 = arith.constant 0 : i32
        %dma_wait3A_82 = tpu.memref_slice %arg3[%add3A_4, %dma_wait3A_81] : memref<1250x128xi32, #tpu.memory_space<hbm>> -> memref<40x128xi32, #tpu.memory_space<hbm>>
        %dma_wait3A_83 = arith.constant 0 : i32
        %dma_wait3A_84 = tpu.memref_slice %arg3[%add3A_4, %dma_wait3A_83] : memref<1250x128xi32, #tpu.memory_space<hbm>> -> memref<40x128xi32, #tpu.memory_space<hbm>>
        tpu.wait_dma2 semaphore(%run_scoped3A : memref<!tpu.dma_semaphore, #tpu.memory_space<semaphore_mem>>) src(%dma_wait3A_84 : memref<40x128xi32, #tpu.memory_space<hbm>>) dst(%arg5 : memref<40x128xi32, #tpu.memory_space<vmem>>)
        tpu.yield
      }) : () -> ()
    } else {
    }
    %lt3A_9 = arith.constant 40 : i32
    %lt3A_10 = arith.cmpi slt, %select_n3A, %lt3A_9 : i32
    %convert_element_type3A_11 = arith.extui %lt3A_10 : i1 to i32
    %cond3A_12 = arith.constant 0 : i32
    %cond3A_13 = arith.cmpi ne, %convert_element_type3A_11, %cond3A_12 : i32
    scf.if %cond3A_13 {
      "tpu.region"() ({
        %run_scoped3A = tpu.sem_alloc : memref<!tpu.dma_semaphore, #tpu.memory_space<semaphore_mem>>
        %dma_start3A = arith.constant 0 : i32
        %dma_start3A_78 = arith.constant 0 : i32
        %dma_start3A_79 = tpu.memref_slice %arg5[%dma_start3A, %dma_start3A_78] : memref<40x128xi32, #tpu.memory_space<vmem>> -> memref<39x128xi32, #tpu.memory_space<vmem>>
        %dma_start3A_80 = arith.constant 0 : i32
        %dma_start3A_81 = tpu.memref_slice %arg3[%add3A_4, %dma_start3A_80] : memref<1250x128xi32, #tpu.memory_space<hbm>> -> memref<39x128xi32, #tpu.memory_space<hbm>>
        %dma_start3A_82 = arith.constant 0 : i32
        %dma_start3A_83 = arith.constant 0 : i32
        %dma_start3A_84 = tpu.memref_slice %arg5[%dma_start3A_82, %dma_start3A_83] : memref<40x128xi32, #tpu.memory_space<vmem>> -> memref<39x128xi32, #tpu.memory_space<vmem>>
        %dma_start3A_85 = arith.constant 0 : i32
        %dma_start3A_86 = tpu.memref_slice %arg3[%add3A_4, %dma_start3A_85] : memref<1250x128xi32, #tpu.memory_space<hbm>> -> memref<39x128xi32, #tpu.memory_space<hbm>>
        tpu.enqueue_dma source(%dma_start3A_86 : memref<39x128xi32, #tpu.memory_space<hbm>>) target(%dma_start3A_84 : memref<39x128xi32, #tpu.memory_space<vmem>>) target_semaphore(%run_scoped3A : memref<!tpu.dma_semaphore, #tpu.memory_space<semaphore_mem>>)
        %dma_wait3A_87 = arith.constant 0 : i32
        %dma_wait3A_88 = arith.constant 0 : i32
        %dma_wait3A_89 = tpu.memref_slice %arg5[%dma_wait3A_87, %dma_wait3A_88] : memref<40x128xi32, #tpu.memory_space<vmem>> -> memref<39x128xi32, #tpu.memory_space<vmem>>
        %dma_wait3A_90 = arith.constant 0 : i32
        %dma_wait3A_91 = tpu.memref_slice %arg3[%add3A_4, %dma_wait3A_90] : memref<1250x128xi32, #tpu.memory_space<hbm>> -> memref<39x128xi32, #tpu.memory_space<hbm>>
        %dma_wait3A_92 = arith.constant 0 : i32
        %dma_wait3A_93 = arith.constant 0 : i32
        %dma_wait3A_94 = tpu.memref_slice %arg5[%dma_wait3A_92, %dma_wait3A_93] : memref<40x128xi32, #tpu.memory_space<vmem>> -> memref<39x128xi32, #tpu.memory_space<vmem>>
        %dma_wait3A_95 = arith.constant 0 : i32
        %dma_wait3A_96 = tpu.memref_slice %arg3[%add3A_4, %dma_wait3A_95] : memref<1250x128xi32, #tpu.memory_space<hbm>> -> memref<39x128xi32, #tpu.memory_space<hbm>>
        tpu.wait_dma2 semaphore(%run_scoped3A : memref<!tpu.dma_semaphore, #tpu.memory_space<semaphore_mem>>) src(%dma_wait3A_96 : memref<39x128xi32, #tpu.memory_space<hbm>>) dst(%dma_wait3A_94 : memref<39x128xi32, #tpu.memory_space<vmem>>)
        tpu.yield
      }) : () -> ()
    } else {
    }
    %broadcast_in_dim3A = arith.constant 0.000000e+00 : f32
    %broadcast_in_dim3A_14 = vector.broadcast %broadcast_in_dim3A : f32 to vector<16xf32>
    %scan3A = arith.constant 0 : i32
    %scan3A_15 = arith.constant 125 : i32
    %scan3A_16 = arith.addi %scan3A, %scan3A_15 : i32
    %scan3A_17 = arith.constant 1 : i32
    scf.for %scan3A_78 = %scan3A to %scan3A_16 step %scan3A_17  : i32 {
      %mul3A_79 = arith.constant 1 : i32
      %mul3A_80 = arith.muli %scan3A_78, %mul3A_79 : i32
      %add3A_81 = arith.constant 0 : i32
      %add3A_82 = arith.addi %add3A_81, %mul3A_80 : i32
      %swap3A = arith.index_cast %add3A_82 : i32 to index
      %swap3A_83 = arith.constant 0 : index
      %swap3A_84 = tpu.vector_load %arg6[%swap3A, %swap3A_83] {strides = array<i32>} : memref<128x128xf32, #tpu.memory_space<vmem>>, vector<1x16xf32>,
      %swap3A_85 = vector.shape_cast %swap3A_84 : vector<1x16xf32> to vector<16xf32>
      %swap3A_86 = vector.shape_cast %broadcast_in_dim3A_14 : vector<16xf32> to vector<1x16xf32>
      tpu.vector_store %arg6[%swap3A, %swap3A_83], %swap3A_86 {strides = array<i32>} : memref<128x128xf32, #tpu.memory_space<vmem>>, vector<1x16xf32>,
      %swap3A_87 = arith.index_cast %add3A_82 : i32 to index
      %swap3A_88 = arith.constant 16 : index
      %swap3A_89 = tpu.vector_load %arg6[%swap3A_87, %swap3A_88] {strides = array<i32>} : memref<128x128xf32, #tpu.memory_space<vmem>>, vector<1x16xf32>,
      %swap3A_90 = vector.shape_cast %swap3A_89 : vector<1x16xf32> to vector<16xf32>
      %swap3A_91 = vector.shape_cast %broadcast_in_dim3A_14 : vector<16xf32> to vector<1x16xf32>
      tpu.vector_store %arg6[%swap3A_87, %swap3A_88], %swap3A_91 {strides = array<i32>} : memref<128x128xf32, #tpu.memory_space<vmem>>, vector<1x16xf32>,
      %swap3A_92 = arith.index_cast %add3A_82 : i32 to index
      %swap3A_93 = arith.constant 32 : index
      %swap3A_94 = tpu.vector_load %arg6[%swap3A_92, %swap3A_93] {strides = array<i32>} : memref<128x128xf32, #tpu.memory_space<vmem>>, vector<1x16xf32>,
      %swap3A_95 = vector.shape_cast %swap3A_94 : vector<1x16xf32> to vector<16xf32>
      %swap3A_96 = vector.shape_cast %broadcast_in_dim3A_14 : vector<16xf32> to vector<1x16xf32>
      tpu.vector_store %arg6[%swap3A_92, %swap3A_93], %swap3A_96 {strides = array<i32>} : memref<128x128xf32, #tpu.memory_space<vmem>>, vector<1x16xf32>,
      %swap3A_97 = arith.index_cast %add3A_82 : i32 to index
      %swap3A_98 = arith.constant 48 : index
      %swap3A_99 = tpu.vector_load %arg6[%swap3A_97, %swap3A_98] {strides = array<i32>} : memref<128x128xf32, #tpu.memory_space<vmem>>, vector<1x16xf32>,
      %swap3A_100 = vector.shape_cast %swap3A_99 : vector<1x16xf32> to vector<16xf32>
      %swap3A_101 = vector.shape_cast %broadcast_in_dim3A_14 : vector<16xf32> to vector<1x16xf32>
      tpu.vector_store %arg6[%swap3A_97, %swap3A_98], %swap3A_101 {strides = array<i32>} : memref<128x128xf32, #tpu.memory_space<vmem>>, vector<1x16xf32>,
      %swap3A_102 = arith.index_cast %add3A_82 : i32 to index
      %swap3A_103 = arith.constant 64 : index
      %swap3A_104 = tpu.vector_load %arg6[%swap3A_102, %swap3A_103] {strides = array<i32>} : memref<128x128xf32, #tpu.memory_space<vmem>>, vector<1x16xf32>,
      %swap3A_105 = vector.shape_cast %swap3A_104 : vector<1x16xf32> to vector<16xf32>
      %swap3A_106 = vector.shape_cast %broadcast_in_dim3A_14 : vector<16xf32> to vector<1x16xf32>
      tpu.vector_store %arg6[%swap3A_102, %swap3A_103], %swap3A_106 {strides = array<i32>} : memref<128x128xf32, #tpu.memory_space<vmem>>, vector<1x16xf32>,
      %swap3A_107 = arith.index_cast %add3A_82 : i32 to index
      %swap3A_108 = arith.constant 80 : index
      %swap3A_109 = tpu.vector_load %arg6[%swap3A_107, %swap3A_108] {strides = array<i32>} : memref<128x128xf32, #tpu.memory_space<vmem>>, vector<1x16xf32>,
      %swap3A_110 = vector.shape_cast %swap3A_109 : vector<1x16xf32> to vector<16xf32>
      %swap3A_111 = vector.shape_cast %broadcast_in_dim3A_14 : vector<16xf32> to vector<1x16xf32>
      tpu.vector_store %arg6[%swap3A_107, %swap3A_108], %swap3A_111 {strides = array<i32>} : memref<128x128xf32, #tpu.memory_space<vmem>>, vector<1x16xf32>,
      %swap3A_112 = arith.index_cast %add3A_82 : i32 to index
      %swap3A_113 = arith.constant 96 : index
      %swap3A_114 = tpu.vector_load %arg6[%swap3A_112, %swap3A_113] {strides = array<i32>} : memref<128x128xf32, #tpu.memory_space<vmem>>, vector<1x16xf32>,
      %swap3A_115 = vector.shape_cast %swap3A_114 : vector<1x16xf32> to vector<16xf32>
      %swap3A_116 = vector.shape_cast %broadcast_in_dim3A_14 : vector<16xf32> to vector<1x16xf32>
      tpu.vector_store %arg6[%swap3A_112, %swap3A_113], %swap3A_116 {strides = array<i32>} : memref<128x128xf32, #tpu.memory_space<vmem>>, vector<1x16xf32>,
      %swap3A_117 = arith.index_cast %add3A_82 : i32 to index
      %swap3A_118 = arith.constant 112 : index
      %swap3A_119 = tpu.vector_load %arg6[%swap3A_117, %swap3A_118] {strides = array<i32>} : memref<128x128xf32, #tpu.memory_space<vmem>>, vector<1x16xf32>,
      %swap3A_120 = vector.shape_cast %swap3A_119 : vector<1x16xf32> to vector<16xf32>
      %swap3A_121 = vector.shape_cast %broadcast_in_dim3A_14 : vector<16xf32> to vector<1x16xf32>
      tpu.vector_store %arg6[%swap3A_117, %swap3A_118], %swap3A_121 {strides = array<i32>} : memref<128x128xf32, #tpu.memory_space<vmem>>, vector<1x16xf32>,
    }
    %scan3A_18 = arith.constant 125 : i32
    %mul3A_19 = arith.constant 625 : i32
    %mul3A_20 = arith.muli %arg1, %mul3A_19 : i32
    %add3A_21 = arith.constant 0 : i32
    %add3A_22 = arith.addi %mul3A_20, %add3A_21 : i32
    "tpu.region"() ({
      %run_scoped3A = tpu.sem_alloc : memref<!tpu.dma_semaphore, #tpu.memory_space<semaphore_mem>>
      %dma_start3A = arith.constant 0 : i32
      %dma_start3A_78 = arith.constant 0 : i32
      %dma_start3A_79 = tpu.memref_slice %arg6[%dma_start3A, %dma_start3A_78] : memref<128x128xf32, #tpu.memory_space<vmem>> -> memref<125x128xf32, #tpu.memory_space<vmem>>
      %dma_start3A_80 = arith.constant 0 : i32
      %dma_start3A_81 = tpu.memref_slice %arg8[%add3A_22, %dma_start3A_80] : memref<10000x128xf32, #tpu.memory_space<vmem_shared>> -> memref<125x128xf32, #tpu.memory_space<vmem_shared>>
      %dma_start3A_82 = arith.constant 0 : i32
      %dma_start3A_83 = tpu.memref_slice %arg8[%add3A_22, %dma_start3A_82] : memref<10000x128xf32, #tpu.memory_space<vmem_shared>> -> memref<125x128xf32, #tpu.memory_space<vmem_shared>>
      %dma_start3A_84 = arith.constant 0 : i32
      %dma_start3A_85 = arith.constant 0 : i32
      %dma_start3A_86 = tpu.memref_slice %arg6[%dma_start3A_84, %dma_start3A_85] : memref<128x128xf32, #tpu.memory_space<vmem>> -> memref<125x128xf32, #tpu.memory_space<vmem>>
      tpu.enqueue_dma source(%dma_start3A_86 : memref<125x128xf32, #tpu.memory_space<vmem>>) target(%dma_start3A_83 : memref<125x128xf32, #tpu.memory_space<vmem_shared>>) target_semaphore(%run_scoped3A : memref<!tpu.dma_semaphore, #tpu.memory_space<semaphore_mem>>)
      %dma_wait3A_87 = arith.constant 0 : i32
      %dma_wait3A_88 = arith.constant 0 : i32
      %dma_wait3A_89 = tpu.memref_slice %arg6[%dma_wait3A_87, %dma_wait3A_88] : memref<128x128xf32, #tpu.memory_space<vmem>> -> memref<125x128xf32, #tpu.memory_space<vmem>>
      %dma_wait3A_90 = arith.constant 0 : i32
      %dma_wait3A_91 = tpu.memref_slice %arg8[%add3A_22, %dma_wait3A_90] : memref<10000x128xf32, #tpu.memory_space<vmem_shared>> -> memref<125x128xf32, #tpu.memory_space<vmem_shared>>
      %dma_wait3A_92 = arith.constant 0 : i32
      %dma_wait3A_93 = tpu.memref_slice %arg8[%add3A_22, %dma_wait3A_92] : memref<10000x128xf32, #tpu.memory_space<vmem_shared>> -> memref<125x128xf32, #tpu.memory_space<vmem_shared>>
      %dma_wait3A_94 = arith.constant 0 : i32
      %dma_wait3A_95 = arith.constant 0 : i32
      %dma_wait3A_96 = tpu.memref_slice %arg6[%dma_wait3A_94, %dma_wait3A_95] : memref<128x128xf32, #tpu.memory_space<vmem>> -> memref<125x128xf32, #tpu.memory_space<vmem>>
      tpu.wait_dma2 semaphore(%run_scoped3A : memref<!tpu.dma_semaphore, #tpu.memory_space<semaphore_mem>>) src(%dma_wait3A_96 : memref<125x128xf32, #tpu.memory_space<vmem>>) dst(%dma_wait3A_93 : memref<125x128xf32, #tpu.memory_space<vmem_shared>>)
      tpu.yield
    }) : () -> ()
    %mul3A_23 = arith.constant 625 : i32
    %mul3A_24 = arith.muli %arg1, %mul3A_23 : i32
    %add3A_25 = arith.constant 125 : i32
    %add3A_26 = arith.addi %mul3A_24, %add3A_25 : i32
    "tpu.region"() ({
      %run_scoped3A = tpu.sem_alloc : memref<!tpu.dma_semaphore, #tpu.memory_space<semaphore_mem>>
      %dma_start3A = arith.constant 0 : i32
      %dma_start3A_78 = arith.constant 0 : i32
      %dma_start3A_79 = tpu.memref_slice %arg6[%dma_start3A, %dma_start3A_78] : memref<128x128xf32, #tpu.memory_space<vmem>> -> memref<125x128xf32, #tpu.memory_space<vmem>>
      %dma_start3A_80 = arith.constant 0 : i32
      %dma_start3A_81 = tpu.memref_slice %arg8[%add3A_26, %dma_start3A_80] : memref<10000x128xf32, #tpu.memory_space<vmem_shared>> -> memref<125x128xf32, #tpu.memory_space<vmem_shared>>
      %dma_start3A_82 = arith.constant 0 : i32
      %dma_start3A_83 = tpu.memref_slice %arg8[%add3A_26, %dma_start3A_82] : memref<10000x128xf32, #tpu.memory_space<vmem_shared>> -> memref<125x128xf32, #tpu.memory_space<vmem_shared>>
      %dma_start3A_84 = arith.constant 0 : i32
      %dma_start3A_85 = arith.constant 0 : i32
      %dma_start3A_86 = tpu.memref_slice %arg6[%dma_start3A_84, %dma_start3A_85] : memref<128x128xf32, #tpu.memory_space<vmem>> -> memref<125x128xf32, #tpu.memory_space<vmem>>
      tpu.enqueue_dma source(%dma_start3A_86 : memref<125x128xf32, #tpu.memory_space<vmem>>) target(%dma_start3A_83 : memref<125x128xf32, #tpu.memory_space<vmem_shared>>) target_semaphore(%run_scoped3A : memref<!tpu.dma_semaphore, #tpu.memory_space<semaphore_mem>>)
      %dma_wait3A_87 = arith.constant 0 : i32
      %dma_wait3A_88 = arith.constant 0 : i32
      %dma_wait3A_89 = tpu.memref_slice %arg6[%dma_wait3A_87, %dma_wait3A_88] : memref<128x128xf32, #tpu.memory_space<vmem>> -> memref<125x128xf32, #tpu.memory_space<vmem>>
      %dma_wait3A_90 = arith.constant 0 : i32
      %dma_wait3A_91 = tpu.memref_slice %arg8[%add3A_26, %dma_wait3A_90] : memref<10000x128xf32, #tpu.memory_space<vmem_shared>> -> memref<125x128xf32, #tpu.memory_space<vmem_shared>>
      %dma_wait3A_92 = arith.constant 0 : i32
      %dma_wait3A_93 = tpu.memref_slice %arg8[%add3A_26, %dma_wait3A_92] : memref<10000x128xf32, #tpu.memory_space<vmem_shared>> -> memref<125x128xf32, #tpu.memory_space<vmem_shared>>
      %dma_wait3A_94 = arith.constant 0 : i32
      %dma_wait3A_95 = arith.constant 0 : i32
      %dma_wait3A_96 = tpu.memref_slice %arg6[%dma_wait3A_94, %dma_wait3A_95] : memref<128x128xf32, #tpu.memory_space<vmem>> -> memref<125x128xf32, #tpu.memory_space<vmem>>
      tpu.wait_dma2 semaphore(%run_scoped3A : memref<!tpu.dma_semaphore, #tpu.memory_space<semaphore_mem>>) src(%dma_wait3A_96 : memref<125x128xf32, #tpu.memory_space<vmem>>) dst(%dma_wait3A_93 : memref<125x128xf32, #tpu.memory_space<vmem_shared>>)
      tpu.yield
    }) : () -> ()
    %mul3A_27 = arith.constant 625 : i32
    %mul3A_28 = arith.muli %arg1, %mul3A_27 : i32
    %add3A_29 = arith.constant 250 : i32
    %add3A_30 = arith.addi %mul3A_28, %add3A_29 : i32
    "tpu.region"() ({
      %run_scoped3A = tpu.sem_alloc : memref<!tpu.dma_semaphore, #tpu.memory_space<semaphore_mem>>
      %dma_start3A = arith.constant 0 : i32
      %dma_start3A_78 = arith.constant 0 : i32
      %dma_start3A_79 = tpu.memref_slice %arg6[%dma_start3A, %dma_start3A_78] : memref<128x128xf32, #tpu.memory_space<vmem>> -> memref<125x128xf32, #tpu.memory_space<vmem>>
      %dma_start3A_80 = arith.constant 0 : i32
      %dma_start3A_81 = tpu.memref_slice %arg8[%add3A_30, %dma_start3A_80] : memref<10000x128xf32, #tpu.memory_space<vmem_shared>> -> memref<125x128xf32, #tpu.memory_space<vmem_shared>>
      %dma_start3A_82 = arith.constant 0 : i32
      %dma_start3A_83 = tpu.memref_slice %arg8[%add3A_30, %dma_start3A_82] : memref<10000x128xf32, #tpu.memory_space<vmem_shared>> -> memref<125x128xf32, #tpu.memory_space<vmem_shared>>
      %dma_start3A_84 = arith.constant 0 : i32
      %dma_start3A_85 = arith.constant 0 : i32
      %dma_start3A_86 = tpu.memref_slice %arg6[%dma_start3A_84, %dma_start3A_85] : memref<128x128xf32, #tpu.memory_space<vmem>> -> memref<125x128xf32, #tpu.memory_space<vmem>>
      tpu.enqueue_dma source(%dma_start3A_86 : memref<125x128xf32, #tpu.memory_space<vmem>>) target(%dma_start3A_83 : memref<125x128xf32, #tpu.memory_space<vmem_shared>>) target_semaphore(%run_scoped3A : memref<!tpu.dma_semaphore, #tpu.memory_space<semaphore_mem>>)
      %dma_wait3A_87 = arith.constant 0 : i32
      %dma_wait3A_88 = arith.constant 0 : i32
      %dma_wait3A_89 = tpu.memref_slice %arg6[%dma_wait3A_87, %dma_wait3A_88] : memref<128x128xf32, #tpu.memory_space<vmem>> -> memref<125x128xf32, #tpu.memory_space<vmem>>
      %dma_wait3A_90 = arith.constant 0 : i32
      %dma_wait3A_91 = tpu.memref_slice %arg8[%add3A_30, %dma_wait3A_90] : memref<10000x128xf32, #tpu.memory_space<vmem_shared>> -> memref<125x128xf32, #tpu.memory_space<vmem_shared>>
      %dma_wait3A_92 = arith.constant 0 : i32
      %dma_wait3A_93 = tpu.memref_slice %arg8[%add3A_30, %dma_wait3A_92] : memref<10000x128xf32, #tpu.memory_space<vmem_shared>> -> memref<125x128xf32, #tpu.memory_space<vmem_shared>>
      %dma_wait3A_94 = arith.constant 0 : i32
      %dma_wait3A_95 = arith.constant 0 : i32
      %dma_wait3A_96 = tpu.memref_slice %arg6[%dma_wait3A_94, %dma_wait3A_95] : memref<128x128xf32, #tpu.memory_space<vmem>> -> memref<125x128xf32, #tpu.memory_space<vmem>>
      tpu.wait_dma2 semaphore(%run_scoped3A : memref<!tpu.dma_semaphore, #tpu.memory_space<semaphore_mem>>) src(%dma_wait3A_96 : memref<125x128xf32, #tpu.memory_space<vmem>>) dst(%dma_wait3A_93 : memref<125x128xf32, #tpu.memory_space<vmem_shared>>)
      tpu.yield
    }) : () -> ()
    %mul3A_31 = arith.constant 625 : i32
    %mul3A_32 = arith.muli %arg1, %mul3A_31 : i32
    %add3A_33 = arith.constant 375 : i32
    %add3A_34 = arith.addi %mul3A_32, %add3A_33 : i32
    "tpu.region"() ({
      %run_scoped3A = tpu.sem_alloc : memref<!tpu.dma_semaphore, #tpu.memory_space<semaphore_mem>>
      %dma_start3A = arith.constant 0 : i32
      %dma_start3A_78 = arith.constant 0 : i32
      %dma_start3A_79 = tpu.memref_slice %arg6[%dma_start3A, %dma_start3A_78] : memref<128x128xf32, #tpu.memory_space<vmem>> -> memref<125x128xf32, #tpu.memory_space<vmem>>
      %dma_start3A_80 = arith.constant 0 : i32
      %dma_start3A_81 = tpu.memref_slice %arg8[%add3A_34, %dma_start3A_80] : memref<10000x128xf32, #tpu.memory_space<vmem_shared>> -> memref<125x128xf32, #tpu.memory_space<vmem_shared>>
      %dma_start3A_82 = arith.constant 0 : i32
      %dma_start3A_83 = tpu.memref_slice %arg8[%add3A_34, %dma_start3A_82] : memref<10000x128xf32, #tpu.memory_space<vmem_shared>> -> memref<125x128xf32, #tpu.memory_space<vmem_shared>>
      %dma_start3A_84 = arith.constant 0 : i32
      %dma_start3A_85 = arith.constant 0 : i32
      %dma_start3A_86 = tpu.memref_slice %arg6[%dma_start3A_84, %dma_start3A_85] : memref<128x128xf32, #tpu.memory_space<vmem>> -> memref<125x128xf32, #tpu.memory_space<vmem>>
      tpu.enqueue_dma source(%dma_start3A_86 : memref<125x128xf32, #tpu.memory_space<vmem>>) target(%dma_start3A_83 : memref<125x128xf32, #tpu.memory_space<vmem_shared>>) target_semaphore(%run_scoped3A : memref<!tpu.dma_semaphore, #tpu.memory_space<semaphore_mem>>)
      %dma_wait3A_87 = arith.constant 0 : i32
      %dma_wait3A_88 = arith.constant 0 : i32
      %dma_wait3A_89 = tpu.memref_slice %arg6[%dma_wait3A_87, %dma_wait3A_88] : memref<128x128xf32, #tpu.memory_space<vmem>> -> memref<125x128xf32, #tpu.memory_space<vmem>>
      %dma_wait3A_90 = arith.constant 0 : i32
      %dma_wait3A_91 = tpu.memref_slice %arg8[%add3A_34, %dma_wait3A_90] : memref<10000x128xf32, #tpu.memory_space<vmem_shared>> -> memref<125x128xf32, #tpu.memory_space<vmem_shared>>
      %dma_wait3A_92 = arith.constant 0 : i32
      %dma_wait3A_93 = tpu.memref_slice %arg8[%add3A_34, %dma_wait3A_92] : memref<10000x128xf32, #tpu.memory_space<vmem_shared>> -> memref<125x128xf32, #tpu.memory_space<vmem_shared>>
      %dma_wait3A_94 = arith.constant 0 : i32
      %dma_wait3A_95 = arith.constant 0 : i32
      %dma_wait3A_96 = tpu.memref_slice %arg6[%dma_wait3A_94, %dma_wait3A_95] : memref<128x128xf32, #tpu.memory_space<vmem>> -> memref<125x128xf32, #tpu.memory_space<vmem>>
      tpu.wait_dma2 semaphore(%run_scoped3A : memref<!tpu.dma_semaphore, #tpu.memory_space<semaphore_mem>>) src(%dma_wait3A_96 : memref<125x128xf32, #tpu.memory_space<vmem>>) dst(%dma_wait3A_93 : memref<125x128xf32, #tpu.memory_space<vmem_shared>>)
      tpu.yield
    }) : () -> ()
    %mul3A_35 = arith.constant 625 : i32
    %mul3A_36 = arith.muli %arg1, %mul3A_35 : i32
    %add3A_37 = arith.constant 500 : i32
    %add3A_38 = arith.addi %mul3A_36, %add3A_37 : i32
    "tpu.region"() ({
      %run_scoped3A = tpu.sem_alloc : memref<!tpu.dma_semaphore, #tpu.memory_space<semaphore_mem>>
      %dma_start3A = arith.constant 0 : i32
      %dma_start3A_78 = arith.constant 0 : i32
      %dma_start3A_79 = tpu.memref_slice %arg6[%dma_start3A, %dma_start3A_78] : memref<128x128xf32, #tpu.memory_space<vmem>> -> memref<125x128xf32, #tpu.memory_space<vmem>>
      %dma_start3A_80 = arith.constant 0 : i32
      %dma_start3A_81 = tpu.memref_slice %arg8[%add3A_38, %dma_start3A_80] : memref<10000x128xf32, #tpu.memory_space<vmem_shared>> -> memref<125x128xf32, #tpu.memory_space<vmem_shared>>
      %dma_start3A_82 = arith.constant 0 : i32
      %dma_start3A_83 = tpu.memref_slice %arg8[%add3A_38, %dma_start3A_82] : memref<10000x128xf32, #tpu.memory_space<vmem_shared>> -> memref<125x128xf32, #tpu.memory_space<vmem_shared>>
      %dma_start3A_84 = arith.constant 0 : i32
      %dma_start3A_85 = arith.constant 0 : i32
      %dma_start3A_86 = tpu.memref_slice %arg6[%dma_start3A_84, %dma_start3A_85] : memref<128x128xf32, #tpu.memory_space<vmem>> -> memref<125x128xf32, #tpu.memory_space<vmem>>
      tpu.enqueue_dma source(%dma_start3A_86 : memref<125x128xf32, #tpu.memory_space<vmem>>) target(%dma_start3A_83 : memref<125x128xf32, #tpu.memory_space<vmem_shared>>) target_semaphore(%run_scoped3A : memref<!tpu.dma_semaphore, #tpu.memory_space<semaphore_mem>>)
      %dma_wait3A_87 = arith.constant 0 : i32
      %dma_wait3A_88 = arith.constant 0 : i32
      %dma_wait3A_89 = tpu.memref_slice %arg6[%dma_wait3A_87, %dma_wait3A_88] : memref<128x128xf32, #tpu.memory_space<vmem>> -> memref<125x128xf32, #tpu.memory_space<vmem>>
      %dma_wait3A_90 = arith.constant 0 : i32
      %dma_wait3A_91 = tpu.memref_slice %arg8[%add3A_38, %dma_wait3A_90] : memref<10000x128xf32, #tpu.memory_space<vmem_shared>> -> memref<125x128xf32, #tpu.memory_space<vmem_shared>>
      %dma_wait3A_92 = arith.constant 0 : i32
      %dma_wait3A_93 = tpu.memref_slice %arg8[%add3A_38, %dma_wait3A_92] : memref<10000x128xf32, #tpu.memory_space<vmem_shared>> -> memref<125x128xf32, #tpu.memory_space<vmem_shared>>
      %dma_wait3A_94 = arith.constant 0 : i32
      %dma_wait3A_95 = arith.constant 0 : i32
      %dma_wait3A_96 = tpu.memref_slice %arg6[%dma_wait3A_94, %dma_wait3A_95] : memref<128x128xf32, #tpu.memory_space<vmem>> -> memref<125x128xf32, #tpu.memory_space<vmem>>
      tpu.wait_dma2 semaphore(%run_scoped3A : memref<!tpu.dma_semaphore, #tpu.memory_space<semaphore_mem>>) src(%dma_wait3A_96 : memref<125x128xf32, #tpu.memory_space<vmem>>) dst(%dma_wait3A_93 : memref<125x128xf32, #tpu.memory_space<vmem_shared>>)
      tpu.yield
    }) : () -> ()
    %barrier3A = arith.constant 0 : index
    tpu.barrier barrier_id(%barrier3A)
    %scan3A_39 = arith.constant 0 : i32
    %scan3A_40 = arith.constant 20 : i32
    %scan3A_41 = arith.addi %scan3A_39, %scan3A_40 : i32
    %scan3A_42 = arith.constant 1 : i32
    scf.for %scan3A_78 = %scan3A_39 to %scan3A_41 step %scan3A_42  : i32 {
      %mul3A_79 = arith.constant 1 : i32
      %mul3A_80 = arith.muli %scan3A_78, %mul3A_79 : i32
      %add3A_81 = arith.constant 0 : i32
      %add3A_82 = arith.addi %add3A_81, %mul3A_80 : i32
      %mul3A_83 = arith.constant 2 : i32
      %mul3A_84 = arith.muli %mul3A_83, %add3A_82 : i32
      %lt3A_85 = arith.cmpi slt, %mul3A_84, %select_n3A : i32
      %convert_element_type3A_86 = arith.extui %lt3A_85 : i1 to i32
      %cond3A_87 = arith.constant 0 : i32
      %cond3A_88 = arith.cmpi ne, %convert_element_type3A_86, %cond3A_87 : i32
      scf.if %cond3A_88 {
        %gt3A = arith.constant 0 : i32
        %gt3A_111 = arith.cmpi sgt, %add3A_82, %gt3A : i32
        %convert_element_type3A_112 = arith.extui %gt3A_111 : i1 to i32
        %cond3A_113 = arith.constant 0 : i32
        %cond3A_114 = arith.cmpi ne, %convert_element_type3A_112, %cond3A_113 : i32
        scf.if %cond3A_114 {
          %dma_wait3A_121 = arith.constant 0 : i32
          %dma_wait3A_122 = arith.constant 0 : i32
          %dma_wait3A_123 = tpu.memref_slice %arg5[%dma_wait3A_121, %dma_wait3A_122] : memref<40x128xi32, #tpu.memory_space<vmem>> -> memref<1x128xi32, #tpu.memory_space<vmem>>
          %dma_wait3A_124 = tpu.memref_squeeze %dma_wait3A_123 : memref<1x128xi32, #tpu.memory_space<vmem>> -> memref<128xi32, #tpu.memory_space<vmem>>
          %dma_wait3A_125 = arith.constant 0 : i32
          %dma_wait3A_126 = arith.constant 0 : i32
          %dma_wait3A_127 = tpu.memref_slice %arg8[%dma_wait3A_125, %dma_wait3A_126] : memref<10000x128xf32, #tpu.memory_space<vmem_shared>> -> memref<10000x128xf32, #tpu.memory_space<vmem_shared>>
          tpu.wait_indirect_dma semaphore(%arg11 : memref<!tpu.dma_semaphore, #tpu.memory_space<semaphore_mem>>) src(%arg6 : memref<128x128xf32, #tpu.memory_space<vmem>>) dst(%dma_wait3A_127 : memref<10000x128xf32, #tpu.memory_space<vmem_shared>>)
        } else {
        }
        %add3A_115 = arith.addi %add3A_4, %mul3A_84 : i32
        %mul3A_116 = arith.constant 128 : i32
        %mul3A_117 = arith.muli %add3A_115, %mul3A_116 : i32
        %dma_start3A = arith.constant 0 : i32
        %dma_start3A_118 = tpu.memref_slice %arg2[%mul3A_117, %dma_start3A] : memref<160000x128xf32, #tpu.memory_space<hbm>> -> memref<128x128xf32, #tpu.memory_space<hbm>>
        %dma_start3A_119 = arith.constant 0 : i32
        %dma_start3A_120 = tpu.memref_slice %arg2[%mul3A_117, %dma_start3A_119] : memref<160000x128xf32, #tpu.memory_space<hbm>> -> memref<128x128xf32, #tpu.memory_space<hbm>>
        tpu.enqueue_dma source(%dma_start3A_120 : memref<128x128xf32, #tpu.memory_space<hbm>>) target(%arg6 : memref<128x128xf32, #tpu.memory_space<vmem>>) target_semaphore(%arg9 : memref<!tpu.dma_semaphore, #tpu.memory_space<semaphore_mem>>)
      } else {
      }
      %mul3A_89 = arith.constant 2 : i32
      %mul3A_90 = arith.muli %mul3A_89, %add3A_82 : i32
      %add3A_91 = arith.constant 1 : i32
      %add3A_92 = arith.addi %mul3A_90, %add3A_91 : i32
      %lt3A_93 = arith.cmpi slt, %add3A_92, %select_n3A : i32
      %convert_element_type3A_94 = arith.extui %lt3A_93 : i1 to i32
      %cond3A_95 = arith.constant 0 : i32
      %cond3A_96 = arith.cmpi ne, %convert_element_type3A_94, %cond3A_95 : i32
      scf.if %cond3A_96 {
        %gt3A = arith.constant 0 : i32
        %gt3A_111 = arith.cmpi sgt, %add3A_82, %gt3A : i32
        %convert_element_type3A_112 = arith.extui %gt3A_111 : i1 to i32
        %cond3A_113 = arith.constant 0 : i32
        %cond3A_114 = arith.cmpi ne, %convert_element_type3A_112, %cond3A_113 : i32
        scf.if %cond3A_114 {
          %dma_wait3A_121 = arith.constant 0 : i32
          %dma_wait3A_122 = arith.constant 0 : i32
          %dma_wait3A_123 = tpu.memref_slice %arg5[%dma_wait3A_121, %dma_wait3A_122] : memref<40x128xi32, #tpu.memory_space<vmem>> -> memref<1x128xi32, #tpu.memory_space<vmem>>
          %dma_wait3A_124 = tpu.memref_squeeze %dma_wait3A_123 : memref<1x128xi32, #tpu.memory_space<vmem>> -> memref<128xi32, #tpu.memory_space<vmem>>
          %dma_wait3A_125 = arith.constant 0 : i32
          %dma_wait3A_126 = arith.constant 0 : i32
          %dma_wait3A_127 = tpu.memref_slice %arg8[%dma_wait3A_125, %dma_wait3A_126] : memref<10000x128xf32, #tpu.memory_space<vmem_shared>> -> memref<10000x128xf32, #tpu.memory_space<vmem_shared>>
          tpu.wait_indirect_dma semaphore(%arg12 : memref<!tpu.dma_semaphore, #tpu.memory_space<semaphore_mem>>) src(%arg7 : memref<128x128xf32, #tpu.memory_space<vmem>>) dst(%dma_wait3A_127 : memref<10000x128xf32, #tpu.memory_space<vmem_shared>>)
        } else {
        }
        %add3A_115 = arith.addi %add3A_4, %add3A_92 : i32
        %mul3A_116 = arith.constant 128 : i32
        %mul3A_117 = arith.muli %add3A_115, %mul3A_116 : i32
        %dma_start3A = arith.constant 0 : i32
        %dma_start3A_118 = tpu.memref_slice %arg2[%mul3A_117, %dma_start3A] : memref<160000x128xf32, #tpu.memory_space<hbm>> -> memref<128x128xf32, #tpu.memory_space<hbm>>
        %dma_start3A_119 = arith.constant 0 : i32
        %dma_start3A_120 = tpu.memref_slice %arg2[%mul3A_117, %dma_start3A_119] : memref<160000x128xf32, #tpu.memory_space<hbm>> -> memref<128x128xf32, #tpu.memory_space<hbm>>
        tpu.enqueue_dma source(%dma_start3A_120 : memref<128x128xf32, #tpu.memory_space<hbm>>) target(%arg7 : memref<128x128xf32, #tpu.memory_space<vmem>>) target_semaphore(%arg10 : memref<!tpu.dma_semaphore, #tpu.memory_space<semaphore_mem>>)
      } else {
      }
      %mul3A_97 = arith.constant 2 : i32
      %mul3A_98 = arith.muli %mul3A_97, %add3A_82 : i32
      %lt3A_99 = arith.cmpi slt, %mul3A_98, %select_n3A : i32
      %convert_element_type3A_100 = arith.extui %lt3A_99 : i1 to i32
      %cond3A_101 = arith.constant 0 : i32
      %cond3A_102 = arith.cmpi ne, %convert_element_type3A_100, %cond3A_101 : i32
      scf.if %cond3A_102 {
        %dma_wait3A_111 = arith.constant 0 : i32
        %dma_wait3A_112 = arith.constant 0 : i32
        %dma_wait3A_113 = tpu.memref_slice %arg2[%dma_wait3A_111, %dma_wait3A_112] : memref<160000x128xf32, #tpu.memory_space<hbm>> -> memref<128x128xf32, #tpu.memory_space<hbm>>
        %dma_wait3A_114 = arith.constant 0 : i32
        %dma_wait3A_115 = arith.constant 0 : i32
        %dma_wait3A_116 = tpu.memref_slice %arg2[%dma_wait3A_114, %dma_wait3A_115] : memref<160000x128xf32, #tpu.memory_space<hbm>> -> memref<128x128xf32, #tpu.memory_space<hbm>>
        tpu.wait_dma2 semaphore(%arg9 : memref<!tpu.dma_semaphore, #tpu.memory_space<semaphore_mem>>) src(%dma_wait3A_116 : memref<128x128xf32, #tpu.memory_space<hbm>>) dst(%arg6 : memref<128x128xf32, #tpu.memory_space<vmem>>)
        %dma_start3A = arith.constant 0 : i32
        %dma_start3A_117 = tpu.memref_slice %arg5[%mul3A_98, %dma_start3A] : memref<40x128xi32, #tpu.memory_space<vmem>> -> memref<1x128xi32, #tpu.memory_space<vmem>>
        %dma_start3A_118 = tpu.memref_squeeze %dma_start3A_117 : memref<1x128xi32, #tpu.memory_space<vmem>> -> memref<128xi32, #tpu.memory_space<vmem>>
        %dma_start3A_119 = arith.constant 0 : i32
        %dma_start3A_120 = arith.constant 0 : i32
        %dma_start3A_121 = tpu.memref_slice %arg8[%dma_start3A_119, %dma_start3A_120] : memref<10000x128xf32, #tpu.memory_space<vmem_shared>> -> memref<10000x128xf32, #tpu.memory_space<vmem_shared>>
        tpu.enqueue_indirect_dma source(%arg6 : memref<128x128xf32, #tpu.memory_space<vmem>>) target(%dma_start3A_121 : memref<10000x128xf32, #tpu.memory_space<vmem_shared>>) offsets(%dma_start3A_118 : memref<128xi32, #tpu.memory_space<vmem>>) semaphore(%arg11 : memref<!tpu.dma_semaphore, #tpu.memory_space<semaphore_mem>>) {add = true}
      } else {
      }
      %mul3A_103 = arith.constant 2 : i32
      %mul3A_104 = arith.muli %mul3A_103, %add3A_82 : i32
      %add3A_105 = arith.constant 1 : i32
      %add3A_106 = arith.addi %mul3A_104, %add3A_105 : i32
      %lt3A_107 = arith.cmpi slt, %add3A_106, %select_n3A : i32
      %convert_element_type3A_108 = arith.extui %lt3A_107 : i1 to i32
      %cond3A_109 = arith.constant 0 : i32
      %cond3A_110 = arith.cmpi ne, %convert_element_type3A_108, %cond3A_109 : i32
      scf.if %cond3A_110 {
        %dma_wait3A_111 = arith.constant 0 : i32
        %dma_wait3A_112 = arith.constant 0 : i32
        %dma_wait3A_113 = tpu.memref_slice %arg2[%dma_wait3A_111, %dma_wait3A_112] : memref<160000x128xf32, #tpu.memory_space<hbm>> -> memref<128x128xf32, #tpu.memory_space<hbm>>
        %dma_wait3A_114 = arith.constant 0 : i32
        %dma_wait3A_115 = arith.constant 0 : i32
        %dma_wait3A_116 = tpu.memref_slice %arg2[%dma_wait3A_114, %dma_wait3A_115] : memref<160000x128xf32, #tpu.memory_space<hbm>> -> memref<128x128xf32, #tpu.memory_space<hbm>>
        tpu.wait_dma2 semaphore(%arg10 : memref<!tpu.dma_semaphore, #tpu.memory_space<semaphore_mem>>) src(%dma_wait3A_116 : memref<128x128xf32, #tpu.memory_space<hbm>>) dst(%arg7 : memref<128x128xf32, #tpu.memory_space<vmem>>)
        %dma_start3A = arith.constant 0 : i32
        %dma_start3A_117 = tpu.memref_slice %arg5[%add3A_106, %dma_start3A] : memref<40x128xi32, #tpu.memory_space<vmem>> -> memref<1x128xi32, #tpu.memory_space<vmem>>
        %dma_start3A_118 = tpu.memref_squeeze %dma_start3A_117 : memref<1x128xi32, #tpu.memory_space<vmem>> -> memref<128xi32, #tpu.memory_space<vmem>>
        %dma_start3A_119 = arith.constant 0 : i32
        %dma_start3A_120 = arith.constant 0 : i32
        %dma_start3A_121 = tpu.memref_slice %arg8[%dma_start3A_119, %dma_start3A_120] : memref<10000x128xf32, #tpu.memory_space<vmem_shared>> -> memref<10000x128xf32, #tpu.memory_space<vmem_shared>>
        tpu.enqueue_indirect_dma source(%arg7 : memref<128x128xf32, #tpu.memory_space<vmem>>) target(%dma_start3A_121 : memref<10000x128xf32, #tpu.memory_space<vmem_shared>>) offsets(%dma_start3A_118 : memref<128xi32, #tpu.memory_space<vmem>>) semaphore(%arg12 : memref<!tpu.dma_semaphore, #tpu.memory_space<semaphore_mem>>) {add = true}
      } else {
      }
    }
    %scan3A_43 = arith.constant 20 : i32
    %dma_wait3A = arith.constant 0 : i32
    %dma_wait3A_44 = arith.constant 0 : i32
    %dma_wait3A_45 = tpu.memref_slice %arg5[%dma_wait3A, %dma_wait3A_44] : memref<40x128xi32, #tpu.memory_space<vmem>> -> memref<1x128xi32, #tpu.memory_space<vmem>>
    %dma_wait3A_46 = tpu.memref_squeeze %dma_wait3A_45 : memref<1x128xi32, #tpu.memory_space<vmem>> -> memref<128xi32, #tpu.memory_space<vmem>>
    %dma_wait3A_47 = arith.constant 0 : i32
    %dma_wait3A_48 = arith.constant 0 : i32
    %dma_wait3A_49 = tpu.memref_slice %arg8[%dma_wait3A_47, %dma_wait3A_48] : memref<10000x128xf32, #tpu.memory_space<vmem_shared>> -> memref<10000x128xf32, #tpu.memory_space<vmem_shared>>
    tpu.wait_indirect_dma semaphore(%arg11 : memref<!tpu.dma_semaphore, #tpu.memory_space<semaphore_mem>>) src(%arg6 : memref<128x128xf32, #tpu.memory_space<vmem>>) dst(%dma_wait3A_49 : memref<10000x128xf32, #tpu.memory_space<vmem_shared>>)
    %dma_wait3A_50 = arith.constant 0 : i32
    %dma_wait3A_51 = arith.constant 0 : i32
    %dma_wait3A_52 = tpu.memref_slice %arg5[%dma_wait3A_50, %dma_wait3A_51] : memref<40x128xi32, #tpu.memory_space<vmem>> -> memref<1x128xi32, #tpu.memory_space<vmem>>
    %dma_wait3A_53 = tpu.memref_squeeze %dma_wait3A_52 : memref<1x128xi32, #tpu.memory_space<vmem>> -> memref<128xi32, #tpu.memory_space<vmem>>
    %dma_wait3A_54 = arith.constant 0 : i32
    %dma_wait3A_55 = arith.constant 0 : i32
    %dma_wait3A_56 = tpu.memref_slice %arg8[%dma_wait3A_54, %dma_wait3A_55] : memref<10000x128xf32, #tpu.memory_space<vmem_shared>> -> memref<10000x128xf32, #tpu.memory_space<vmem_shared>>
    tpu.wait_indirect_dma semaphore(%arg12 : memref<!tpu.dma_semaphore, #tpu.memory_space<semaphore_mem>>) src(%arg7 : memref<128x128xf32, #tpu.memory_space<vmem>>) dst(%dma_wait3A_56 : memref<10000x128xf32, #tpu.memory_space<vmem_shared>>)
    %barrier3A_57 = arith.constant 0 : index
    tpu.barrier barrier_id(%barrier3A_57)
    %mul3A_58 = arith.constant 625 : i32
    %mul3A_59 = arith.muli %arg1, %mul3A_58 : i32
    %add3A_60 = arith.constant 0 : i32
    %add3A_61 = arith.addi %mul3A_59, %add3A_60 : i32
    "tpu.region"() ({
      %run_scoped3A = tpu.sem_alloc : memref<!tpu.dma_semaphore, #tpu.memory_space<semaphore_mem>>
      %dma_start3A = arith.constant 0 : i32
      %dma_start3A_78 = arith.constant 0 : i32
      %dma_start3A_79 = tpu.memref_slice %arg6[%dma_start3A, %dma_start3A_78] : memref<128x128xf32, #tpu.memory_space<vmem>> -> memref<125x128xf32, #tpu.memory_space<vmem>>
      %dma_start3A_80 = arith.constant 0 : i32
      %dma_start3A_81 = tpu.memref_slice %arg8[%add3A_61, %dma_start3A_80] : memref<10000x128xf32, #tpu.memory_space<vmem_shared>> -> memref<125x128xf32, #tpu.memory_space<vmem_shared>>
      %dma_start3A_82 = arith.constant 0 : i32
      %dma_start3A_83 = arith.constant 0 : i32
      %dma_start3A_84 = tpu.memref_slice %arg6[%dma_start3A_82, %dma_start3A_83] : memref<128x128xf32, #tpu.memory_space<vmem>> -> memref<125x128xf32, #tpu.memory_space<vmem>>
      %dma_start3A_85 = arith.constant 0 : i32
      %dma_start3A_86 = tpu.memref_slice %arg8[%add3A_61, %dma_start3A_85] : memref<10000x128xf32, #tpu.memory_space<vmem_shared>> -> memref<125x128xf32, #tpu.memory_space<vmem_shared>>
      tpu.enqueue_dma source(%dma_start3A_86 : memref<125x128xf32, #tpu.memory_space<vmem_shared>>) target(%dma_start3A_84 : memref<125x128xf32, #tpu.memory_space<vmem>>) target_semaphore(%run_scoped3A : memref<!tpu.dma_semaphore, #tpu.memory_space<semaphore_mem>>)
      %dma_wait3A_87 = arith.constant 0 : i32
      %dma_wait3A_88 = arith.constant 0 : i32
      %dma_wait3A_89 = tpu.memref_slice %arg6[%dma_wait3A_87, %dma_wait3A_88] : memref<128x128xf32, #tpu.memory_space<vmem>> -> memref<125x128xf32, #tpu.memory_space<vmem>>
      %dma_wait3A_90 = arith.constant 0 : i32
      %dma_wait3A_91 = tpu.memref_slice %arg8[%add3A_61, %dma_wait3A_90] : memref<10000x128xf32, #tpu.memory_space<vmem_shared>> -> memref<125x128xf32, #tpu.memory_space<vmem_shared>>
      %dma_wait3A_92 = arith.constant 0 : i32
      %dma_wait3A_93 = arith.constant 0 : i32
      %dma_wait3A_94 = tpu.memref_slice %arg6[%dma_wait3A_92, %dma_wait3A_93] : memref<128x128xf32, #tpu.memory_space<vmem>> -> memref<125x128xf32, #tpu.memory_space<vmem>>
      %dma_wait3A_95 = arith.constant 0 : i32
      %dma_wait3A_96 = tpu.memref_slice %arg8[%add3A_61, %dma_wait3A_95] : memref<10000x128xf32, #tpu.memory_space<vmem_shared>> -> memref<125x128xf32, #tpu.memory_space<vmem_shared>>
      tpu.wait_dma2 semaphore(%run_scoped3A : memref<!tpu.dma_semaphore, #tpu.memory_space<semaphore_mem>>) src(%dma_wait3A_96 : memref<125x128xf32, #tpu.memory_space<vmem_shared>>) dst(%dma_wait3A_94 : memref<125x128xf32, #tpu.memory_space<vmem>>)
      tpu.yield
    }) : () -> ()
    "tpu.region"() ({
      %run_scoped3A = tpu.sem_alloc : memref<!tpu.dma_semaphore, #tpu.memory_space<semaphore_mem>>
      %dma_start3A = arith.constant 0 : i32
      %dma_start3A_78 = arith.constant 0 : i32
      %dma_start3A_79 = tpu.memref_slice %arg6[%dma_start3A, %dma_start3A_78] : memref<128x128xf32, #tpu.memory_space<vmem>> -> memref<125x128xf32, #tpu.memory_space<vmem>>
      %dma_start3A_80 = arith.constant 0 : i32
      %dma_start3A_81 = tpu.memref_slice %arg4[%arg0, %add3A_61, %dma_start3A_80] : memref<2x10000x128xf32, #tpu.memory_space<hbm>> -> memref<1x125x128xf32, #tpu.memory_space<hbm>>
      %dma_start3A_82 = tpu.memref_squeeze %dma_start3A_81 : memref<1x125x128xf32, #tpu.memory_space<hbm>> -> memref<125x128xf32, #tpu.memory_space<hbm>>
      %dma_start3A_83 = arith.constant 0 : i32
      %dma_start3A_84 = tpu.memref_slice %arg4[%arg0, %add3A_61, %dma_start3A_83] : memref<2x10000x128xf32, #tpu.memory_space<hbm>> -> memref<1x125x128xf32, #tpu.memory_space<hbm>>
      %dma_start3A_85 = tpu.memref_squeeze %dma_start3A_84 : memref<1x125x128xf32, #tpu.memory_space<hbm>> -> memref<125x128xf32, #tpu.memory_space<hbm>>
      %dma_start3A_86 = arith.constant 0 : i32
      %dma_start3A_87 = arith.constant 0 : i32
      %dma_start3A_88 = tpu.memref_slice %arg6[%dma_start3A_86, %dma_start3A_87] : memref<128x128xf32, #tpu.memory_space<vmem>> -> memref<125x128xf32, #tpu.memory_space<vmem>>
      tpu.enqueue_dma source(%dma_start3A_88 : memref<125x128xf32, #tpu.memory_space<vmem>>) target(%dma_start3A_85 : memref<125x128xf32, #tpu.memory_space<hbm>>) target_semaphore(%run_scoped3A : memref<!tpu.dma_semaphore, #tpu.memory_space<semaphore_mem>>)
      %dma_wait3A_89 = arith.constant 0 : i32
      %dma_wait3A_90 = arith.constant 0 : i32
      %dma_wait3A_91 = tpu.memref_slice %arg6[%dma_wait3A_89, %dma_wait3A_90] : memref<128x128xf32, #tpu.memory_space<vmem>> -> memref<125x128xf32, #tpu.memory_space<vmem>>
      %dma_wait3A_92 = arith.constant 0 : i32
      %dma_wait3A_93 = tpu.memref_slice %arg4[%arg0, %add3A_61, %dma_wait3A_92] : memref<2x10000x128xf32, #tpu.memory_space<hbm>> -> memref<1x125x128xf32, #tpu.memory_space<hbm>>
      %dma_wait3A_94 = tpu.memref_squeeze %dma_wait3A_93 : memref<1x125x128xf32, #tpu.memory_space<hbm>> -> memref<125x128xf32, #tpu.memory_space<hbm>>
      %dma_wait3A_95 = arith.constant 0 : i32
      %dma_wait3A_96 = tpu.memref_slice %arg4[%arg0, %add3A_61, %dma_wait3A_95] : memref<2x10000x128xf32, #tpu.memory_space<hbm>> -> memref<1x125x128xf32, #tpu.memory_space<hbm>>
      %dma_wait3A_97 = tpu.memref_squeeze %dma_wait3A_96 : memref<1x125x128xf32, #tpu.memory_space<hbm>> -> memref<125x128xf32, #tpu.memory_space<hbm>>
      %dma_wait3A_98 = arith.constant 0 : i32
      %dma_wait3A_99 = arith.constant 0 : i32
      %dma_wait3A_100 = tpu.memref_slice %arg6[%dma_wait3A_98, %dma_wait3A_99] : memref<128x128xf32, #tpu.memory_space<vmem>> -> memref<125x128xf32, #tpu.memory_space<vmem>>
      tpu.wait_dma2 semaphore(%run_scoped3A : memref<!tpu.dma_semaphore, #tpu.memory_space<semaphore_mem>>) src(%dma_wait3A_100 : memref<125x128xf32, #tpu.memory_space<vmem>>) dst(%dma_wait3A_97 : memref<125x128xf32, #tpu.memory_space<hbm>>)
      tpu.yield
    }) : () -> ()
    %mul3A_62 = arith.constant 625 : i32
    %mul3A_63 = arith.muli %arg1, %mul3A_62 : i32
    %add3A_64 = arith.constant 125 : i32
    %add3A_65 = arith.addi %mul3A_63, %add3A_64 : i32
    "tpu.region"() ({
      %run_scoped3A = tpu.sem_alloc : memref<!tpu.dma_semaphore, #tpu.memory_space<semaphore_mem>>
      %dma_start3A = arith.constant 0 : i32
      %dma_start3A_78 = arith.constant 0 : i32
      %dma_start3A_79 = tpu.memref_slice %arg6[%dma_start3A, %dma_start3A_78] : memref<128x128xf32, #tpu.memory_space<vmem>> -> memref<125x128xf32, #tpu.memory_space<vmem>>
      %dma_start3A_80 = arith.constant 0 : i32
      %dma_start3A_81 = tpu.memref_slice %arg8[%add3A_65, %dma_start3A_80] : memref<10000x128xf32, #tpu.memory_space<vmem_shared>> -> memref<125x128xf32, #tpu.memory_space<vmem_shared>>
      %dma_start3A_82 = arith.constant 0 : i32
      %dma_start3A_83 = arith.constant 0 : i32
      %dma_start3A_84 = tpu.memref_slice %arg6[%dma_start3A_82, %dma_start3A_83] : memref<128x128xf32, #tpu.memory_space<vmem>> -> memref<125x128xf32, #tpu.memory_space<vmem>>
      %dma_start3A_85 = arith.constant 0 : i32
      %dma_start3A_86 = tpu.memref_slice %arg8[%add3A_65, %dma_start3A_85] : memref<10000x128xf32, #tpu.memory_space<vmem_shared>> -> memref<125x128xf32, #tpu.memory_space<vmem_shared>>
      tpu.enqueue_dma source(%dma_start3A_86 : memref<125x128xf32, #tpu.memory_space<vmem_shared>>) target(%dma_start3A_84 : memref<125x128xf32, #tpu.memory_space<vmem>>) target_semaphore(%run_scoped3A : memref<!tpu.dma_semaphore, #tpu.memory_space<semaphore_mem>>)
      %dma_wait3A_87 = arith.constant 0 : i32
      %dma_wait3A_88 = arith.constant 0 : i32
      %dma_wait3A_89 = tpu.memref_slice %arg6[%dma_wait3A_87, %dma_wait3A_88] : memref<128x128xf32, #tpu.memory_space<vmem>> -> memref<125x128xf32, #tpu.memory_space<vmem>>
      %dma_wait3A_90 = arith.constant 0 : i32
      %dma_wait3A_91 = tpu.memref_slice %arg8[%add3A_65, %dma_wait3A_90] : memref<10000x128xf32, #tpu.memory_space<vmem_shared>> -> memref<125x128xf32, #tpu.memory_space<vmem_shared>>
      %dma_wait3A_92 = arith.constant 0 : i32
      %dma_wait3A_93 = arith.constant 0 : i32
      %dma_wait3A_94 = tpu.memref_slice %arg6[%dma_wait3A_92, %dma_wait3A_93] : memref<128x128xf32, #tpu.memory_space<vmem>> -> memref<125x128xf32, #tpu.memory_space<vmem>>
      %dma_wait3A_95 = arith.constant 0 : i32
      %dma_wait3A_96 = tpu.memref_slice %arg8[%add3A_65, %dma_wait3A_95] : memref<10000x128xf32, #tpu.memory_space<vmem_shared>> -> memref<125x128xf32, #tpu.memory_space<vmem_shared>>
      tpu.wait_dma2 semaphore(%run_scoped3A : memref<!tpu.dma_semaphore, #tpu.memory_space<semaphore_mem>>) src(%dma_wait3A_96 : memref<125x128xf32, #tpu.memory_space<vmem_shared>>) dst(%dma_wait3A_94 : memref<125x128xf32, #tpu.memory_space<vmem>>)
      tpu.yield
    }) : () -> ()
    "tpu.region"() ({
      %run_scoped3A = tpu.sem_alloc : memref<!tpu.dma_semaphore, #tpu.memory_space<semaphore_mem>>
      %dma_start3A = arith.constant 0 : i32
      %dma_start3A_78 = arith.constant 0 : i32
      %dma_start3A_79 = tpu.memref_slice %arg6[%dma_start3A, %dma_start3A_78] : memref<128x128xf32, #tpu.memory_space<vmem>> -> memref<125x128xf32, #tpu.memory_space<vmem>>
      %dma_start3A_80 = arith.constant 0 : i32
      %dma_start3A_81 = tpu.memref_slice %arg4[%arg0, %add3A_65, %dma_start3A_80] : memref<2x10000x128xf32, #tpu.memory_space<hbm>> -> memref<1x125x128xf32, #tpu.memory_space<hbm>>
      %dma_start3A_82 = tpu.memref_squeeze %dma_start3A_81 : memref<1x125x128xf32, #tpu.memory_space<hbm>> -> memref<125x128xf32, #tpu.memory_space<hbm>>
      %dma_start3A_83 = arith.constant 0 : i32
      %dma_start3A_84 = tpu.memref_slice %arg4[%arg0, %add3A_65, %dma_start3A_83] : memref<2x10000x128xf32, #tpu.memory_space<hbm>> -> memref<1x125x128xf32, #tpu.memory_space<hbm>>
      %dma_start3A_85 = tpu.memref_squeeze %dma_start3A_84 : memref<1x125x128xf32, #tpu.memory_space<hbm>> -> memref<125x128xf32, #tpu.memory_space<hbm>>
      %dma_start3A_86 = arith.constant 0 : i32
      %dma_start3A_87 = arith.constant 0 : i32
      %dma_start3A_88 = tpu.memref_slice %arg6[%dma_start3A_86, %dma_start3A_87] : memref<128x128xf32, #tpu.memory_space<vmem>> -> memref<125x128xf32, #tpu.memory_space<vmem>>
      tpu.enqueue_dma source(%dma_start3A_88 : memref<125x128xf32, #tpu.memory_space<vmem>>) target(%dma_start3A_85 : memref<125x128xf32, #tpu.memory_space<hbm>>) target_semaphore(%run_scoped3A : memref<!tpu.dma_semaphore, #tpu.memory_space<semaphore_mem>>)
      %dma_wait3A_89 = arith.constant 0 : i32
      %dma_wait3A_90 = arith.constant 0 : i32
      %dma_wait3A_91 = tpu.memref_slice %arg6[%dma_wait3A_89, %dma_wait3A_90] : memref<128x128xf32, #tpu.memory_space<vmem>> -> memref<125x128xf32, #tpu.memory_space<vmem>>
      %dma_wait3A_92 = arith.constant 0 : i32
      %dma_wait3A_93 = tpu.memref_slice %arg4[%arg0, %add3A_65, %dma_wait3A_92] : memref<2x10000x128xf32, #tpu.memory_space<hbm>> -> memref<1x125x128xf32, #tpu.memory_space<hbm>>
      %dma_wait3A_94 = tpu.memref_squeeze %dma_wait3A_93 : memref<1x125x128xf32, #tpu.memory_space<hbm>> -> memref<125x128xf32, #tpu.memory_space<hbm>>
      %dma_wait3A_95 = arith.constant 0 : i32
      %dma_wait3A_96 = tpu.memref_slice %arg4[%arg0, %add3A_65, %dma_wait3A_95] : memref<2x10000x128xf32, #tpu.memory_space<hbm>> -> memref<1x125x128xf32, #tpu.memory_space<hbm>>
      %dma_wait3A_97 = tpu.memref_squeeze %dma_wait3A_96 : memref<1x125x128xf32, #tpu.memory_space<hbm>> -> memref<125x128xf32, #tpu.memory_space<hbm>>
      %dma_wait3A_98 = arith.constant 0 : i32
      %dma_wait3A_99 = arith.constant 0 : i32
      %dma_wait3A_100 = tpu.memref_slice %arg6[%dma_wait3A_98, %dma_wait3A_99] : memref<128x128xf32, #tpu.memory_space<vmem>> -> memref<125x128xf32, #tpu.memory_space<vmem>>
      tpu.wait_dma2 semaphore(%run_scoped3A : memref<!tpu.dma_semaphore, #tpu.memory_space<semaphore_mem>>) src(%dma_wait3A_100 : memref<125x128xf32, #tpu.memory_space<vmem>>) dst(%dma_wait3A_97 : memref<125x128xf32, #tpu.memory_space<hbm>>)
      tpu.yield
    }) : () -> ()
    %mul3A_66 = arith.constant 625 : i32
    %mul3A_67 = arith.muli %arg1, %mul3A_66 : i32
    %add3A_68 = arith.constant 250 : i32
    %add3A_69 = arith.addi %mul3A_67, %add3A_68 : i32
    "tpu.region"() ({
      %run_scoped3A = tpu.sem_alloc : memref<!tpu.dma_semaphore, #tpu.memory_space<semaphore_mem>>
      %dma_start3A = arith.constant 0 : i32
      %dma_start3A_78 = arith.constant 0 : i32
      %dma_start3A_79 = tpu.memref_slice %arg6[%dma_start3A, %dma_start3A_78] : memref<128x128xf32, #tpu.memory_space<vmem>> -> memref<125x128xf32, #tpu.memory_space<vmem>>
      %dma_start3A_80 = arith.constant 0 : i32
      %dma_start3A_81 = tpu.memref_slice %arg8[%add3A_69, %dma_start3A_80] : memref<10000x128xf32, #tpu.memory_space<vmem_shared>> -> memref<125x128xf32, #tpu.memory_space<vmem_shared>>
      %dma_start3A_82 = arith.constant 0 : i32
      %dma_start3A_83 = arith.constant 0 : i32
      %dma_start3A_84 = tpu.memref_slice %arg6[%dma_start3A_82, %dma_start3A_83] : memref<128x128xf32, #tpu.memory_space<vmem>> -> memref<125x128xf32, #tpu.memory_space<vmem>>
      %dma_start3A_85 = arith.constant 0 : i32
      %dma_start3A_86 = tpu.memref_slice %arg8[%add3A_69, %dma_start3A_85] : memref<10000x128xf32, #tpu.memory_space<vmem_shared>> -> memref<125x128xf32, #tpu.memory_space<vmem_shared>>
      tpu.enqueue_dma source(%dma_start3A_86 : memref<125x128xf32, #tpu.memory_space<vmem_shared>>) target(%dma_start3A_84 : memref<125x128xf32, #tpu.memory_space<vmem>>) target_semaphore(%run_scoped3A : memref<!tpu.dma_semaphore, #tpu.memory_space<semaphore_mem>>)
      %dma_wait3A_87 = arith.constant 0 : i32
      %dma_wait3A_88 = arith.constant 0 : i32
      %dma_wait3A_89 = tpu.memref_slice %arg6[%dma_wait3A_87, %dma_wait3A_88] : memref<128x128xf32, #tpu.memory_space<vmem>> -> memref<125x128xf32, #tpu.memory_space<vmem>>
      %dma_wait3A_90 = arith.constant 0 : i32
      %dma_wait3A_91 = tpu.memref_slice %arg8[%add3A_69, %dma_wait3A_90] : memref<10000x128xf32, #tpu.memory_space<vmem_shared>> -> memref<125x128xf32, #tpu.memory_space<vmem_shared>>
      %dma_wait3A_92 = arith.constant 0 : i32
      %dma_wait3A_93 = arith.constant 0 : i32
      %dma_wait3A_94 = tpu.memref_slice %arg6[%dma_wait3A_92, %dma_wait3A_93] : memref<128x128xf32, #tpu.memory_space<vmem>> -> memref<125x128xf32, #tpu.memory_space<vmem>>
      %dma_wait3A_95 = arith.constant 0 : i32
      %dma_wait3A_96 = tpu.memref_slice %arg8[%add3A_69, %dma_wait3A_95] : memref<10000x128xf32, #tpu.memory_space<vmem_shared>> -> memref<125x128xf32, #tpu.memory_space<vmem_shared>>
      tpu.wait_dma2 semaphore(%run_scoped3A : memref<!tpu.dma_semaphore, #tpu.memory_space<semaphore_mem>>) src(%dma_wait3A_96 : memref<125x128xf32, #tpu.memory_space<vmem_shared>>) dst(%dma_wait3A_94 : memref<125x128xf32, #tpu.memory_space<vmem>>)
      tpu.yield
    }) : () -> ()
    "tpu.region"() ({
      %run_scoped3A = tpu.sem_alloc : memref<!tpu.dma_semaphore, #tpu.memory_space<semaphore_mem>>
      %dma_start3A = arith.constant 0 : i32
      %dma_start3A_78 = arith.constant 0 : i32
      %dma_start3A_79 = tpu.memref_slice %arg6[%dma_start3A, %dma_start3A_78] : memref<128x128xf32, #tpu.memory_space<vmem>> -> memref<125x128xf32, #tpu.memory_space<vmem>>
      %dma_start3A_80 = arith.constant 0 : i32
      %dma_start3A_81 = tpu.memref_slice %arg4[%arg0, %add3A_69, %dma_start3A_80] : memref<2x10000x128xf32, #tpu.memory_space<hbm>> -> memref<1x125x128xf32, #tpu.memory_space<hbm>>
      %dma_start3A_82 = tpu.memref_squeeze %dma_start3A_81 : memref<1x125x128xf32, #tpu.memory_space<hbm>> -> memref<125x128xf32, #tpu.memory_space<hbm>>
      %dma_start3A_83 = arith.constant 0 : i32
      %dma_start3A_84 = tpu.memref_slice %arg4[%arg0, %add3A_69, %dma_start3A_83] : memref<2x10000x128xf32, #tpu.memory_space<hbm>> -> memref<1x125x128xf32, #tpu.memory_space<hbm>>
      %dma_start3A_85 = tpu.memref_squeeze %dma_start3A_84 : memref<1x125x128xf32, #tpu.memory_space<hbm>> -> memref<125x128xf32, #tpu.memory_space<hbm>>
      %dma_start3A_86 = arith.constant 0 : i32
      %dma_start3A_87 = arith.constant 0 : i32
      %dma_start3A_88 = tpu.memref_slice %arg6[%dma_start3A_86, %dma_start3A_87] : memref<128x128xf32, #tpu.memory_space<vmem>> -> memref<125x128xf32, #tpu.memory_space<vmem>>
      tpu.enqueue_dma source(%dma_start3A_88 : memref<125x128xf32, #tpu.memory_space<vmem>>) target(%dma_start3A_85 : memref<125x128xf32, #tpu.memory_space<hbm>>) target_semaphore(%run_scoped3A : memref<!tpu.dma_semaphore, #tpu.memory_space<semaphore_mem>>)
      %dma_wait3A_89 = arith.constant 0 : i32
      %dma_wait3A_90 = arith.constant 0 : i32
      %dma_wait3A_91 = tpu.memref_slice %arg6[%dma_wait3A_89, %dma_wait3A_90] : memref<128x128xf32, #tpu.memory_space<vmem>> -> memref<125x128xf32, #tpu.memory_space<vmem>>
      %dma_wait3A_92 = arith.constant 0 : i32
      %dma_wait3A_93 = tpu.memref_slice %arg4[%arg0, %add3A_69, %dma_wait3A_92] : memref<2x10000x128xf32, #tpu.memory_space<hbm>> -> memref<1x125x128xf32, #tpu.memory_space<hbm>>
      %dma_wait3A_94 = tpu.memref_squeeze %dma_wait3A_93 : memref<1x125x128xf32, #tpu.memory_space<hbm>> -> memref<125x128xf32, #tpu.memory_space<hbm>>
      %dma_wait3A_95 = arith.constant 0 : i32
      %dma_wait3A_96 = tpu.memref_slice %arg4[%arg0, %add3A_69, %dma_wait3A_95] : memref<2x10000x128xf32, #tpu.memory_space<hbm>> -> memref<1x125x128xf32, #tpu.memory_space<hbm>>
      %dma_wait3A_97 = tpu.memref_squeeze %dma_wait3A_96 : memref<1x125x128xf32, #tpu.memory_space<hbm>> -> memref<125x128xf32, #tpu.memory_space<hbm>>
      %dma_wait3A_98 = arith.constant 0 : i32
      %dma_wait3A_99 = arith.constant 0 : i32
      %dma_wait3A_100 = tpu.memref_slice %arg6[%dma_wait3A_98, %dma_wait3A_99] : memref<128x128xf32, #tpu.memory_space<vmem>> -> memref<125x128xf32, #tpu.memory_space<vmem>>
      tpu.wait_dma2 semaphore(%run_scoped3A : memref<!tpu.dma_semaphore, #tpu.memory_space<semaphore_mem>>) src(%dma_wait3A_100 : memref<125x128xf32, #tpu.memory_space<vmem>>) dst(%dma_wait3A_97 : memref<125x128xf32, #tpu.memory_space<hbm>>)
      tpu.yield
    }) : () -> ()
    %mul3A_70 = arith.constant 625 : i32
    %mul3A_71 = arith.muli %arg1, %mul3A_70 : i32
    %add3A_72 = arith.constant 375 : i32
    %add3A_73 = arith.addi %mul3A_71, %add3A_72 : i32
    "tpu.region"() ({
      %run_scoped3A = tpu.sem_alloc : memref<!tpu.dma_semaphore, #tpu.memory_space<semaphore_mem>>
      %dma_start3A = arith.constant 0 : i32
      %dma_start3A_78 = arith.constant 0 : i32
      %dma_start3A_79 = tpu.memref_slice %arg6[%dma_start3A, %dma_start3A_78] : memref<128x128xf32, #tpu.memory_space<vmem>> -> memref<125x128xf32, #tpu.memory_space<vmem>>
      %dma_start3A_80 = arith.constant 0 : i32
      %dma_start3A_81 = tpu.memref_slice %arg8[%add3A_73, %dma_start3A_80] : memref<10000x128xf32, #tpu.memory_space<vmem_shared>> -> memref<125x128xf32, #tpu.memory_space<vmem_shared>>
      %dma_start3A_82 = arith.constant 0 : i32
      %dma_start3A_83 = arith.constant 0 : i32
      %dma_start3A_84 = tpu.memref_slice %arg6[%dma_start3A_82, %dma_start3A_83] : memref<128x128xf32, #tpu.memory_space<vmem>> -> memref<125x128xf32, #tpu.memory_space<vmem>>
      %dma_start3A_85 = arith.constant 0 : i32
      %dma_start3A_86 = tpu.memref_slice %arg8[%add3A_73, %dma_start3A_85] : memref<10000x128xf32, #tpu.memory_space<vmem_shared>> -> memref<125x128xf32, #tpu.memory_space<vmem_shared>>
      tpu.enqueue_dma source(%dma_start3A_86 : memref<125x128xf32, #tpu.memory_space<vmem_shared>>) target(%dma_start3A_84 : memref<125x128xf32, #tpu.memory_space<vmem>>) target_semaphore(%run_scoped3A : memref<!tpu.dma_semaphore, #tpu.memory_space<semaphore_mem>>)
      %dma_wait3A_87 = arith.constant 0 : i32
      %dma_wait3A_88 = arith.constant 0 : i32
      %dma_wait3A_89 = tpu.memref_slice %arg6[%dma_wait3A_87, %dma_wait3A_88] : memref<128x128xf32, #tpu.memory_space<vmem>> -> memref<125x128xf32, #tpu.memory_space<vmem>>
      %dma_wait3A_90 = arith.constant 0 : i32
      %dma_wait3A_91 = tpu.memref_slice %arg8[%add3A_73, %dma_wait3A_90] : memref<10000x128xf32, #tpu.memory_space<vmem_shared>> -> memref<125x128xf32, #tpu.memory_space<vmem_shared>>
      %dma_wait3A_92 = arith.constant 0 : i32
      %dma_wait3A_93 = arith.constant 0 : i32
      %dma_wait3A_94 = tpu.memref_slice %arg6[%dma_wait3A_92, %dma_wait3A_93] : memref<128x128xf32, #tpu.memory_space<vmem>> -> memref<125x128xf32, #tpu.memory_space<vmem>>
      %dma_wait3A_95 = arith.constant 0 : i32
      %dma_wait3A_96 = tpu.memref_slice %arg8[%add3A_73, %dma_wait3A_95] : memref<10000x128xf32, #tpu.memory_space<vmem_shared>> -> memref<125x128xf32, #tpu.memory_space<vmem_shared>>
      tpu.wait_dma2 semaphore(%run_scoped3A : memref<!tpu.dma_semaphore, #tpu.memory_space<semaphore_mem>>) src(%dma_wait3A_96 : memref<125x128xf32, #tpu.memory_space<vmem_shared>>) dst(%dma_wait3A_94 : memref<125x128xf32, #tpu.memory_space<vmem>>)
      tpu.yield
    }) : () -> ()
    "tpu.region"() ({
      %run_scoped3A = tpu.sem_alloc : memref<!tpu.dma_semaphore, #tpu.memory_space<semaphore_mem>>
      %dma_start3A = arith.constant 0 : i32
      %dma_start3A_78 = arith.constant 0 : i32
      %dma_start3A_79 = tpu.memref_slice %arg6[%dma_start3A, %dma_start3A_78] : memref<128x128xf32, #tpu.memory_space<vmem>> -> memref<125x128xf32, #tpu.memory_space<vmem>>
      %dma_start3A_80 = arith.constant 0 : i32
      %dma_start3A_81 = tpu.memref_slice %arg4[%arg0, %add3A_73, %dma_start3A_80] : memref<2x10000x128xf32, #tpu.memory_space<hbm>> -> memref<1x125x128xf32, #tpu.memory_space<hbm>>
      %dma_start3A_82 = tpu.memref_squeeze %dma_start3A_81 : memref<1x125x128xf32, #tpu.memory_space<hbm>> -> memref<125x128xf32, #tpu.memory_space<hbm>>
      %dma_start3A_83 = arith.constant 0 : i32
      %dma_start3A_84 = tpu.memref_slice %arg4[%arg0, %add3A_73, %dma_start3A_83] : memref<2x10000x128xf32, #tpu.memory_space<hbm>> -> memref<1x125x128xf32, #tpu.memory_space<hbm>>
      %dma_start3A_85 = tpu.memref_squeeze %dma_start3A_84 : memref<1x125x128xf32, #tpu.memory_space<hbm>> -> memref<125x128xf32, #tpu.memory_space<hbm>>
      %dma_start3A_86 = arith.constant 0 : i32
      %dma_start3A_87 = arith.constant 0 : i32
      %dma_start3A_88 = tpu.memref_slice %arg6[%dma_start3A_86, %dma_start3A_87] : memref<128x128xf32, #tpu.memory_space<vmem>> -> memref<125x128xf32, #tpu.memory_space<vmem>>
      tpu.enqueue_dma source(%dma_start3A_88 : memref<125x128xf32, #tpu.memory_space<vmem>>) target(%dma_start3A_85 : memref<125x128xf32, #tpu.memory_space<hbm>>) target_semaphore(%run_scoped3A : memref<!tpu.dma_semaphore, #tpu.memory_space<semaphore_mem>>)
      %dma_wait3A_89 = arith.constant 0 : i32
      %dma_wait3A_90 = arith.constant 0 : i32
      %dma_wait3A_91 = tpu.memref_slice %arg6[%dma_wait3A_89, %dma_wait3A_90] : memref<128x128xf32, #tpu.memory_space<vmem>> -> memref<125x128xf32, #tpu.memory_space<vmem>>
      %dma_wait3A_92 = arith.constant 0 : i32
      %dma_wait3A_93 = tpu.memref_slice %arg4[%arg0, %add3A_73, %dma_wait3A_92] : memref<2x10000x128xf32, #tpu.memory_space<hbm>> -> memref<1x125x128xf32, #tpu.memory_space<hbm>>
      %dma_wait3A_94 = tpu.memref_squeeze %dma_wait3A_93 : memref<1x125x128xf32, #tpu.memory_space<hbm>> -> memref<125x128xf32, #tpu.memory_space<hbm>>
      %dma_wait3A_95 = arith.constant 0 : i32
      %dma_wait3A_96 = tpu.memref_slice %arg4[%arg0, %add3A_73, %dma_wait3A_95] : memref<2x10000x128xf32, #tpu.memory_space<hbm>> -> memref<1x125x128xf32, #tpu.memory_space<hbm>>
      %dma_wait3A_97 = tpu.memref_squeeze %dma_wait3A_96 : memref<1x125x128xf32, #tpu.memory_space<hbm>> -> memref<125x128xf32, #tpu.memory_space<hbm>>
      %dma_wait3A_98 = arith.constant 0 : i32
      %dma_wait3A_99 = arith.constant 0 : i32
      %dma_wait3A_100 = tpu.memref_slice %arg6[%dma_wait3A_98, %dma_wait3A_99] : memref<128x128xf32, #tpu.memory_space<vmem>> -> memref<125x128xf32, #tpu.memory_space<vmem>>
      tpu.wait_dma2 semaphore(%run_scoped3A : memref<!tpu.dma_semaphore, #tpu.memory_space<semaphore_mem>>) src(%dma_wait3A_100 : memref<125x128xf32, #tpu.memory_space<vmem>>) dst(%dma_wait3A_97 : memref<125x128xf32, #tpu.memory_space<hbm>>)
      tpu.yield
    }) : () -> ()
    %mul3A_74 = arith.constant 625 : i32
    %mul3A_75 = arith.muli %arg1, %mul3A_74 : i32
    %add3A_76 = arith.constant 500 : i32
    %add3A_77 = arith.addi %mul3A_75, %add3A_76 : i32
    "tpu.region"() ({
      %run_scoped3A = tpu.sem_alloc : memref<!tpu.dma_semaphore, #tpu.memory_space<semaphore_mem>>
      %dma_start3A = arith.constant 0 : i32
      %dma_start3A_78 = arith.constant 0 : i32
      %dma_start3A_79 = tpu.memref_slice %arg6[%dma_start3A, %dma_start3A_78] : memref<128x128xf32, #tpu.memory_space<vmem>> -> memref<125x128xf32, #tpu.memory_space<vmem>>
      %dma_start3A_80 = arith.constant 0 : i32
      %dma_start3A_81 = tpu.memref_slice %arg8[%add3A_77, %dma_start3A_80] : memref<10000x128xf32, #tpu.memory_space<vmem_shared>> -> memref<125x128xf32, #tpu.memory_space<vmem_shared>>
      %dma_start3A_82 = arith.constant 0 : i32
      %dma_start3A_83 = arith.constant 0 : i32
      %dma_start3A_84 = tpu.memref_slice %arg6[%dma_start3A_82, %dma_start3A_83] : memref<128x128xf32, #tpu.memory_space<vmem>> -> memref<125x128xf32, #tpu.memory_space<vmem>>
      %dma_start3A_85 = arith.constant 0 : i32
      %dma_start3A_86 = tpu.memref_slice %arg8[%add3A_77, %dma_start3A_85] : memref<10000x128xf32, #tpu.memory_space<vmem_shared>> -> memref<125x128xf32, #tpu.memory_space<vmem_shared>>
      tpu.enqueue_dma source(%dma_start3A_86 : memref<125x128xf32, #tpu.memory_space<vmem_shared>>) target(%dma_start3A_84 : memref<125x128xf32, #tpu.memory_space<vmem>>) target_semaphore(%run_scoped3A : memref<!tpu.dma_semaphore, #tpu.memory_space<semaphore_mem>>)
      %dma_wait3A_87 = arith.constant 0 : i32
      %dma_wait3A_88 = arith.constant 0 : i32
      %dma_wait3A_89 = tpu.memref_slice %arg6[%dma_wait3A_87, %dma_wait3A_88] : memref<128x128xf32, #tpu.memory_space<vmem>> -> memref<125x128xf32, #tpu.memory_space<vmem>>
      %dma_wait3A_90 = arith.constant 0 : i32
      %dma_wait3A_91 = tpu.memref_slice %arg8[%add3A_77, %dma_wait3A_90] : memref<10000x128xf32, #tpu.memory_space<vmem_shared>> -> memref<125x128xf32, #tpu.memory_space<vmem_shared>>
      %dma_wait3A_92 = arith.constant 0 : i32
      %dma_wait3A_93 = arith.constant 0 : i32
      %dma_wait3A_94 = tpu.memref_slice %arg6[%dma_wait3A_92, %dma_wait3A_93] : memref<128x128xf32, #tpu.memory_space<vmem>> -> memref<125x128xf32, #tpu.memory_space<vmem>>
      %dma_wait3A_95 = arith.constant 0 : i32
      %dma_wait3A_96 = tpu.memref_slice %arg8[%add3A_77, %dma_wait3A_95] : memref<10000x128xf32, #tpu.memory_space<vmem_shared>> -> memref<125x128xf32, #tpu.memory_space<vmem_shared>>
      tpu.wait_dma2 semaphore(%run_scoped3A : memref<!tpu.dma_semaphore, #tpu.memory_space<semaphore_mem>>) src(%dma_wait3A_96 : memref<125x128xf32, #tpu.memory_space<vmem_shared>>) dst(%dma_wait3A_94 : memref<125x128xf32, #tpu.memory_space<vmem>>)
      tpu.yield
    }) : () -> ()
    "tpu.region"() ({
      %run_scoped3A = tpu.sem_alloc : memref<!tpu.dma_semaphore, #tpu.memory_space<semaphore_mem>>
      %dma_start3A = arith.constant 0 : i32
      %dma_start3A_78 = arith.constant 0 : i32
      %dma_start3A_79 = tpu.memref_slice %arg6[%dma_start3A, %dma_start3A_78] : memref<128x128xf32, #tpu.memory_space<vmem>> -> memref<125x128xf32, #tpu.memory_space<vmem>>
      %dma_start3A_80 = arith.constant 0 : i32
      %dma_start3A_81 = tpu.memref_slice %arg4[%arg0, %add3A_77, %dma_start3A_80] : memref<2x10000x128xf32, #tpu.memory_space<hbm>> -> memref<1x125x128xf32, #tpu.memory_space<hbm>>
      %dma_start3A_82 = tpu.memref_squeeze %dma_start3A_81 : memref<1x125x128xf32, #tpu.memory_space<hbm>> -> memref<125x128xf32, #tpu.memory_space<hbm>>
      %dma_start3A_83 = arith.constant 0 : i32
      %dma_start3A_84 = tpu.memref_slice %arg4[%arg0, %add3A_77, %dma_start3A_83] : memref<2x10000x128xf32, #tpu.memory_space<hbm>> -> memref<1x125x128xf32, #tpu.memory_space<hbm>>
      %dma_start3A_85 = tpu.memref_squeeze %dma_start3A_84 : memref<1x125x128xf32, #tpu.memory_space<hbm>> -> memref<125x128xf32, #tpu.memory_space<hbm>>
      %dma_start3A_86 = arith.constant 0 : i32
      %dma_start3A_87 = arith.constant 0 : i32
      %dma_start3A_88 = tpu.memref_slice %arg6[%dma_start3A_86, %dma_start3A_87] : memref<128x128xf32, #tpu.memory_space<vmem>> -> memref<125x128xf32, #tpu.memory_space<vmem>>
      tpu.enqueue_dma source(%dma_start3A_88 : memref<125x128xf32, #tpu.memory_space<vmem>>) target(%dma_start3A_85 : memref<125x128xf32, #tpu.memory_space<hbm>>) target_semaphore(%run_scoped3A : memref<!tpu.dma_semaphore, #tpu.memory_space<semaphore_mem>>)
      %dma_wait3A_89 = arith.constant 0 : i32
      %dma_wait3A_90 = arith.constant 0 : i32
      %dma_wait3A_91 = tpu.memref_slice %arg6[%dma_wait3A_89, %dma_wait3A_90] : memref<128x128xf32, #tpu.memory_space<vmem>> -> memref<125x128xf32, #tpu.memory_space<vmem>>
      %dma_wait3A_92 = arith.constant 0 : i32
      %dma_wait3A_93 = tpu.memref_slice %arg4[%arg0, %add3A_77, %dma_wait3A_92] : memref<2x10000x128xf32, #tpu.memory_space<hbm>> -> memref<1x125x128xf32, #tpu.memory_space<hbm>>
      %dma_wait3A_94 = tpu.memref_squeeze %dma_wait3A_93 : memref<1x125x128xf32, #tpu.memory_space<hbm>> -> memref<125x128xf32, #tpu.memory_space<hbm>>
      %dma_wait3A_95 = arith.constant 0 : i32
      %dma_wait3A_96 = tpu.memref_slice %arg4[%arg0, %add3A_77, %dma_wait3A_95] : memref<2x10000x128xf32, #tpu.memory_space<hbm>> -> memref<1x125x128xf32, #tpu.memory_space<hbm>>
      %dma_wait3A_97 = tpu.memref_squeeze %dma_wait3A_96 : memref<1x125x128xf32, #tpu.memory_space<hbm>> -> memref<125x128xf32, #tpu.memory_space<hbm>>
      %dma_wait3A_98 = arith.constant 0 : i32
      %dma_wait3A_99 = arith.constant 0 : i32
      %dma_wait3A_100 = tpu.memref_slice %arg6[%dma_wait3A_98, %dma_wait3A_99] : memref<128x128xf32, #tpu.memory_space<vmem>> -> memref<125x128xf32, #tpu.memory_space<vmem>>
      tpu.wait_dma2 semaphore(%run_scoped3A : memref<!tpu.dma_semaphore, #tpu.memory_space<semaphore_mem>>) src(%dma_wait3A_100 : memref<125x128xf32, #tpu.memory_space<vmem>>) dst(%dma_wait3A_97 : memref<125x128xf32, #tpu.memory_space<hbm>>)
      tpu.yield
    }) : () -> ()
    return
  }
}

#map = affine_map<(d0, d1) -> (0, 0)>
#map1 = affine_map<(d0, d1) -> (0, 0, 0)>
module attributes {stable_mosaic.version = 14 : i64} {
  func.func @_sc_scatter_body(%arg0: i32, %arg1: i32, %arg2: memref<160000x128xf32, #tpu.memory_space<hbm>>, %arg3: memref<1250x128xi32, #tpu.memory_space<hbm>>, %arg4: memref<2x10000x128xf32, #tpu.memory_space<hbm>>, %arg5: memref<40x128xi32, #tpu.memory_space<vmem>>, %arg6: memref<128x128xf32, #tpu.memory_space<vmem>>, %arg7: memref<128x128xf32, #tpu.memory_space<vmem>>, %arg8: memref<10000x128xf32, #tpu.memory_space<vmem_shared>>, %arg9: memref<!tpu.dma_semaphore, #tpu.memory_space<semaphore_mem>>, %arg10: memref<!tpu.dma_semaphore, #tpu.memory_space<semaphore_mem>>, %arg11: memref<!tpu.dma_semaphore, #tpu.memory_space<semaphore_mem>>, %arg12: memref<!tpu.dma_semaphore, #tpu.memory_space<semaphore_mem>>) attributes {dimension_semantics = [#tpu.dimension_semantics<core_parallel>, #tpu.dimension_semantics<subcore_parallel>], iteration_bounds = array<i64: 2, 16>, scalar_prefetch = 0 : i64, scratch_operands = 8 : i64, tpu.core_type = #tpu.core_type<sc_vector_subcore>, window_params = [{transform_indices = #map}, {transform_indices = #map}, {transform_indices = #map1}]} {
    %mul3A = arith.constant 2 : i32
    %mul3A_0 = arith.muli %arg1, %mul3A : i32
    %add3A = arith.addi %mul3A_0, %arg0 : i32
    %mul3A_1 = arith.constant 39 : i32
    %mul3A_2 = arith.muli %mul3A_1, %add3A : i32
    %min3A = arith.constant 2 : i32
    %min3A_3 = arith.minsi %add3A, %min3A : i32
    %add3A_4 = arith.addi %mul3A_2, %min3A_3 : i32
    %lt3A = arith.constant 2 : i32
    %lt3A_5 = arith.cmpi slt, %add3A, %lt3A : i32
    %jit3A = arith.constant 40 : i32
    %jit3A_6 = arith.constant 39 : i32
    %select_n3A = arith.select %lt3A_5, %jit3A, %jit3A_6 : i32
    %eq3A = arith.constant 40 : i32
    %eq3A_7 = arith.cmpi eq, %select_n3A, %eq3A : i32
    %convert_element_type3A = arith.extui %eq3A_7 : i1 to i32
    %cond3A = arith.constant 0 : i32
    %cond3A_8 = arith.cmpi ne, %convert_element_type3A, %cond3A : i32
    scf.if %cond3A_8 {
      "tpu.region"() ({
        %run_scoped3A = tpu.sem_alloc : memref<!tpu.dma_semaphore, #tpu.memory_space<semaphore_mem>>
        %dma_start3A = arith.constant 0 : i32
        %dma_start3A_78 = tpu.memref_slice %arg3[%add3A_4, %dma_start3A] : memref<1250x128xi32, #tpu.memory_space<hbm>> -> memref<40x128xi32, #tpu.memory_space<hbm>>
        %dma_start3A_79 = arith.constant 0 : i32
        %dma_start3A_80 = tpu.memref_slice %arg3[%add3A_4, %dma_start3A_79] : memref<1250x128xi32, #tpu.memory_space<hbm>> -> memref<40x128xi32, #tpu.memory_space<hbm>>
        tpu.enqueue_dma source(%dma_start3A_80 : memref<40x128xi32, #tpu.memory_space<hbm>>) target(%arg5 : memref<40x128xi32, #tpu.memory_space<vmem>>) target_semaphore(%run_scoped3A : memref<!tpu.dma_semaphore, #tpu.memory_space<semaphore_mem>>)
        %dma_wait3A_81 = arith.constant 0 : i32
        %dma_wait3A_82 = tpu.memref_slice %arg3[%add3A_4, %dma_wait3A_81] : memref<1250x128xi32, #tpu.memory_space<hbm>> -> memref<40x128xi32, #tpu.memory_space<hbm>>
        %dma_wait3A_83 = arith.constant 0 : i32
        %dma_wait3A_84 = tpu.memref_slice %arg3[%add3A_4, %dma_wait3A_83] : memref<1250x128xi32, #tpu.memory_space<hbm>> -> memref<40x128xi32, #tpu.memory_space<hbm>>
        tpu.wait_dma2 semaphore(%run_scoped3A : memref<!tpu.dma_semaphore, #tpu.memory_space<semaphore_mem>>) src(%dma_wait3A_84 : memref<40x128xi32, #tpu.memory_space<hbm>>) dst(%arg5 : memref<40x128xi32, #tpu.memory_space<vmem>>)
        tpu.yield
      }) : () -> ()
    } else {
    }
    %lt3A_9 = arith.constant 40 : i32
    %lt3A_10 = arith.cmpi slt, %select_n3A, %lt3A_9 : i32
    %convert_element_type3A_11 = arith.extui %lt3A_10 : i1 to i32
    %cond3A_12 = arith.constant 0 : i32
    %cond3A_13 = arith.cmpi ne, %convert_element_type3A_11, %cond3A_12 : i32
    scf.if %cond3A_13 {
      "tpu.region"() ({
        %run_scoped3A = tpu.sem_alloc : memref<!tpu.dma_semaphore, #tpu.memory_space<semaphore_mem>>
        %dma_start3A = arith.constant 0 : i32
        %dma_start3A_78 = arith.constant 0 : i32
        %dma_start3A_79 = tpu.memref_slice %arg5[%dma_start3A, %dma_start3A_78] : memref<40x128xi32, #tpu.memory_space<vmem>> -> memref<39x128xi32, #tpu.memory_space<vmem>>
        %dma_start3A_80 = arith.constant 0 : i32
        %dma_start3A_81 = tpu.memref_slice %arg3[%add3A_4, %dma_start3A_80] : memref<1250x128xi32, #tpu.memory_space<hbm>> -> memref<39x128xi32, #tpu.memory_space<hbm>>
        %dma_start3A_82 = arith.constant 0 : i32
        %dma_start3A_83 = arith.constant 0 : i32
        %dma_start3A_84 = tpu.memref_slice %arg5[%dma_start3A_82, %dma_start3A_83] : memref<40x128xi32, #tpu.memory_space<vmem>> -> memref<39x128xi32, #tpu.memory_space<vmem>>
        %dma_start3A_85 = arith.constant 0 : i32
        %dma_start3A_86 = tpu.memref_slice %arg3[%add3A_4, %dma_start3A_85] : memref<1250x128xi32, #tpu.memory_space<hbm>> -> memref<39x128xi32, #tpu.memory_space<hbm>>
        tpu.enqueue_dma source(%dma_start3A_86 : memref<39x128xi32, #tpu.memory_space<hbm>>) target(%dma_start3A_84 : memref<39x128xi32, #tpu.memory_space<vmem>>) target_semaphore(%run_scoped3A : memref<!tpu.dma_semaphore, #tpu.memory_space<semaphore_mem>>)
        %dma_wait3A_87 = arith.constant 0 : i32
        %dma_wait3A_88 = arith.constant 0 : i32
        %dma_wait3A_89 = tpu.memref_slice %arg5[%dma_wait3A_87, %dma_wait3A_88] : memref<40x128xi32, #tpu.memory_space<vmem>> -> memref<39x128xi32, #tpu.memory_space<vmem>>
        %dma_wait3A_90 = arith.constant 0 : i32
        %dma_wait3A_91 = tpu.memref_slice %arg3[%add3A_4, %dma_wait3A_90] : memref<1250x128xi32, #tpu.memory_space<hbm>> -> memref<39x128xi32, #tpu.memory_space<hbm>>
        %dma_wait3A_92 = arith.constant 0 : i32
        %dma_wait3A_93 = arith.constant 0 : i32
        %dma_wait3A_94 = tpu.memref_slice %arg5[%dma_wait3A_92, %dma_wait3A_93] : memref<40x128xi32, #tpu.memory_space<vmem>> -> memref<39x128xi32, #tpu.memory_space<vmem>>
        %dma_wait3A_95 = arith.constant 0 : i32
        %dma_wait3A_96 = tpu.memref_slice %arg3[%add3A_4, %dma_wait3A_95] : memref<1250x128xi32, #tpu.memory_space<hbm>> -> memref<39x128xi32, #tpu.memory_space<hbm>>
        tpu.wait_dma2 semaphore(%run_scoped3A : memref<!tpu.dma_semaphore, #tpu.memory_space<semaphore_mem>>) src(%dma_wait3A_96 : memref<39x128xi32, #tpu.memory_space<hbm>>) dst(%dma_wait3A_94 : memref<39x128xi32, #tpu.memory_space<vmem>>)
        tpu.yield
      }) : () -> ()
    } else {
    }
    %broadcast_in_dim3A = arith.constant 0.000000e+00 : f32
    %broadcast_in_dim3A_14 = vector.broadcast %broadcast_in_dim3A : f32 to vector<16xf32>
    %scan3A = arith.constant 0 : i32
    %scan3A_15 = arith.constant 125 : i32
    %scan3A_16 = arith.addi %scan3A, %scan3A_15 : i32
    %scan3A_17 = arith.constant 1 : i32
    scf.for %scan3A_78 = %scan3A to %scan3A_16 step %scan3A_17  : i32 {
      %mul3A_79 = arith.constant 1 : i32
      %mul3A_80 = arith.muli %scan3A_78, %mul3A_79 : i32
      %add3A_81 = arith.constant 0 : i32
      %add3A_82 = arith.addi %add3A_81, %mul3A_80 : i32
      %swap3A = arith.index_cast %add3A_82 : i32 to index
      %swap3A_83 = arith.constant 0 : index
      %swap3A_84 = tpu.vector_load %arg6[%swap3A, %swap3A_83] {strides = array<i32>} : memref<128x128xf32, #tpu.memory_space<vmem>>, vector<1x16xf32>,
      %swap3A_85 = vector.shape_cast %swap3A_84 : vector<1x16xf32> to vector<16xf32>
      %swap3A_86 = vector.shape_cast %broadcast_in_dim3A_14 : vector<16xf32> to vector<1x16xf32>
      tpu.vector_store %arg6[%swap3A, %swap3A_83], %swap3A_86 {strides = array<i32>} : memref<128x128xf32, #tpu.memory_space<vmem>>, vector<1x16xf32>,
      %swap3A_87 = arith.index_cast %add3A_82 : i32 to index
      %swap3A_88 = arith.constant 16 : index
      %swap3A_89 = tpu.vector_load %arg6[%swap3A_87, %swap3A_88] {strides = array<i32>} : memref<128x128xf32, #tpu.memory_space<vmem>>, vector<1x16xf32>,
      %swap3A_90 = vector.shape_cast %swap3A_89 : vector<1x16xf32> to vector<16xf32>
      %swap3A_91 = vector.shape_cast %broadcast_in_dim3A_14 : vector<16xf32> to vector<1x16xf32>
      tpu.vector_store %arg6[%swap3A_87, %swap3A_88], %swap3A_91 {strides = array<i32>} : memref<128x128xf32, #tpu.memory_space<vmem>>, vector<1x16xf32>,
      %swap3A_92 = arith.index_cast %add3A_82 : i32 to index
      %swap3A_93 = arith.constant 32 : index
      %swap3A_94 = tpu.vector_load %arg6[%swap3A_92, %swap3A_93] {strides = array<i32>} : memref<128x128xf32, #tpu.memory_space<vmem>>, vector<1x16xf32>,
      %swap3A_95 = vector.shape_cast %swap3A_94 : vector<1x16xf32> to vector<16xf32>
      %swap3A_96 = vector.shape_cast %broadcast_in_dim3A_14 : vector<16xf32> to vector<1x16xf32>
      tpu.vector_store %arg6[%swap3A_92, %swap3A_93], %swap3A_96 {strides = array<i32>} : memref<128x128xf32, #tpu.memory_space<vmem>>, vector<1x16xf32>,
      %swap3A_97 = arith.index_cast %add3A_82 : i32 to index
      %swap3A_98 = arith.constant 48 : index
      %swap3A_99 = tpu.vector_load %arg6[%swap3A_97, %swap3A_98] {strides = array<i32>} : memref<128x128xf32, #tpu.memory_space<vmem>>, vector<1x16xf32>,
      %swap3A_100 = vector.shape_cast %swap3A_99 : vector<1x16xf32> to vector<16xf32>
      %swap3A_101 = vector.shape_cast %broadcast_in_dim3A_14 : vector<16xf32> to vector<1x16xf32>
      tpu.vector_store %arg6[%swap3A_97, %swap3A_98], %swap3A_101 {strides = array<i32>} : memref<128x128xf32, #tpu.memory_space<vmem>>, vector<1x16xf32>,
      %swap3A_102 = arith.index_cast %add3A_82 : i32 to index
      %swap3A_103 = arith.constant 64 : index
      %swap3A_104 = tpu.vector_load %arg6[%swap3A_102, %swap3A_103] {strides = array<i32>} : memref<128x128xf32, #tpu.memory_space<vmem>>, vector<1x16xf32>,
      %swap3A_105 = vector.shape_cast %swap3A_104 : vector<1x16xf32> to vector<16xf32>
      %swap3A_106 = vector.shape_cast %broadcast_in_dim3A_14 : vector<16xf32> to vector<1x16xf32>
      tpu.vector_store %arg6[%swap3A_102, %swap3A_103], %swap3A_106 {strides = array<i32>} : memref<128x128xf32, #tpu.memory_space<vmem>>, vector<1x16xf32>,
      %swap3A_107 = arith.index_cast %add3A_82 : i32 to index
      %swap3A_108 = arith.constant 80 : index
      %swap3A_109 = tpu.vector_load %arg6[%swap3A_107, %swap3A_108] {strides = array<i32>} : memref<128x128xf32, #tpu.memory_space<vmem>>, vector<1x16xf32>,
      %swap3A_110 = vector.shape_cast %swap3A_109 : vector<1x16xf32> to vector<16xf32>
      %swap3A_111 = vector.shape_cast %broadcast_in_dim3A_14 : vector<16xf32> to vector<1x16xf32>
      tpu.vector_store %arg6[%swap3A_107, %swap3A_108], %swap3A_111 {strides = array<i32>} : memref<128x128xf32, #tpu.memory_space<vmem>>, vector<1x16xf32>,
      %swap3A_112 = arith.index_cast %add3A_82 : i32 to index
      %swap3A_113 = arith.constant 96 : index
      %swap3A_114 = tpu.vector_load %arg6[%swap3A_112, %swap3A_113] {strides = array<i32>} : memref<128x128xf32, #tpu.memory_space<vmem>>, vector<1x16xf32>,
      %swap3A_115 = vector.shape_cast %swap3A_114 : vector<1x16xf32> to vector<16xf32>
      %swap3A_116 = vector.shape_cast %broadcast_in_dim3A_14 : vector<16xf32> to vector<1x16xf32>
      tpu.vector_store %arg6[%swap3A_112, %swap3A_113], %swap3A_116 {strides = array<i32>} : memref<128x128xf32, #tpu.memory_space<vmem>>, vector<1x16xf32>,
      %swap3A_117 = arith.index_cast %add3A_82 : i32 to index
      %swap3A_118 = arith.constant 112 : index
      %swap3A_119 = tpu.vector_load %arg6[%swap3A_117, %swap3A_118] {strides = array<i32>} : memref<128x128xf32, #tpu.memory_space<vmem>>, vector<1x16xf32>,
      %swap3A_120 = vector.shape_cast %swap3A_119 : vector<1x16xf32> to vector<16xf32>
      %swap3A_121 = vector.shape_cast %broadcast_in_dim3A_14 : vector<16xf32> to vector<1x16xf32>
      tpu.vector_store %arg6[%swap3A_117, %swap3A_118], %swap3A_121 {strides = array<i32>} : memref<128x128xf32, #tpu.memory_space<vmem>>, vector<1x16xf32>,
    }
    %scan3A_18 = arith.constant 125 : i32
    %mul3A_19 = arith.constant 625 : i32
    %mul3A_20 = arith.muli %arg1, %mul3A_19 : i32
    %add3A_21 = arith.constant 0 : i32
    %add3A_22 = arith.addi %mul3A_20, %add3A_21 : i32
    "tpu.region"() ({
      %run_scoped3A = tpu.sem_alloc : memref<!tpu.dma_semaphore, #tpu.memory_space<semaphore_mem>>
      %dma_start3A = arith.constant 0 : i32
      %dma_start3A_78 = arith.constant 0 : i32
      %dma_start3A_79 = tpu.memref_slice %arg6[%dma_start3A, %dma_start3A_78] : memref<128x128xf32, #tpu.memory_space<vmem>> -> memref<125x128xf32, #tpu.memory_space<vmem>>
      %dma_start3A_80 = arith.constant 0 : i32
      %dma_start3A_81 = tpu.memref_slice %arg8[%add3A_22, %dma_start3A_80] : memref<10000x128xf32, #tpu.memory_space<vmem_shared>> -> memref<125x128xf32, #tpu.memory_space<vmem_shared>>
      %dma_start3A_82 = arith.constant 0 : i32
      %dma_start3A_83 = tpu.memref_slice %arg8[%add3A_22, %dma_start3A_82] : memref<10000x128xf32, #tpu.memory_space<vmem_shared>> -> memref<125x128xf32, #tpu.memory_space<vmem_shared>>
      %dma_start3A_84 = arith.constant 0 : i32
      %dma_start3A_85 = arith.constant 0 : i32
      %dma_start3A_86 = tpu.memref_slice %arg6[%dma_start3A_84, %dma_start3A_85] : memref<128x128xf32, #tpu.memory_space<vmem>> -> memref<125x128xf32, #tpu.memory_space<vmem>>
      tpu.enqueue_dma source(%dma_start3A_86 : memref<125x128xf32, #tpu.memory_space<vmem>>) target(%dma_start3A_83 : memref<125x128xf32, #tpu.memory_space<vmem_shared>>) target_semaphore(%run_scoped3A : memref<!tpu.dma_semaphore, #tpu.memory_space<semaphore_mem>>)
      %dma_wait3A_87 = arith.constant 0 : i32
      %dma_wait3A_88 = arith.constant 0 : i32
      %dma_wait3A_89 = tpu.memref_slice %arg6[%dma_wait3A_87, %dma_wait3A_88] : memref<128x128xf32, #tpu.memory_space<vmem>> -> memref<125x128xf32, #tpu.memory_space<vmem>>
      %dma_wait3A_90 = arith.constant 0 : i32
      %dma_wait3A_91 = tpu.memref_slice %arg8[%add3A_22, %dma_wait3A_90] : memref<10000x128xf32, #tpu.memory_space<vmem_shared>> -> memref<125x128xf32, #tpu.memory_space<vmem_shared>>
      %dma_wait3A_92 = arith.constant 0 : i32
      %dma_wait3A_93 = tpu.memref_slice %arg8[%add3A_22, %dma_wait3A_92] : memref<10000x128xf32, #tpu.memory_space<vmem_shared>> -> memref<125x128xf32, #tpu.memory_space<vmem_shared>>
      %dma_wait3A_94 = arith.constant 0 : i32
      %dma_wait3A_95 = arith.constant 0 : i32
      %dma_wait3A_96 = tpu.memref_slice %arg6[%dma_wait3A_94, %dma_wait3A_95] : memref<128x128xf32, #tpu.memory_space<vmem>> -> memref<125x128xf32, #tpu.memory_space<vmem>>
      tpu.wait_dma2 semaphore(%run_scoped3A : memref<!tpu.dma_semaphore, #tpu.memory_space<semaphore_mem>>) src(%dma_wait3A_96 : memref<125x128xf32, #tpu.memory_space<vmem>>) dst(%dma_wait3A_93 : memref<125x128xf32, #tpu.memory_space<vmem_shared>>)
      tpu.yield
    }) : () -> ()
    %mul3A_23 = arith.constant 625 : i32
    %mul3A_24 = arith.muli %arg1, %mul3A_23 : i32
    %add3A_25 = arith.constant 125 : i32
    %add3A_26 = arith.addi %mul3A_24, %add3A_25 : i32
    "tpu.region"() ({
      %run_scoped3A = tpu.sem_alloc : memref<!tpu.dma_semaphore, #tpu.memory_space<semaphore_mem>>
      %dma_start3A = arith.constant 0 : i32
      %dma_start3A_78 = arith.constant 0 : i32
      %dma_start3A_79 = tpu.memref_slice %arg6[%dma_start3A, %dma_start3A_78] : memref<128x128xf32, #tpu.memory_space<vmem>> -> memref<125x128xf32, #tpu.memory_space<vmem>>
      %dma_start3A_80 = arith.constant 0 : i32
      %dma_start3A_81 = tpu.memref_slice %arg8[%add3A_26, %dma_start3A_80] : memref<10000x128xf32, #tpu.memory_space<vmem_shared>> -> memref<125x128xf32, #tpu.memory_space<vmem_shared>>
      %dma_start3A_82 = arith.constant 0 : i32
      %dma_start3A_83 = tpu.memref_slice %arg8[%add3A_26, %dma_start3A_82] : memref<10000x128xf32, #tpu.memory_space<vmem_shared>> -> memref<125x128xf32, #tpu.memory_space<vmem_shared>>
      %dma_start3A_84 = arith.constant 0 : i32
      %dma_start3A_85 = arith.constant 0 : i32
      %dma_start3A_86 = tpu.memref_slice %arg6[%dma_start3A_84, %dma_start3A_85] : memref<128x128xf32, #tpu.memory_space<vmem>> -> memref<125x128xf32, #tpu.memory_space<vmem>>
      tpu.enqueue_dma source(%dma_start3A_86 : memref<125x128xf32, #tpu.memory_space<vmem>>) target(%dma_start3A_83 : memref<125x128xf32, #tpu.memory_space<vmem_shared>>) target_semaphore(%run_scoped3A : memref<!tpu.dma_semaphore, #tpu.memory_space<semaphore_mem>>)
      %dma_wait3A_87 = arith.constant 0 : i32
      %dma_wait3A_88 = arith.constant 0 : i32
      %dma_wait3A_89 = tpu.memref_slice %arg6[%dma_wait3A_87, %dma_wait3A_88] : memref<128x128xf32, #tpu.memory_space<vmem>> -> memref<125x128xf32, #tpu.memory_space<vmem>>
      %dma_wait3A_90 = arith.constant 0 : i32
      %dma_wait3A_91 = tpu.memref_slice %arg8[%add3A_26, %dma_wait3A_90] : memref<10000x128xf32, #tpu.memory_space<vmem_shared>> -> memref<125x128xf32, #tpu.memory_space<vmem_shared>>
      %dma_wait3A_92 = arith.constant 0 : i32
      %dma_wait3A_93 = tpu.memref_slice %arg8[%add3A_26, %dma_wait3A_92] : memref<10000x128xf32, #tpu.memory_space<vmem_shared>> -> memref<125x128xf32, #tpu.memory_space<vmem_shared>>
      %dma_wait3A_94 = arith.constant 0 : i32
      %dma_wait3A_95 = arith.constant 0 : i32
      %dma_wait3A_96 = tpu.memref_slice %arg6[%dma_wait3A_94, %dma_wait3A_95] : memref<128x128xf32, #tpu.memory_space<vmem>> -> memref<125x128xf32, #tpu.memory_space<vmem>>
      tpu.wait_dma2 semaphore(%run_scoped3A : memref<!tpu.dma_semaphore, #tpu.memory_space<semaphore_mem>>) src(%dma_wait3A_96 : memref<125x128xf32, #tpu.memory_space<vmem>>) dst(%dma_wait3A_93 : memref<125x128xf32, #tpu.memory_space<vmem_shared>>)
      tpu.yield
    }) : () -> ()
    %mul3A_27 = arith.constant 625 : i32
    %mul3A_28 = arith.muli %arg1, %mul3A_27 : i32
    %add3A_29 = arith.constant 250 : i32
    %add3A_30 = arith.addi %mul3A_28, %add3A_29 : i32
    "tpu.region"() ({
      %run_scoped3A = tpu.sem_alloc : memref<!tpu.dma_semaphore, #tpu.memory_space<semaphore_mem>>
      %dma_start3A = arith.constant 0 : i32
      %dma_start3A_78 = arith.constant 0 : i32
      %dma_start3A_79 = tpu.memref_slice %arg6[%dma_start3A, %dma_start3A_78] : memref<128x128xf32, #tpu.memory_space<vmem>> -> memref<125x128xf32, #tpu.memory_space<vmem>>
      %dma_start3A_80 = arith.constant 0 : i32
      %dma_start3A_81 = tpu.memref_slice %arg8[%add3A_30, %dma_start3A_80] : memref<10000x128xf32, #tpu.memory_space<vmem_shared>> -> memref<125x128xf32, #tpu.memory_space<vmem_shared>>
      %dma_start3A_82 = arith.constant 0 : i32
      %dma_start3A_83 = tpu.memref_slice %arg8[%add3A_30, %dma_start3A_82] : memref<10000x128xf32, #tpu.memory_space<vmem_shared>> -> memref<125x128xf32, #tpu.memory_space<vmem_shared>>
      %dma_start3A_84 = arith.constant 0 : i32
      %dma_start3A_85 = arith.constant 0 : i32
      %dma_start3A_86 = tpu.memref_slice %arg6[%dma_start3A_84, %dma_start3A_85] : memref<128x128xf32, #tpu.memory_space<vmem>> -> memref<125x128xf32, #tpu.memory_space<vmem>>
      tpu.enqueue_dma source(%dma_start3A_86 : memref<125x128xf32, #tpu.memory_space<vmem>>) target(%dma_start3A_83 : memref<125x128xf32, #tpu.memory_space<vmem_shared>>) target_semaphore(%run_scoped3A : memref<!tpu.dma_semaphore, #tpu.memory_space<semaphore_mem>>)
      %dma_wait3A_87 = arith.constant 0 : i32
      %dma_wait3A_88 = arith.constant 0 : i32
      %dma_wait3A_89 = tpu.memref_slice %arg6[%dma_wait3A_87, %dma_wait3A_88] : memref<128x128xf32, #tpu.memory_space<vmem>> -> memref<125x128xf32, #tpu.memory_space<vmem>>
      %dma_wait3A_90 = arith.constant 0 : i32
      %dma_wait3A_91 = tpu.memref_slice %arg8[%add3A_30, %dma_wait3A_90] : memref<10000x128xf32, #tpu.memory_space<vmem_shared>> -> memref<125x128xf32, #tpu.memory_space<vmem_shared>>
      %dma_wait3A_92 = arith.constant 0 : i32
      %dma_wait3A_93 = tpu.memref_slice %arg8[%add3A_30, %dma_wait3A_92] : memref<10000x128xf32, #tpu.memory_space<vmem_shared>> -> memref<125x128xf32, #tpu.memory_space<vmem_shared>>
      %dma_wait3A_94 = arith.constant 0 : i32
      %dma_wait3A_95 = arith.constant 0 : i32
      %dma_wait3A_96 = tpu.memref_slice %arg6[%dma_wait3A_94, %dma_wait3A_95] : memref<128x128xf32, #tpu.memory_space<vmem>> -> memref<125x128xf32, #tpu.memory_space<vmem>>
      tpu.wait_dma2 semaphore(%run_scoped3A : memref<!tpu.dma_semaphore, #tpu.memory_space<semaphore_mem>>) src(%dma_wait3A_96 : memref<125x128xf32, #tpu.memory_space<vmem>>) dst(%dma_wait3A_93 : memref<125x128xf32, #tpu.memory_space<vmem_shared>>)
      tpu.yield
    }) : () -> ()
    %mul3A_31 = arith.constant 625 : i32
    %mul3A_32 = arith.muli %arg1, %mul3A_31 : i32
    %add3A_33 = arith.constant 375 : i32
    %add3A_34 = arith.addi %mul3A_32, %add3A_33 : i32
    "tpu.region"() ({
      %run_scoped3A = tpu.sem_alloc : memref<!tpu.dma_semaphore, #tpu.memory_space<semaphore_mem>>
      %dma_start3A = arith.constant 0 : i32
      %dma_start3A_78 = arith.constant 0 : i32
      %dma_start3A_79 = tpu.memref_slice %arg6[%dma_start3A, %dma_start3A_78] : memref<128x128xf32, #tpu.memory_space<vmem>> -> memref<125x128xf32, #tpu.memory_space<vmem>>
      %dma_start3A_80 = arith.constant 0 : i32
      %dma_start3A_81 = tpu.memref_slice %arg8[%add3A_34, %dma_start3A_80] : memref<10000x128xf32, #tpu.memory_space<vmem_shared>> -> memref<125x128xf32, #tpu.memory_space<vmem_shared>>
      %dma_start3A_82 = arith.constant 0 : i32
      %dma_start3A_83 = tpu.memref_slice %arg8[%add3A_34, %dma_start3A_82] : memref<10000x128xf32, #tpu.memory_space<vmem_shared>> -> memref<125x128xf32, #tpu.memory_space<vmem_shared>>
      %dma_start3A_84 = arith.constant 0 : i32
      %dma_start3A_85 = arith.constant 0 : i32
      %dma_start3A_86 = tpu.memref_slice %arg6[%dma_start3A_84, %dma_start3A_85] : memref<128x128xf32, #tpu.memory_space<vmem>> -> memref<125x128xf32, #tpu.memory_space<vmem>>
      tpu.enqueue_dma source(%dma_start3A_86 : memref<125x128xf32, #tpu.memory_space<vmem>>) target(%dma_start3A_83 : memref<125x128xf32, #tpu.memory_space<vmem_shared>>) target_semaphore(%run_scoped3A : memref<!tpu.dma_semaphore, #tpu.memory_space<semaphore_mem>>)
      %dma_wait3A_87 = arith.constant 0 : i32
      %dma_wait3A_88 = arith.constant 0 : i32
      %dma_wait3A_89 = tpu.memref_slice %arg6[%dma_wait3A_87, %dma_wait3A_88] : memref<128x128xf32, #tpu.memory_space<vmem>> -> memref<125x128xf32, #tpu.memory_space<vmem>>
      %dma_wait3A_90 = arith.constant 0 : i32
      %dma_wait3A_91 = tpu.memref_slice %arg8[%add3A_34, %dma_wait3A_90] : memref<10000x128xf32, #tpu.memory_space<vmem_shared>> -> memref<125x128xf32, #tpu.memory_space<vmem_shared>>
      %dma_wait3A_92 = arith.constant 0 : i32
      %dma_wait3A_93 = tpu.memref_slice %arg8[%add3A_34, %dma_wait3A_92] : memref<10000x128xf32, #tpu.memory_space<vmem_shared>> -> memref<125x128xf32, #tpu.memory_space<vmem_shared>>
      %dma_wait3A_94 = arith.constant 0 : i32
      %dma_wait3A_95 = arith.constant 0 : i32
      %dma_wait3A_96 = tpu.memref_slice %arg6[%dma_wait3A_94, %dma_wait3A_95] : memref<128x128xf32, #tpu.memory_space<vmem>> -> memref<125x128xf32, #tpu.memory_space<vmem>>
      tpu.wait_dma2 semaphore(%run_scoped3A : memref<!tpu.dma_semaphore, #tpu.memory_space<semaphore_mem>>) src(%dma_wait3A_96 : memref<125x128xf32, #tpu.memory_space<vmem>>) dst(%dma_wait3A_93 : memref<125x128xf32, #tpu.memory_space<vmem_shared>>)
      tpu.yield
    }) : () -> ()
    %mul3A_35 = arith.constant 625 : i32
    %mul3A_36 = arith.muli %arg1, %mul3A_35 : i32
    %add3A_37 = arith.constant 500 : i32
    %add3A_38 = arith.addi %mul3A_36, %add3A_37 : i32
    "tpu.region"() ({
      %run_scoped3A = tpu.sem_alloc : memref<!tpu.dma_semaphore, #tpu.memory_space<semaphore_mem>>
      %dma_start3A = arith.constant 0 : i32
      %dma_start3A_78 = arith.constant 0 : i32
      %dma_start3A_79 = tpu.memref_slice %arg6[%dma_start3A, %dma_start3A_78] : memref<128x128xf32, #tpu.memory_space<vmem>> -> memref<125x128xf32, #tpu.memory_space<vmem>>
      %dma_start3A_80 = arith.constant 0 : i32
      %dma_start3A_81 = tpu.memref_slice %arg8[%add3A_38, %dma_start3A_80] : memref<10000x128xf32, #tpu.memory_space<vmem_shared>> -> memref<125x128xf32, #tpu.memory_space<vmem_shared>>
      %dma_start3A_82 = arith.constant 0 : i32
      %dma_start3A_83 = tpu.memref_slice %arg8[%add3A_38, %dma_start3A_82] : memref<10000x128xf32, #tpu.memory_space<vmem_shared>> -> memref<125x128xf32, #tpu.memory_space<vmem_shared>>
      %dma_start3A_84 = arith.constant 0 : i32
      %dma_start3A_85 = arith.constant 0 : i32
      %dma_start3A_86 = tpu.memref_slice %arg6[%dma_start3A_84, %dma_start3A_85] : memref<128x128xf32, #tpu.memory_space<vmem>> -> memref<125x128xf32, #tpu.memory_space<vmem>>
      tpu.enqueue_dma source(%dma_start3A_86 : memref<125x128xf32, #tpu.memory_space<vmem>>) target(%dma_start3A_83 : memref<125x128xf32, #tpu.memory_space<vmem_shared>>) target_semaphore(%run_scoped3A : memref<!tpu.dma_semaphore, #tpu.memory_space<semaphore_mem>>)
      %dma_wait3A_87 = arith.constant 0 : i32
      %dma_wait3A_88 = arith.constant 0 : i32
      %dma_wait3A_89 = tpu.memref_slice %arg6[%dma_wait3A_87, %dma_wait3A_88] : memref<128x128xf32, #tpu.memory_space<vmem>> -> memref<125x128xf32, #tpu.memory_space<vmem>>
      %dma_wait3A_90 = arith.constant 0 : i32
      %dma_wait3A_91 = tpu.memref_slice %arg8[%add3A_38, %dma_wait3A_90] : memref<10000x128xf32, #tpu.memory_space<vmem_shared>> -> memref<125x128xf32, #tpu.memory_space<vmem_shared>>
      %dma_wait3A_92 = arith.constant 0 : i32
      %dma_wait3A_93 = tpu.memref_slice %arg8[%add3A_38, %dma_wait3A_92] : memref<10000x128xf32, #tpu.memory_space<vmem_shared>> -> memref<125x128xf32, #tpu.memory_space<vmem_shared>>
      %dma_wait3A_94 = arith.constant 0 : i32
      %dma_wait3A_95 = arith.constant 0 : i32
      %dma_wait3A_96 = tpu.memref_slice %arg6[%dma_wait3A_94, %dma_wait3A_95] : memref<128x128xf32, #tpu.memory_space<vmem>> -> memref<125x128xf32, #tpu.memory_space<vmem>>
      tpu.wait_dma2 semaphore(%run_scoped3A : memref<!tpu.dma_semaphore, #tpu.memory_space<semaphore_mem>>) src(%dma_wait3A_96 : memref<125x128xf32, #tpu.memory_space<vmem>>) dst(%dma_wait3A_93 : memref<125x128xf32, #tpu.memory_space<vmem_shared>>)
      tpu.yield
    }) : () -> ()
    %barrier3A = arith.constant 0 : index
    tpu.barrier barrier_id(%barrier3A)
    %scan3A_39 = arith.constant 0 : i32
    %scan3A_40 = arith.constant 20 : i32
    %scan3A_41 = arith.addi %scan3A_39, %scan3A_40 : i32
    %scan3A_42 = arith.constant 1 : i32
    scf.for %scan3A_78 = %scan3A_39 to %scan3A_41 step %scan3A_42  : i32 {
      %mul3A_79 = arith.constant 1 : i32
      %mul3A_80 = arith.muli %scan3A_78, %mul3A_79 : i32
      %add3A_81 = arith.constant 0 : i32
      %add3A_82 = arith.addi %add3A_81, %mul3A_80 : i32
      %mul3A_83 = arith.constant 2 : i32
      %mul3A_84 = arith.muli %mul3A_83, %add3A_82 : i32
      %lt3A_85 = arith.cmpi slt, %mul3A_84, %select_n3A : i32
      %convert_element_type3A_86 = arith.extui %lt3A_85 : i1 to i32
      %cond3A_87 = arith.constant 0 : i32
      %cond3A_88 = arith.cmpi ne, %convert_element_type3A_86, %cond3A_87 : i32
      scf.if %cond3A_88 {
        %gt3A = arith.constant 0 : i32
        %gt3A_111 = arith.cmpi sgt, %add3A_82, %gt3A : i32
        %convert_element_type3A_112 = arith.extui %gt3A_111 : i1 to i32
        %cond3A_113 = arith.constant 0 : i32
        %cond3A_114 = arith.cmpi ne, %convert_element_type3A_112, %cond3A_113 : i32
        scf.if %cond3A_114 {
          %dma_wait3A_121 = arith.constant 0 : i32
          %dma_wait3A_122 = arith.constant 0 : i32
          %dma_wait3A_123 = tpu.memref_slice %arg5[%dma_wait3A_121, %dma_wait3A_122] : memref<40x128xi32, #tpu.memory_space<vmem>> -> memref<1x128xi32, #tpu.memory_space<vmem>>
          %dma_wait3A_124 = tpu.memref_squeeze %dma_wait3A_123 : memref<1x128xi32, #tpu.memory_space<vmem>> -> memref<128xi32, #tpu.memory_space<vmem>>
          %dma_wait3A_125 = arith.constant 0 : i32
          %dma_wait3A_126 = arith.constant 0 : i32
          %dma_wait3A_127 = tpu.memref_slice %arg8[%dma_wait3A_125, %dma_wait3A_126] : memref<10000x128xf32, #tpu.memory_space<vmem_shared>> -> memref<10000x128xf32, #tpu.memory_space<vmem_shared>>
          tpu.wait_indirect_dma semaphore(%arg11 : memref<!tpu.dma_semaphore, #tpu.memory_space<semaphore_mem>>) src(%arg6 : memref<128x128xf32, #tpu.memory_space<vmem>>) dst(%dma_wait3A_127 : memref<10000x128xf32, #tpu.memory_space<vmem_shared>>)
        } else {
        }
        %add3A_115 = arith.addi %add3A_4, %mul3A_84 : i32
        %mul3A_116 = arith.constant 128 : i32
        %mul3A_117 = arith.muli %add3A_115, %mul3A_116 : i32
        %dma_start3A = arith.constant 0 : i32
        %dma_start3A_118 = tpu.memref_slice %arg2[%mul3A_117, %dma_start3A] : memref<160000x128xf32, #tpu.memory_space<hbm>> -> memref<128x128xf32, #tpu.memory_space<hbm>>
        %dma_start3A_119 = arith.constant 0 : i32
        %dma_start3A_120 = tpu.memref_slice %arg2[%mul3A_117, %dma_start3A_119] : memref<160000x128xf32, #tpu.memory_space<hbm>> -> memref<128x128xf32, #tpu.memory_space<hbm>>
        tpu.enqueue_dma source(%dma_start3A_120 : memref<128x128xf32, #tpu.memory_space<hbm>>) target(%arg6 : memref<128x128xf32, #tpu.memory_space<vmem>>) target_semaphore(%arg9 : memref<!tpu.dma_semaphore, #tpu.memory_space<semaphore_mem>>)
      } else {
      }
      %mul3A_89 = arith.constant 2 : i32
      %mul3A_90 = arith.muli %mul3A_89, %add3A_82 : i32
      %add3A_91 = arith.constant 1 : i32
      %add3A_92 = arith.addi %mul3A_90, %add3A_91 : i32
      %lt3A_93 = arith.cmpi slt, %add3A_92, %select_n3A : i32
      %convert_element_type3A_94 = arith.extui %lt3A_93 : i1 to i32
      %cond3A_95 = arith.constant 0 : i32
      %cond3A_96 = arith.cmpi ne, %convert_element_type3A_94, %cond3A_95 : i32
      scf.if %cond3A_96 {
        %gt3A = arith.constant 0 : i32
        %gt3A_111 = arith.cmpi sgt, %add3A_82, %gt3A : i32
        %convert_element_type3A_112 = arith.extui %gt3A_111 : i1 to i32
        %cond3A_113 = arith.constant 0 : i32
        %cond3A_114 = arith.cmpi ne, %convert_element_type3A_112, %cond3A_113 : i32
        scf.if %cond3A_114 {
          %dma_wait3A_121 = arith.constant 0 : i32
          %dma_wait3A_122 = arith.constant 0 : i32
          %dma_wait3A_123 = tpu.memref_slice %arg5[%dma_wait3A_121, %dma_wait3A_122] : memref<40x128xi32, #tpu.memory_space<vmem>> -> memref<1x128xi32, #tpu.memory_space<vmem>>
          %dma_wait3A_124 = tpu.memref_squeeze %dma_wait3A_123 : memref<1x128xi32, #tpu.memory_space<vmem>> -> memref<128xi32, #tpu.memory_space<vmem>>
          %dma_wait3A_125 = arith.constant 0 : i32
          %dma_wait3A_126 = arith.constant 0 : i32
          %dma_wait3A_127 = tpu.memref_slice %arg8[%dma_wait3A_125, %dma_wait3A_126] : memref<10000x128xf32, #tpu.memory_space<vmem_shared>> -> memref<10000x128xf32, #tpu.memory_space<vmem_shared>>
          tpu.wait_indirect_dma semaphore(%arg12 : memref<!tpu.dma_semaphore, #tpu.memory_space<semaphore_mem>>) src(%arg7 : memref<128x128xf32, #tpu.memory_space<vmem>>) dst(%dma_wait3A_127 : memref<10000x128xf32, #tpu.memory_space<vmem_shared>>)
        } else {
        }
        %add3A_115 = arith.addi %add3A_4, %add3A_92 : i32
        %mul3A_116 = arith.constant 128 : i32
        %mul3A_117 = arith.muli %add3A_115, %mul3A_116 : i32
        %dma_start3A = arith.constant 0 : i32
        %dma_start3A_118 = tpu.memref_slice %arg2[%mul3A_117, %dma_start3A] : memref<160000x128xf32, #tpu.memory_space<hbm>> -> memref<128x128xf32, #tpu.memory_space<hbm>>
        %dma_start3A_119 = arith.constant 0 : i32
        %dma_start3A_120 = tpu.memref_slice %arg2[%mul3A_117, %dma_start3A_119] : memref<160000x128xf32, #tpu.memory_space<hbm>> -> memref<128x128xf32, #tpu.memory_space<hbm>>
        tpu.enqueue_dma source(%dma_start3A_120 : memref<128x128xf32, #tpu.memory_space<hbm>>) target(%arg7 : memref<128x128xf32, #tpu.memory_space<vmem>>) target_semaphore(%arg10 : memref<!tpu.dma_semaphore, #tpu.memory_space<semaphore_mem>>)
      } else {
      }
      %mul3A_97 = arith.constant 2 : i32
      %mul3A_98 = arith.muli %mul3A_97, %add3A_82 : i32
      %lt3A_99 = arith.cmpi slt, %mul3A_98, %select_n3A : i32
      %convert_element_type3A_100 = arith.extui %lt3A_99 : i1 to i32
      %cond3A_101 = arith.constant 0 : i32
      %cond3A_102 = arith.cmpi ne, %convert_element_type3A_100, %cond3A_101 : i32
      scf.if %cond3A_102 {
        %dma_wait3A_111 = arith.constant 0 : i32
        %dma_wait3A_112 = arith.constant 0 : i32
        %dma_wait3A_113 = tpu.memref_slice %arg2[%dma_wait3A_111, %dma_wait3A_112] : memref<160000x128xf32, #tpu.memory_space<hbm>> -> memref<128x128xf32, #tpu.memory_space<hbm>>
        %dma_wait3A_114 = arith.constant 0 : i32
        %dma_wait3A_115 = arith.constant 0 : i32
        %dma_wait3A_116 = tpu.memref_slice %arg2[%dma_wait3A_114, %dma_wait3A_115] : memref<160000x128xf32, #tpu.memory_space<hbm>> -> memref<128x128xf32, #tpu.memory_space<hbm>>
        tpu.wait_dma2 semaphore(%arg9 : memref<!tpu.dma_semaphore, #tpu.memory_space<semaphore_mem>>) src(%dma_wait3A_116 : memref<128x128xf32, #tpu.memory_space<hbm>>) dst(%arg6 : memref<128x128xf32, #tpu.memory_space<vmem>>)
        %dma_start3A = arith.constant 0 : i32
        %dma_start3A_117 = tpu.memref_slice %arg5[%mul3A_98, %dma_start3A] : memref<40x128xi32, #tpu.memory_space<vmem>> -> memref<1x128xi32, #tpu.memory_space<vmem>>
        %dma_start3A_118 = tpu.memref_squeeze %dma_start3A_117 : memref<1x128xi32, #tpu.memory_space<vmem>> -> memref<128xi32, #tpu.memory_space<vmem>>
        %dma_start3A_119 = arith.constant 0 : i32
        %dma_start3A_120 = arith.constant 0 : i32
        %dma_start3A_121 = tpu.memref_slice %arg8[%dma_start3A_119, %dma_start3A_120] : memref<10000x128xf32, #tpu.memory_space<vmem_shared>> -> memref<10000x128xf32, #tpu.memory_space<vmem_shared>>
        tpu.enqueue_indirect_dma source(%arg6 : memref<128x128xf32, #tpu.memory_space<vmem>>) target(%dma_start3A_121 : memref<10000x128xf32, #tpu.memory_space<vmem_shared>>) offsets(%dma_start3A_118 : memref<128xi32, #tpu.memory_space<vmem>>) semaphore(%arg11 : memref<!tpu.dma_semaphore, #tpu.memory_space<semaphore_mem>>) {add = true}
      } else {
      }
      %mul3A_103 = arith.constant 2 : i32
      %mul3A_104 = arith.muli %mul3A_103, %add3A_82 : i32
      %add3A_105 = arith.constant 1 : i32
      %add3A_106 = arith.addi %mul3A_104, %add3A_105 : i32
      %lt3A_107 = arith.cmpi slt, %add3A_106, %select_n3A : i32
      %convert_element_type3A_108 = arith.extui %lt3A_107 : i1 to i32
      %cond3A_109 = arith.constant 0 : i32
      %cond3A_110 = arith.cmpi ne, %convert_element_type3A_108, %cond3A_109 : i32
      scf.if %cond3A_110 {
        %dma_wait3A_111 = arith.constant 0 : i32
        %dma_wait3A_112 = arith.constant 0 : i32
        %dma_wait3A_113 = tpu.memref_slice %arg2[%dma_wait3A_111, %dma_wait3A_112] : memref<160000x128xf32, #tpu.memory_space<hbm>> -> memref<128x128xf32, #tpu.memory_space<hbm>>
        %dma_wait3A_114 = arith.constant 0 : i32
        %dma_wait3A_115 = arith.constant 0 : i32
        %dma_wait3A_116 = tpu.memref_slice %arg2[%dma_wait3A_114, %dma_wait3A_115] : memref<160000x128xf32, #tpu.memory_space<hbm>> -> memref<128x128xf32, #tpu.memory_space<hbm>>
        tpu.wait_dma2 semaphore(%arg10 : memref<!tpu.dma_semaphore, #tpu.memory_space<semaphore_mem>>) src(%dma_wait3A_116 : memref<128x128xf32, #tpu.memory_space<hbm>>) dst(%arg7 : memref<128x128xf32, #tpu.memory_space<vmem>>)
        %dma_start3A = arith.constant 0 : i32
        %dma_start3A_117 = tpu.memref_slice %arg5[%add3A_106, %dma_start3A] : memref<40x128xi32, #tpu.memory_space<vmem>> -> memref<1x128xi32, #tpu.memory_space<vmem>>
        %dma_start3A_118 = tpu.memref_squeeze %dma_start3A_117 : memref<1x128xi32, #tpu.memory_space<vmem>> -> memref<128xi32, #tpu.memory_space<vmem>>
        %dma_start3A_119 = arith.constant 0 : i32
        %dma_start3A_120 = arith.constant 0 : i32
        %dma_start3A_121 = tpu.memref_slice %arg8[%dma_start3A_119, %dma_start3A_120] : memref<10000x128xf32, #tpu.memory_space<vmem_shared>> -> memref<10000x128xf32, #tpu.memory_space<vmem_shared>>
        tpu.enqueue_indirect_dma source(%arg7 : memref<128x128xf32, #tpu.memory_space<vmem>>) target(%dma_start3A_121 : memref<10000x128xf32, #tpu.memory_space<vmem_shared>>) offsets(%dma_start3A_118 : memref<128xi32, #tpu.memory_space<vmem>>) semaphore(%arg12 : memref<!tpu.dma_semaphore, #tpu.memory_space<semaphore_mem>>) {add = true}
      } else {
      }
    }
    %scan3A_43 = arith.constant 20 : i32
    %dma_wait3A = arith.constant 0 : i32
    %dma_wait3A_44 = arith.constant 0 : i32
    %dma_wait3A_45 = tpu.memref_slice %arg5[%dma_wait3A, %dma_wait3A_44] : memref<40x128xi32, #tpu.memory_space<vmem>> -> memref<1x128xi32, #tpu.memory_space<vmem>>
    %dma_wait3A_46 = tpu.memref_squeeze %dma_wait3A_45 : memref<1x128xi32, #tpu.memory_space<vmem>> -> memref<128xi32, #tpu.memory_space<vmem>>
    %dma_wait3A_47 = arith.constant 0 : i32
    %dma_wait3A_48 = arith.constant 0 : i32
    %dma_wait3A_49 = tpu.memref_slice %arg8[%dma_wait3A_47, %dma_wait3A_48] : memref<10000x128xf32, #tpu.memory_space<vmem_shared>> -> memref<10000x128xf32, #tpu.memory_space<vmem_shared>>
    tpu.wait_indirect_dma semaphore(%arg11 : memref<!tpu.dma_semaphore, #tpu.memory_space<semaphore_mem>>) src(%arg6 : memref<128x128xf32, #tpu.memory_space<vmem>>) dst(%dma_wait3A_49 : memref<10000x128xf32, #tpu.memory_space<vmem_shared>>)
    %dma_wait3A_50 = arith.constant 0 : i32
    %dma_wait3A_51 = arith.constant 0 : i32
    %dma_wait3A_52 = tpu.memref_slice %arg5[%dma_wait3A_50, %dma_wait3A_51] : memref<40x128xi32, #tpu.memory_space<vmem>> -> memref<1x128xi32, #tpu.memory_space<vmem>>
    %dma_wait3A_53 = tpu.memref_squeeze %dma_wait3A_52 : memref<1x128xi32, #tpu.memory_space<vmem>> -> memref<128xi32, #tpu.memory_space<vmem>>
    %dma_wait3A_54 = arith.constant 0 : i32
    %dma_wait3A_55 = arith.constant 0 : i32
    %dma_wait3A_56 = tpu.memref_slice %arg8[%dma_wait3A_54, %dma_wait3A_55] : memref<10000x128xf32, #tpu.memory_space<vmem_shared>> -> memref<10000x128xf32, #tpu.memory_space<vmem_shared>>
    tpu.wait_indirect_dma semaphore(%arg12 : memref<!tpu.dma_semaphore, #tpu.memory_space<semaphore_mem>>) src(%arg7 : memref<128x128xf32, #tpu.memory_space<vmem>>) dst(%dma_wait3A_56 : memref<10000x128xf32, #tpu.memory_space<vmem_shared>>)
    %barrier3A_57 = arith.constant 0 : index
    tpu.barrier barrier_id(%barrier3A_57)
    %mul3A_58 = arith.constant 625 : i32
    %mul3A_59 = arith.muli %arg1, %mul3A_58 : i32
    %add3A_60 = arith.constant 0 : i32
    %add3A_61 = arith.addi %mul3A_59, %add3A_60 : i32
    "tpu.region"() ({
      %run_scoped3A = tpu.sem_alloc : memref<!tpu.dma_semaphore, #tpu.memory_space<semaphore_mem>>
      %dma_start3A = arith.constant 0 : i32
      %dma_start3A_78 = arith.constant 0 : i32
      %dma_start3A_79 = tpu.memref_slice %arg6[%dma_start3A, %dma_start3A_78] : memref<128x128xf32, #tpu.memory_space<vmem>> -> memref<125x128xf32, #tpu.memory_space<vmem>>
      %dma_start3A_80 = arith.constant 0 : i32
      %dma_start3A_81 = tpu.memref_slice %arg8[%add3A_61, %dma_start3A_80] : memref<10000x128xf32, #tpu.memory_space<vmem_shared>> -> memref<125x128xf32, #tpu.memory_space<vmem_shared>>
      %dma_start3A_82 = arith.constant 0 : i32
      %dma_start3A_83 = arith.constant 0 : i32
      %dma_start3A_84 = tpu.memref_slice %arg6[%dma_start3A_82, %dma_start3A_83] : memref<128x128xf32, #tpu.memory_space<vmem>> -> memref<125x128xf32, #tpu.memory_space<vmem>>
      %dma_start3A_85 = arith.constant 0 : i32
      %dma_start3A_86 = tpu.memref_slice %arg8[%add3A_61, %dma_start3A_85] : memref<10000x128xf32, #tpu.memory_space<vmem_shared>> -> memref<125x128xf32, #tpu.memory_space<vmem_shared>>
      tpu.enqueue_dma source(%dma_start3A_86 : memref<125x128xf32, #tpu.memory_space<vmem_shared>>) target(%dma_start3A_84 : memref<125x128xf32, #tpu.memory_space<vmem>>) target_semaphore(%run_scoped3A : memref<!tpu.dma_semaphore, #tpu.memory_space<semaphore_mem>>)
      %dma_wait3A_87 = arith.constant 0 : i32
      %dma_wait3A_88 = arith.constant 0 : i32
      %dma_wait3A_89 = tpu.memref_slice %arg6[%dma_wait3A_87, %dma_wait3A_88] : memref<128x128xf32, #tpu.memory_space<vmem>> -> memref<125x128xf32, #tpu.memory_space<vmem>>
      %dma_wait3A_90 = arith.constant 0 : i32
      %dma_wait3A_91 = tpu.memref_slice %arg8[%add3A_61, %dma_wait3A_90] : memref<10000x128xf32, #tpu.memory_space<vmem_shared>> -> memref<125x128xf32, #tpu.memory_space<vmem_shared>>
      %dma_wait3A_92 = arith.constant 0 : i32
      %dma_wait3A_93 = arith.constant 0 : i32
      %dma_wait3A_94 = tpu.memref_slice %arg6[%dma_wait3A_92, %dma_wait3A_93] : memref<128x128xf32, #tpu.memory_space<vmem>> -> memref<125x128xf32, #tpu.memory_space<vmem>>
      %dma_wait3A_95 = arith.constant 0 : i32
      %dma_wait3A_96 = tpu.memref_slice %arg8[%add3A_61, %dma_wait3A_95] : memref<10000x128xf32, #tpu.memory_space<vmem_shared>> -> memref<125x128xf32, #tpu.memory_space<vmem_shared>>
      tpu.wait_dma2 semaphore(%run_scoped3A : memref<!tpu.dma_semaphore, #tpu.memory_space<semaphore_mem>>) src(%dma_wait3A_96 : memref<125x128xf32, #tpu.memory_space<vmem_shared>>) dst(%dma_wait3A_94 : memref<125x128xf32, #tpu.memory_space<vmem>>)
      tpu.yield
    }) : () -> ()
    "tpu.region"() ({
      %run_scoped3A = tpu.sem_alloc : memref<!tpu.dma_semaphore, #tpu.memory_space<semaphore_mem>>
      %dma_start3A = arith.constant 0 : i32
      %dma_start3A_78 = arith.constant 0 : i32
      %dma_start3A_79 = tpu.memref_slice %arg6[%dma_start3A, %dma_start3A_78] : memref<128x128xf32, #tpu.memory_space<vmem>> -> memref<125x128xf32, #tpu.memory_space<vmem>>
      %dma_start3A_80 = arith.constant 0 : i32
      %dma_start3A_81 = tpu.memref_slice %arg4[%arg0, %add3A_61, %dma_start3A_80] : memref<2x10000x128xf32, #tpu.memory_space<hbm>> -> memref<1x125x128xf32, #tpu.memory_space<hbm>>
      %dma_start3A_82 = tpu.memref_squeeze %dma_start3A_81 : memref<1x125x128xf32, #tpu.memory_space<hbm>> -> memref<125x128xf32, #tpu.memory_space<hbm>>
      %dma_start3A_83 = arith.constant 0 : i32
      %dma_start3A_84 = tpu.memref_slice %arg4[%arg0, %add3A_61, %dma_start3A_83] : memref<2x10000x128xf32, #tpu.memory_space<hbm>> -> memref<1x125x128xf32, #tpu.memory_space<hbm>>
      %dma_start3A_85 = tpu.memref_squeeze %dma_start3A_84 : memref<1x125x128xf32, #tpu.memory_space<hbm>> -> memref<125x128xf32, #tpu.memory_space<hbm>>
      %dma_start3A_86 = arith.constant 0 : i32
      %dma_start3A_87 = arith.constant 0 : i32
      %dma_start3A_88 = tpu.memref_slice %arg6[%dma_start3A_86, %dma_start3A_87] : memref<128x128xf32, #tpu.memory_space<vmem>> -> memref<125x128xf32, #tpu.memory_space<vmem>>
      tpu.enqueue_dma source(%dma_start3A_88 : memref<125x128xf32, #tpu.memory_space<vmem>>) target(%dma_start3A_85 : memref<125x128xf32, #tpu.memory_space<hbm>>) target_semaphore(%run_scoped3A : memref<!tpu.dma_semaphore, #tpu.memory_space<semaphore_mem>>)
      %dma_wait3A_89 = arith.constant 0 : i32
      %dma_wait3A_90 = arith.constant 0 : i32
      %dma_wait3A_91 = tpu.memref_slice %arg6[%dma_wait3A_89, %dma_wait3A_90] : memref<128x128xf32, #tpu.memory_space<vmem>> -> memref<125x128xf32, #tpu.memory_space<vmem>>
      %dma_wait3A_92 = arith.constant 0 : i32
      %dma_wait3A_93 = tpu.memref_slice %arg4[%arg0, %add3A_61, %dma_wait3A_92] : memref<2x10000x128xf32, #tpu.memory_space<hbm>> -> memref<1x125x128xf32, #tpu.memory_space<hbm>>
      %dma_wait3A_94 = tpu.memref_squeeze %dma_wait3A_93 : memref<1x125x128xf32, #tpu.memory_space<hbm>> -> memref<125x128xf32, #tpu.memory_space<hbm>>
      %dma_wait3A_95 = arith.constant 0 : i32
      %dma_wait3A_96 = tpu.memref_slice %arg4[%arg0, %add3A_61, %dma_wait3A_95] : memref<2x10000x128xf32, #tpu.memory_space<hbm>> -> memref<1x125x128xf32, #tpu.memory_space<hbm>>
      %dma_wait3A_97 = tpu.memref_squeeze %dma_wait3A_96 : memref<1x125x128xf32, #tpu.memory_space<hbm>> -> memref<125x128xf32, #tpu.memory_space<hbm>>
      %dma_wait3A_98 = arith.constant 0 : i32
      %dma_wait3A_99 = arith.constant 0 : i32
      %dma_wait3A_100 = tpu.memref_slice %arg6[%dma_wait3A_98, %dma_wait3A_99] : memref<128x128xf32, #tpu.memory_space<vmem>> -> memref<125x128xf32, #tpu.memory_space<vmem>>
      tpu.wait_dma2 semaphore(%run_scoped3A : memref<!tpu.dma_semaphore, #tpu.memory_space<semaphore_mem>>) src(%dma_wait3A_100 : memref<125x128xf32, #tpu.memory_space<vmem>>) dst(%dma_wait3A_97 : memref<125x128xf32, #tpu.memory_space<hbm>>)
      tpu.yield
    }) : () -> ()
    %mul3A_62 = arith.constant 625 : i32
    %mul3A_63 = arith.muli %arg1, %mul3A_62 : i32
    %add3A_64 = arith.constant 125 : i32
    %add3A_65 = arith.addi %mul3A_63, %add3A_64 : i32
    "tpu.region"() ({
      %run_scoped3A = tpu.sem_alloc : memref<!tpu.dma_semaphore, #tpu.memory_space<semaphore_mem>>
      %dma_start3A = arith.constant 0 : i32
      %dma_start3A_78 = arith.constant 0 : i32
      %dma_start3A_79 = tpu.memref_slice %arg6[%dma_start3A, %dma_start3A_78] : memref<128x128xf32, #tpu.memory_space<vmem>> -> memref<125x128xf32, #tpu.memory_space<vmem>>
      %dma_start3A_80 = arith.constant 0 : i32
      %dma_start3A_81 = tpu.memref_slice %arg8[%add3A_65, %dma_start3A_80] : memref<10000x128xf32, #tpu.memory_space<vmem_shared>> -> memref<125x128xf32, #tpu.memory_space<vmem_shared>>
      %dma_start3A_82 = arith.constant 0 : i32
      %dma_start3A_83 = arith.constant 0 : i32
      %dma_start3A_84 = tpu.memref_slice %arg6[%dma_start3A_82, %dma_start3A_83] : memref<128x128xf32, #tpu.memory_space<vmem>> -> memref<125x128xf32, #tpu.memory_space<vmem>>
      %dma_start3A_85 = arith.constant 0 : i32
      %dma_start3A_86 = tpu.memref_slice %arg8[%add3A_65, %dma_start3A_85] : memref<10000x128xf32, #tpu.memory_space<vmem_shared>> -> memref<125x128xf32, #tpu.memory_space<vmem_shared>>
      tpu.enqueue_dma source(%dma_start3A_86 : memref<125x128xf32, #tpu.memory_space<vmem_shared>>) target(%dma_start3A_84 : memref<125x128xf32, #tpu.memory_space<vmem>>) target_semaphore(%run_scoped3A : memref<!tpu.dma_semaphore, #tpu.memory_space<semaphore_mem>>)
      %dma_wait3A_87 = arith.constant 0 : i32
      %dma_wait3A_88 = arith.constant 0 : i32
      %dma_wait3A_89 = tpu.memref_slice %arg6[%dma_wait3A_87, %dma_wait3A_88] : memref<128x128xf32, #tpu.memory_space<vmem>> -> memref<125x128xf32, #tpu.memory_space<vmem>>
      %dma_wait3A_90 = arith.constant 0 : i32
      %dma_wait3A_91 = tpu.memref_slice %arg8[%add3A_65, %dma_wait3A_90] : memref<10000x128xf32, #tpu.memory_space<vmem_shared>> -> memref<125x128xf32, #tpu.memory_space<vmem_shared>>
      %dma_wait3A_92 = arith.constant 0 : i32
      %dma_wait3A_93 = arith.constant 0 : i32
      %dma_wait3A_94 = tpu.memref_slice %arg6[%dma_wait3A_92, %dma_wait3A_93] : memref<128x128xf32, #tpu.memory_space<vmem>> -> memref<125x128xf32, #tpu.memory_space<vmem>>
      %dma_wait3A_95 = arith.constant 0 : i32
      %dma_wait3A_96 = tpu.memref_slice %arg8[%add3A_65, %dma_wait3A_95] : memref<10000x128xf32, #tpu.memory_space<vmem_shared>> -> memref<125x128xf32, #tpu.memory_space<vmem_shared>>
      tpu.wait_dma2 semaphore(%run_scoped3A : memref<!tpu.dma_semaphore, #tpu.memory_space<semaphore_mem>>) src(%dma_wait3A_96 : memref<125x128xf32, #tpu.memory_space<vmem_shared>>) dst(%dma_wait3A_94 : memref<125x128xf32, #tpu.memory_space<vmem>>)
      tpu.yield
    }) : () -> ()
    "tpu.region"() ({
      %run_scoped3A = tpu.sem_alloc : memref<!tpu.dma_semaphore, #tpu.memory_space<semaphore_mem>>
      %dma_start3A = arith.constant 0 : i32
      %dma_start3A_78 = arith.constant 0 : i32
      %dma_start3A_79 = tpu.memref_slice %arg6[%dma_start3A, %dma_start3A_78] : memref<128x128xf32, #tpu.memory_space<vmem>> -> memref<125x128xf32, #tpu.memory_space<vmem>>
      %dma_start3A_80 = arith.constant 0 : i32
      %dma_start3A_81 = tpu.memref_slice %arg4[%arg0, %add3A_65, %dma_start3A_80] : memref<2x10000x128xf32, #tpu.memory_space<hbm>> -> memref<1x125x128xf32, #tpu.memory_space<hbm>>
      %dma_start3A_82 = tpu.memref_squeeze %dma_start3A_81 : memref<1x125x128xf32, #tpu.memory_space<hbm>> -> memref<125x128xf32, #tpu.memory_space<hbm>>
      %dma_start3A_83 = arith.constant 0 : i32
      %dma_start3A_84 = tpu.memref_slice %arg4[%arg0, %add3A_65, %dma_start3A_83] : memref<2x10000x128xf32, #tpu.memory_space<hbm>> -> memref<1x125x128xf32, #tpu.memory_space<hbm>>
      %dma_start3A_85 = tpu.memref_squeeze %dma_start3A_84 : memref<1x125x128xf32, #tpu.memory_space<hbm>> -> memref<125x128xf32, #tpu.memory_space<hbm>>
      %dma_start3A_86 = arith.constant 0 : i32
      %dma_start3A_87 = arith.constant 0 : i32
      %dma_start3A_88 = tpu.memref_slice %arg6[%dma_start3A_86, %dma_start3A_87] : memref<128x128xf32, #tpu.memory_space<vmem>> -> memref<125x128xf32, #tpu.memory_space<vmem>>
      tpu.enqueue_dma source(%dma_start3A_88 : memref<125x128xf32, #tpu.memory_space<vmem>>) target(%dma_start3A_85 : memref<125x128xf32, #tpu.memory_space<hbm>>) target_semaphore(%run_scoped3A : memref<!tpu.dma_semaphore, #tpu.memory_space<semaphore_mem>>)
      %dma_wait3A_89 = arith.constant 0 : i32
      %dma_wait3A_90 = arith.constant 0 : i32
      %dma_wait3A_91 = tpu.memref_slice %arg6[%dma_wait3A_89, %dma_wait3A_90] : memref<128x128xf32, #tpu.memory_space<vmem>> -> memref<125x128xf32, #tpu.memory_space<vmem>>
      %dma_wait3A_92 = arith.constant 0 : i32
      %dma_wait3A_93 = tpu.memref_slice %arg4[%arg0, %add3A_65, %dma_wait3A_92] : memref<2x10000x128xf32, #tpu.memory_space<hbm>> -> memref<1x125x128xf32, #tpu.memory_space<hbm>>
      %dma_wait3A_94 = tpu.memref_squeeze %dma_wait3A_93 : memref<1x125x128xf32, #tpu.memory_space<hbm>> -> memref<125x128xf32, #tpu.memory_space<hbm>>
      %dma_wait3A_95 = arith.constant 0 : i32
      %dma_wait3A_96 = tpu.memref_slice %arg4[%arg0, %add3A_65, %dma_wait3A_95] : memref<2x10000x128xf32, #tpu.memory_space<hbm>> -> memref<1x125x128xf32, #tpu.memory_space<hbm>>
      %dma_wait3A_97 = tpu.memref_squeeze %dma_wait3A_96 : memref<1x125x128xf32, #tpu.memory_space<hbm>> -> memref<125x128xf32, #tpu.memory_space<hbm>>
      %dma_wait3A_98 = arith.constant 0 : i32
      %dma_wait3A_99 = arith.constant 0 : i32
      %dma_wait3A_100 = tpu.memref_slice %arg6[%dma_wait3A_98, %dma_wait3A_99] : memref<128x128xf32, #tpu.memory_space<vmem>> -> memref<125x128xf32, #tpu.memory_space<vmem>>
      tpu.wait_dma2 semaphore(%run_scoped3A : memref<!tpu.dma_semaphore, #tpu.memory_space<semaphore_mem>>) src(%dma_wait3A_100 : memref<125x128xf32, #tpu.memory_space<vmem>>) dst(%dma_wait3A_97 : memref<125x128xf32, #tpu.memory_space<hbm>>)
      tpu.yield
    }) : () -> ()
    %mul3A_66 = arith.constant 625 : i32
    %mul3A_67 = arith.muli %arg1, %mul3A_66 : i32
    %add3A_68 = arith.constant 250 : i32
    %add3A_69 = arith.addi %mul3A_67, %add3A_68 : i32
    "tpu.region"() ({
      %run_scoped3A = tpu.sem_alloc : memref<!tpu.dma_semaphore, #tpu.memory_space<semaphore_mem>>
      %dma_start3A = arith.constant 0 : i32
      %dma_start3A_78 = arith.constant 0 : i32
      %dma_start3A_79 = tpu.memref_slice %arg6[%dma_start3A, %dma_start3A_78] : memref<128x128xf32, #tpu.memory_space<vmem>> -> memref<125x128xf32, #tpu.memory_space<vmem>>
      %dma_start3A_80 = arith.constant 0 : i32
      %dma_start3A_81 = tpu.memref_slice %arg8[%add3A_69, %dma_start3A_80] : memref<10000x128xf32, #tpu.memory_space<vmem_shared>> -> memref<125x128xf32, #tpu.memory_space<vmem_shared>>
      %dma_start3A_82 = arith.constant 0 : i32
      %dma_start3A_83 = arith.constant 0 : i32
      %dma_start3A_84 = tpu.memref_slice %arg6[%dma_start3A_82, %dma_start3A_83] : memref<128x128xf32, #tpu.memory_space<vmem>> -> memref<125x128xf32, #tpu.memory_space<vmem>>
      %dma_start3A_85 = arith.constant 0 : i32
      %dma_start3A_86 = tpu.memref_slice %arg8[%add3A_69, %dma_start3A_85] : memref<10000x128xf32, #tpu.memory_space<vmem_shared>> -> memref<125x128xf32, #tpu.memory_space<vmem_shared>>
      tpu.enqueue_dma source(%dma_start3A_86 : memref<125x128xf32, #tpu.memory_space<vmem_shared>>) target(%dma_start3A_84 : memref<125x128xf32, #tpu.memory_space<vmem>>) target_semaphore(%run_scoped3A : memref<!tpu.dma_semaphore, #tpu.memory_space<semaphore_mem>>)
      %dma_wait3A_87 = arith.constant 0 : i32
      %dma_wait3A_88 = arith.constant 0 : i32
      %dma_wait3A_89 = tpu.memref_slice %arg6[%dma_wait3A_87, %dma_wait3A_88] : memref<128x128xf32, #tpu.memory_space<vmem>> -> memref<125x128xf32, #tpu.memory_space<vmem>>
      %dma_wait3A_90 = arith.constant 0 : i32
      %dma_wait3A_91 = tpu.memref_slice %arg8[%add3A_69, %dma_wait3A_90] : memref<10000x128xf32, #tpu.memory_space<vmem_shared>> -> memref<125x128xf32, #tpu.memory_space<vmem_shared>>
      %dma_wait3A_92 = arith.constant 0 : i32
      %dma_wait3A_93 = arith.constant 0 : i32
      %dma_wait3A_94 = tpu.memref_slice %arg6[%dma_wait3A_92, %dma_wait3A_93] : memref<128x128xf32, #tpu.memory_space<vmem>> -> memref<125x128xf32, #tpu.memory_space<vmem>>
      %dma_wait3A_95 = arith.constant 0 : i32
      %dma_wait3A_96 = tpu.memref_slice %arg8[%add3A_69, %dma_wait3A_95] : memref<10000x128xf32, #tpu.memory_space<vmem_shared>> -> memref<125x128xf32, #tpu.memory_space<vmem_shared>>
      tpu.wait_dma2 semaphore(%run_scoped3A : memref<!tpu.dma_semaphore, #tpu.memory_space<semaphore_mem>>) src(%dma_wait3A_96 : memref<125x128xf32, #tpu.memory_space<vmem_shared>>) dst(%dma_wait3A_94 : memref<125x128xf32, #tpu.memory_space<vmem>>)
      tpu.yield
    }) : () -> ()
    "tpu.region"() ({
      %run_scoped3A = tpu.sem_alloc : memref<!tpu.dma_semaphore, #tpu.memory_space<semaphore_mem>>
      %dma_start3A = arith.constant 0 : i32
      %dma_start3A_78 = arith.constant 0 : i32
      %dma_start3A_79 = tpu.memref_slice %arg6[%dma_start3A, %dma_start3A_78] : memref<128x128xf32, #tpu.memory_space<vmem>> -> memref<125x128xf32, #tpu.memory_space<vmem>>
      %dma_start3A_80 = arith.constant 0 : i32
      %dma_start3A_81 = tpu.memref_slice %arg4[%arg0, %add3A_69, %dma_start3A_80] : memref<2x10000x128xf32, #tpu.memory_space<hbm>> -> memref<1x125x128xf32, #tpu.memory_space<hbm>>
      %dma_start3A_82 = tpu.memref_squeeze %dma_start3A_81 : memref<1x125x128xf32, #tpu.memory_space<hbm>> -> memref<125x128xf32, #tpu.memory_space<hbm>>
      %dma_start3A_83 = arith.constant 0 : i32
      %dma_start3A_84 = tpu.memref_slice %arg4[%arg0, %add3A_69, %dma_start3A_83] : memref<2x10000x128xf32, #tpu.memory_space<hbm>> -> memref<1x125x128xf32, #tpu.memory_space<hbm>>
      %dma_start3A_85 = tpu.memref_squeeze %dma_start3A_84 : memref<1x125x128xf32, #tpu.memory_space<hbm>> -> memref<125x128xf32, #tpu.memory_space<hbm>>
      %dma_start3A_86 = arith.constant 0 : i32
      %dma_start3A_87 = arith.constant 0 : i32
      %dma_start3A_88 = tpu.memref_slice %arg6[%dma_start3A_86, %dma_start3A_87] : memref<128x128xf32, #tpu.memory_space<vmem>> -> memref<125x128xf32, #tpu.memory_space<vmem>>
      tpu.enqueue_dma source(%dma_start3A_88 : memref<125x128xf32, #tpu.memory_space<vmem>>) target(%dma_start3A_85 : memref<125x128xf32, #tpu.memory_space<hbm>>) target_semaphore(%run_scoped3A : memref<!tpu.dma_semaphore, #tpu.memory_space<semaphore_mem>>)
      %dma_wait3A_89 = arith.constant 0 : i32
      %dma_wait3A_90 = arith.constant 0 : i32
      %dma_wait3A_91 = tpu.memref_slice %arg6[%dma_wait3A_89, %dma_wait3A_90] : memref<128x128xf32, #tpu.memory_space<vmem>> -> memref<125x128xf32, #tpu.memory_space<vmem>>
      %dma_wait3A_92 = arith.constant 0 : i32
      %dma_wait3A_93 = tpu.memref_slice %arg4[%arg0, %add3A_69, %dma_wait3A_92] : memref<2x10000x128xf32, #tpu.memory_space<hbm>> -> memref<1x125x128xf32, #tpu.memory_space<hbm>>
      %dma_wait3A_94 = tpu.memref_squeeze %dma_wait3A_93 : memref<1x125x128xf32, #tpu.memory_space<hbm>> -> memref<125x128xf32, #tpu.memory_space<hbm>>
      %dma_wait3A_95 = arith.constant 0 : i32
      %dma_wait3A_96 = tpu.memref_slice %arg4[%arg0, %add3A_69, %dma_wait3A_95] : memref<2x10000x128xf32, #tpu.memory_space<hbm>> -> memref<1x125x128xf32, #tpu.memory_space<hbm>>
      %dma_wait3A_97 = tpu.memref_squeeze %dma_wait3A_96 : memref<1x125x128xf32, #tpu.memory_space<hbm>> -> memref<125x128xf32, #tpu.memory_space<hbm>>
      %dma_wait3A_98 = arith.constant 0 : i32
      %dma_wait3A_99 = arith.constant 0 : i32
      %dma_wait3A_100 = tpu.memref_slice %arg6[%dma_wait3A_98, %dma_wait3A_99] : memref<128x128xf32, #tpu.memory_space<vmem>> -> memref<125x128xf32, #tpu.memory_space<vmem>>
      tpu.wait_dma2 semaphore(%run_scoped3A : memref<!tpu.dma_semaphore, #tpu.memory_space<semaphore_mem>>) src(%dma_wait3A_100 : memref<125x128xf32, #tpu.memory_space<vmem>>) dst(%dma_wait3A_97 : memref<125x128xf32, #tpu.memory_space<hbm>>)
      tpu.yield
    }) : () -> ()
    %mul3A_70 = arith.constant 625 : i32
    %mul3A_71 = arith.muli %arg1, %mul3A_70 : i32
    %add3A_72 = arith.constant 375 : i32
    %add3A_73 = arith.addi %mul3A_71, %add3A_72 : i32
    "tpu.region"() ({
      %run_scoped3A = tpu.sem_alloc : memref<!tpu.dma_semaphore, #tpu.memory_space<semaphore_mem>>
      %dma_start3A = arith.constant 0 : i32
      %dma_start3A_78 = arith.constant 0 : i32
      %dma_start3A_79 = tpu.memref_slice %arg6[%dma_start3A, %dma_start3A_78] : memref<128x128xf32, #tpu.memory_space<vmem>> -> memref<125x128xf32, #tpu.memory_space<vmem>>
      %dma_start3A_80 = arith.constant 0 : i32
      %dma_start3A_81 = tpu.memref_slice %arg8[%add3A_73, %dma_start3A_80] : memref<10000x128xf32, #tpu.memory_space<vmem_shared>> -> memref<125x128xf32, #tpu.memory_space<vmem_shared>>
      %dma_start3A_82 = arith.constant 0 : i32
      %dma_start3A_83 = arith.constant 0 : i32
      %dma_start3A_84 = tpu.memref_slice %arg6[%dma_start3A_82, %dma_start3A_83] : memref<128x128xf32, #tpu.memory_space<vmem>> -> memref<125x128xf32, #tpu.memory_space<vmem>>
      %dma_start3A_85 = arith.constant 0 : i32
      %dma_start3A_86 = tpu.memref_slice %arg8[%add3A_73, %dma_start3A_85] : memref<10000x128xf32, #tpu.memory_space<vmem_shared>> -> memref<125x128xf32, #tpu.memory_space<vmem_shared>>
      tpu.enqueue_dma source(%dma_start3A_86 : memref<125x128xf32, #tpu.memory_space<vmem_shared>>) target(%dma_start3A_84 : memref<125x128xf32, #tpu.memory_space<vmem>>) target_semaphore(%run_scoped3A : memref<!tpu.dma_semaphore, #tpu.memory_space<semaphore_mem>>)
      %dma_wait3A_87 = arith.constant 0 : i32
      %dma_wait3A_88 = arith.constant 0 : i32
      %dma_wait3A_89 = tpu.memref_slice %arg6[%dma_wait3A_87, %dma_wait3A_88] : memref<128x128xf32, #tpu.memory_space<vmem>> -> memref<125x128xf32, #tpu.memory_space<vmem>>
      %dma_wait3A_90 = arith.constant 0 : i32
      %dma_wait3A_91 = tpu.memref_slice %arg8[%add3A_73, %dma_wait3A_90] : memref<10000x128xf32, #tpu.memory_space<vmem_shared>> -> memref<125x128xf32, #tpu.memory_space<vmem_shared>>
      %dma_wait3A_92 = arith.constant 0 : i32
      %dma_wait3A_93 = arith.constant 0 : i32
      %dma_wait3A_94 = tpu.memref_slice %arg6[%dma_wait3A_92, %dma_wait3A_93] : memref<128x128xf32, #tpu.memory_space<vmem>> -> memref<125x128xf32, #tpu.memory_space<vmem>>
      %dma_wait3A_95 = arith.constant 0 : i32
      %dma_wait3A_96 = tpu.memref_slice %arg8[%add3A_73, %dma_wait3A_95] : memref<10000x128xf32, #tpu.memory_space<vmem_shared>> -> memref<125x128xf32, #tpu.memory_space<vmem_shared>>
      tpu.wait_dma2 semaphore(%run_scoped3A : memref<!tpu.dma_semaphore, #tpu.memory_space<semaphore_mem>>) src(%dma_wait3A_96 : memref<125x128xf32, #tpu.memory_space<vmem_shared>>) dst(%dma_wait3A_94 : memref<125x128xf32, #tpu.memory_space<vmem>>)
      tpu.yield
    }) : () -> ()
    "tpu.region"() ({
      %run_scoped3A = tpu.sem_alloc : memref<!tpu.dma_semaphore, #tpu.memory_space<semaphore_mem>>
      %dma_start3A = arith.constant 0 : i32
      %dma_start3A_78 = arith.constant 0 : i32
      %dma_start3A_79 = tpu.memref_slice %arg6[%dma_start3A, %dma_start3A_78] : memref<128x128xf32, #tpu.memory_space<vmem>> -> memref<125x128xf32, #tpu.memory_space<vmem>>
      %dma_start3A_80 = arith.constant 0 : i32
      %dma_start3A_81 = tpu.memref_slice %arg4[%arg0, %add3A_73, %dma_start3A_80] : memref<2x10000x128xf32, #tpu.memory_space<hbm>> -> memref<1x125x128xf32, #tpu.memory_space<hbm>>
      %dma_start3A_82 = tpu.memref_squeeze %dma_start3A_81 : memref<1x125x128xf32, #tpu.memory_space<hbm>> -> memref<125x128xf32, #tpu.memory_space<hbm>>
      %dma_start3A_83 = arith.constant 0 : i32
      %dma_start3A_84 = tpu.memref_slice %arg4[%arg0, %add3A_73, %dma_start3A_83] : memref<2x10000x128xf32, #tpu.memory_space<hbm>> -> memref<1x125x128xf32, #tpu.memory_space<hbm>>
      %dma_start3A_85 = tpu.memref_squeeze %dma_start3A_84 : memref<1x125x128xf32, #tpu.memory_space<hbm>> -> memref<125x128xf32, #tpu.memory_space<hbm>>
      %dma_start3A_86 = arith.constant 0 : i32
      %dma_start3A_87 = arith.constant 0 : i32
      %dma_start3A_88 = tpu.memref_slice %arg6[%dma_start3A_86, %dma_start3A_87] : memref<128x128xf32, #tpu.memory_space<vmem>> -> memref<125x128xf32, #tpu.memory_space<vmem>>
      tpu.enqueue_dma source(%dma_start3A_88 : memref<125x128xf32, #tpu.memory_space<vmem>>) target(%dma_start3A_85 : memref<125x128xf32, #tpu.memory_space<hbm>>) target_semaphore(%run_scoped3A : memref<!tpu.dma_semaphore, #tpu.memory_space<semaphore_mem>>)
      %dma_wait3A_89 = arith.constant 0 : i32
      %dma_wait3A_90 = arith.constant 0 : i32
      %dma_wait3A_91 = tpu.memref_slice %arg6[%dma_wait3A_89, %dma_wait3A_90] : memref<128x128xf32, #tpu.memory_space<vmem>> -> memref<125x128xf32, #tpu.memory_space<vmem>>
      %dma_wait3A_92 = arith.constant 0 : i32
      %dma_wait3A_93 = tpu.memref_slice %arg4[%arg0, %add3A_73, %dma_wait3A_92] : memref<2x10000x128xf32, #tpu.memory_space<hbm>> -> memref<1x125x128xf32, #tpu.memory_space<hbm>>
      %dma_wait3A_94 = tpu.memref_squeeze %dma_wait3A_93 : memref<1x125x128xf32, #tpu.memory_space<hbm>> -> memref<125x128xf32, #tpu.memory_space<hbm>>
      %dma_wait3A_95 = arith.constant 0 : i32
      %dma_wait3A_96 = tpu.memref_slice %arg4[%arg0, %add3A_73, %dma_wait3A_95] : memref<2x10000x128xf32, #tpu.memory_space<hbm>> -> memref<1x125x128xf32, #tpu.memory_space<hbm>>
      %dma_wait3A_97 = tpu.memref_squeeze %dma_wait3A_96 : memref<1x125x128xf32, #tpu.memory_space<hbm>> -> memref<125x128xf32, #tpu.memory_space<hbm>>
      %dma_wait3A_98 = arith.constant 0 : i32
      %dma_wait3A_99 = arith.constant 0 : i32
      %dma_wait3A_100 = tpu.memref_slice %arg6[%dma_wait3A_98, %dma_wait3A_99] : memref<128x128xf32, #tpu.memory_space<vmem>> -> memref<125x128xf32, #tpu.memory_space<vmem>>
      tpu.wait_dma2 semaphore(%run_scoped3A : memref<!tpu.dma_semaphore, #tpu.memory_space<semaphore_mem>>) src(%dma_wait3A_100 : memref<125x128xf32, #tpu.memory_space<vmem>>) dst(%dma_wait3A_97 : memref<125x128xf32, #tpu.memory_space<hbm>>)
      tpu.yield
    }) : () -> ()
    %mul3A_74 = arith.constant 625 : i32
    %mul3A_75 = arith.muli %arg1, %mul3A_74 : i32
    %add3A_76 = arith.constant 500 : i32
    %add3A_77 = arith.addi %mul3A_75, %add3A_76 : i32
    "tpu.region"() ({
      %run_scoped3A = tpu.sem_alloc : memref<!tpu.dma_semaphore, #tpu.memory_space<semaphore_mem>>
      %dma_start3A = arith.constant 0 : i32
      %dma_start3A_78 = arith.constant 0 : i32
      %dma_start3A_79 = tpu.memref_slice %arg6[%dma_start3A, %dma_start3A_78] : memref<128x128xf32, #tpu.memory_space<vmem>> -> memref<125x128xf32, #tpu.memory_space<vmem>>
      %dma_start3A_80 = arith.constant 0 : i32
      %dma_start3A_81 = tpu.memref_slice %arg8[%add3A_77, %dma_start3A_80] : memref<10000x128xf32, #tpu.memory_space<vmem_shared>> -> memref<125x128xf32, #tpu.memory_space<vmem_shared>>
      %dma_start3A_82 = arith.constant 0 : i32
      %dma_start3A_83 = arith.constant 0 : i32
      %dma_start3A_84 = tpu.memref_slice %arg6[%dma_start3A_82, %dma_start3A_83] : memref<128x128xf32, #tpu.memory_space<vmem>> -> memref<125x128xf32, #tpu.memory_space<vmem>>
      %dma_start3A_85 = arith.constant 0 : i32
      %dma_start3A_86 = tpu.memref_slice %arg8[%add3A_77, %dma_start3A_85] : memref<10000x128xf32, #tpu.memory_space<vmem_shared>> -> memref<125x128xf32, #tpu.memory_space<vmem_shared>>
      tpu.enqueue_dma source(%dma_start3A_86 : memref<125x128xf32, #tpu.memory_space<vmem_shared>>) target(%dma_start3A_84 : memref<125x128xf32, #tpu.memory_space<vmem>>) target_semaphore(%run_scoped3A : memref<!tpu.dma_semaphore, #tpu.memory_space<semaphore_mem>>)
      %dma_wait3A_87 = arith.constant 0 : i32
      %dma_wait3A_88 = arith.constant 0 : i32
      %dma_wait3A_89 = tpu.memref_slice %arg6[%dma_wait3A_87, %dma_wait3A_88] : memref<128x128xf32, #tpu.memory_space<vmem>> -> memref<125x128xf32, #tpu.memory_space<vmem>>
      %dma_wait3A_90 = arith.constant 0 : i32
      %dma_wait3A_91 = tpu.memref_slice %arg8[%add3A_77, %dma_wait3A_90] : memref<10000x128xf32, #tpu.memory_space<vmem_shared>> -> memref<125x128xf32, #tpu.memory_space<vmem_shared>>
      %dma_wait3A_92 = arith.constant 0 : i32
      %dma_wait3A_93 = arith.constant 0 : i32
      %dma_wait3A_94 = tpu.memref_slice %arg6[%dma_wait3A_92, %dma_wait3A_93] : memref<128x128xf32, #tpu.memory_space<vmem>> -> memref<125x128xf32, #tpu.memory_space<vmem>>
      %dma_wait3A_95 = arith.constant 0 : i32
      %dma_wait3A_96 = tpu.memref_slice %arg8[%add3A_77, %dma_wait3A_95] : memref<10000x128xf32, #tpu.memory_space<vmem_shared>> -> memref<125x128xf32, #tpu.memory_space<vmem_shared>>
      tpu.wait_dma2 semaphore(%run_scoped3A : memref<!tpu.dma_semaphore, #tpu.memory_space<semaphore_mem>>) src(%dma_wait3A_96 : memref<125x128xf32, #tpu.memory_space<vmem_shared>>) dst(%dma_wait3A_94 : memref<125x128xf32, #tpu.memory_space<vmem>>)
      tpu.yield
    }) : () -> ()
    "tpu.region"() ({
      %run_scoped3A = tpu.sem_alloc : memref<!tpu.dma_semaphore, #tpu.memory_space<semaphore_mem>>
      %dma_start3A = arith.constant 0 : i32
      %dma_start3A_78 = arith.constant 0 : i32
      %dma_start3A_79 = tpu.memref_slice %arg6[%dma_start3A, %dma_start3A_78] : memref<128x128xf32, #tpu.memory_space<vmem>> -> memref<125x128xf32, #tpu.memory_space<vmem>>
      %dma_start3A_80 = arith.constant 0 : i32
      %dma_start3A_81 = tpu.memref_slice %arg4[%arg0, %add3A_77, %dma_start3A_80] : memref<2x10000x128xf32, #tpu.memory_space<hbm>> -> memref<1x125x128xf32, #tpu.memory_space<hbm>>
      %dma_start3A_82 = tpu.memref_squeeze %dma_start3A_81 : memref<1x125x128xf32, #tpu.memory_space<hbm>> -> memref<125x128xf32, #tpu.memory_space<hbm>>
      %dma_start3A_83 = arith.constant 0 : i32
      %dma_start3A_84 = tpu.memref_slice %arg4[%arg0, %add3A_77, %dma_start3A_83] : memref<2x10000x128xf32, #tpu.memory_space<hbm>> -> memref<1x125x128xf32, #tpu.memory_space<hbm>>
      %dma_start3A_85 = tpu.memref_squeeze %dma_start3A_84 : memref<1x125x128xf32, #tpu.memory_space<hbm>> -> memref<125x128xf32, #tpu.memory_space<hbm>>
      %dma_start3A_86 = arith.constant 0 : i32
      %dma_start3A_87 = arith.constant 0 : i32
      %dma_start3A_88 = tpu.memref_slice %arg6[%dma_start3A_86, %dma_start3A_87] : memref<128x128xf32, #tpu.memory_space<vmem>> -> memref<125x128xf32, #tpu.memory_space<vmem>>
      tpu.enqueue_dma source(%dma_start3A_88 : memref<125x128xf32, #tpu.memory_space<vmem>>) target(%dma_start3A_85 : memref<125x128xf32, #tpu.memory_space<hbm>>) target_semaphore(%run_scoped3A : memref<!tpu.dma_semaphore, #tpu.memory_space<semaphore_mem>>)
      %dma_wait3A_89 = arith.constant 0 : i32
      %dma_wait3A_90 = arith.constant 0 : i32
      %dma_wait3A_91 = tpu.memref_slice %arg6[%dma_wait3A_89, %dma_wait3A_90] : memref<128x128xf32, #tpu.memory_space<vmem>> -> memref<125x128xf32, #tpu.memory_space<vmem>>
      %dma_wait3A_92 = arith.constant 0 : i32
      %dma_wait3A_93 = tpu.memref_slice %arg4[%arg0, %add3A_77, %dma_wait3A_92] : memref<2x10000x128xf32, #tpu.memory_space<hbm>> -> memref<1x125x128xf32, #tpu.memory_space<hbm>>
      %dma_wait3A_94 = tpu.memref_squeeze %dma_wait3A_93 : memref<1x125x128xf32, #tpu.memory_space<hbm>> -> memref<125x128xf32, #tpu.memory_space<hbm>>
      %dma_wait3A_95 = arith.constant 0 : i32
      %dma_wait3A_96 = tpu.memref_slice %arg4[%arg0, %add3A_77, %dma_wait3A_95] : memref<2x10000x128xf32, #tpu.memory_space<hbm>> -> memref<1x125x128xf32, #tpu.memory_space<hbm>>
      %dma_wait3A_97 = tpu.memref_squeeze %dma_wait3A_96 : memref<1x125x128xf32, #tpu.memory_space<hbm>> -> memref<125x128xf32, #tpu.memory_space<hbm>>
      %dma_wait3A_98 = arith.constant 0 : i32
      %dma_wait3A_99 = arith.constant 0 : i32
      %dma_wait3A_100 = tpu.memref_slice %arg6[%dma_wait3A_98, %dma_wait3A_99] : memref<128x128xf32, #tpu.memory_space<vmem>> -> memref<125x128xf32, #tpu.memory_space<vmem>>
      tpu.wait_dma2 semaphore(%run_scoped3A : memref<!tpu.dma_semaphore, #tpu.memory_space<semaphore_mem>>) src(%dma_wait3A_100 : memref<125x128xf32, #tpu.memory_space<vmem>>) dst(%dma_wait3A_97 : memref<125x128xf32, #tpu.memory_space<hbm>>)
      tpu.yield
    }) : () -> ()
    return
  }
}

module attributes {stable_mosaic.version = 14 : i64} {
  func.func @_pre_body(%arg0: i32, %arg1: memref<2000x128xf32, #tpu.memory_space<vmem>>, %arg2: memref<2000x16xf32, #tpu.memory_space<vmem>>, %arg3: memref<128x128xf32, #tpu.memory_space<vmem>>, %arg4: memref<128x128xf32, #tpu.memory_space<vmem>>, %arg5: memref<1x128xf32, #tpu.memory_space<vmem>>, %arg6: memref<2000x144xf32, #tpu.memory_space<vmem>>, %arg7: memref<2000x144xf32, #tpu.memory_space<vmem>>) attributes {dimension_semantics = [#tpu.dimension_semantics<arbitrary>], iteration_bounds = array<i64: 5>, scalar_prefetch = 0 : i64, scratch_operands = 0 : i64, tpu.core_type = #tpu.core_type<tc>, window_params = [{transform_indices = @transform_0, window_bounds = array<i64: 2000, 128>}, {transform_indices = @transform_1, window_bounds = array<i64: 2000, 16>}, {pipeline_mode = #tpu.pipeline_mode<synchronous>, transform_indices = @transform_2, window_bounds = array<i64: 128, 128>}, {pipeline_mode = #tpu.pipeline_mode<synchronous>, transform_indices = @transform_3, window_bounds = array<i64: 128, 128>}, {pipeline_mode = #tpu.pipeline_mode<synchronous>, transform_indices = @transform_4, window_bounds = array<i64: 1, 128>}, {transform_indices = @transform_5, window_bounds = array<i64: 2000, 144>}, {transform_indices = @transform_6, window_bounds = array<i64: 2000, 144>}]} {
    %get3A = arith.constant 0 : index
    %get3A_0 = arith.constant 0 : index
    %get3A_1 = vector.load %arg1[%get3A, %get3A_0] : memref<2000x128xf32, #tpu.memory_space<vmem>>, vector<2000x128xf32>
    %get3A_2 = arith.constant 0 : index
    %get3A_3 = arith.constant 0 : index
    %get3A_4 = vector.load %arg3[%get3A_2, %get3A_3] : memref<128x128xf32, #tpu.memory_space<vmem>>, vector<128x128xf32>
    %dot_general3A = arith.constant dense<0.000000e+00> : vector<2000x128xf32>
    %dot_general3A_5 = tpu.matmul %get3A_1, %get3A_4, %dot_general3A {dimension_numbers = #tpu.dot_dimension_numbers<[1], [0], [0], [1], [0, 0, 1, 1], [], []>, transpose_lhs_hint = false} : vector<2000x128xf32>, vector<128x128xf32>, vector<2000x128xf32> -> vector<2000x128xf32>
    %get3A_6 = arith.constant 0 : index
    %get3A_7 = arith.constant 0 : index
    %get3A_8 = vector.load %arg5[%get3A_6, %get3A_7] : memref<1x128xf32, #tpu.memory_space<vmem>>, vector<1x128xf32>
    %add3A = vector.broadcast %get3A_8 : vector<1x128xf32> to vector<2000x128xf32>
    %add3A_9 = arith.addf %dot_general3A_5, %add3A : vector<2000x128xf32>
    %get3A_10 = arith.constant 0 : index
    %get3A_11 = arith.constant 0 : index
    %get3A_12 = vector.load %arg4[%get3A_10, %get3A_11] : memref<128x128xf32, #tpu.memory_space<vmem>>, vector<128x128xf32>
    %dot_general3A_13 = arith.constant dense<0.000000e+00> : vector<2000x128xf32>
    %dot_general3A_14 = tpu.matmul %get3A_1, %get3A_12, %dot_general3A_13 {dimension_numbers = #tpu.dot_dimension_numbers<[1], [0], [0], [1], [0, 0, 1, 1], [], []>, transpose_lhs_hint = false} : vector<2000x128xf32>, vector<128x128xf32>, vector<2000x128xf32> -> vector<2000x128xf32>
    %swap3A = arith.constant 0 : index
    %swap3A_15 = arith.constant 0 : index
    %swap3A_16 = vector.load %arg6[%swap3A, %swap3A_15] : memref<2000x144xf32, #tpu.memory_space<vmem>>, vector<2000x128xf32>
    tpu.vector_store %arg6[%swap3A, %swap3A_15], %add3A_9 {strides = array<i32>} : memref<2000x144xf32, #tpu.memory_space<vmem>>, vector<2000x128xf32>,
    %get3A_17 = arith.constant 0 : index
    %get3A_18 = arith.constant 0 : index
    %get3A_19 = vector.load %arg2[%get3A_17, %get3A_18] : memref<2000x16xf32, #tpu.memory_space<vmem>>, vector<2000x16xf32>
    %swap3A_20 = arith.constant 0 : index
    %swap3A_21 = arith.constant 128 : index
    %swap3A_22 = vector.load %arg6[%swap3A_20, %swap3A_21] : memref<2000x144xf32, #tpu.memory_space<vmem>>, vector<2000x16xf32>
    tpu.vector_store %arg6[%swap3A_20, %swap3A_21], %get3A_19 {strides = array<i32>} : memref<2000x144xf32, #tpu.memory_space<vmem>>, vector<2000x16xf32>,
    %swap3A_23 = arith.constant 0 : index
    %swap3A_24 = arith.constant 0 : index
    %swap3A_25 = vector.load %arg7[%swap3A_23, %swap3A_24] : memref<2000x144xf32, #tpu.memory_space<vmem>>, vector<2000x128xf32>
    tpu.vector_store %arg7[%swap3A_23, %swap3A_24], %dot_general3A_14 {strides = array<i32>} : memref<2000x144xf32, #tpu.memory_space<vmem>>, vector<2000x128xf32>,
    %get3A_26 = arith.constant 0 : index
    %get3A_27 = arith.constant 0 : index
    %get3A_28 = vector.load %arg2[%get3A_26, %get3A_27] : memref<2000x16xf32, #tpu.memory_space<vmem>>, vector<2000x16xf32>
    %swap3A_29 = arith.constant 0 : index
    %swap3A_30 = arith.constant 128 : index
    %swap3A_31 = vector.load %arg7[%swap3A_29, %swap3A_30] : memref<2000x144xf32, #tpu.memory_space<vmem>>, vector<2000x16xf32>
    tpu.vector_store %arg7[%swap3A_29, %swap3A_30], %get3A_28 {strides = array<i32>} : memref<2000x144xf32, #tpu.memory_space<vmem>>, vector<2000x16xf32>,
    return
  }
  func.func @transform_0(%arg0: i32) -> (i32, i32) {
    %c0_i32 = arith.constant 0 : i32
    %c0_i32_0 = arith.constant 0 : i32
    return %arg0, %c0_i32 : i32, i32
  }
  func.func @transform_1(%arg0: i32) -> (i32, i32) {
    %c0_i32 = arith.constant 0 : i32
    %c0_i32_0 = arith.constant 0 : i32
    return %arg0, %c0_i32 : i32, i32
  }
  func.func @transform_2(%arg0: i32) -> (i32, i32) {
    %c0_i32 = arith.constant 0 : i32
    %c0_i32_0 = arith.constant 0 : i32
    %c0_i32_1 = arith.constant 0 : i32
    return %c0_i32, %c0_i32_0 : i32, i32
  }
  func.func @transform_3(%arg0: i32) -> (i32, i32) {
    %c0_i32 = arith.constant 0 : i32
    %c0_i32_0 = arith.constant 0 : i32
    %c0_i32_1 = arith.constant 0 : i32
    return %c0_i32, %c0_i32_0 : i32, i32
  }
  func.func @transform_4(%arg0: i32) -> (i32, i32) {
    %c0_i32 = arith.constant 0 : i32
    %c0_i32_0 = arith.constant 0 : i32
    %c0_i32_1 = arith.constant 0 : i32
    return %c0_i32, %c0_i32_0 : i32, i32
  }
  func.func @transform_5(%arg0: i32) -> (i32, i32) {
    %c0_i32 = arith.constant 0 : i32
    %c0_i32_0 = arith.constant 0 : i32
    return %arg0, %c0_i32 : i32, i32
  }
  func.func @transform_6(%arg0: i32) -> (i32, i32) {
    %c0_i32 = arith.constant 0 : i32
    %c0_i32_0 = arith.constant 0 : i32
    return %arg0, %c0_i32 : i32, i32
  }
}

module attributes {stable_mosaic.version = 14 : i64} {
  func.func @_mlp2_body(%arg0: i32, %arg1: memref<6400x128xf32, #tpu.memory_space<vmem>>, %arg2: memref<4x6400xf32, #tpu.memory_space<vmem>>, %arg3: memref<4x128xf32, #tpu.memory_space<vmem>>, %arg4: memref<128x128xf32, #tpu.memory_space<vmem>>, %arg5: memref<1x128xf32, #tpu.memory_space<vmem>>, %arg6: memref<6400x128xf32, #tpu.memory_space<vmem>>) attributes {dimension_semantics = [#tpu.dimension_semantics<arbitrary>], iteration_bounds = array<i64: 25>, scalar_prefetch = 0 : i64, scratch_operands = 0 : i64, tpu.core_type = #tpu.core_type<tc>, window_params = [{transform_indices = @transform_0, window_bounds = array<i64: 6400, 128>}, {transform_indices = @transform_1, window_bounds = array<i64: 4, 6400>}, {pipeline_mode = #tpu.pipeline_mode<synchronous>, transform_indices = @transform_2, window_bounds = array<i64: 4, 128>}, {pipeline_mode = #tpu.pipeline_mode<synchronous>, transform_indices = @transform_3, window_bounds = array<i64: 128, 128>}, {pipeline_mode = #tpu.pipeline_mode<synchronous>, transform_indices = @transform_4, window_bounds = array<i64: 1, 128>}, {transform_indices = @transform_5, window_bounds = array<i64: 6400, 128>}]} {
    %get3A = arith.constant 0 : index
    %get3A_0 = arith.constant 0 : index
    %get3A_1 = vector.load %arg2[%get3A, %get3A_0] : memref<4x6400xf32, #tpu.memory_space<vmem>>, vector<4x6400xf32>
    %get3A_2 = arith.constant 0 : index
    %get3A_3 = arith.constant 0 : index
    %get3A_4 = vector.load %arg3[%get3A_2, %get3A_3] : memref<4x128xf32, #tpu.memory_space<vmem>>, vector<4x128xf32>
    %dot_general3A = arith.constant dense<0.000000e+00> : vector<6400x128xf32>
    %dot_general3A_5 = tpu.matmul %get3A_1, %get3A_4, %dot_general3A {dimension_numbers = #tpu.dot_dimension_numbers<[0], [0], [1], [1], [0, 1, 1, 1], [], []>, transpose_lhs_hint = false} : vector<4x6400xf32>, vector<4x128xf32>, vector<6400x128xf32> -> vector<6400x128xf32>
    %get3A_6 = arith.constant 0 : index
    %get3A_7 = arith.constant 0 : index
    %get3A_8 = vector.load %arg1[%get3A_6, %get3A_7] : memref<6400x128xf32, #tpu.memory_space<vmem>>, vector<6400x128xf32>
    %add3A = arith.addf %get3A_8, %dot_general3A_5 : vector<6400x128xf32>
    %logistic3A = arith.negf %add3A : vector<6400x128xf32>
    %logistic3A_9 = math.exp %logistic3A : vector<6400x128xf32>
    %logistic3A_10 = arith.constant 1.000000e+00 : f32
    %logistic3A_11 = vector.broadcast %logistic3A_10 : f32 to vector<6400x128xf32>
    %logistic3A_12 = arith.addf %logistic3A_11, %logistic3A_9 : vector<6400x128xf32>
    %logistic3A_13 = arith.divf %logistic3A_11, %logistic3A_12 : vector<6400x128xf32>
    %mul3A = arith.mulf %add3A, %logistic3A_13 : vector<6400x128xf32>
    %get3A_14 = arith.constant 0 : index
    %get3A_15 = arith.constant 0 : index
    %get3A_16 = vector.load %arg4[%get3A_14, %get3A_15] : memref<128x128xf32, #tpu.memory_space<vmem>>, vector<128x128xf32>
    %dot_general3A_17 = arith.constant dense<0.000000e+00> : vector<6400x128xf32>
    %dot_general3A_18 = tpu.matmul %mul3A, %get3A_16, %dot_general3A_17 {dimension_numbers = #tpu.dot_dimension_numbers<[1], [0], [0], [1], [0, 0, 1, 1], [], []>, transpose_lhs_hint = false} : vector<6400x128xf32>, vector<128x128xf32>, vector<6400x128xf32> -> vector<6400x128xf32>
    %get3A_19 = arith.constant 0 : index
    %get3A_20 = arith.constant 0 : index
    %get3A_21 = vector.load %arg5[%get3A_19, %get3A_20] : memref<1x128xf32, #tpu.memory_space<vmem>>, vector<1x128xf32>
    %add3A_22 = vector.broadcast %get3A_21 : vector<1x128xf32> to vector<6400x128xf32>
    %add3A_23 = arith.addf %dot_general3A_18, %add3A_22 : vector<6400x128xf32>
    %logistic3A_24 = arith.negf %add3A_23 : vector<6400x128xf32>
    %logistic3A_25 = math.exp %logistic3A_24 : vector<6400x128xf32>
    %logistic3A_26 = arith.constant 1.000000e+00 : f32
    %logistic3A_27 = vector.broadcast %logistic3A_26 : f32 to vector<6400x128xf32>
    %logistic3A_28 = arith.addf %logistic3A_27, %logistic3A_25 : vector<6400x128xf32>
    %logistic3A_29 = arith.divf %logistic3A_27, %logistic3A_28 : vector<6400x128xf32>
    %mul3A_30 = arith.mulf %add3A_23, %logistic3A_29 : vector<6400x128xf32>
    %swap3A = arith.constant 0 : index
    %swap3A_31 = arith.constant 0 : index
    %swap3A_32 = vector.load %arg6[%swap3A, %swap3A_31] : memref<6400x128xf32, #tpu.memory_space<vmem>>, vector<6400x128xf32>
    tpu.vector_store %arg6[%swap3A, %swap3A_31], %mul3A_30 {strides = array<i32>} : memref<6400x128xf32, #tpu.memory_space<vmem>>, vector<6400x128xf32>,
    return
  }
  func.func @transform_0(%arg0: i32) -> (i32, i32) {
    %c0_i32 = arith.constant 0 : i32
    %c0_i32_0 = arith.constant 0 : i32
    return %arg0, %c0_i32 : i32, i32
  }
  func.func @transform_1(%arg0: i32) -> (i32, i32) {
    %c0_i32 = arith.constant 0 : i32
    %c0_i32_0 = arith.constant 0 : i32
    return %c0_i32, %arg0 : i32, i32
  }
  func.func @transform_2(%arg0: i32) -> (i32, i32) {
    %c0_i32 = arith.constant 0 : i32
    %c0_i32_0 = arith.constant 0 : i32
    %c0_i32_1 = arith.constant 0 : i32
    return %c0_i32, %c0_i32_0 : i32, i32
  }
  func.func @transform_3(%arg0: i32) -> (i32, i32) {
    %c0_i32 = arith.constant 0 : i32
    %c0_i32_0 = arith.constant 0 : i32
    %c0_i32_1 = arith.constant 0 : i32
    return %c0_i32, %c0_i32_0 : i32, i32
  }
  func.func @transform_4(%arg0: i32) -> (i32, i32) {
    %c0_i32 = arith.constant 0 : i32
    %c0_i32_0 = arith.constant 0 : i32
    %c0_i32_1 = arith.constant 0 : i32
    return %c0_i32, %c0_i32_0 : i32, i32
  }
  func.func @transform_5(%arg0: i32) -> (i32, i32) {
    %c0_i32 = arith.constant 0 : i32
    %c0_i32_0 = arith.constant 0 : i32
    return %arg0, %c0_i32 : i32, i32
  }
}

module attributes {stable_mosaic.version = 14 : i64} {
  func.func @_node_body(%arg0: i32, %arg1: memref<2000x128xf32, #tpu.memory_space<vmem>>, %arg2: memref<2x2000x128xf32, #tpu.memory_space<vmem>>, %arg3: memref<2x2000x128xf32, #tpu.memory_space<vmem>>, %arg4: memref<128x128xf32, #tpu.memory_space<vmem>>, %arg5: memref<128x128xf32, #tpu.memory_space<vmem>>, %arg6: memref<1x128xf32, #tpu.memory_space<vmem>>, %arg7: memref<128x128xf32, #tpu.memory_space<vmem>>, %arg8: memref<1x128xf32, #tpu.memory_space<vmem>>, %arg9: memref<1x1x2000xi32, #tpu.memory_space<vmem>>, %arg10: memref<64x128xf32, #tpu.memory_space<vmem>>, %arg11: memref<64x128xf32, #tpu.memory_space<vmem>>, %arg12: memref<64x128xf32, #tpu.memory_space<vmem>>) attributes {dimension_semantics = [#tpu.dimension_semantics<arbitrary>], iteration_bounds = array<i64: 5>, scalar_prefetch = 0 : i64, scratch_operands = 2 : i64, tpu.core_type = #tpu.core_type<tc>, window_params = [{transform_indices = @transform_0, window_bounds = array<i64: 2000, 128>}, {transform_indices = @transform_1, window_bounds = array<i64: 2, 2000, 128>}, {transform_indices = @transform_2, window_bounds = array<i64: 2, 2000, 128>}, {pipeline_mode = #tpu.pipeline_mode<synchronous>, transform_indices = @transform_3, window_bounds = array<i64: 128, 128>}, {pipeline_mode = #tpu.pipeline_mode<synchronous>, transform_indices = @transform_4, window_bounds = array<i64: 128, 128>}, {pipeline_mode = #tpu.pipeline_mode<synchronous>, transform_indices = @transform_5, window_bounds = array<i64: 1, 128>}, {pipeline_mode = #tpu.pipeline_mode<synchronous>, transform_indices = @transform_6, window_bounds = array<i64: 128, 128>}, {pipeline_mode = #tpu.pipeline_mode<synchronous>, transform_indices = @transform_7, window_bounds = array<i64: 1, 128>}, {transform_indices = @transform_8, window_bounds = array<i64: 1, 1, 2000>}, {pipeline_mode = #tpu.pipeline_mode<synchronous>, transform_indices = @transform_9, window_bounds = array<i64: 64, 128>}]} {
    %eq3A = arith.constant 0 : i32
    %eq3A_0 = arith.cmpi eq, %arg0, %eq3A : i32
    %convert_element_type3A = arith.extui %eq3A_0 : i1 to i32
    %cond3A = arith.constant 0 : i32
    %cond3A_1 = arith.cmpi ne, %convert_element_type3A, %cond3A : i32
    scf.if %cond3A_1 {
      %broadcast_in_dim3A_89 = arith.constant 0.000000e+00 : f32
      %broadcast_in_dim3A_90 = vector.broadcast %broadcast_in_dim3A_89 : f32 to vector<64x128xf32>
      %swap3A_91 = arith.constant 0 : index
      %swap3A_92 = arith.constant 0 : index
      %swap3A_93 = vector.load %arg11[%swap3A_91, %swap3A_92] : memref<64x128xf32, #tpu.memory_space<vmem>>, vector<64x128xf32>
      tpu.vector_store %arg11[%swap3A_91, %swap3A_92], %broadcast_in_dim3A_90 {strides = array<i32>} : memref<64x128xf32, #tpu.memory_space<vmem>>, vector<64x128xf32>,
      %broadcast_in_dim3A_94 = arith.constant 0.000000e+00 : f32
      %broadcast_in_dim3A_95 = vector.broadcast %broadcast_in_dim3A_94 : f32 to vector<64x128xf32>
      %swap3A_96 = arith.constant 0 : index
      %swap3A_97 = arith.constant 0 : index
      %swap3A_98 = vector.load %arg12[%swap3A_96, %swap3A_97] : memref<64x128xf32, #tpu.memory_space<vmem>>, vector<64x128xf32>
      tpu.vector_store %arg12[%swap3A_96, %swap3A_97], %broadcast_in_dim3A_95 {strides = array<i32>} : memref<64x128xf32, #tpu.memory_space<vmem>>, vector<64x128xf32>,
    } else {
    }
    %get3A = arith.constant 0 : index
    %get3A_2 = arith.constant 0 : index
    %get3A_3 = vector.load %arg1[%get3A, %get3A_2] : memref<2000x128xf32, #tpu.memory_space<vmem>>, vector<2000x128xf32>
    %get3A_4 = arith.constant 0 : index
    %get3A_5 = arith.constant 0 : index
    %get3A_6 = arith.constant 0 : index
    %get3A_7 = vector.load %arg2[%get3A_4, %get3A_5, %get3A_6] : memref<2x2000x128xf32, #tpu.memory_space<vmem>>, vector<1x2000x128xf32>
    %get3A_8 = vector.shape_cast %get3A_7 : vector<1x2000x128xf32> to vector<2000x128xf32>
    %get3A_9 = arith.constant 1 : index
    %get3A_10 = arith.constant 0 : index
    %get3A_11 = arith.constant 0 : index
    %get3A_12 = vector.load %arg2[%get3A_9, %get3A_10, %get3A_11] : memref<2x2000x128xf32, #tpu.memory_space<vmem>>, vector<1x2000x128xf32>
    %get3A_13 = vector.shape_cast %get3A_12 : vector<1x2000x128xf32> to vector<2000x128xf32>
    %add3A = arith.addf %get3A_8, %get3A_13 : vector<2000x128xf32>
    %get3A_14 = arith.constant 0 : index
    %get3A_15 = arith.constant 0 : index
    %get3A_16 = arith.constant 0 : index
    %get3A_17 = vector.load %arg3[%get3A_14, %get3A_15, %get3A_16] : memref<2x2000x128xf32, #tpu.memory_space<vmem>>, vector<1x2000x128xf32>
    %get3A_18 = vector.shape_cast %get3A_17 : vector<1x2000x128xf32> to vector<2000x128xf32>
    %get3A_19 = arith.constant 1 : index
    %get3A_20 = arith.constant 0 : index
    %get3A_21 = arith.constant 0 : index
    %get3A_22 = vector.load %arg3[%get3A_19, %get3A_20, %get3A_21] : memref<2x2000x128xf32, #tpu.memory_space<vmem>>, vector<1x2000x128xf32>
    %get3A_23 = vector.shape_cast %get3A_22 : vector<1x2000x128xf32> to vector<2000x128xf32>
    %add3A_24 = arith.addf %get3A_18, %get3A_23 : vector<2000x128xf32>
    %add3A_25 = arith.addf %add3A, %add3A_24 : vector<2000x128xf32>
    %get3A_26 = arith.constant 0 : index
    %get3A_27 = arith.constant 0 : index
    %get3A_28 = vector.load %arg4[%get3A_26, %get3A_27] : memref<128x128xf32, #tpu.memory_space<vmem>>, vector<128x128xf32>
    %dot_general3A = arith.constant dense<0.000000e+00> : vector<2000x128xf32>
    %dot_general3A_29 = tpu.matmul %get3A_3, %get3A_28, %dot_general3A {dimension_numbers = #tpu.dot_dimension_numbers<[1], [0], [0], [1], [0, 0, 1, 1], [], []>, transpose_lhs_hint = false} : vector<2000x128xf32>, vector<128x128xf32>, vector<2000x128xf32> -> vector<2000x128xf32>
    %get3A_30 = arith.constant 0 : index
    %get3A_31 = arith.constant 0 : index
    %get3A_32 = vector.load %arg5[%get3A_30, %get3A_31] : memref<128x128xf32, #tpu.memory_space<vmem>>, vector<128x128xf32>
    %dot_general3A_33 = arith.constant dense<0.000000e+00> : vector<2000x128xf32>
    %dot_general3A_34 = tpu.matmul %add3A_25, %get3A_32, %dot_general3A_33 {dimension_numbers = #tpu.dot_dimension_numbers<[1], [0], [0], [1], [0, 0, 1, 1], [], []>, transpose_lhs_hint = false} : vector<2000x128xf32>, vector<128x128xf32>, vector<2000x128xf32> -> vector<2000x128xf32>
    %add3A_35 = arith.addf %dot_general3A_29, %dot_general3A_34 : vector<2000x128xf32>
    %get3A_36 = arith.constant 0 : index
    %get3A_37 = arith.constant 0 : index
    %get3A_38 = vector.load %arg6[%get3A_36, %get3A_37] : memref<1x128xf32, #tpu.memory_space<vmem>>, vector<1x128xf32>
    %add3A_39 = vector.broadcast %get3A_38 : vector<1x128xf32> to vector<2000x128xf32>
    %add3A_40 = arith.addf %add3A_35, %add3A_39 : vector<2000x128xf32>
    %logistic3A = arith.negf %add3A_40 : vector<2000x128xf32>
    %logistic3A_41 = math.exp %logistic3A : vector<2000x128xf32>
    %logistic3A_42 = arith.constant 1.000000e+00 : f32
    %logistic3A_43 = vector.broadcast %logistic3A_42 : f32 to vector<2000x128xf32>
    %logistic3A_44 = arith.addf %logistic3A_43, %logistic3A_41 : vector<2000x128xf32>
    %logistic3A_45 = arith.divf %logistic3A_43, %logistic3A_44 : vector<2000x128xf32>
    %mul3A = arith.mulf %add3A_40, %logistic3A_45 : vector<2000x128xf32>
    %get3A_46 = arith.constant 0 : index
    %get3A_47 = arith.constant 0 : index
    %get3A_48 = vector.load %arg7[%get3A_46, %get3A_47] : memref<128x128xf32, #tpu.memory_space<vmem>>, vector<128x128xf32>
    %dot_general3A_49 = arith.constant dense<0.000000e+00> : vector<2000x128xf32>
    %dot_general3A_50 = tpu.matmul %mul3A, %get3A_48, %dot_general3A_49 {dimension_numbers = #tpu.dot_dimension_numbers<[1], [0], [0], [1], [0, 0, 1, 1], [], []>, transpose_lhs_hint = false} : vector<2000x128xf32>, vector<128x128xf32>, vector<2000x128xf32> -> vector<2000x128xf32>
    %get3A_51 = arith.constant 0 : index
    %get3A_52 = arith.constant 0 : index
    %get3A_53 = vector.load %arg8[%get3A_51, %get3A_52] : memref<1x128xf32, #tpu.memory_space<vmem>>, vector<1x128xf32>
    %add3A_54 = vector.broadcast %get3A_53 : vector<1x128xf32> to vector<2000x128xf32>
    %add3A_55 = arith.addf %dot_general3A_50, %add3A_54 : vector<2000x128xf32>
    %add3A_56 = arith.addf %get3A_3, %add3A_55 : vector<2000x128xf32>
    %get3A_57 = arith.constant 0 : index
    %get3A_58 = arith.constant 0 : index
    %get3A_59 = arith.constant 0 : index
    %get3A_60 = vector.load %arg9[%get3A_57, %get3A_58, %get3A_59] : memref<1x1x2000xi32, #tpu.memory_space<vmem>>, vector<1x1x2000xi32>
    %get3A_61 = vector.shape_cast %get3A_60 : vector<1x1x2000xi32> to vector<2000xi32>
    %broadcast_in_dim3A = vector.shape_cast %get3A_61 : vector<2000xi32> to vector<2000x1xi32>
    %iota3A = tpu.iota {dimensions = array<i32: 1>} : vector<2000x64xi32>
    %eq3A_62 = vector.broadcast %broadcast_in_dim3A : vector<2000x1xi32> to vector<2000x64xi32>
    %eq3A_63 = arith.cmpi eq, %eq3A_62, %iota3A : vector<2000x64xi32>
    %convert_element_type3A_64 = arith.extui %eq3A_63 : vector<2000x64xi1> to vector<2000x64xi32>
    %convert_element_type3A_65 = arith.sitofp %convert_element_type3A_64 : vector<2000x64xi32> to vector<2000x64xf32>
    %get3A_66 = arith.constant 0 : index
    %get3A_67 = arith.constant 0 : index
    %get3A_68 = vector.load %arg11[%get3A_66, %get3A_67] : memref<64x128xf32, #tpu.memory_space<vmem>>, vector<64x128xf32>
    %dot_general3A_69 = arith.constant dense<0.000000e+00> : vector<64x128xf32>
    %dot_general3A_70 = tpu.matmul %convert_element_type3A_65, %add3A_56, %dot_general3A_69 {dimension_numbers = #tpu.dot_dimension_numbers<[0], [0], [1], [1], [0, 1, 1, 1], [], []>, transpose_lhs_hint = false} : vector<2000x64xf32>, vector<2000x128xf32>, vector<64x128xf32> -> vector<64x128xf32>
    %add3A_71 = arith.addf %get3A_68, %dot_general3A_70 : vector<64x128xf32>
    %swap3A = arith.constant 0 : index
    %swap3A_72 = arith.constant 0 : index
    %swap3A_73 = vector.load %arg11[%swap3A, %swap3A_72] : memref<64x128xf32, #tpu.memory_space<vmem>>, vector<64x128xf32>
    tpu.vector_store %arg11[%swap3A, %swap3A_72], %add3A_71 {strides = array<i32>} : memref<64x128xf32, #tpu.memory_space<vmem>>, vector<64x128xf32>,
    %get3A_74 = arith.constant 0 : index
    %get3A_75 = arith.constant 0 : index
    %get3A_76 = vector.load %arg12[%get3A_74, %get3A_75] : memref<64x128xf32, #tpu.memory_space<vmem>>, vector<64x128xf32>
    %reduce_sum3A = arith.constant dense<0.000000e+00> : vector<64xf32>
    %reduce_sum3A_77 = vector.multi_reduction <add>, %convert_element_type3A_65, %reduce_sum3A [0] : vector<2000x64xf32> to vector<64xf32>
    %broadcast_in_dim3A_78 = vector.shape_cast %reduce_sum3A_77 : vector<64xf32> to vector<64x1xf32>
    %add3A_79 = vector.broadcast %broadcast_in_dim3A_78 : vector<64x1xf32> to vector<64x128xf32>
    %add3A_80 = arith.addf %get3A_76, %add3A_79 : vector<64x128xf32>
    %swap3A_81 = arith.constant 0 : index
    %swap3A_82 = arith.constant 0 : index
    %swap3A_83 = vector.load %arg12[%swap3A_81, %swap3A_82] : memref<64x128xf32, #tpu.memory_space<vmem>>, vector<64x128xf32>
    tpu.vector_store %arg12[%swap3A_81, %swap3A_82], %add3A_80 {strides = array<i32>} : memref<64x128xf32, #tpu.memory_space<vmem>>, vector<64x128xf32>,
    %eq3A_84 = arith.constant 4 : i32
    %eq3A_85 = arith.cmpi eq, %arg0, %eq3A_84 : i32
    %convert_element_type3A_86 = arith.extui %eq3A_85 : i1 to i32
    %cond3A_87 = arith.constant 0 : i32
    %cond3A_88 = arith.cmpi ne, %convert_element_type3A_86, %cond3A_87 : i32
    scf.if %cond3A_88 {
      %get3A_89 = arith.constant 0 : index
      %get3A_90 = arith.constant 0 : index
      %get3A_91 = vector.load %arg11[%get3A_89, %get3A_90] : memref<64x128xf32, #tpu.memory_space<vmem>>, vector<64x128xf32>
      %get3A_92 = arith.constant 0 : index
      %get3A_93 = arith.constant 0 : index
      %get3A_94 = vector.load %arg12[%get3A_92, %get3A_93] : memref<64x128xf32, #tpu.memory_space<vmem>>, vector<64x128xf32>
      %max3A = arith.constant 1.000000e+00 : f32
      %max3A_95 = vector.broadcast %max3A : f32 to vector<64x128xf32>
      %max3A_96 = arith.maximumf %get3A_94, %max3A_95 : vector<64x128xf32>
      %div3A = arith.divf %get3A_91, %max3A_96 : vector<64x128xf32>
      %swap3A_97 = arith.constant 0 : index
      %swap3A_98 = arith.constant 0 : index
      %swap3A_99 = vector.load %arg10[%swap3A_97, %swap3A_98] : memref<64x128xf32, #tpu.memory_space<vmem>>, vector<64x128xf32>
      tpu.vector_store %arg10[%swap3A_97, %swap3A_98], %div3A {strides = array<i32>} : memref<64x128xf32, #tpu.memory_space<vmem>>, vector<64x128xf32>,
    } else {
    }
    return
  }
  func.func @transform_0(%arg0: i32) -> (i32, i32) {
    %c0_i32 = arith.constant 0 : i32
    %c0_i32_0 = arith.constant 0 : i32
    return %arg0, %c0_i32 : i32, i32
  }
  func.func @transform_1(%arg0: i32) -> (i32, i32, i32) {
    %c0_i32 = arith.constant 0 : i32
    %c0_i32_0 = arith.constant 0 : i32
    %c0_i32_1 = arith.constant 0 : i32
    return %c0_i32, %arg0, %c0_i32_0 : i32, i32, i32
  }
  func.func @transform_2(%arg0: i32) -> (i32, i32, i32) {
    %c0_i32 = arith.constant 0 : i32
    %c0_i32_0 = arith.constant 0 : i32
    %c0_i32_1 = arith.constant 0 : i32
    return %c0_i32, %arg0, %c0_i32_0 : i32, i32, i32
  }
  func.func @transform_3(%arg0: i32) -> (i32, i32) {
    %c0_i32 = arith.constant 0 : i32
    %c0_i32_0 = arith.constant 0 : i32
    %c0_i32_1 = arith.constant 0 : i32
    return %c0_i32, %c0_i32_0 : i32, i32
  }
  func.func @transform_4(%arg0: i32) -> (i32, i32) {
    %c0_i32 = arith.constant 0 : i32
    %c0_i32_0 = arith.constant 0 : i32
    %c0_i32_1 = arith.constant 0 : i32
    return %c0_i32, %c0_i32_0 : i32, i32
  }
  func.func @transform_5(%arg0: i32) -> (i32, i32) {
    %c0_i32 = arith.constant 0 : i32
    %c0_i32_0 = arith.constant 0 : i32
    %c0_i32_1 = arith.constant 0 : i32
    return %c0_i32, %c0_i32_0 : i32, i32
  }
  func.func @transform_6(%arg0: i32) -> (i32, i32) {
    %c0_i32 = arith.constant 0 : i32
    %c0_i32_0 = arith.constant 0 : i32
    %c0_i32_1 = arith.constant 0 : i32
    return %c0_i32, %c0_i32_0 : i32, i32
  }
  func.func @transform_7(%arg0: i32) -> (i32, i32) {
    %c0_i32 = arith.constant 0 : i32
    %c0_i32_0 = arith.constant 0 : i32
    %c0_i32_1 = arith.constant 0 : i32
    return %c0_i32, %c0_i32_0 : i32, i32
  }
  func.func @transform_8(%arg0: i32) -> (i32, i32, i32) {
    %c0_i32 = arith.constant 0 : i32
    %c0_i32_0 = arith.constant 0 : i32
    %c0_i32_1 = arith.constant 0 : i32
    return %arg0, %c0_i32, %c0_i32_0 : i32, i32, i32
  }
  func.func @transform_9(%arg0: i32) -> (i32, i32) {
    %c0_i32 = arith.constant 0 : i32
    %c0_i32_0 = arith.constant 0 : i32
    %c0_i32_1 = arith.constant 0 : i32
    return %c0_i32, %c0_i32_0 : i32, i32
  }
}

</mosaic_0001>

<sc_bundles>
// kernel: kernel.10.cloned.1.call-start
scs
__scs_entry_jumppad:
0x0: {  	(pc) =	sbr.rel $0x88, $3  }
0x1: {  	(tag) =	ssettag $0x0;
	lr =	simm.s32 $0x1  }
0x2: {  	[smem:$0x3F94] =	sst lr;
	_ =	strace $0xD0000000  }
0x3: {  	_ = 	snop  }
0x4: {  	_ = 	snop  }
0x5: {  	_ = 	snop  }
0x6: {  	_ = 	snop  }
0x7: {  	_ = 	snop  }
__scs_overlays_trampoline_lowered:
0x8: {  	[smem:$0x3FA3] =	sst s0  }
0x9: {  	[smem:$0x3FA4] =	sst s1  }
0xa: {  	[smem:$0x3FA5] =	sst s2  }
0xb: {  	[smem:$0x3FA6] =	sst s3  }
0xc: {  	[smem:$0x3FA7] =	sst s4  }
0xd: {  	[smem:$0x3FA8] =	sst s5  }
0xe: {  	[smem:$0x3FA9] =	sst s6  }
0xf: {  	[smem:$0x3FAA] =	sst s7  }
0x10: {  	[smem:$0x3FAB] =	sst s8  }
0x11: {  	[smem:$0x3FAC] =	sst s9;
	s0 =	simm.s32 @!p0 $0x0  }
0x12: {  	s1 =	sld [smem:$0x3F92];
	s0 =	simm.s32 @p0 $0x1  }
0x13: {  	[smem:$0x3FAD] =	sst s0;
	s0 =	simm.s32 @!p1 $0x0  }
0x14: {  	s2 =	sld [smem:$0x3F91];
	s0 =	simm.s32 @p1 $0x1  }
0x15: {  	[smem:$0x3FAE] =	sst s0;
	s0 =	simm.s32 @!p2 $0x0  }
0x16: {  	s3 =	sld [smem:$0x3FDB];
	s0 =	simm.s32 @p2 $0x1  }
0x17: {  	s4 =	simm.s32 $0x1BF5;
	[smem:$0x3FB0] =	sst s0  }
0x18: {  	s0 =	sld [smem:$0x3F93];
	_ =	swait.ge [sflag:s4], $0x0  }
0x19: {  	s7 =	sld [smem:$0x3F94]  }
0x1a: {  	s8 =	sadd.s32 $0xFFFFE003, lr  }
0x1b: {  	s9 =	sadd.s32 $0xFFFFFEF7, lr;
	s5 =	simm.s32 $0xFFFFFFFF;
	p2 =	slt.u32 s8, $0xFFFFF086  }
0x1c: {  	p1 =	slt.u32 s9, $0xF7A;
	s5 =	simm.s32 @!p2 $0x0  }
0x1d: {  	s5 =	simm.s32 @p1 $0x1;
	p0 =	seq.s32 s7, s2  }
0x1e: {  	s7 =	smul.u32 @!p0 $0xF7A, s2;
	p2 =	seq.s32 @!p0 s5, $0x0  }
0x1f: {  	s9 =	smul.u32 $0xF7A, s1;
	s8 =	simm.s32 @!p0 $0x1BF5;
	p2 =	por !p2, p0  }
0x20: {  	[sflag:s8] =	ssyncset.s32 @!p0 $0xFFFFF086;
	s6 =	sadd.s32 @!p0 s3, s7;
	s7 =	simm.s32 @!p0 $0x108  }
0x21: {  	s3 =	sadd.s32 s3, s9;
	s6 =	sadd.s32 @!p0 $0x88, s6;
	s7 =	simm.s32 @p2 $0x1082  }
0x22: {  	[simem:s7], [sflag:s8] =	dma.local @!p0 [hbm:s6], $0xF7A  }
0x23: {  	s9 =	sor.u32 $0xD0000000, s2;
	s6 =	simm.s32 $0x108;
	_ =	swait.ge @!p0 [sflag:s8], $0x0  }
0x24: {  	s3 =	sadd.s32 $0x88, s3;
	s6 =	simm.s32 @!p1 $0x1082;
	[sflag:s4] =	ssyncset.s32 $0xFFFFF086  }
0x25: {  	[simem:s6], [sflag:s4] =	dma.local [hbm:s3], $0xF7A  }
0x26: {  	[smem:$0x3F94] =	sst s1;
	(tag) =	ssettag s2;
	_ =	strace s9  }
0x27: {  	s1 =	sld [smem:$0x3FA4]  }
0x28: {  	s2 =	sld [smem:$0x3FA5]  }
0x29: {  	s4 =	sld [smem:$0x3FA7]  }
0x2a: {  	p0 =	seq.s32 s5, $0x0;
	s5 =	sld [smem:$0x3FA8]  }
0x2b: {  	s6 =	sld [smem:$0x3FA9]  }
0x2c: {  	s7 =	sld [smem:$0x3FAA]  }
0x2d: {  	s3 =	simm.s32 $0x108;
	s8 =	sld [smem:$0x3FAB]  }
0x2e: {  	s3 =	simm.s32 @!p0 $0x1082;
	s9 =	sld [smem:$0x3FAC]  }
0x2f: {  	lr =	sadd.s32 s0, s3;
	s0 =	sld [smem:$0x3FA3]  }
0x30: {  	s3 =	sld [smem:$0x3FA6]  }
0x31: {  	[smem:$0x3FAF] =	sst s10  }
0x32: {  	s10 =	sld [smem:$0x3FAD];
	_ =	sdelay $0x3  }
0x33: {  	p0 =	seq.s32 s10, $0x1;
	s10 =	sld [smem:$0x3FAF];
	_ =	sdelay $0x3  }
0x34: {  	[smem:$0x3FAF] =	sst s10  }
0x35: {  	s10 =	sld [smem:$0x3FAE];
	_ =	sdelay $0x3  }
0x36: {  	p1 =	seq.s32 s10, $0x1;
	s10 =	sld [smem:$0x3FAF];
	_ =	sdelay $0x3  }
0x37: {  	[smem:$0x3FAF] =	sst s10  }
0x38: {  	s10 =	sld [smem:$0x3FB0]  }
0x39: {  	_ = 	snop;
	(pc) =	sbr.ind lr, $3  }
0x3a: {  	_ = 	snop  }
0x3b: {  	_ = 	snop  }
0x3c: {  	p2 =	seq.s32 s10, $0x1;
	s10 =	sld [smem:$0x3FAF]  }
0x3d: {  	_ =	shalt  }
0x3e: {  	_ =	shalt  }
0x3f: {  	_ =	shalt  }
0x40: {  	_ =	shalt  }
0x41: {  	_ =	shalt  }
0x42: {  	_ =	shalt  }
0x43: {  	_ =	shalt  }
0x44: {  	_ =	shalt  }
0x45: {  	_ =	shalt  }
0x46: {  	_ =	shalt  }
0x47: {  	_ =	shalt  }
0x48: {  	_ =	shalt  }
0x49: {  	_ =	shalt  }
0x4a: {  	_ =	shalt  }
0x4b: {  	_ =	shalt  }
0x4c: {  	_ =	shalt  }
0x4d: {  	_ =	shalt  }
0x4e: {  	_ =	shalt  }
0x4f: {  	_ =	shalt  }
0x50: {  	_ =	shalt  }
0x51: {  	_ =	shalt  }
0x52: {  	_ =	shalt  }
0x53: {  	_ =	shalt  }
0x54: {  	_ =	shalt  }
0x55: {  	_ =	shalt  }
0x56: {  	_ =	shalt  }
0x57: {  	_ =	shalt  }
0x58: {  	_ =	shalt  }
0x59: {  	_ =	shalt  }
0x5a: {  	_ =	shalt  }
0x5b: {  	_ =	shalt  }
0x5c: {  	_ =	shalt  }
0x5d: {  	_ =	shalt  }
0x5e: {  	_ =	shalt  }
0x5f: {  	_ =	shalt  }
0x60: {  	_ =	shalt  }
0x61: {  	_ =	shalt  }
0x62: {  	_ =	shalt  }
0x63: {  	_ =	shalt  }
0x64: {  	_ =	shalt  }
0x65: {  	_ =	shalt  }
0x66: {  	_ =	shalt  }
0x67: {  	_ =	shalt  }
0x68: {  	_ =	shalt  }
0x69: {  	_ =	shalt  }
0x6a: {  	_ =	shalt  }
0x6b: {  	_ =	shalt  }
0x6c: {  	_ =	shalt  }
0x6d: {  	_ =	shalt  }
0x6e: {  	_ =	shalt  }
0x6f: {  	_ =	shalt  }
0x70: {  	_ =	shalt  }
0x71: {  	_ =	shalt  }
0x72: {  	_ =	shalt  }
0x73: {  	_ =	shalt  }
0x74: {  	_ =	shalt  }
0x75: {  	_ =	shalt  }
0x76: {  	_ =	shalt  }
0x77: {  	_ =	shalt  }
0x78: {  	_ =	shalt  }
0x79: {  	_ =	shalt  }
0x7a: {  	_ =	shalt  }
0x7b: {  	_ =	shalt  }
0x7c: {  	_ =	shalt  }
0x7d: {  	_ =	shalt  }
0x7e: {  	_ =	shalt  }
0x7f: {  	_ =	shalt  }
0x80: {  	_ =	shalt  }
0x81: {  	_ =	shalt  }
0x82: {  	_ =	shalt  }
0x83: {  	_ =	shalt  }
0x84: {  	_ =	shalt  }
0x85: {  	_ =	shalt  }
0x86: {  	_ =	shalt  }
0x87: {  	_ =	shalt  }
.Lfunc_end0:
.L_simem_size_0:
called_computation_lowered:
.L_overlay_start_0:
0x88: {  	s2 =	sld [smem:$0x3FD9]  }
0x89: {  	s3 =	sld [smem:$0x3FFE];
	_ =	sdelay $0x1  }
0x8a: {  	s1 =	srdreg.scid  }
0x8b: {  	s0 =	sand.u32 $0x1, s1  }
0x8c: {  	s17 =	sshll.u32 s0, $0xA;
	s2 =	sadd.s32 s3, s2  }
0x8d: {  	s2 =	sadd.s32 s2, s17  }
0x8e: {  	[smem:$0x3FBB] =	sst s2  }
0x8f: {  	_ = 	snop  }
0x90: {  	(tm) =	ssettm $0x1  }
0x91: {  	s18 =	sld [smem:$0x3FFB];
	_ =	sdelay $0x3  }
0x92: {  	_ =	strace s18  }
0x93: {  	s2 =	sld [smem:$0x3FFC];
	_ =	sdelay $0x3  }
0x94: {  	_ =	strace s2  }
0x95: {  	s2 =	sld [smem:$0x3FFD];
	_ =	sdelay $0x3  }
0x96: {  	_ =	strace s2  }
0x97: {  	_ =	strace $0x8FFFFFFF  }
0x98: {  	s19 =	sld [smem:$0x3FDB];
	_ =	sdelay $0x1  }
0x99: {  	s20 =	simm.s32 $_scs_section_size  }
0x9a: {  	s4 =	simm.s32 $_size__tile_overlayer_lowered;
	s5 =	simm.s32 $_tile_overlayer_lowered  }
0x9b: {  	s6 =	simm.s32 $0x1BFF;
	s21 =	sshll.u32 s5, $0x1;
	s3 =	sadd.s32 s20, s19  }
0x9c: {  	s22 =	simm.s32 $0x0;
	s4 =	sshll.u32 s4, $0x1;
	s5 =	sadd.s32 s21, s3  }
0x9d: {  	[timem:s22], [sflag:s6] =	dma.local [hbm:s5], s4  }
0x9e: {  	_ =	swait.ge [sflag:s6], s4  }
0x9f: {  	s4 =	ssub.s32 $0x0, s4;
	[sflag:s6] =	ssyncset.done $0x0  }
0xa0: {  	[sflag:s6] =	ssyncadd.s32 s4;
	_ =	sdelay $0x1  }
0xa1: {  	s23 =	simm.s32 $0x1B8B  }
0xa2: {  	_ =	swait.ge [sflag:s23], $0x1  }
0xa3: {  	[sflag:s23] =	ssyncset.done $0x0  }
0xa4: {  	[sflag:s23] =	ssyncadd.s32 $0xFFFFFFFF  }
0xa5: {  	s4 =	sld [smem:$0x0]  }
0xa6: {  	s5 =	sand.u32 $0xFFFFFFFE, s1  }
0xa7: {  	p0 =	sne.s32 s1, s5  }
0xa8: {  	s5 =	sshll.u32 @p0 s5, $0xE  }
0xa9: {  	s5 =	sadd.s32 @p0 $0x11B8D, s5;
	s6 =	sshll.u32 @p0 s4, $0x11  }
0xaa: {  	s5 =	sor.u32 @p0 s6, s5  }
0xab: {  	[sflag:s5] =	ssyncadd.remote.s32 @p0 $0x1;
	_ =	sdelay $0x1  }
0xac: {  	s5 =	simm.s32 @p0 $0x1B8D  }
0xad: {  	_ =	swait.eq @p0 [sflag:s5], $0x1  }
0xae: {  	[sflag:s5] =	ssyncadd.s32 @p0 $0xFFFFFFFF  }
0xaf: {  	s6 =	sshll.u32 @!p0 s1, $0xE  }
0xb0: {  	s6 =	sor.u32 @!p0 $0x4000, s6;
	s5 =	simm.s32 @!p0 $0x1B8D  }
0xb1: {  	s4 =	sshll.u32 @!p0 s4, $0x11;
	s6 =	sadd.s32 @!p0 $0x11B8D, s6;
	_ =	swait.eq @!p0 [sflag:s5], $0x1  }
0xb2: {  	s4 =	sor.u32 @!p0 s4, s6;
	[sflag:s5] =	ssyncadd.s32 @!p0 $0xFFFFFFFF  }
0xb3: {  	s25 =	simm.s32 $0x1B8E;
	s24 =	sld [smem:$0x3FFE];
	[sflag:s4] =	ssyncadd.remote.s32 @!p0 $0x1  }
0xb4: {  	s26 =	simm.s32 $execute0_lowered;
	[smem:$0x3FD2] =	sst s25  }
0xb5: {  	s5 =	sshll.u32 s26, $0x1;
	_ =	strace $0x80000049;
	[dreg:$0x1] =	wrdreg $0xFFFFFFFF  }
0xb6: {  	s28 =	simm.s32 $_size_execute0_lowered;
	s3 =	sadd.s32 s3, s5;
	[dreg:$0x0] =	wrdreg $0x0  }
0xb7: {  	s5 =	sshll.u32 s28, $0x1;
	[dreg:$0x2] =	wrdreg s3  }
0xb8: {  	[dreg:$0x3] =	wrdreg s5  }
0xb9: {  	[dreg:$0x4] =	wrdreg $0xC0  }
0xba: {  	_ =	task [dreg:s22], $0x5FFFF  }
0xbb: {  	[dreg:$0x1] =	wrdreg $0xFFFFFFFF  }
0xbc: {  	[dreg:$0x0] =	wrdreg $0x60  }
0xbd: {  	[dreg:$0x2] =	wrdreg s24  }
0xbe: {  	[dreg:$0x3] =	wrdreg $0x9  }
0xbf: {  	_ =	task.clear_ibuf [dreg:s22], $0x4FFFF;
	_ =	strace $0x90000049  }
0xc0: {  	s29 =	simm.s32 $0x9;
	_ =	strace $0x8000004B  }
0xc1: {  	_ =	swait.ge [sflag:s29], $0x1  }
0xc2: {  	[sflag:s29] =	ssyncadd.s32 $0xFFFFFFFF  }
0xc3: {  	_ =	strace $0x9000004B  }
0xc4: {  	_ =	sfence  }
0xc5: {  	s30 =	sld [smem:$0x0];
	_ =	sdelay $0x2  }
0xc6: {  	s31 =	sshll.u32 s1, $0xD;
	s1 =	sshrl.u32 s1, $0x2  }
0xc7: {  	s4 =	sand.u32 $0x4000, s31;
	s1 =	sadd.s32 s1, s30  }
0xc8: {  	s0 =	sor.u32 s4, s0;
	s1 =	sshll.u32 s1, $0x11  }
0xc9: {  	s0 =	sor.u32 s1, s0  }
0xca: {  	s0 =	sadd.s32 $0x8F2B, s0  }
0xcb: {  	[sflag:s0] =	ssyncadd.remote.s32 $0x1  }
0xcc: {  	_ =	sfence.sel $0xFFFF  }
0xcd: {  	[dreg:$0x0] =	wrdreg $0xFFFFFFFF;
	(pc) =	sbr.abs _section_cstart, $3  }
0xce: {  	[dreg:$0x1] =	wrdreg $0xFFFFFFFF  }
0xcf: {  	_ =	task.clear_ibuf [dreg:s22], $0x2FFFF;
	_ =	strace $0x9FFFFFFF  }
0xd0: {  	(tm) =	ssettm $0x7FFFFFFF  }
0xd1: {  	_ =	shalt  }
tec
execute0_lowered:
.L_overlay_start_1:
0x0: {  	(tag) =	ssettag $0x1  }
0x1: {  	s0 =	srdreg.scid;
	s5 =	stileid.u32  }
0x2: {  	s6 =	rddreg [dreg:$0x0];
	s20 =	simm.s32 $0x1;
	s21 =	simm.s32 $0x2  }
0x3: {  	s23 =	simm.s32 $0x3;
	s24 =	simm.s32 $0x4;
	s0 =	sand.u32 $0x1, s0  }
0x4: {  	s1 =	sshll.u32 s5, $0x1;
	s4 =	sadd.s32 $0x50A00, s6;
	s30 =	sadd.s32 $0x2600, s6  }
0x5: {  	p0 =	seq.s32 s5, $0x0;
	s2 =	sor.u32 s0, s1;
	s1 =	simm.s32 $0x0  }
0x6: {  	s0 =	ssub.s32 $0x2, s0;
	s3 =	smul.u32 $0x27, s2;
	[smem:$0x7FF] =	sst s1  }
0x7: {  	s2 =	smin.u32 s2, $0x2;
	s9 =	sshrl.u32 s0, $0x1;
	_ =	strace $0x8000004A  }
0x8: {  	[dreg:$0x2] =	wrdreg s30;
	s0 =	ssub.s32 s0, s9;
	s2 =	sadd.s32 s2, s3  }
.Ltmp0:
0x9: {  	s0 =	smax.u32 s0, $0x1;
	s7 =	sshll.u32 s2, $0x4;
	(pc) =	sbr.rel .LBB2_1-.Ltmp0, $4  }
0xa: {  	s3 =	sadd.s32 $0x2800, s6;
	[dreg:$0x5] =	wrdreg s0;
	s8 =	sadd.s32 s7, s6  }
0xb: {  	s6 =	sadd.s32 $0x2EDA00, s6;
	s7 =	simm.s32 $0x28;
	s31 =	sadd.s32 $0x3D800, s8  }
0xc: {  	s7 =	simm.s32 @!p0 $0x27;
	s8 =	sadd.s32 $0x38800, s8;
	[dreg:$0x3] =	wrdreg s31  }
0xd: {  	p0 =	sne.s32 s5, $0x0;
	[dreg:$0x4] =	wrdreg s8;
	s8 =	simm.s32 $0x0  }
.LBB2_11:
0xe: {  	s0 =	simm.s32 $0x5  }
0xf: {  	_ =	swait.ge [sflag:s0], $0x4000  }
0x10: {  	[sflag:s0] =	ssyncset.done $0x0  }
0x11: {  	s5 =	simm.s32 $0x6;
	[sflag:s0] =	ssyncadd.s32 $0xFFFFC000  }
0x12: {  	_ =	swait.ge [sflag:s5], $0x4000  }
0x13: {  	s8 =	rddreg [dreg:$0x6]  }
0x14: {  	s31 =	rddreg [dreg:$0x5];
	s8 =	sadd.s32 $0x1, s8  }
0x15: {  	p1 =	sne.s32 s8, s31  }
.Ltmp1:
0x16: {  	_ = 	snop;
	(pc) =	sbr.rel @!p1 .LBB2_12-.Ltmp1, $3  }
0x17: {  	_ =	sdelay $0x1  }
0x18: {  	[sflag:s5] =	ssyncset.done $0x0  }
0x19: {  	[sflag:s5] =	ssyncadd.s32 $0xFFFFC000  }
.LBB2_1:
0x1a: {  	[dreg:$0x6] =	wrdreg s8  }
0x1b: {  	s0 =	rddreg [dreg:$0x2];
	s5 =	simm.s32 $0x1C800;
	s18 =	simm.s32 $0x7  }
0x1c: {  	[tilespmem:s5], [sflag:$0x7] =	stream.linear.gather [hbm4b:s0+s1], $0x80, $0x38;
	[tilespmem:$0x1C880] =	vst v63  }
0x1d: {  	_ =	swait.ge [sflag:s18], $0x80  }
0x1e: {  	s0 =	simm.s32 @p0 $0x0;
	[sflag:s18] =	ssyncset.done $0x0  }
0x1f: {  	s5 =	simm.s32 @p0 $0x7;
	s9 =	rddreg [dreg:$0x3];
	[sflag:s18] =	ssyncadd.s32 $0xFFFFFF80  }
0x20: {  	[tilespmem:s0], [sflag:$0x7] =	stream.linear.gather @p0 [hbm4b:s9+s0], $0x1380, $0x38;
	[tilespmem:$0x1C880] =	vst v63  }
0x21: {  	_ =	swait.ge @p0 [sflag:s5], $0x1380  }
0x22: {  	[sflag:s5] =	ssyncset.done @p0 $0x0  }
0x23: {  	s8 =	simm.s32 @p0 $0x1400;
	s10 =	rddreg [dreg:$0x4];
	[sflag:s5] =	ssyncadd.s32 @p0 $0xFFFFEC80  }
0x24: {  	[tilespmem:s8], [sflag:$0x7] =	stream.linear.gather @p0 [hbm4b:s10+s0], $0x1380, $0x38;
	[tilespmem:$0x1C880] =	vst v63  }
0x25: {  	_ =	swait.ge @p0 [sflag:s5], $0x1380  }
0x26: {  	[sflag:s5] =	ssyncset.done @p0 $0x0  }
0x27: {  	s0 =	simm.s32 @!p0 $0x0;
	[sflag:s5] =	ssyncadd.s32 @p0 $0xFFFFEC80;
	s5 =	simm.s32 @!p0 $0x7  }
0x28: {  	[tilespmem:s0], [sflag:$0x7] =	stream.linear.gather @!p0 [hbm4b:s9+s0], $0x1400, $0x38;
	[tilespmem:$0x1C880] =	vst v63  }
0x29: {  	_ =	swait.ge @!p0 [sflag:s5], $0x1400  }
0x2a: {  	[sflag:s5] =	ssyncset.done @!p0 $0x0  }
0x2b: {  	s8 =	simm.s32 @!p0 $0x1400;
	[sflag:s5] =	ssyncadd.s32 @!p0 $0xFFFFEC00  }
0x2c: {  	[tilespmem:s8], [sflag:$0x7] =	stream.linear.gather @!p0 [hbm4b:s10+s0], $0x1400, $0x38;
	[tilespmem:$0x1C880] =	vst v63  }
0x2d: {  	_ =	swait.ge @!p0 [sflag:s5], $0x1400  }
0x2e: {  	[sflag:s5] =	ssyncset.done @!p0 $0x0  }
0x2f: {  	s19 =	simm.s32 $0x80;
	s22 =	simm.s32 $0x2800;
	[sflag:s5] =	ssyncadd.s32 @!p0 $0xFFFFEC00  }
0x30: {  	[tilespmem:s22], [sflag:$0x1] =	stream.indirect.gather [hbm4b:s3+s19], $0x90, s1, s19, $0xb8;
	[tilespmem:$0x1C880] =	vst v63  }
0x31: {  	s25 =	simm.s32 $0x1400;
	s26 =	simm.s32 $0x7000  }
0x32: {  	[tilespmem:s26], [sflag:$0x2] =	stream.indirect.gather [hbm4b:s4+s19], $0x90, s25, s19, $0xb8;
	[tilespmem:$0x1C880] =	vst v63  }
.Ltmp2:
0x33: {  	_ = 	snop;
	(pc) =	sbr.rel .LBB2_2-.Ltmp2, $4  }
0x34: {  	s28 =	simm.s32 $0xB800  }
0x35: {  	[tilespmem:s28], [sflag:$0x3] =	stream.indirect.gather [hbm4b:s3+s19], $0x90, s19, s19, $0xb8;
	[tilespmem:$0x1C880] =	vst v63  }
0x36: {  	s29 =	simm.s32 $0x1480;
	s31 =	simm.s32 $0x10000;
	s30 =	simm.s32 $0x0  }
0x37: {  	[tilespmem:s31], [sflag:$0x4] =	stream.indirect.gather [hbm4b:s4+s19], $0x90, s29, s19, $0xb8;
	[tilespmem:$0x1C880] =	vst v63  }
.LBB2_10:
0x38: {  	s0 =	sadd.s32 $0x3, s31  }
0x39: {  	p1 =	sge.u32 s0, s7  }
0x3a: {  	s0 =	sshll.u32 @!p1 s0, $0x7;
	s5 =	simm.s32 @!p1 $0x80;
	s8 =	simm.s32 @!p1 $0xB800  }
0x3b: {  	[tilespmem:s8], [sflag:$0x3] =	stream.indirect.gather @!p1 [hbm4b:s3+s5], $0x90, s0, s5, $0xb8;
	[tilespmem:$0x1C880] =	vst v63  }
0x3c: {  	s30 =	sadd.s32 $0x1, s30;
	s0 =	sadd.s32 @!p1 $0x1400, s0;
	s8 =	simm.s32 @!p1 $0x10000  }
0x3d: {  	[tilespmem:s8], [sflag:$0x4] =	stream.indirect.gather @!p1 [hbm4b:s4+s5], $0x90, s0, s5, $0xb8;
	[tilespmem:$0x1C880] =	vst v63  }
0x3e: {  	p1 =	sne.s32 s30, $0x14  }
.Ltmp3:
0x3f: {  	_ = 	snop;
	(pc) =	sbr.rel @!p1 .LBB2_11-.Ltmp3, $1  }
0x40: {  	_ =	sdelay $0x3  }
.LBB2_2:
0x41: {  	s31 =	sshll.u32 s30, $0x1  }
0x42: {  	p1 =	sge.u32 s31, s7  }
.Ltmp4:
0x43: {  	_ = 	snop;
	(pc) =	sbr.rel @p1 .LBB2_6-.Ltmp4, $1  }
0x44: {  	_ =	sdelay $0x3  }
0x45: {  	_ =	swait.ge [sflag:s20], $0x4800  }
0x46: {  	[sflag:s20] =	ssyncset.done $0x0  }
0x47: {  	[sflag:s20] =	ssyncadd.s32 $0xFFFFB800  }
0x48: {  	_ =	swait.ge [sflag:s21], $0x4800  }
0x49: {  	p1 =	seq.s32 s30, $0x0;
	[sflag:s21] =	ssyncset.done $0x0  }
0x4a: {  	s0 =	simm.s32 @!p1 $0x5;
	[sflag:s21] =	ssyncadd.s32 $0xFFFFB800  }
0x4b: {  	_ =	swait.ge @!p1 [sflag:s0], $0x4000  }
0x4c: {  	[sflag:s0] =	ssyncset.done @!p1 $0x0  }
0x4d: {  	s14 =	simm.s32 $0x2890;
	[sflag:s0] =	ssyncadd.s32 @!p1 $0xFFFFC000  }
0x4e: {  	s11 =	simm.s32 $0x7090;
	v0 =	vld [tilespmem:s14+$0x80]  }
0x4f: {  	v1 =	vld [tilespmem:s11+$0x80]  }
0x50: {  	v2 =	vld [tilespmem:s11+$0xFFFFFFF0]  }
0x51: {  	v3 =	vld [tilespmem:s14+$0xFFFFFFF0];
	_ =	sdelay $0x2  }
0x52: {  	v0 =	vsub.f32 v0, v1;
	_ =	sdelay $0x1  }
0x53: {  	v1 =	vsub.f32 v3, v2;
	v0 =	vmul.f32 v0, v0;
	_ =	sdelay $0x1  }
0x54: {  	v1 =	vmul.f32 v1, v1;
	(v2sf) =	vpush v0, $0x0  }
0x55: {  	(v2sf) =	vpush v0, $0x1  }
0x56: {  	(v2sf) =	vpush v1, $0x0  }
0x57: {  	(v2sf) =	vpush v0, $0x2;
	_ =	sdelay $0xa  }
0x58: {  	v2 =	vld [tilespmem:s14+$0x0]  }
0x59: {  	v3 =	vld [tilespmem:s11+$0x0];
	s17 =	spop (v2sf)  }
0x5a: {  	v0 =	vld [tilespmem:$0x1C800];
	s5 =	spop (v2sf)  }
0x5b: {  	s0 =	sadd.f32 s5, s17;
	s18 =	spop (v2sf)  }
0x5c: {  	s8 =	spop (v2sf)  }
0x5d: {  	s8 =	sadd.f32 s0, s8;
	_ =	sdelay $0x1  }
0x5e: {  	v2 =	vadd.f32 v3, v2;
	v3 =	vmul.f32 s8, v0;
	_ =	sdelay $0x1  }
0x5f: {  	v2 =	vadd.f32 v3, v2  }
0x60: {  	s0 =	simm.s32 $0x14880  }
0x61: {  	[tilespmem:s0+$0x0] =	vst v2  }
0x62: {  	v2 =	vld [tilespmem:s14+$0x10]  }
0x63: {  	v3 =	vld [tilespmem:s11+$0x10]  }
0x64: {  	v4 =	vld [tilespmem:$0x1C810];
	_ =	sdelay $0x2  }
0x65: {  	(v2sf) =	vpush v1, $0x1;
	_ =	sdelay $0x1  }
0x66: {  	(v2sf) =	vpush v1, $0x2;
	v1 =	vadd.f32 v3, v2;
	v2 =	vmul.f32 s8, v4;
	_ =	sdelay $0x1  }
0x67: {  	v1 =	vadd.f32 v2, v1  }
0x68: {  	s15 =	simm.s32 $0x29B0  }
0x69: {  	v5 =	vld [tilespmem:s15+$0x80];
	[tilespmem:s0+$0x10] =	vst v1  }
0x6a: {  	v1 =	vld [tilespmem:s14+$0x20]  }
0x6b: {  	v3 =	vld [tilespmem:s11+$0x20]  }
0x6c: {  	s16 =	simm.s32 $0x71B0;
	v4 =	vld [tilespmem:$0x1C820]  }
0x6d: {  	v6 =	vld [tilespmem:s16+$0x80]  }
0x6e: {  	v7 =	vld [tilespmem:s16+$0xFFFFFFF0]  }
0x6f: {  	v8 =	vld [tilespmem:s15+$0xFFFFFFF0]  }
0x70: {  	v9 =	vld [tilespmem:s11+$0xFFFFFF70]  }
0x71: {  	v2 =	vld [tilespmem:s14+$0xFFFFFF70];
	v1 =	vadd.f32 v3, v1;
	v3 =	vmul.f32 s8, v4  }
0x72: {  	s9 =	spop (v2sf)  }
0x73: {  	s5 =	sadd.f32 s9, s18;
	v4 =	vsub.f32 v5, v6;
	v1 =	vadd.f32 v3, v1  }
0x74: {  	s19 =	spop (v2sf)  }
0x75: {  	s17 =	sadd.f32 s5, s19;
	v3 =	vsub.f32 v8, v7;
	v4 =	vmul.f32 v4, v4;
	[tilespmem:s0+$0x20] =	vst v1  }
0x76: {  	v1 =	vadd.f32 v9, v2;
	v2 =	vld [tilespmem:s14+$0x30]  }
0x77: {  	v0 =	vmul.f32 s17, v0;
	v3 =	vmul.f32 v3, v3;
	(v2sf) =	vpush v4, $0x0;
	v5 =	vld [tilespmem:s11+$0x30]  }
0x78: {  	(v2sf) =	vpush v4, $0x1;
	v6 =	vld [tilespmem:$0x1C830]  }
0x79: {  	v0 =	vadd.f32 v0, v1;
	(v2sf) =	vpush v3, $0x0  }
0x7a: {  	(v2sf) =	vpush v4, $0x2  }
0x7b: {  	[tilespmem:s0+$0xFFFFFF80] =	vst v0  }
0x7c: {  	v0 =	vld [tilespmem:s14+$0xFFFFFF80]  }
0x7d: {  	v1 =	vld [tilespmem:s11+$0xFFFFFF80];
	v2 =	vadd.f32 v5, v2;
	v4 =	vmul.f32 s8, v6  }
0x7e: {  	v5 =	vld [tilespmem:$0x1C810]  }
0x7f: {  	v2 =	vadd.f32 v4, v2;
	_ =	sdelay $0x1  }
0x80: {  	(v2sf) =	vpush v3, $0x1;
	[tilespmem:s0+$0x30] =	vst v2  }
0x81: {  	v2 =	vld [tilespmem:s14+$0x40]  }
0x82: {  	(v2sf) =	vpush v3, $0x2;
	v0 =	vadd.f32 v1, v0;
	v1 =	vmul.f32 s17, v5;
	v3 =	vld [tilespmem:s11+$0x40]  }
0x83: {  	v4 =	vld [tilespmem:$0x1C840]  }
0x84: {  	v5 =	vld [tilespmem:s15+$0x0];
	v0 =	vadd.f32 v1, v0  }
0x85: {  	v1 =	vld [tilespmem:$0x1C800];
	s22 =	spop (v2sf)  }
0x86: {  	[tilespmem:s0+$0xFFFFFF90] =	vst v0;
	v0 =	vld [tilespmem:s16+$0x0];
	s25 =	spop (v2sf)  }
0x87: {  	v6 =	vld [tilespmem:s14+$0xFFFFFF90];
	s5 =	sadd.f32 s25, s22;
	s26 =	spop (v2sf)  }
0x88: {  	v7 =	vld [tilespmem:s11+$0xFFFFFF90];
	v2 =	vadd.f32 v3, v2;
	v3 =	vmul.f32 s8, v4;
	s10 =	spop (v2sf)  }
0x89: {  	v4 =	vld [tilespmem:$0x1C820];
	s18 =	sadd.f32 s5, s10  }
0x8a: {  	v2 =	vadd.f32 v3, v2  }
0x8b: {  	v8 =	vld [tilespmem:s16+$0xFFFFFF70];
	v0 =	vadd.f32 v0, v5;
	v5 =	vmul.f32 s18, v1  }
0x8c: {  	v3 =	vld [tilespmem:s15+$0xFFFFFF70];
	[tilespmem:s0+$0x40] =	vst v2  }
0x8d: {  	v2 =	vld [tilespmem:s14+$0x50];
	v0 =	vadd.f32 v5, v0  }
0x8e: {  	s19 =	simm.s32 $0x14980;
	v4 =	vmul.f32 s17, v4;
	v5 =	vadd.f32 v7, v6;
	v6 =	vld [tilespmem:s11+$0x50]  }
0x8f: {  	s12 =	spop (v2sf);
	[tilespmem:s19+$0x0] =	vst v0;
	v0 =	vld [tilespmem:$0x1C850]  }
0x90: {  	s5 =	sadd.f32 s12, s26;
	v4 =	vadd.f32 v4, v5;
	v5 =	vld [tilespmem:s15+$0x10]  }
0x91: {  	s13 =	spop (v2sf);
	v7 =	vld [tilespmem:s16+$0x10]  }
0x92: {  	s10 =	simm.s32 $0x2AD0;
	s5 =	sadd.f32 s5, s13;
	[tilespmem:s0+$0xFFFFFFA0] =	vst v4;
	v4 =	vld [tilespmem:$0x1C810]  }
0x93: {  	v11 =	vld [tilespmem:s10+$0x80];
	s26 =	simm.s32 $0x72D0  }
0x94: {  	v12 =	vld [tilespmem:s26+$0xFFFFFFF0];
	v3 =	vadd.f32 v8, v3;
	v1 =	vmul.f32 s5, v1  }
0x95: {  	v48 =	vld [tilespmem:s26+$0xFFFFFF70];
	v2 =	vadd.f32 v6, v2;
	v0 =	vmul.f32 s8, v0  }
0x96: {  	v1 =	vadd.f32 v1, v3;
	v8 =	vld [tilespmem:s14+$0xFFFFFFA0]  }
0x97: {  	v3 =	vld [tilespmem:s11+$0xFFFFFFA0];
	v5 =	vadd.f32 v7, v5;
	v0 =	vadd.f32 v0, v2;
	v4 =	vmul.f32 s18, v4  }
0x98: {  	v6 =	vld [tilespmem:$0x1C830];
	[tilespmem:s19+$0xFFFFFF80] =	vst v1  }
0x99: {  	v1 =	vld [tilespmem:s15+$0xFFFFFF80];
	[tilespmem:s0+$0x50] =	vst v0;
	v0 =	vadd.f32 v4, v5  }
0x9a: {  	v7 =	vld [tilespmem:$0x1C810]  }
0x9b: {  	v4 =	vld [tilespmem:s14+$0x60];
	[tilespmem:s19+$0x10] =	vst v0  }
0x9c: {  	v45 =	vld [tilespmem:s15+$0x20]  }
0x9d: {  	v10 =	vld [tilespmem:s16+$0x20]  }
0x9e: {  	v3 =	vadd.f32 v3, v8;
	v6 =	vmul.f32 s17, v6;
	v8 =	vld [tilespmem:$0x1C820]  }
0x9f: {  	v5 =	vld [tilespmem:s11+$0x60]  }
0xa0: {  	v3 =	vadd.f32 v6, v3;
	v6 =	vld [tilespmem:s26+$0x80]  }
0xa1: {  	v0 =	vld [tilespmem:$0x1C860]  }
0xa2: {  	[tilespmem:s0+$0xFFFFFFB0] =	vst v3;
	v3 =	vld [tilespmem:s10+$0xFFFFFFF0]  }
0xa3: {  	v2 =	vld [tilespmem:s16+$0xFFFFFF80];
	v9 =	vadd.f32 v10, v45;
	v8 =	vmul.f32 s18, v8  }
0xa4: {  	v13 =	vld [tilespmem:s14+$0xFFFFFFB0]  }
0xa5: {  	v46 =	vld [tilespmem:s11+$0xFFFFFFB0];
	v6 =	vsub.f32 v11, v6;
	v8 =	vadd.f32 v8, v9  }
0xa6: {  	v47 =	vld [tilespmem:$0x1C840];
	v4 =	vadd.f32 v5, v4;
	v0 =	vmul.f32 s8, v0  }
0xa7: {  	v5 =	vld [tilespmem:s10+$0xFFFFFF70];
	v3 =	vsub.f32 v3, v12;
	v6 =	vmul.f32 v6, v6;
	[tilespmem:s19+$0x20] =	vst v8  }
0xa8: {  	v1 =	vadd.f32 v2, v1;
	v0 =	vadd.f32 v0, v4;
	v4 =	vmul.f32 s5, v7;
	v2 =	vld [tilespmem:s15+$0x30]  }
0xa9: {  	v3 =	vmul.f32 v3, v3;
	(v2sf) =	vpush v6, $0x0;
	v7 =	vld [tilespmem:s16+$0x30]  }
0xaa: {  	[tilespmem:s0+$0x60] =	vst v0;
	(v2sf) =	vpush v6, $0x1;
	v1 =	vadd.f32 v4, v1;
	v0 =	vld [tilespmem:$0x1C830]  }
0xab: {  	v49 =	vmul.f32 s17, v47;
	v4 =	vld [tilespmem:s14+$0x70];
	(v2sf) =	vpush v3, $0x0;
	v8 =	vadd.f32 v46, v13  }
0xac: {  	v50 =	vld [tilespmem:s11+$0x70];
	(v2sf) =	vpush v6, $0x2;
	[tilespmem:s19+$0xFFFFFF90] =	vst v1  }
0xad: {  	(v2sf) =	vpush v3, $0x1;
	v6 =	vadd.f32 v49, v8;
	v8 =	vld [tilespmem:s15+$0xFFFFFF90]  }
0xae: {  	v51 =	vld [tilespmem:s16+$0xFFFFFF90]  }
0xaf: {  	(v2sf) =	vpush v3, $0x2;
	v3 =	vld [tilespmem:$0x1C820];
	v2 =	vadd.f32 v7, v2;
	v0 =	vmul.f32 s18, v0  }
0xb0: {  	v1 =	vld [tilespmem:$0x1C870];
	[tilespmem:s0+$0xFFFFFFC0] =	vst v6  }
0xb1: {  	v6 =	vld [tilespmem:s14+$0xFFFFFFC0];
	v0 =	vadd.f32 v0, v2  }
0xb2: {  	v7 =	vld [tilespmem:$0x1C850]  }
0xb3: {  	v2 =	vld [tilespmem:s11+$0xFFFFFFC0];
	[tilespmem:s19+$0x30] =	vst v0  }
0xb4: {  	v8 =	vadd.f32 v51, v8;
	v3 =	vmul.f32 s5, v3;
	v0 =	vld [tilespmem:s15+$0x40]  }
0xb5: {  	v52 =	vld [tilespmem:s16+$0x40]  }
0xb6: {  	v3 =	vadd.f32 v3, v8;
	v53 =	vld [tilespmem:$0x1C840]  }
0xb7: {  	v8 =	vld [tilespmem:$0x1C800]  }
0xb8: {  	[tilespmem:s19+$0xFFFFFFA0] =	vst v3;
	v3 =	vld [tilespmem:s26+$0x0];
	v2 =	vadd.f32 v2, v6;
	v6 =	vmul.f32 s17, v7;
	s22 =	spop (v2sf)  }
0xb9: {  	v7 =	vld [tilespmem:s10+$0x0];
	s12 =	spop (v2sf)  }
0xba: {  	v54 =	vld [tilespmem:s16+$0xFFFFFFA0];
	v2 =	vadd.f32 v6, v2;
	s9 =	sadd.f32 s12, s22;
	s25 =	spop (v2sf)  }
0xbb: {  	v6 =	vld [tilespmem:s15+$0xFFFFFFA0];
	s13 =	spop (v2sf);
	v0 =	vadd.f32 v52, v0;
	v55 =	vmul.f32 s18, v53  }
0xbc: {  	[tilespmem:s0+$0xFFFFFFD0] =	vst v2;
	s13 =	sadd.f32 s9, s13;
	s22 =	spop (v2sf);
	v2 =	vld [tilespmem:$0x1C830]  }
0xbd: {  	s9 =	sadd.f32 s22, s25;
	v0 =	vadd.f32 v55, v0;
	v56 =	vld [tilespmem:s14+$0xFFFFFFD0]  }
0xbe: {  	s25 =	spop (v2sf);
	v3 =	vadd.f32 v3, v7;
	v57 =	vld [tilespmem:s11+$0xFFFFFFD0];
	v7 =	vmul.f32 s13, v8  }
0xbf: {  	s28 =	sadd.f32 s9, s25;
	[tilespmem:s19+$0x40] =	vst v0;
	v0 =	vld [tilespmem:$0x1C860]  }
0xc0: {  	v3 =	vadd.f32 v7, v3;
	v7 =	vld [tilespmem:s15+$0x50]  }
0xc1: {  	v5 =	vadd.f32 v48, v5;
	s12 =	simm.s32 $0x14A80;
	v58 =	vld [tilespmem:s16+$0x50];
	v8 =	vmul.f32 s28, v8  }
0xc2: {  	[tilespmem:s12+$0x0] =	vst v3;
	v3 =	vld [tilespmem:$0x1C850]  }
0xc3: {  	v5 =	vadd.f32 v8, v5;
	v8 =	vld [tilespmem:s10+$0x10]  }
0xc4: {  	v6 =	vadd.f32 v54, v6;
	v2 =	vmul.f32 s5, v2;
	v59 =	vld [tilespmem:s26+$0x10]  }
0xc5: {  	[tilespmem:s12+$0xFFFFFF80] =	vst v5;
	v5 =	vld [tilespmem:$0x1C810]  }
0xc6: {  	v2 =	vadd.f32 v2, v6;
	v6 =	vld [tilespmem:s10+$0xFFFFFF80]  }
0xc7: {  	v7 =	vadd.f32 v58, v7;
	v60 =	vld [tilespmem:s26+$0xFFFFFF80];
	v3 =	vmul.f32 s18, v3  }
0xc8: {  	[tilespmem:s19+$0xFFFFFFB0] =	vst v2;
	v2 =	vld [tilespmem:$0x1C810]  }
0xc9: {  	v61 =	vld [tilespmem:s16+$0xFFFFFFB0];
	v3 =	vadd.f32 v3, v7  }
0xca: {  	v62 =	vld [tilespmem:$0x1C840];
	v8 =	vadd.f32 v59, v8;
	v5 =	vmul.f32 s13, v5  }
0xcb: {  	v4 =	vadd.f32 v50, v4;
	v1 =	vmul.f32 s8, v1;
	v7 =	vld [tilespmem:s15+$0xFFFFFFB0];
	[tilespmem:s19+$0x50] =	vst v3  }
0xcc: {  	v63 =	vmul.f32 s17, v0;
	v3 =	vadd.f32 v57, v56;
	v5 =	vadd.f32 v5, v8;
	v0 =	vld [tilespmem:s15+$0x60]  }
0xcd: {  	v4 =	vadd.f32 v1, v4;
	v6 =	vadd.f32 v60, v6;
	v8 =	vmul.f32 s28, v2;
	v1 =	vld [tilespmem:s16+$0x60]  }
0xce: {  	v2 =	vld [tilespmem:$0x1C860];
	v3 =	vadd.f32 v63, v3;
	[tilespmem:s12+$0x10] =	vst v5  }
0xcf: {  	[tilespmem:s0+$0x70] =	vst v4;
	v8 =	vadd.f32 v8, v6;
	v5 =	vld [tilespmem:s10+$0x20]  }
0xd0: {  	v4 =	vmul.f32 s5, v62;
	[tilespmem:s0+$0xFFFFFFE0] =	vst v3;
	v6 =	vld [tilespmem:s26+$0x20];
	v3 =	vadd.f32 v61, v7  }
0xd1: {  	s29 =	simm.s32 $0x2BF0;
	s8 =	simm.s32 $0x72D0;
	s9 =	simm.s32 $0x4;
	v7 =	vld [tilespmem:$0x1C820];
	[tilespmem:s12+$0xFFFFFF90] =	vst v8  }
.LBB2_4:
0xd2: {  	v8 =	vld [tilespmem:s29+$0x80];
	s26 =	sadd.s32 $0x120, s26;
	v3 =	vadd.f32 v4, v3  }
0xd3: {  	v0 =	vadd.f32 v1, v0;
	v4 =	vld [tilespmem:s26+$0x80];
	v1 =	vmul.f32 s18, v2  }
0xd4: {  	v2 =	vld [tilespmem:s26+$0xFFFFFFF0];
	[tilespmem:s19+$0xFFFFFFC0] =	vst v3  }
0xd5: {  	v3 =	vld [tilespmem:s29+$0xFFFFFFF0];
	v0 =	vadd.f32 v1, v0  }
0xd6: {  	v5 =	vadd.f32 v6, v5;
	v1 =	vld [tilespmem:s29+$0xFFFFFF70];
	v6 =	vmul.f32 s13, v7  }
0xd7: {  	v7 =	vld [tilespmem:s26+$0xFFFFFF70];
	[tilespmem:s19+$0x60] =	vst v0  }
0xd8: {  	v0 =	vsub.f32 v8, v4;
	v4 =	vadd.f32 v6, v5;
	v5 =	vld [tilespmem:s15+$0x70]  }
0xd9: {  	v6 =	vld [tilespmem:s16+$0x70]  }
0xda: {  	v2 =	vsub.f32 v3, v2;
	v0 =	vmul.f32 v0, v0;
	[tilespmem:s12+$0x20] =	vst v4;
	v3 =	vld [tilespmem:$0x1C870]  }
0xdb: {  	v4 =	vld [tilespmem:s10+$0x30]  }
0xdc: {  	v2 =	vmul.f32 v2, v2;
	v1 =	vadd.f32 v7, v1;
	(v2sf) =	vpush v0, $0x0;
	v7 =	vld [tilespmem:s8+$0x30]  }
0xdd: {  	(v2sf) =	vpush v0, $0x1;
	v8 =	vld [tilespmem:$0x1C830]  }
0xde: {  	(v2sf) =	vpush v2, $0x0;
	v9 =	vld [tilespmem:s10+$0xFFFFFF90]  }
0xdf: {  	v5 =	vadd.f32 v6, v5;
	(v2sf) =	vpush v0, $0x2;
	v0 =	vld [tilespmem:s8+$0xFFFFFF90];
	v3 =	vmul.f32 s18, v3;
	s18 =	smov.u32 s13  }
0xe0: {  	(v2sf) =	vpush v2, $0x1;
	v6 =	vld [tilespmem:$0x1C820]  }
0xe1: {  	(v2sf) =	vpush v2, $0x2;
	v2 =	vld [tilespmem:s15+$0xFFFFFFC0];
	v3 =	vadd.f32 v3, v5  }
0xe2: {  	s9 =	sadd.s32 $0x2, s9;
	v4 =	vadd.f32 v7, v4;
	v5 =	vmul.f32 s18, v8;
	v7 =	vld [tilespmem:s16+$0xFFFFFFC0]  }
0xe3: {  	p1 =	slt.u32 s9, $0x7E;
	v8 =	vld [tilespmem:$0x1C850];
	[tilespmem:s19+$0x70] =	vst v3  }
0xe4: {  	v0 =	vadd.f32 v0, v9;
	v3 =	vadd.f32 v5, v4;
	v4 =	vld [tilespmem:s14+$0xFFFFFFE0];
	s14 =	smov.u32 s15;
	s15 =	smov.u32 s10;
	s10 =	smov.u32 s29  }
0xe5: {  	v5 =	vmul.f32 s28, v6;
	v6 =	vld [tilespmem:s11+$0xFFFFFFE0];
	s11 =	smov.u32 s16;
	s16 =	smov.u32 s8;
	s8 =	smov.u32 s26  }
0xe6: {  	[tilespmem:s12+$0x30] =	vst v3;
	v3 =	vld [tilespmem:$0x1C870]  }
0xe7: {  	v0 =	vadd.f32 v5, v0;
	v5 =	vld [tilespmem:s15+$0x40];
	v2 =	vadd.f32 v7, v2  }
0xe8: {  	v7 =	vld [tilespmem:s16+$0x40];
	v8 =	vmul.f32 s5, v8  }
0xe9: {  	[tilespmem:s12+$0xFFFFFFA0] =	vst v0;
	v0 =	vld [tilespmem:$0x1C840]  }
0xea: {  	v9 =	vld [tilespmem:$0x1C800];
	v2 =	vadd.f32 v8, v2;
	v4 =	vadd.f32 v6, v4  }
0xeb: {  	v6 =	vld [tilespmem:s29+$0x0];
	s13 =	spop (v2sf);
	v3 =	vmul.f32 s17, v3;
	s17 =	smov.u32 s5;
	s5 =	smov.u32 s28  }
0xec: {  	v8 =	vld [tilespmem:s26+$0x0];
	s22 =	spop (v2sf);
	[tilespmem:s19+$0xFFFFFFD0] =	vst v2  }
0xed: {  	s13 =	sadd.f32 s22, s13;
	s22 =	spop (v2sf);
	v2 =	vld [tilespmem:s15+$0xFFFFFFA0];
	v3 =	vadd.f32 v3, v4  }
0xee: {  	v5 =	vadd.f32 v7, v5;
	s28 =	spop (v2sf);
	v4 =	vld [tilespmem:s16+$0xFFFFFFA0];
	v0 =	vmul.f32 s18, v0  }
0xef: {  	s13 =	sadd.f32 s13, s28;
	s28 =	spop (v2sf);
	v7 =	vld [tilespmem:$0x1C830];
	[tilespmem:s0+$0xFFFFFFF0] =	vst v3;
	s0 =	smov.u32 s19  }
0xf0: {  	s19 =	smov.u32 s12;
	s22 =	sadd.f32 s28, s22;
	s28 =	spop (v2sf);
	v0 =	vadd.f32 v0, v5;
	v3 =	vld [tilespmem:s14+$0xFFFFFFD0]  }
0xf1: {  	v5 =	vadd.f32 v8, v6;
	v6 =	vmul.f32 s13, v9;
	v8 =	vld [tilespmem:s11+$0xFFFFFFD0]  }
0xf2: {  	s28 =	sadd.f32 s22, s28;
	[tilespmem:s12+$0x40] =	vst v0;
	v0 =	vld [tilespmem:$0x1C860]  }
0xf3: {  	v5 =	vadd.f32 v6, v5;
	v2 =	vadd.f32 v4, v2;
	v4 =	vld [tilespmem:s15+$0x50]  }
0xf4: {  	s12 =	sadd.s32 $0x100, s12;
	v6 =	vmul.f32 s28, v9;
	v7 =	vmul.f32 s5, v7;
	v9 =	vld [tilespmem:s16+$0x50]  }
0xf5: {  	[tilespmem:s12+$0x0] =	vst v5;
	v5 =	vld [tilespmem:$0x1C850]  }
0xf6: {  	v1 =	vadd.f32 v6, v1;
	v6 =	vld [tilespmem:s29+$0x10];
	v2 =	vadd.f32 v7, v2  }
0xf7: {  	v3 =	vadd.f32 v8, v3;
	v7 =	vld [tilespmem:s26+$0x10];
	v0 =	vmul.f32 s17, v0  }
0xf8: {  	[tilespmem:s12+$0xFFFFFF80] =	vst v1;
	v1 =	vld [tilespmem:$0x1C810]  }
0xf9: {  	v8 =	vld [tilespmem:s29+$0xFFFFFF80];
	[tilespmem:s19+$0xFFFFFFB0] =	vst v2;
	v0 =	vadd.f32 v0, v3  }
0xfa: {  	v3 =	vadd.f32 v9, v4;
	v2 =	vld [tilespmem:s26+$0xFFFFFF80];
	v4 =	vmul.f32 s18, v5  }
0xfb: {  	v5 =	vld [tilespmem:$0x1C810];
	[tilespmem:s0+$0xFFFFFFE0] =	vst v0  }
0xfc: {  	v9 =	vld [tilespmem:s15+$0xFFFFFFB0];
	v0 =	vadd.f32 v4, v3  }
0xfd: {  	v3 =	vadd.f32 v7, v6;
	v1 =	vmul.f32 s13, v1;
	v4 =	vld [tilespmem:s16+$0xFFFFFFB0]  }
0xfe: {  	v7 =	vld [tilespmem:$0x1C840];
	[tilespmem:s19+$0x50] =	vst v0  }
0xff: {  	v6 =	vadd.f32 v2, v8;
	v2 =	vadd.f32 v1, v3;
	v0 =	vld [tilespmem:s15+$0x60]  }
.Ltmp5:
0x100: {  	v3 =	vmul.f32 s28, v5;
	v1 =	vld [tilespmem:s16+$0x60];
	(pc) =	sbr.rel @p1 .LBB2_4-.Ltmp5, $4  }
0x101: {  	[tilespmem:s12+$0x10] =	vst v2;
	v2 =	vld [tilespmem:$0x1C860]  }
0x102: {  	v8 =	vadd.f32 v3, v6;
	v5 =	vld [tilespmem:s29+$0x20];
	v3 =	vadd.f32 v4, v9  }
0x103: {  	v6 =	vld [tilespmem:s26+$0x20];
	v4 =	vmul.f32 s5, v7  }
0x104: {  	s29 =	sadd.s32 $0x120, s29;
	[tilespmem:s12+$0xFFFFFF90] =	vst v8;
	v7 =	vld [tilespmem:$0x1C820]  }
0x105: {  	v8 =	vld [tilespmem:s10+$0xFFFFFF90]  }
0x106: {  	v17 =	vld [tilespmem:s8+$0xFFFFFF90]  }
0x107: {  	v9 =	vld [tilespmem:$0x1C820];
	_ =	sdelay $0x1  }
0x108: {  	v5 =	vadd.f32 v6, v5;
	v16 =	vmul.f32 s13, v7;
	_ =	sdelay $0x1  }
0x109: {  	v5 =	vadd.f32 v16, v5  }
0x10a: {  	v7 =	vadd.f32 v17, v8;
	v19 =	vmul.f32 s28, v9  }
0x10b: {  	[tilespmem:s12+$0x20] =	vst v5  }
0x10c: {  	v7 =	vadd.f32 v19, v7;
	v5 =	vld [tilespmem:s10+$0x30]  }
0x10d: {  	v18 =	vld [tilespmem:s8+$0x30]  }
0x10e: {  	v20 =	vld [tilespmem:$0x1C830];
	[tilespmem:s12+$0xFFFFFFA0] =	vst v7  }
0x10f: {  	v7 =	vld [tilespmem:s10+$0xFFFFFFA0]  }
0x110: {  	v22 =	vld [tilespmem:s8+$0xFFFFFFA0]  }
0x111: {  	v23 =	vld [tilespmem:$0x1C830];
	_ =	sdelay $0x1  }
0x112: {  	v5 =	vadd.f32 v18, v5;
	v21 =	vmul.f32 s13, v20;
	_ =	sdelay $0x1  }
0x113: {  	v5 =	vadd.f32 v21, v5  }
0x114: {  	v7 =	vadd.f32 v22, v7;
	v25 =	vmul.f32 s28, v23  }
0x115: {  	[tilespmem:s12+$0x30] =	vst v5  }
0x116: {  	v7 =	vadd.f32 v25, v7;
	v5 =	vld [tilespmem:s10+$0x40]  }
0x117: {  	v24 =	vld [tilespmem:s8+$0x40]  }
0x118: {  	v26 =	vld [tilespmem:$0x1C840];
	[tilespmem:s12+$0xFFFFFFB0] =	vst v7  }
0x119: {  	v7 =	vld [tilespmem:s10+$0xFFFFFFB0]  }
0x11a: {  	v28 =	vld [tilespmem:s8+$0xFFFFFFB0]  }
0x11b: {  	v29 =	vld [tilespmem:$0x1C840]  }
0x11c: {  	v3 =	vadd.f32 v4, v3  }
0x11d: {  	v5 =	vadd.f32 v24, v5;
	v27 =	vmul.f32 s13, v26  }
0x11e: {  	[tilespmem:s19+$0xFFFFFFC0] =	vst v3  }
0x11f: {  	v34 =	vld [tilespmem:s15+$0xFFFFFFC0];
	v5 =	vadd.f32 v27, v5  }
0x120: {  	v36 =	vld [tilespmem:s16+$0xFFFFFFC0];
	v31 =	vadd.f32 v28, v7;
	v32 =	vmul.f32 s28, v29  }
0x121: {  	v37 =	vld [tilespmem:$0x1C850];
	[tilespmem:s12+$0x40] =	vst v5  }
0x122: {  	v6 =	vadd.f32 v32, v31;
	v30 =	vld [tilespmem:s10+$0x50]  }
0x123: {  	v5 =	vld [tilespmem:s8+$0x50]  }
0x124: {  	v33 =	vld [tilespmem:$0x1C850];
	[tilespmem:s12+$0xFFFFFFC0] =	vst v6  }
0x125: {  	v38 =	vld [tilespmem:s10+$0xFFFFFFC0]  }
0x126: {  	v35 =	vmul.f32 s18, v2;
	v2 =	vadd.f32 v36, v34;
	v7 =	vmul.f32 s5, v37;
	v39 =	vld [tilespmem:s8+$0xFFFFFFC0]  }
0x127: {  	v40 =	vld [tilespmem:$0x1C850]  }
0x128: {  	v0 =	vadd.f32 v1, v0;
	v11 =	vld [tilespmem:s14+$0xFFFFFFE0];
	v2 =	vadd.f32 v7, v2  }
0x129: {  	v50 =	vld [tilespmem:s11+$0xFFFFFFE0];
	v4 =	vadd.f32 v5, v30;
	v3 =	vmul.f32 s13, v33  }
0x12a: {  	v52 =	vld [tilespmem:$0x1C870];
	v0 =	vadd.f32 v35, v0;
	[tilespmem:s19+$0xFFFFFFD0] =	vst v2  }
0x12b: {  	v46 =	vld [tilespmem:s15+$0xFFFFFFD0];
	v3 =	vadd.f32 v3, v4  }
0x12c: {  	[tilespmem:s19+$0x60] =	vst v0;
	v47 =	vld [tilespmem:s16+$0xFFFFFFD0];
	v1 =	vadd.f32 v39, v38;
	v0 =	vmul.f32 s28, v40  }
0x12d: {  	v48 =	vld [tilespmem:$0x1C860];
	[tilespmem:s12+$0x50] =	vst v3  }
0x12e: {  	v0 =	vadd.f32 v0, v1;
	v3 =	vld [tilespmem:s10+$0x60]  }
0x12f: {  	v44 =	vld [tilespmem:s8+$0x60]  }
0x130: {  	v45 =	vld [tilespmem:$0x1C860];
	[tilespmem:s12+$0xFFFFFFD0] =	vst v0  }
0x131: {  	v0 =	vld [tilespmem:s10+$0xFFFFFFD0]  }
0x132: {  	v51 =	vmul.f32 s5, v48;
	v1 =	vadd.f32 v47, v46;
	v49 =	vld [tilespmem:s8+$0xFFFFFFD0]  }
0x133: {  	v10 =	vld [tilespmem:$0x1C860]  }
0x134: {  	v41 =	vld [tilespmem:s15+$0x70];
	v1 =	vadd.f32 v51, v1  }
0x135: {  	v42 =	vld [tilespmem:s16+$0x70];
	v3 =	vadd.f32 v44, v3;
	v2 =	vmul.f32 s13, v45  }
0x136: {  	v43 =	vld [tilespmem:$0x1C870];
	[tilespmem:s19+$0xFFFFFFE0] =	vst v1  }
0x137: {  	v56 =	vld [tilespmem:s15+$0xFFFFFFE0];
	v2 =	vadd.f32 v2, v3  }
0x138: {  	v57 =	vld [tilespmem:s16+$0xFFFFFFE0];
	v0 =	vadd.f32 v49, v0;
	v54 =	vmul.f32 s28, v10  }
0x139: {  	v12 =	vld [tilespmem:$0x1C870];
	[tilespmem:s12+$0x60] =	vst v2  }
0x13a: {  	v0 =	vadd.f32 v54, v0;
	v2 =	vld [tilespmem:s10+$0x70]  }
0x13b: {  	v53 =	vld [tilespmem:s8+$0x70]  }
0x13c: {  	v55 =	vld [tilespmem:$0x1C870];
	[tilespmem:s12+$0xFFFFFFE0] =	vst v0  }
0x13d: {  	v0 =	vld [tilespmem:s10+$0xFFFFFFE0]  }
0x13e: {  	v13 =	vld [tilespmem:s8+$0xFFFFFFE0]  }
0x13f: {  	v14 =	vld [tilespmem:$0x1C870]  }
0x140: {  	v58 =	vmul.f32 s18, v43;
	v4 =	vadd.f32 v42, v41  }
0x141: {  	v59 =	vmul.f32 s17, v52;
	v3 =	vadd.f32 v50, v11  }
0x142: {  	v4 =	vadd.f32 v58, v4;
	v60 =	vadd.f32 v57, v56;
	v61 =	vmul.f32 s5, v12  }
0x143: {  	v3 =	vadd.f32 v59, v3;
	v2 =	vadd.f32 v53, v2;
	v1 =	vmul.f32 s13, v55  }
0x144: {  	[tilespmem:s19+$0x70] =	vst v4;
	v63 =	vadd.f32 v61, v60;
	v0 =	vadd.f32 v13, v0;
	v62 =	vmul.f32 s28, v14  }
0x145: {  	[tilespmem:s0+$0xFFFFFFF0] =	vst v3;
	s28 =	sadd.s32 s2, s31;
	v1 =	vadd.f32 v1, v2  }
0x146: {  	[tilespmem:s19+$0xFFFFFFF0] =	vst v63;
	s0 =	sshll.u32 s28, $0xB;
	v0 =	vadd.f32 v62, v0  }
0x147: {  	s0 =	sand.u32 $0x1FFFF800, s0;
	[tilespmem:s12+$0x70] =	vst v1  }
0x148: {  	s29 =	simm.s32 $0x14800;
	s0 =	sadd.s32 s6, s0;
	[tilespmem:s12+$0xFFFFFFF0] =	vst v0  }
0x149: {  	[hbm4b:s0+s1] =	stream.linear.scatter [tilespmem:s29], [sflag:$0x5], $0x4000, $0x38;
	[tilespmem:$0x1C880] =	vst v63  }
.LBB2_6:
0x14a: {  	s0 =	sadd.s32 $0x2, s31  }
0x14b: {  	p1 =	sge.u32 s0, s7  }
0x14c: {  	s0 =	sshll.u32 @!p1 s0, $0x7;
	s5 =	simm.s32 @!p1 $0x80;
	s8 =	simm.s32 @!p1 $0x2800  }
0x14d: {  	[tilespmem:s8], [sflag:$0x1] =	stream.indirect.gather @!p1 [hbm4b:s3+s5], $0x90, s0, s5, $0xb8;
	[tilespmem:$0x1C880] =	vst v63  }
0x14e: {  	s0 =	sadd.s32 @!p1 $0x1400, s0;
	s8 =	simm.s32 @!p1 $0x7000  }
0x14f: {  	[tilespmem:s8], [sflag:$0x2] =	stream.indirect.gather @!p1 [hbm4b:s4+s5], $0x90, s0, s5, $0xb8;
	[tilespmem:$0x1C880] =	vst v63  }
0x150: {  	s0 =	sor.u32 $0x1, s31  }
0x151: {  	p1 =	sge.u32 s0, s7  }
.Ltmp6:
0x152: {  	_ = 	snop;
	(pc) =	sbr.rel @p1 .LBB2_10-.Ltmp6, $1  }
0x153: {  	_ =	sdelay $0x3  }
0x154: {  	_ =	swait.ge [sflag:s23], $0x4800  }
0x155: {  	[sflag:s23] =	ssyncset.done $0x0  }
0x156: {  	[sflag:s23] =	ssyncadd.s32 $0xFFFFB800  }
0x157: {  	_ =	swait.ge [sflag:s24], $0x4800  }
0x158: {  	p1 =	seq.s32 s30, $0x0;
	[sflag:s24] =	ssyncset.done $0x0  }
0x159: {  	s5 =	simm.s32 @!p1 $0x6;
	[sflag:s24] =	ssyncadd.s32 $0xFFFFB800  }
0x15a: {  	_ =	swait.ge @!p1 [sflag:s5], $0x4000  }
0x15b: {  	[sflag:s5] =	ssyncset.done @!p1 $0x0  }
0x15c: {  	s15 =	simm.s32 $0xB890;
	[sflag:s5] =	ssyncadd.s32 @!p1 $0xFFFFC000  }
0x15d: {  	s14 =	simm.s32 $0x10090;
	v0 =	vld [tilespmem:s15+$0x80]  }
0x15e: {  	v1 =	vld [tilespmem:s14+$0x80]  }
0x15f: {  	v2 =	vld [tilespmem:s14+$0xFFFFFFF0]  }
0x160: {  	v3 =	vld [tilespmem:s15+$0xFFFFFFF0];
	_ =	sdelay $0x2  }
0x161: {  	v0 =	vsub.f32 v0, v1;
	_ =	sdelay $0x1  }
0x162: {  	v1 =	vsub.f32 v3, v2;
	v0 =	vmul.f32 v0, v0;
	_ =	sdelay $0x1  }
0x163: {  	v1 =	vmul.f32 v1, v1;
	(v2sf) =	vpush v0, $0x0  }
0x164: {  	(v2sf) =	vpush v0, $0x1  }
0x165: {  	(v2sf) =	vpush v1, $0x0  }
0x166: {  	(v2sf) =	vpush v0, $0x2;
	_ =	sdelay $0xa  }
0x167: {  	v2 =	vld [tilespmem:s15+$0x0]  }
0x168: {  	v3 =	vld [tilespmem:s14+$0x0];
	s19 =	spop (v2sf)  }
0x169: {  	v0 =	vld [tilespmem:$0x1C800];
	s8 =	spop (v2sf)  }
0x16a: {  	s5 =	sadd.f32 s8, s19;
	s22 =	spop (v2sf)  }
0x16b: {  	s9 =	spop (v2sf)  }
0x16c: {  	s9 =	sadd.f32 s5, s9;
	_ =	sdelay $0x1  }
0x16d: {  	v2 =	vadd.f32 v3, v2;
	v3 =	vmul.f32 s9, v0;
	_ =	sdelay $0x1  }
0x16e: {  	v2 =	vadd.f32 v3, v2  }
0x16f: {  	s11 =	simm.s32 $0x18880  }
0x170: {  	[tilespmem:s11+$0x0] =	vst v2  }
0x171: {  	v2 =	vld [tilespmem:s15+$0x10]  }
0x172: {  	v3 =	vld [tilespmem:s14+$0x10]  }
0x173: {  	v4 =	vld [tilespmem:$0x1C810];
	_ =	sdelay $0x2  }
0x174: {  	(v2sf) =	vpush v1, $0x1;
	_ =	sdelay $0x1  }
0x175: {  	(v2sf) =	vpush v1, $0x2;
	v1 =	vadd.f32 v3, v2;
	v2 =	vmul.f32 s9, v4;
	_ =	sdelay $0x1  }
0x176: {  	v1 =	vadd.f32 v2, v1  }
0x177: {  	s16 =	simm.s32 $0xB9B0  }
0x178: {  	v5 =	vld [tilespmem:s16+$0x80];
	[tilespmem:s11+$0x10] =	vst v1  }
0x179: {  	v1 =	vld [tilespmem:s15+$0x20]  }
0x17a: {  	v3 =	vld [tilespmem:s14+$0x20]  }
0x17b: {  	s17 =	simm.s32 $0x101B0;
	v4 =	vld [tilespmem:$0x1C820]  }
0x17c: {  	v6 =	vld [tilespmem:s17+$0x80]  }
0x17d: {  	v7 =	vld [tilespmem:s17+$0xFFFFFFF0]  }
0x17e: {  	v8 =	vld [tilespmem:s16+$0xFFFFFFF0]  }
0x17f: {  	v9 =	vld [tilespmem:s14+$0xFFFFFF70]  }
0x180: {  	v2 =	vld [tilespmem:s15+$0xFFFFFF70];
	v1 =	vadd.f32 v3, v1;
	v3 =	vmul.f32 s9, v4  }
0x181: {  	s25 =	spop (v2sf)  }
0x182: {  	s5 =	sadd.f32 s25, s22;
	v4 =	vsub.f32 v5, v6;
	v1 =	vadd.f32 v3, v1  }
0x183: {  	s26 =	spop (v2sf)  }
0x184: {  	s18 =	sadd.f32 s5, s26;
	v3 =	vsub.f32 v8, v7;
	v4 =	vmul.f32 v4, v4;
	[tilespmem:s11+$0x20] =	vst v1  }
0x185: {  	v1 =	vadd.f32 v9, v2;
	v2 =	vld [tilespmem:s15+$0x30]  }
0x186: {  	v0 =	vmul.f32 s18, v0;
	v3 =	vmul.f32 v3, v3;
	(v2sf) =	vpush v4, $0x0;
	v5 =	vld [tilespmem:s14+$0x30]  }
0x187: {  	(v2sf) =	vpush v4, $0x1;
	v6 =	vld [tilespmem:$0x1C830]  }
0x188: {  	v0 =	vadd.f32 v0, v1;
	(v2sf) =	vpush v3, $0x0  }
0x189: {  	(v2sf) =	vpush v4, $0x2  }
0x18a: {  	[tilespmem:s11+$0xFFFFFF80] =	vst v0  }
0x18b: {  	v0 =	vld [tilespmem:s15+$0xFFFFFF80]  }
0x18c: {  	v1 =	vld [tilespmem:s14+$0xFFFFFF80];
	v2 =	vadd.f32 v5, v2;
	v4 =	vmul.f32 s9, v6  }
0x18d: {  	v5 =	vld [tilespmem:$0x1C810]  }
0x18e: {  	v2 =	vadd.f32 v4, v2;
	_ =	sdelay $0x1  }
0x18f: {  	(v2sf) =	vpush v3, $0x1;
	[tilespmem:s11+$0x30] =	vst v2  }
0x190: {  	v2 =	vld [tilespmem:s15+$0x40]  }
0x191: {  	(v2sf) =	vpush v3, $0x2;
	v0 =	vadd.f32 v1, v0;
	v1 =	vmul.f32 s18, v5;
	v3 =	vld [tilespmem:s14+$0x40]  }
0x192: {  	v4 =	vld [tilespmem:$0x1C840]  }
0x193: {  	v5 =	vld [tilespmem:s16+$0x0];
	v0 =	vadd.f32 v1, v0  }
0x194: {  	v1 =	vld [tilespmem:$0x1C800];
	s8 =	spop (v2sf)  }
0x195: {  	[tilespmem:s11+$0xFFFFFF90] =	vst v0;
	v0 =	vld [tilespmem:s17+$0x0];
	s10 =	spop (v2sf)  }
0x196: {  	v6 =	vld [tilespmem:s15+$0xFFFFFF90];
	s5 =	sadd.f32 s10, s8;
	s12 =	spop (v2sf)  }
0x197: {  	v7 =	vld [tilespmem:s14+$0xFFFFFF90];
	v2 =	vadd.f32 v3, v2;
	v3 =	vmul.f32 s9, v4;
	s10 =	spop (v2sf)  }
0x198: {  	v4 =	vld [tilespmem:$0x1C820];
	s19 =	sadd.f32 s5, s10  }
0x199: {  	v2 =	vadd.f32 v3, v2  }
0x19a: {  	v8 =	vld [tilespmem:s17+$0xFFFFFF70];
	v0 =	vadd.f32 v0, v5;
	v5 =	vmul.f32 s19, v1  }
0x19b: {  	v3 =	vld [tilespmem:s16+$0xFFFFFF70];
	[tilespmem:s11+$0x40] =	vst v2  }
0x19c: {  	v2 =	vld [tilespmem:s15+$0x50];
	v0 =	vadd.f32 v5, v0  }
0x19d: {  	s5 =	simm.s32 $0x18980;
	v4 =	vmul.f32 s18, v4;
	v5 =	vadd.f32 v7, v6;
	v6 =	vld [tilespmem:s14+$0x50]  }
0x19e: {  	s13 =	spop (v2sf);
	[tilespmem:s5+$0x0] =	vst v0;
	v0 =	vld [tilespmem:$0x1C850]  }
0x19f: {  	s8 =	sadd.f32 s13, s12;
	v4 =	vadd.f32 v4, v5;
	v5 =	vld [tilespmem:s16+$0x10]  }
0x1a0: {  	s22 =	spop (v2sf);
	v7 =	vld [tilespmem:s17+$0x10]  }
0x1a1: {  	s28 =	simm.s32 $0x102D0;
	s10 =	sadd.f32 s8, s22;
	[tilespmem:s11+$0xFFFFFFA0] =	vst v4;
	v4 =	vld [tilespmem:$0x1C810]  }
0x1a2: {  	v12 =	vld [tilespmem:s28+$0xFFFFFFF0]  }
0x1a3: {  	v48 =	vld [tilespmem:s28+$0xFFFFFF70];
	s12 =	simm.s32 $0xBAD0;
	v3 =	vadd.f32 v8, v3;
	v1 =	vmul.f32 s10, v1  }
0x1a4: {  	v11 =	vld [tilespmem:s12+$0x80];
	v2 =	vadd.f32 v6, v2;
	v0 =	vmul.f32 s9, v0  }
0x1a5: {  	v1 =	vadd.f32 v1, v3;
	v8 =	vld [tilespmem:s15+$0xFFFFFFA0]  }
0x1a6: {  	v3 =	vld [tilespmem:s14+$0xFFFFFFA0];
	v5 =	vadd.f32 v7, v5;
	v0 =	vadd.f32 v0, v2;
	v4 =	vmul.f32 s19, v4  }
0x1a7: {  	v6 =	vld [tilespmem:$0x1C830];
	[tilespmem:s5+$0xFFFFFF80] =	vst v1  }
0x1a8: {  	v1 =	vld [tilespmem:s16+$0xFFFFFF80];
	[tilespmem:s11+$0x50] =	vst v0;
	v0 =	vadd.f32 v4, v5  }
0x1a9: {  	v7 =	vld [tilespmem:$0x1C810]  }
0x1aa: {  	v4 =	vld [tilespmem:s15+$0x60];
	[tilespmem:s5+$0x10] =	vst v0  }
0x1ab: {  	v45 =	vld [tilespmem:s16+$0x20]  }
0x1ac: {  	v10 =	vld [tilespmem:s17+$0x20]  }
0x1ad: {  	v3 =	vadd.f32 v3, v8;
	v6 =	vmul.f32 s18, v6;
	v8 =	vld [tilespmem:$0x1C820]  }
0x1ae: {  	v5 =	vld [tilespmem:s14+$0x60]  }
0x1af: {  	v3 =	vadd.f32 v6, v3;
	v6 =	vld [tilespmem:s28+$0x80]  }
0x1b0: {  	v0 =	vld [tilespmem:$0x1C860]  }
0x1b1: {  	[tilespmem:s11+$0xFFFFFFB0] =	vst v3;
	v3 =	vld [tilespmem:s12+$0xFFFFFFF0]  }
0x1b2: {  	v2 =	vld [tilespmem:s17+$0xFFFFFF80];
	v9 =	vadd.f32 v10, v45;
	v8 =	vmul.f32 s19, v8  }
0x1b3: {  	v13 =	vld [tilespmem:s15+$0xFFFFFFB0]  }
0x1b4: {  	v46 =	vld [tilespmem:s14+$0xFFFFFFB0];
	v6 =	vsub.f32 v11, v6;
	v8 =	vadd.f32 v8, v9  }
0x1b5: {  	v47 =	vld [tilespmem:$0x1C840];
	v4 =	vadd.f32 v5, v4;
	v0 =	vmul.f32 s9, v0  }
0x1b6: {  	v5 =	vld [tilespmem:s12+$0xFFFFFF70];
	v3 =	vsub.f32 v3, v12;
	v6 =	vmul.f32 v6, v6;
	[tilespmem:s5+$0x20] =	vst v8  }
0x1b7: {  	v1 =	vadd.f32 v2, v1;
	v0 =	vadd.f32 v0, v4;
	v4 =	vmul.f32 s10, v7;
	v2 =	vld [tilespmem:s16+$0x30]  }
0x1b8: {  	v3 =	vmul.f32 v3, v3;
	(v2sf) =	vpush v6, $0x0;
	v7 =	vld [tilespmem:s17+$0x30]  }
0x1b9: {  	[tilespmem:s11+$0x60] =	vst v0;
	(v2sf) =	vpush v6, $0x1;
	v1 =	vadd.f32 v4, v1;
	v0 =	vld [tilespmem:$0x1C830]  }
0x1ba: {  	v49 =	vmul.f32 s18, v47;
	v4 =	vld [tilespmem:s15+$0x70];
	(v2sf) =	vpush v3, $0x0;
	v8 =	vadd.f32 v46, v13  }
0x1bb: {  	v50 =	vld [tilespmem:s14+$0x70];
	(v2sf) =	vpush v6, $0x2;
	[tilespmem:s5+$0xFFFFFF90] =	vst v1  }
0x1bc: {  	(v2sf) =	vpush v3, $0x1;
	v6 =	vadd.f32 v49, v8;
	v8 =	vld [tilespmem:s16+$0xFFFFFF90]  }
0x1bd: {  	v51 =	vld [tilespmem:s17+$0xFFFFFF90]  }
0x1be: {  	(v2sf) =	vpush v3, $0x2;
	v3 =	vld [tilespmem:$0x1C820];
	v2 =	vadd.f32 v7, v2;
	v0 =	vmul.f32 s19, v0  }
0x1bf: {  	v1 =	vld [tilespmem:$0x1C870];
	[tilespmem:s11+$0xFFFFFFC0] =	vst v6  }
0x1c0: {  	v6 =	vld [tilespmem:s15+$0xFFFFFFC0];
	v0 =	vadd.f32 v0, v2  }
0x1c1: {  	v7 =	vld [tilespmem:$0x1C850]  }
0x1c2: {  	v2 =	vld [tilespmem:s14+$0xFFFFFFC0];
	[tilespmem:s5+$0x30] =	vst v0  }
0x1c3: {  	v8 =	vadd.f32 v51, v8;
	v3 =	vmul.f32 s10, v3;
	v0 =	vld [tilespmem:s16+$0x40]  }
0x1c4: {  	v52 =	vld [tilespmem:s17+$0x40]  }
0x1c5: {  	v3 =	vadd.f32 v3, v8;
	v53 =	vld [tilespmem:$0x1C840]  }
0x1c6: {  	v8 =	vld [tilespmem:$0x1C800]  }
0x1c7: {  	[tilespmem:s5+$0xFFFFFFA0] =	vst v3;
	v3 =	vld [tilespmem:s28+$0x0];
	v2 =	vadd.f32 v2, v6;
	v6 =	vmul.f32 s18, v7;
	s25 =	spop (v2sf)  }
0x1c8: {  	v7 =	vld [tilespmem:s12+$0x0];
	s13 =	spop (v2sf)  }
0x1c9: {  	v54 =	vld [tilespmem:s17+$0xFFFFFFA0];
	v2 =	vadd.f32 v6, v2;
	s8 =	sadd.f32 s13, s25;
	s26 =	spop (v2sf)  }
0x1ca: {  	v6 =	vld [tilespmem:s16+$0xFFFFFFA0];
	s22 =	spop (v2sf);
	v0 =	vadd.f32 v52, v0;
	v55 =	vmul.f32 s19, v53  }
0x1cb: {  	[tilespmem:s11+$0xFFFFFFD0] =	vst v2;
	s8 =	sadd.f32 s8, s22;
	s25 =	spop (v2sf);
	v2 =	vld [tilespmem:$0x1C830]  }
0x1cc: {  	s13 =	sadd.f32 s25, s26;
	v0 =	vadd.f32 v55, v0;
	v56 =	vld [tilespmem:s15+$0xFFFFFFD0]  }
0x1cd: {  	s26 =	spop (v2sf);
	v3 =	vadd.f32 v3, v7;
	v57 =	vld [tilespmem:s14+$0xFFFFFFD0];
	v7 =	vmul.f32 s8, v8  }
0x1ce: {  	s13 =	sadd.f32 s13, s26;
	[tilespmem:s5+$0x40] =	vst v0;
	v0 =	vld [tilespmem:$0x1C860]  }
0x1cf: {  	v3 =	vadd.f32 v7, v3;
	v7 =	vld [tilespmem:s16+$0x50]  }
0x1d0: {  	v5 =	vadd.f32 v48, v5;
	s26 =	simm.s32 $0x18A80;
	v58 =	vld [tilespmem:s17+$0x50];
	v8 =	vmul.f32 s13, v8  }
0x1d1: {  	[tilespmem:s26+$0x0] =	vst v3;
	v3 =	vld [tilespmem:$0x1C850]  }
0x1d2: {  	v5 =	vadd.f32 v8, v5;
	v8 =	vld [tilespmem:s12+$0x10]  }
0x1d3: {  	v6 =	vadd.f32 v54, v6;
	v2 =	vmul.f32 s10, v2;
	v59 =	vld [tilespmem:s28+$0x10]  }
0x1d4: {  	[tilespmem:s26+$0xFFFFFF80] =	vst v5;
	v5 =	vld [tilespmem:$0x1C810]  }
0x1d5: {  	v2 =	vadd.f32 v2, v6;
	v6 =	vld [tilespmem:s12+$0xFFFFFF80]  }
0x1d6: {  	v7 =	vadd.f32 v58, v7;
	v60 =	vld [tilespmem:s28+$0xFFFFFF80];
	v3 =	vmul.f32 s19, v3  }
0x1d7: {  	[tilespmem:s5+$0xFFFFFFB0] =	vst v2;
	v2 =	vld [tilespmem:$0x1C810]  }
0x1d8: {  	v61 =	vld [tilespmem:s17+$0xFFFFFFB0];
	v3 =	vadd.f32 v3, v7  }
0x1d9: {  	v62 =	vld [tilespmem:$0x1C840];
	v8 =	vadd.f32 v59, v8;
	v5 =	vmul.f32 s8, v5  }
0x1da: {  	v4 =	vadd.f32 v50, v4;
	v1 =	vmul.f32 s9, v1;
	v7 =	vld [tilespmem:s16+$0xFFFFFFB0];
	[tilespmem:s5+$0x50] =	vst v3  }
0x1db: {  	v63 =	vmul.f32 s18, v0;
	v3 =	vadd.f32 v57, v56;
	v5 =	vadd.f32 v5, v8;
	v0 =	vld [tilespmem:s16+$0x60]  }
0x1dc: {  	v4 =	vadd.f32 v1, v4;
	v6 =	vadd.f32 v60, v6;
	v8 =	vmul.f32 s13, v2;
	v1 =	vld [tilespmem:s17+$0x60]  }
0x1dd: {  	v2 =	vld [tilespmem:$0x1C860];
	v3 =	vadd.f32 v63, v3;
	[tilespmem:s26+$0x10] =	vst v5  }
0x1de: {  	[tilespmem:s11+$0x70] =	vst v4;
	v8 =	vadd.f32 v8, v6;
	v5 =	vld [tilespmem:s12+$0x20]  }
0x1df: {  	v4 =	vmul.f32 s10, v62;
	[tilespmem:s11+$0xFFFFFFE0] =	vst v3;
	v6 =	vld [tilespmem:s28+$0x20];
	v3 =	vadd.f32 v61, v7  }
0x1e0: {  	s29 =	simm.s32 $0x4;
	s9 =	simm.s32 $0x102D0;
	s22 =	simm.s32 $0xBBF0;
	v7 =	vld [tilespmem:$0x1C820];
	[tilespmem:s26+$0xFFFFFF90] =	vst v8  }
.LBB2_8:
0x1e1: {  	v8 =	vld [tilespmem:s22+$0x80];
	s28 =	sadd.s32 $0x120, s28;
	v3 =	vadd.f32 v4, v3  }
0x1e2: {  	v0 =	vadd.f32 v1, v0;
	v4 =	vld [tilespmem:s28+$0x80];
	v1 =	vmul.f32 s19, v2  }
0x1e3: {  	v2 =	vld [tilespmem:s28+$0xFFFFFFF0];
	[tilespmem:s5+$0xFFFFFFC0] =	vst v3  }
0x1e4: {  	v3 =	vld [tilespmem:s22+$0xFFFFFFF0];
	v0 =	vadd.f32 v1, v0  }
0x1e5: {  	v5 =	vadd.f32 v6, v5;
	v1 =	vld [tilespmem:s22+$0xFFFFFF70];
	v6 =	vmul.f32 s8, v7  }
0x1e6: {  	v7 =	vld [tilespmem:s28+$0xFFFFFF70];
	[tilespmem:s5+$0x60] =	vst v0  }
0x1e7: {  	v0 =	vsub.f32 v8, v4;
	v4 =	vadd.f32 v6, v5;
	v5 =	vld [tilespmem:s16+$0x70]  }
0x1e8: {  	v6 =	vld [tilespmem:s17+$0x70]  }
0x1e9: {  	v2 =	vsub.f32 v3, v2;
	v0 =	vmul.f32 v0, v0;
	[tilespmem:s26+$0x20] =	vst v4;
	v3 =	vld [tilespmem:$0x1C870]  }
0x1ea: {  	v4 =	vld [tilespmem:s12+$0x30]  }
0x1eb: {  	v2 =	vmul.f32 v2, v2;
	v1 =	vadd.f32 v7, v1;
	(v2sf) =	vpush v0, $0x0;
	v7 =	vld [tilespmem:s9+$0x30]  }
0x1ec: {  	(v2sf) =	vpush v0, $0x1;
	v8 =	vld [tilespmem:$0x1C830]  }
0x1ed: {  	(v2sf) =	vpush v2, $0x0;
	v9 =	vld [tilespmem:s12+$0xFFFFFF90]  }
0x1ee: {  	v5 =	vadd.f32 v6, v5;
	(v2sf) =	vpush v0, $0x2;
	v0 =	vld [tilespmem:s9+$0xFFFFFF90];
	v3 =	vmul.f32 s19, v3;
	s19 =	smov.u32 s8  }
0x1ef: {  	(v2sf) =	vpush v2, $0x1;
	v6 =	vld [tilespmem:$0x1C820]  }
0x1f0: {  	(v2sf) =	vpush v2, $0x2;
	v2 =	vld [tilespmem:s16+$0xFFFFFFC0];
	v3 =	vadd.f32 v3, v5  }
0x1f1: {  	s29 =	sadd.s32 $0x2, s29;
	v4 =	vadd.f32 v7, v4;
	v5 =	vmul.f32 s19, v8;
	v7 =	vld [tilespmem:s17+$0xFFFFFFC0]  }
0x1f2: {  	p1 =	slt.u32 s29, $0x7E;
	v8 =	vld [tilespmem:$0x1C850];
	[tilespmem:s5+$0x70] =	vst v3  }
0x1f3: {  	v0 =	vadd.f32 v0, v9;
	v3 =	vadd.f32 v5, v4;
	v4 =	vld [tilespmem:s15+$0xFFFFFFE0];
	s15 =	smov.u32 s16;
	s16 =	smov.u32 s12;
	s12 =	smov.u32 s22  }
0x1f4: {  	v5 =	vmul.f32 s13, v6;
	v6 =	vld [tilespmem:s14+$0xFFFFFFE0];
	s14 =	smov.u32 s17;
	s17 =	smov.u32 s9;
	s9 =	smov.u32 s28  }
0x1f5: {  	[tilespmem:s26+$0x30] =	vst v3;
	v3 =	vld [tilespmem:$0x1C870]  }
0x1f6: {  	v0 =	vadd.f32 v5, v0;
	v5 =	vld [tilespmem:s16+$0x40];
	v2 =	vadd.f32 v7, v2  }
0x1f7: {  	v7 =	vld [tilespmem:s17+$0x40];
	v8 =	vmul.f32 s10, v8  }
0x1f8: {  	[tilespmem:s26+$0xFFFFFFA0] =	vst v0;
	v0 =	vld [tilespmem:$0x1C840]  }
0x1f9: {  	v9 =	vld [tilespmem:$0x1C800];
	v2 =	vadd.f32 v8, v2;
	v4 =	vadd.f32 v6, v4  }
0x1fa: {  	v6 =	vld [tilespmem:s22+$0x0];
	s8 =	spop (v2sf);
	v3 =	vmul.f32 s18, v3;
	s18 =	smov.u32 s10;
	s10 =	smov.u32 s13  }
0x1fb: {  	v8 =	vld [tilespmem:s28+$0x0];
	s13 =	spop (v2sf);
	[tilespmem:s5+$0xFFFFFFD0] =	vst v2  }
0x1fc: {  	s8 =	sadd.f32 s13, s8;
	s13 =	spop (v2sf);
	v2 =	vld [tilespmem:s16+$0xFFFFFFA0];
	v3 =	vadd.f32 v3, v4  }
0x1fd: {  	v5 =	vadd.f32 v7, v5;
	s25 =	spop (v2sf);
	v4 =	vld [tilespmem:s17+$0xFFFFFFA0];
	v0 =	vmul.f32 s19, v0  }
0x1fe: {  	s8 =	sadd.f32 s8, s25;
	s25 =	spop (v2sf);
	v7 =	vld [tilespmem:$0x1C830];
	[tilespmem:s11+$0xFFFFFFF0] =	vst v3;
	s11 =	smov.u32 s5  }
0x1ff: {  	s5 =	smov.u32 s26;
	s13 =	sadd.f32 s25, s13;
	s25 =	spop (v2sf);
	v0 =	vadd.f32 v0, v5;
	v3 =	vld [tilespmem:s15+$0xFFFFFFD0]  }
0x200: {  	v5 =	vadd.f32 v8, v6;
	v6 =	vmul.f32 s8, v9;
	v8 =	vld [tilespmem:s14+$0xFFFFFFD0]  }
0x201: {  	s13 =	sadd.f32 s13, s25;
	[tilespmem:s26+$0x40] =	vst v0;
	v0 =	vld [tilespmem:$0x1C860]  }
0x202: {  	v5 =	vadd.f32 v6, v5;
	v2 =	vadd.f32 v4, v2;
	v4 =	vld [tilespmem:s16+$0x50]  }
0x203: {  	s26 =	sadd.s32 $0x100, s26;
	v6 =	vmul.f32 s13, v9;
	v7 =	vmul.f32 s10, v7;
	v9 =	vld [tilespmem:s17+$0x50]  }
0x204: {  	[tilespmem:s26+$0x0] =	vst v5;
	v5 =	vld [tilespmem:$0x1C850]  }
0x205: {  	v1 =	vadd.f32 v6, v1;
	v6 =	vld [tilespmem:s22+$0x10];
	v2 =	vadd.f32 v7, v2  }
0x206: {  	v3 =	vadd.f32 v8, v3;
	v7 =	vld [tilespmem:s28+$0x10];
	v0 =	vmul.f32 s18, v0  }
0x207: {  	[tilespmem:s26+$0xFFFFFF80] =	vst v1;
	v1 =	vld [tilespmem:$0x1C810]  }
0x208: {  	v8 =	vld [tilespmem:s22+$0xFFFFFF80];
	[tilespmem:s5+$0xFFFFFFB0] =	vst v2;
	v0 =	vadd.f32 v0, v3  }
0x209: {  	v3 =	vadd.f32 v9, v4;
	v2 =	vld [tilespmem:s28+$0xFFFFFF80];
	v4 =	vmul.f32 s19, v5  }
0x20a: {  	v5 =	vld [tilespmem:$0x1C810];
	[tilespmem:s11+$0xFFFFFFE0] =	vst v0  }
0x20b: {  	v9 =	vld [tilespmem:s16+$0xFFFFFFB0];
	v0 =	vadd.f32 v4, v3  }
0x20c: {  	v3 =	vadd.f32 v7, v6;
	v1 =	vmul.f32 s8, v1;
	v4 =	vld [tilespmem:s17+$0xFFFFFFB0]  }
0x20d: {  	v7 =	vld [tilespmem:$0x1C840];
	[tilespmem:s5+$0x50] =	vst v0  }
0x20e: {  	v6 =	vadd.f32 v2, v8;
	v2 =	vadd.f32 v1, v3;
	v0 =	vld [tilespmem:s16+$0x60]  }
.Ltmp7:
0x20f: {  	v3 =	vmul.f32 s13, v5;
	v1 =	vld [tilespmem:s17+$0x60];
	(pc) =	sbr.rel @p1 .LBB2_8-.Ltmp7, $4  }
0x210: {  	[tilespmem:s26+$0x10] =	vst v2;
	v2 =	vld [tilespmem:$0x1C860]  }
0x211: {  	v8 =	vadd.f32 v3, v6;
	v5 =	vld [tilespmem:s22+$0x20];
	v3 =	vadd.f32 v4, v9  }
0x212: {  	v6 =	vld [tilespmem:s28+$0x20];
	v4 =	vmul.f32 s10, v7  }
0x213: {  	s22 =	sadd.s32 $0x120, s22;
	[tilespmem:s26+$0xFFFFFF90] =	vst v8;
	v7 =	vld [tilespmem:$0x1C820]  }
0x214: {  	v8 =	vld [tilespmem:s12+$0xFFFFFF90]  }
0x215: {  	v17 =	vld [tilespmem:s9+$0xFFFFFF90]  }
0x216: {  	v9 =	vld [tilespmem:$0x1C820];
	_ =	sdelay $0x1  }
0x217: {  	v5 =	vadd.f32 v6, v5;
	v16 =	vmul.f32 s8, v7;
	_ =	sdelay $0x1  }
0x218: {  	v5 =	vadd.f32 v16, v5  }
0x219: {  	v7 =	vadd.f32 v17, v8;
	v19 =	vmul.f32 s13, v9  }
0x21a: {  	[tilespmem:s26+$0x20] =	vst v5  }
0x21b: {  	v7 =	vadd.f32 v19, v7;
	v5 =	vld [tilespmem:s12+$0x30]  }
0x21c: {  	v18 =	vld [tilespmem:s9+$0x30]  }
0x21d: {  	v20 =	vld [tilespmem:$0x1C830];
	[tilespmem:s26+$0xFFFFFFA0] =	vst v7  }
0x21e: {  	v7 =	vld [tilespmem:s12+$0xFFFFFFA0]  }
0x21f: {  	v22 =	vld [tilespmem:s9+$0xFFFFFFA0]  }
0x220: {  	v23 =	vld [tilespmem:$0x1C830];
	_ =	sdelay $0x1  }
0x221: {  	v5 =	vadd.f32 v18, v5;
	v21 =	vmul.f32 s8, v20;
	_ =	sdelay $0x1  }
0x222: {  	v5 =	vadd.f32 v21, v5  }
0x223: {  	v7 =	vadd.f32 v22, v7;
	v25 =	vmul.f32 s13, v23  }
0x224: {  	[tilespmem:s26+$0x30] =	vst v5  }
0x225: {  	v7 =	vadd.f32 v25, v7;
	v5 =	vld [tilespmem:s12+$0x40]  }
0x226: {  	v24 =	vld [tilespmem:s9+$0x40]  }
0x227: {  	v26 =	vld [tilespmem:$0x1C840];
	[tilespmem:s26+$0xFFFFFFB0] =	vst v7  }
0x228: {  	v7 =	vld [tilespmem:s12+$0xFFFFFFB0]  }
0x229: {  	v28 =	vld [tilespmem:s9+$0xFFFFFFB0]  }
0x22a: {  	v29 =	vld [tilespmem:$0x1C840]  }
0x22b: {  	v3 =	vadd.f32 v4, v3  }
0x22c: {  	v5 =	vadd.f32 v24, v5;
	v27 =	vmul.f32 s8, v26  }
0x22d: {  	[tilespmem:s5+$0xFFFFFFC0] =	vst v3  }
0x22e: {  	v34 =	vld [tilespmem:s16+$0xFFFFFFC0];
	v5 =	vadd.f32 v27, v5  }
0x22f: {  	v36 =	vld [tilespmem:s17+$0xFFFFFFC0];
	v31 =	vadd.f32 v28, v7;
	v32 =	vmul.f32 s13, v29  }
0x230: {  	v37 =	vld [tilespmem:$0x1C850];
	[tilespmem:s26+$0x40] =	vst v5  }
0x231: {  	v6 =	vadd.f32 v32, v31;
	v30 =	vld [tilespmem:s12+$0x50]  }
0x232: {  	v5 =	vld [tilespmem:s9+$0x50]  }
0x233: {  	v33 =	vld [tilespmem:$0x1C850];
	[tilespmem:s26+$0xFFFFFFC0] =	vst v6  }
0x234: {  	v38 =	vld [tilespmem:s12+$0xFFFFFFC0]  }
0x235: {  	v35 =	vmul.f32 s19, v2;
	v2 =	vadd.f32 v36, v34;
	v7 =	vmul.f32 s10, v37;
	v39 =	vld [tilespmem:s9+$0xFFFFFFC0]  }
0x236: {  	v40 =	vld [tilespmem:$0x1C850]  }
0x237: {  	v0 =	vadd.f32 v1, v0;
	v11 =	vld [tilespmem:s15+$0xFFFFFFE0];
	v2 =	vadd.f32 v7, v2  }
0x238: {  	v50 =	vld [tilespmem:s14+$0xFFFFFFE0];
	v4 =	vadd.f32 v5, v30;
	v3 =	vmul.f32 s8, v33  }
0x239: {  	v52 =	vld [tilespmem:$0x1C870];
	v0 =	vadd.f32 v35, v0;
	[tilespmem:s5+$0xFFFFFFD0] =	vst v2  }
0x23a: {  	v46 =	vld [tilespmem:s16+$0xFFFFFFD0];
	v3 =	vadd.f32 v3, v4  }
0x23b: {  	[tilespmem:s5+$0x60] =	vst v0;
	v47 =	vld [tilespmem:s17+$0xFFFFFFD0];
	v1 =	vadd.f32 v39, v38;
	v0 =	vmul.f32 s13, v40  }
0x23c: {  	v48 =	vld [tilespmem:$0x1C860];
	[tilespmem:s26+$0x50] =	vst v3  }
0x23d: {  	v0 =	vadd.f32 v0, v1;
	v3 =	vld [tilespmem:s12+$0x60]  }
0x23e: {  	v44 =	vld [tilespmem:s9+$0x60]  }
0x23f: {  	v45 =	vld [tilespmem:$0x1C860];
	[tilespmem:s26+$0xFFFFFFD0] =	vst v0  }
0x240: {  	v0 =	vld [tilespmem:s12+$0xFFFFFFD0]  }
0x241: {  	v51 =	vmul.f32 s10, v48;
	v1 =	vadd.f32 v47, v46;
	v49 =	vld [tilespmem:s9+$0xFFFFFFD0]  }
0x242: {  	v10 =	vld [tilespmem:$0x1C860]  }
0x243: {  	v41 =	vld [tilespmem:s16+$0x70];
	v1 =	vadd.f32 v51, v1  }
0x244: {  	v42 =	vld [tilespmem:s17+$0x70];
	v3 =	vadd.f32 v44, v3;
	v2 =	vmul.f32 s8, v45  }
0x245: {  	v43 =	vld [tilespmem:$0x1C870];
	[tilespmem:s5+$0xFFFFFFE0] =	vst v1  }
0x246: {  	v56 =	vld [tilespmem:s16+$0xFFFFFFE0];
	v2 =	vadd.f32 v2, v3  }
0x247: {  	v57 =	vld [tilespmem:s17+$0xFFFFFFE0];
	v0 =	vadd.f32 v49, v0;
	v54 =	vmul.f32 s13, v10  }
0x248: {  	v12 =	vld [tilespmem:$0x1C870];
	[tilespmem:s26+$0x60] =	vst v2  }
0x249: {  	v0 =	vadd.f32 v54, v0;
	v2 =	vld [tilespmem:s12+$0x70]  }
0x24a: {  	v53 =	vld [tilespmem:s9+$0x70]  }
0x24b: {  	v55 =	vld [tilespmem:$0x1C870];
	[tilespmem:s26+$0xFFFFFFE0] =	vst v0  }
0x24c: {  	v0 =	vld [tilespmem:s12+$0xFFFFFFE0]  }
0x24d: {  	v13 =	vld [tilespmem:s9+$0xFFFFFFE0]  }
0x24e: {  	v14 =	vld [tilespmem:$0x1C870]  }
0x24f: {  	v58 =	vmul.f32 s19, v43;
	v4 =	vadd.f32 v42, v41  }
0x250: {  	v59 =	vmul.f32 s18, v52;
	v3 =	vadd.f32 v50, v11  }
0x251: {  	v4 =	vadd.f32 v58, v4;
	v60 =	vadd.f32 v57, v56;
	v61 =	vmul.f32 s10, v12  }
0x252: {  	v3 =	vadd.f32 v59, v3;
	v2 =	vadd.f32 v53, v2;
	v1 =	vmul.f32 s8, v55  }
0x253: {  	[tilespmem:s5+$0x70] =	vst v4;
	v63 =	vadd.f32 v61, v60;
	v0 =	vadd.f32 v13, v0;
	v62 =	vmul.f32 s13, v14  }
.Ltmp8:
0x254: {  	s0 =	sadd.s32 s2, s0;
	[tilespmem:s11+$0xFFFFFFF0] =	vst v3;
	v1 =	vadd.f32 v1, v2;
	(pc) =	sbr.rel .LBB2_10-.Ltmp8, $4  }
0x255: {  	s0 =	sshll.u32 s0, $0xB;
	[tilespmem:s5+$0xFFFFFFF0] =	vst v63;
	v0 =	vadd.f32 v62, v0  }
0x256: {  	s0 =	sand.u32 $0x1FFFF800, s0;
	[tilespmem:s26+$0x70] =	vst v1  }
0x257: {  	s29 =	simm.s32 $0x18800;
	s0 =	sadd.s32 s6, s0;
	[tilespmem:s26+$0xFFFFFFF0] =	vst v0  }
0x258: {  	[hbm4b:s0+s1] =	stream.linear.scatter [tilespmem:s29], [sflag:$0x6], $0x4000, $0x38;
	[tilespmem:$0x1C880] =	vst v63  }
.LBB2_12:
0x259: {  	_ =	sfence.sel $0x180000  }
0x25a: {  	[bflag:$0x0] =	sbarrier.arrive $0xFFFF  }
0x25b: {  	_ =	strace $0x9000004A  }
0x25c: {  	[bflag:$0x2] =	sbarrier.arrive $0xFFFF  }
0x25d: {  	s0 =	rddreg [dreg:$0x1]  }
0x25e: {  	s0 =	sadd.s32 @!p0 $0x100000, s0  }
0x25f: {  	[sflag:s0] =	ssyncadd.tile.s32 @!p0 $0x1;
	_ =	shalt  }
.Lfunc_end2:
_tile_overlayer_lowered:
.L_overlay_start_2:
0x260: {  	(tag) =	ssettag $0x2  }
0x261: {  	s0 =	rddreg [dreg:$0x0];
	s2 =	stileid.u32  }
0x262: {  	s1 =	rddreg [dreg:$0x1];
	p0 =	sne.s32 s2, $0x0  }
0x263: {  	s3 =	rddreg [dreg:$0x2];
	[bflag:$0x3] =	sbarrier.arrive $0xFFFF;
	s2 =	simm.s32 @!p0 $0x1C07  }
0x264: {  	[timem:s3], [sflag:s2] =	dma.local @!p0 [hbm:s0], s1  }
0x265: {  	s0 =	simm.s32 @!p0 $0x7  }
0x266: {  	_ =	swait.ge @!p0 [sflag:s0], s1  }
0x267: {  	s1 =	ssub.s32 @!p0 $0x0, s1;
	[sflag:s0] =	ssyncset.done @!p0 $0x0  }
0x268: {  	[sflag:s0] =	ssyncadd.s32 @!p0 s1  }
0x269: {  	[bflag:$0x3] =	sbarrier.arrive $0xFFFF  }
0x26a: {  	_ =	shalt  }

// kernel: kernel.13.cloned.1.call-start
scs
__scs_entry_jumppad:
0x0: {  	(pc) =	sbr.rel $0x88, $3  }
0x1: {  	(tag) =	ssettag $0x0;
	lr =	simm.s32 $0x1  }
0x2: {  	[smem:$0x3F94] =	sst lr;
	_ =	strace $0xD0000000  }
0x3: {  	_ = 	snop  }
0x4: {  	_ = 	snop  }
0x5: {  	_ = 	snop  }
0x6: {  	_ = 	snop  }
0x7: {  	_ = 	snop  }
__scs_overlays_trampoline_lowered:
0x8: {  	[smem:$0x3FA3] =	sst s0  }
0x9: {  	[smem:$0x3FA4] =	sst s1  }
0xa: {  	[smem:$0x3FA5] =	sst s2  }
0xb: {  	[smem:$0x3FA6] =	sst s3  }
0xc: {  	[smem:$0x3FA7] =	sst s4  }
0xd: {  	[smem:$0x3FA8] =	sst s5  }
0xe: {  	[smem:$0x3FA9] =	sst s6  }
0xf: {  	[smem:$0x3FAA] =	sst s7  }
0x10: {  	[smem:$0x3FAB] =	sst s8  }
0x11: {  	[smem:$0x3FAC] =	sst s9;
	s0 =	simm.s32 @!p0 $0x0  }
0x12: {  	s1 =	sld [smem:$0x3F92];
	s0 =	simm.s32 @p0 $0x1  }
0x13: {  	[smem:$0x3FAD] =	sst s0;
	s0 =	simm.s32 @!p1 $0x0  }
0x14: {  	s2 =	sld [smem:$0x3F91];
	s0 =	simm.s32 @p1 $0x1  }
0x15: {  	[smem:$0x3FAE] =	sst s0;
	s0 =	simm.s32 @!p2 $0x0  }
0x16: {  	s3 =	sld [smem:$0x3FDB];
	s0 =	simm.s32 @p2 $0x1  }
0x17: {  	s4 =	simm.s32 $0x1BF5;
	[smem:$0x3FB0] =	sst s0  }
0x18: {  	s0 =	sld [smem:$0x3F93];
	_ =	swait.ge [sflag:s4], $0x0  }
0x19: {  	s7 =	sld [smem:$0x3F94]  }
0x1a: {  	s8 =	sadd.s32 $0xFFFFE003, lr  }
0x1b: {  	s9 =	sadd.s32 $0xFFFFFEF7, lr;
	s5 =	simm.s32 $0xFFFFFFFF;
	p2 =	slt.u32 s8, $0xFFFFF086  }
0x1c: {  	p1 =	slt.u32 s9, $0xF7A;
	s5 =	simm.s32 @!p2 $0x0  }
0x1d: {  	s5 =	simm.s32 @p1 $0x1;
	p0 =	seq.s32 s7, s2  }
0x1e: {  	s7 =	smul.u32 @!p0 $0xF7A, s2;
	p2 =	seq.s32 @!p0 s5, $0x0  }
0x1f: {  	s9 =	smul.u32 $0xF7A, s1;
	s8 =	simm.s32 @!p0 $0x1BF5;
	p2 =	por !p2, p0  }
0x20: {  	[sflag:s8] =	ssyncset.s32 @!p0 $0xFFFFF086;
	s6 =	sadd.s32 @!p0 s3, s7;
	s7 =	simm.s32 @!p0 $0x108  }
0x21: {  	s3 =	sadd.s32 s3, s9;
	s6 =	sadd.s32 @!p0 $0x88, s6;
	s7 =	simm.s32 @p2 $0x1082  }
0x22: {  	[simem:s7], [sflag:s8] =	dma.local @!p0 [hbm:s6], $0xF7A  }
0x23: {  	s9 =	sor.u32 $0xD0000000, s2;
	s6 =	simm.s32 $0x108;
	_ =	swait.ge @!p0 [sflag:s8], $0x0  }
0x24: {  	s3 =	sadd.s32 $0x88, s3;
	s6 =	simm.s32 @!p1 $0x1082;
	[sflag:s4] =	ssyncset.s32 $0xFFFFF086  }
0x25: {  	[simem:s6], [sflag:s4] =	dma.local [hbm:s3], $0xF7A  }
0x26: {  	[smem:$0x3F94] =	sst s1;
	(tag) =	ssettag s2;
	_ =	strace s9  }
0x27: {  	s1 =	sld [smem:$0x3FA4]  }
0x28: {  	s2 =	sld [smem:$0x3FA5]  }
0x29: {  	s4 =	sld [smem:$0x3FA7]  }
0x2a: {  	p0 =	seq.s32 s5, $0x0;
	s5 =	sld [smem:$0x3FA8]  }
0x2b: {  	s6 =	sld [smem:$0x3FA9]  }
0x2c: {  	s7 =	sld [smem:$0x3FAA]  }
0x2d: {  	s3 =	simm.s32 $0x108;
	s8 =	sld [smem:$0x3FAB]  }
0x2e: {  	s3 =	simm.s32 @!p0 $0x1082;
	s9 =	sld [smem:$0x3FAC]  }
0x2f: {  	lr =	sadd.s32 s0, s3;
	s0 =	sld [smem:$0x3FA3]  }
0x30: {  	s3 =	sld [smem:$0x3FA6]  }
0x31: {  	[smem:$0x3FAF] =	sst s10  }
0x32: {  	s10 =	sld [smem:$0x3FAD];
	_ =	sdelay $0x3  }
0x33: {  	p0 =	seq.s32 s10, $0x1;
	s10 =	sld [smem:$0x3FAF];
	_ =	sdelay $0x3  }
0x34: {  	[smem:$0x3FAF] =	sst s10  }
0x35: {  	s10 =	sld [smem:$0x3FAE];
	_ =	sdelay $0x3  }
0x36: {  	p1 =	seq.s32 s10, $0x1;
	s10 =	sld [smem:$0x3FAF];
	_ =	sdelay $0x3  }
0x37: {  	[smem:$0x3FAF] =	sst s10  }
0x38: {  	s10 =	sld [smem:$0x3FB0]  }
0x39: {  	_ = 	snop;
	(pc) =	sbr.ind lr, $3  }
0x3a: {  	_ = 	snop  }
0x3b: {  	_ = 	snop  }
0x3c: {  	p2 =	seq.s32 s10, $0x1;
	s10 =	sld [smem:$0x3FAF]  }
0x3d: {  	_ =	shalt  }
0x3e: {  	_ =	shalt  }
0x3f: {  	_ =	shalt  }
0x40: {  	_ =	shalt  }
0x41: {  	_ =	shalt  }
0x42: {  	_ =	shalt  }
0x43: {  	_ =	shalt  }
0x44: {  	_ =	shalt  }
0x45: {  	_ =	shalt  }
0x46: {  	_ =	shalt  }
0x47: {  	_ =	shalt  }
0x48: {  	_ =	shalt  }
0x49: {  	_ =	shalt  }
0x4a: {  	_ =	shalt  }
0x4b: {  	_ =	shalt  }
0x4c: {  	_ =	shalt  }
0x4d: {  	_ =	shalt  }
0x4e: {  	_ =	shalt  }
0x4f: {  	_ =	shalt  }
0x50: {  	_ =	shalt  }
0x51: {  	_ =	shalt  }
0x52: {  	_ =	shalt  }
0x53: {  	_ =	shalt  }
0x54: {  	_ =	shalt  }
0x55: {  	_ =	shalt  }
0x56: {  	_ =	shalt  }
0x57: {  	_ =	shalt  }
0x58: {  	_ =	shalt  }
0x59: {  	_ =	shalt  }
0x5a: {  	_ =	shalt  }
0x5b: {  	_ =	shalt  }
0x5c: {  	_ =	shalt  }
0x5d: {  	_ =	shalt  }
0x5e: {  	_ =	shalt  }
0x5f: {  	_ =	shalt  }
0x60: {  	_ =	shalt  }
0x61: {  	_ =	shalt  }
0x62: {  	_ =	shalt  }
0x63: {  	_ =	shalt  }
0x64: {  	_ =	shalt  }
0x65: {  	_ =	shalt  }
0x66: {  	_ =	shalt  }
0x67: {  	_ =	shalt  }
0x68: {  	_ =	shalt  }
0x69: {  	_ =	shalt  }
0x6a: {  	_ =	shalt  }
0x6b: {  	_ =	shalt  }
0x6c: {  	_ =	shalt  }
0x6d: {  	_ =	shalt  }
0x6e: {  	_ =	shalt  }
0x6f: {  	_ =	shalt  }
0x70: {  	_ =	shalt  }
0x71: {  	_ =	shalt  }
0x72: {  	_ =	shalt  }
0x73: {  	_ =	shalt  }
0x74: {  	_ =	shalt  }
0x75: {  	_ =	shalt  }
0x76: {  	_ =	shalt  }
0x77: {  	_ =	shalt  }
0x78: {  	_ =	shalt  }
0x79: {  	_ =	shalt  }
0x7a: {  	_ =	shalt  }
0x7b: {  	_ =	shalt  }
0x7c: {  	_ =	shalt  }
0x7d: {  	_ =	shalt  }
0x7e: {  	_ =	shalt  }
0x7f: {  	_ =	shalt  }
0x80: {  	_ =	shalt  }
0x81: {  	_ =	shalt  }
0x82: {  	_ =	shalt  }
0x83: {  	_ =	shalt  }
0x84: {  	_ =	shalt  }
0x85: {  	_ =	shalt  }
0x86: {  	_ =	shalt  }
0x87: {  	_ =	shalt  }
.Lfunc_end0:
.L_simem_size_0:
called_computation.1_lowered:
.L_overlay_start_0:
0x88: {  	s2 =	sld [smem:$0x3FD9]  }
0x89: {  	s3 =	sld [smem:$0x3FFE];
	_ =	sdelay $0x1  }
0x8a: {  	s1 =	srdreg.scid  }
0x8b: {  	s0 =	sand.u32 $0x1, s1  }
0x8c: {  	s17 =	sshll.u32 s0, $0xA;
	s2 =	sadd.s32 s3, s2  }
0x8d: {  	s2 =	sadd.s32 s2, s17  }
0x8e: {  	[smem:$0x3FBB] =	sst s2  }
0x8f: {  	_ = 	snop  }
0x90: {  	(tm) =	ssettm $0x1  }
0x91: {  	s18 =	sld [smem:$0x3FFB];
	_ =	sdelay $0x3  }
0x92: {  	_ =	strace s18  }
0x93: {  	s2 =	sld [smem:$0x3FFC];
	_ =	sdelay $0x3  }
0x94: {  	_ =	strace s2  }
0x95: {  	s2 =	sld [smem:$0x3FFD];
	_ =	sdelay $0x3  }
0x96: {  	_ =	strace s2  }
0x97: {  	_ =	strace $0x8FFFFFFF  }
0x98: {  	s19 =	sld [smem:$0x3FDB];
	_ =	sdelay $0x1  }
0x99: {  	s20 =	simm.s32 $_scs_section_size  }
0x9a: {  	s4 =	simm.s32 $_size__tile_overlayer_lowered;
	s5 =	simm.s32 $_tile_overlayer_lowered  }
0x9b: {  	s6 =	simm.s32 $0x1BFF;
	s21 =	sshll.u32 s5, $0x1;
	s3 =	sadd.s32 s20, s19  }
0x9c: {  	s22 =	simm.s32 $0x0;
	s4 =	sshll.u32 s4, $0x1;
	s5 =	sadd.s32 s21, s3  }
0x9d: {  	[timem:s22], [sflag:s6] =	dma.local [hbm:s5], s4  }
0x9e: {  	_ =	swait.ge [sflag:s6], s4  }
0x9f: {  	s4 =	ssub.s32 $0x0, s4;
	[sflag:s6] =	ssyncset.done $0x0  }
0xa0: {  	[sflag:s6] =	ssyncadd.s32 s4;
	_ =	sdelay $0x1  }
0xa1: {  	s23 =	simm.s32 $0x1B8B  }
0xa2: {  	_ =	swait.ge [sflag:s23], $0x1  }
0xa3: {  	[sflag:s23] =	ssyncset.done $0x0  }
0xa4: {  	[sflag:s23] =	ssyncadd.s32 $0xFFFFFFFF  }
0xa5: {  	s4 =	sld [smem:$0x0]  }
0xa6: {  	s5 =	sand.u32 $0xFFFFFFFE, s1  }
0xa7: {  	p0 =	sne.s32 s1, s5  }
0xa8: {  	s5 =	sshll.u32 @p0 s5, $0xE  }
0xa9: {  	s5 =	sadd.s32 @p0 $0x11B8D, s5;
	s6 =	sshll.u32 @p0 s4, $0x11  }
0xaa: {  	s5 =	sor.u32 @p0 s6, s5  }
0xab: {  	[sflag:s5] =	ssyncadd.remote.s32 @p0 $0x1;
	_ =	sdelay $0x1  }
0xac: {  	s5 =	simm.s32 @p0 $0x1B8D  }
0xad: {  	_ =	swait.eq @p0 [sflag:s5], $0x1  }
0xae: {  	[sflag:s5] =	ssyncadd.s32 @p0 $0xFFFFFFFF  }
0xaf: {  	s6 =	sshll.u32 @!p0 s1, $0xE  }
0xb0: {  	s6 =	sor.u32 @!p0 $0x4000, s6;
	s5 =	simm.s32 @!p0 $0x1B8D  }
0xb1: {  	s4 =	sshll.u32 @!p0 s4, $0x11;
	s6 =	sadd.s32 @!p0 $0x11B8D, s6;
	_ =	swait.eq @!p0 [sflag:s5], $0x1  }
0xb2: {  	s4 =	sor.u32 @!p0 s4, s6;
	[sflag:s5] =	ssyncadd.s32 @!p0 $0xFFFFFFFF  }
0xb3: {  	s25 =	simm.s32 $0x1B8E;
	s24 =	sld [smem:$0x3FFE];
	[sflag:s4] =	ssyncadd.remote.s32 @!p0 $0x1  }
0xb4: {  	s26 =	simm.s32 $execute0_lowered;
	[smem:$0x3FD2] =	sst s25  }
0xb5: {  	s5 =	sshll.u32 s26, $0x1;
	_ =	strace $0x8000004F;
	[dreg:$0x1] =	wrdreg $0xFFFFFFFF  }
0xb6: {  	s28 =	simm.s32 $_size_execute0_lowered;
	s3 =	sadd.s32 s3, s5;
	[dreg:$0x0] =	wrdreg $0x0  }
0xb7: {  	s5 =	sshll.u32 s28, $0x1;
	[dreg:$0x2] =	wrdreg s3  }
0xb8: {  	[dreg:$0x3] =	wrdreg s5  }
0xb9: {  	[dreg:$0x4] =	wrdreg $0xC0  }
0xba: {  	_ =	task [dreg:s22], $0x5FFFF  }
0xbb: {  	[dreg:$0x1] =	wrdreg $0xFFFFFFFF  }
0xbc: {  	[dreg:$0x0] =	wrdreg $0x60  }
0xbd: {  	[dreg:$0x2] =	wrdreg s24  }
0xbe: {  	[dreg:$0x3] =	wrdreg $0x94000  }
0xbf: {  	[dreg:$0x4] =	wrdreg $0x9  }
0xc0: {  	_ =	task.clear_ibuf [dreg:s22], $0x5FFFF;
	_ =	strace $0x9000004F  }
0xc1: {  	s29 =	simm.s32 $0x9;
	_ =	strace $0x80000051  }
0xc2: {  	_ =	swait.ge [sflag:s29], $0x1  }
0xc3: {  	[sflag:s29] =	ssyncadd.s32 $0xFFFFFFFF  }
0xc4: {  	_ =	strace $0x90000051  }
0xc5: {  	_ =	sfence  }
0xc6: {  	s30 =	sld [smem:$0x0];
	_ =	sdelay $0x2  }
0xc7: {  	s31 =	sshll.u32 s1, $0xD;
	s1 =	sshrl.u32 s1, $0x2  }
0xc8: {  	s4 =	sand.u32 $0x4000, s31;
	s1 =	sadd.s32 s1, s30  }
0xc9: {  	s0 =	sor.u32 s4, s0;
	s1 =	sshll.u32 s1, $0x11  }
0xca: {  	s0 =	sor.u32 s1, s0  }
0xcb: {  	s0 =	sadd.s32 $0x8F2B, s0  }
0xcc: {  	[sflag:s0] =	ssyncadd.remote.s32 $0x1  }
0xcd: {  	_ =	sfence.sel $0xFFFF  }
0xce: {  	[dreg:$0x0] =	wrdreg $0xFFFFFFFF;
	(pc) =	sbr.abs _section_cstart, $3  }
0xcf: {  	[dreg:$0x1] =	wrdreg $0xFFFFFFFF  }
0xd0: {  	_ =	task.clear_ibuf [dreg:s22], $0x2FFFF;
	_ =	strace $0x9FFFFFFF  }
0xd1: {  	(tm) =	ssettm $0x7FFFFFFF  }
tec
execute0_lowered:
.L_overlay_start_1:
0x0: {  	(tag) =	ssettag $0x1  }
0x1: {  	s1 =	srdreg.scid  }
0x2: {  	s0 =	stileid.u32;
	s3 =	rddreg [dreg:$0x0];
	s2 =	simm.s32 $0x0  }
0x3: {  	s28 =	simm.s32 $0x4;
	s10 =	sand.u32 $0x1, s1;
	s1 =	rddreg [dreg:$0x1]  }
0x4: {  	s29 =	simm.s32 $0x0;
	s16 =	sshll.u32 s0, $0x1;
	[smem:$0x7FF] =	sst s2  }
0x5: {  	s13 =	sadd.s32 $0x7CFA00, s3;
	s14 =	sadd.s32 $0xCAC00, s3;
	s9 =	smul.u32 $0x13880, s0  }
0x6: {  	p0 =	seq.s32 s0, $0x0;
	s23 =	smul.u32 $0x4E, s0;
	s4 =	sor.u32 s10, s16  }
0x7: {  	_ =	strace $0x80000050;
	s18 =	ssub.s32 $0x2, s10;
	s5 =	smul.u32 $0x27, s4  }
0x8: {  	s11 =	smin.u32 s4, $0x2;
	s19 =	sshrl.u32 s18, $0x1;
	s16 =	sadd.s32 $0x3E80, s9  }
0x9: {  	s21 =	sadd.s32 $0xFA00, s9;
	s15 =	ssub.s32 s18, s19;
	s18 =	smul.u32 $0x138800, s10  }
0xa: {  	s6 =	sadd.s32 s16, s1;
	s19 =	sadd.s32 $0xBB80, s9;
	s10 =	smul.u32 $0x27, s10  }
0xb: {  	s12 =	sadd.s32 s11, s5;
	s5 =	sadd.s32 s9, s1;
	s8 =	sadd.s32 s19, s1  }
0xc: {  	s30 =	smax.u32 s15, $0x1;
	s17 =	sshll.u32 s12, $0x4;
	s20 =	sadd.s32 s9, s18  }
0xd: {  	s16 =	sadd.s32 s18, s16;
	s22 =	sadd.s32 s18, s19;
	s25 =	sadd.s32 s18, s21  }
0xe: {  	s12 =	sshll.u32 s12, $0xB;
	s10 =	sadd.s32 s10, s23;
	[dreg:$0x8] =	wrdreg s30  }
0xf: {  	s23 =	simm.s32 $0x1;
	s4 =	sadd.s32 s17, s3;
	s3 =	simm.s32 $0x28  }
0x10: {  	s17 =	sadd.s32 $0x7D00, s9;
	s20 =	sshrl.u32 s20, $0x3;
	s16 =	sshrl.u32 s16, $0x3  }
0x11: {  	s9 =	sadd.s32 s21, s1;
	s26 =	sadd.s32 $0x800, s12;
	s10 =	sadd.s32 s11, s10  }
0x12: {  	s12 =	sadd.s32 s13, s12;
	s21 =	simm.s32 $0x5;
	s3 =	simm.s32 @!p0 $0x27  }
0x13: {  	s4 =	sadd.s32 $0x3D800, s4;
	s7 =	sadd.s32 s17, s1;
	s20 =	sadd.s32 s14, s20  }
0x14: {  	s16 =	sadd.s32 s14, s16;
	s31 =	sand.u32 $0x1FFFF800, s26;
	[dreg:$0x9] =	wrdreg s12  }
0x15: {  	s10 =	sshll.u32 s10, $0xB;
	p0 =	sne.s32 s0, $0x0;
	[dreg:$0x3] =	wrdreg s20  }
0x16: {  	s26 =	simm.s32 $0x3;
	[dreg:$0x4] =	wrdreg s16;
	s20 =	sadd.s32 s18, s17  }
0x17: {  	s17 =	sshrl.u32 s22, $0x3;
	s11 =	sadd.s32 s13, s31;
	s10 =	sadd.s32 s10, s13  }
0x18: {  	s22 =	simm.s32 $0x5400;
	s16 =	sshrl.u32 s20, $0x3;
	s24 =	sadd.s32 s14, s17  }
0x19: {  	[dreg:$0xa] =	wrdreg s11;
	s18 =	sadd.s32 $0x1000, s10;
	s16 =	sadd.s32 s14, s16  }
0x1a: {  	s19 =	sadd.s32 $0x1800, s10;
	[dreg:$0x5] =	wrdreg s16;
	s16 =	sshrl.u32 s25, $0x3  }
0x1b: {  	s20 =	simm.s32 $0x1400;
	[dreg:$0x6] =	wrdreg s24;
	s14 =	sadd.s32 s14, s16  }
0x1c: {  	v0 =	vimm.f32 $0.0e+00;
	s24 =	simm.s32 $0x80;
	s25 =	simm.s32 $0x2;
	[dreg:$0x7] =	wrdreg s14  }
.LBB2_1:
0x1d: {  	s0 =	simm.s32 @p0 $0x0  }
0x1e: {  	[tilespmem:s0], [sflag:$0x5] =	stream.linear.gather @p0 [hbm4b:s4+s0], $0x1380, $0x38;
	[tilespmem:$0x1CC80] =	vst v63  }
0x1f: {  	s0 =	simm.s32 @p0 $0x5  }
0x20: {  	_ =	swait.ge @p0 [sflag:s0], $0x1380  }
0x21: {  	[sflag:s0] =	ssyncset.done @p0 $0x0  }
0x22: {  	[sflag:s0] =	ssyncadd.s32 @p0 $0xFFFFEC80;
	s0 =	simm.s32 @!p0 $0x0  }
0x23: {  	[tilespmem:s0], [sflag:$0x5] =	stream.linear.gather @!p0 [hbm4b:s4+s0], $0x1400, $0x38;
	[tilespmem:$0x1CC80] =	vst v63  }
0x24: {  	s0 =	simm.s32 @!p0 $0x5  }
0x25: {  	_ =	swait.ge @!p0 [sflag:s0], $0x1400  }
0x26: {  	[sflag:s0] =	ssyncset.done @!p0 $0x0  }
0x27: {  	s10 =	simm.s32 $0x200;
	[sflag:s0] =	ssyncadd.s32 @!p0 $0xFFFFEC00;
	s0 =	simm.s32 $0x0  }
.LBB2_2:
0x28: {  	p1 =	sne.s32 s10, $0xF800;
	[tilespmem:s0+$0x1470] =	vst v0  }
0x29: {  	[tilespmem:s0+$0x1400] =	vst v0  }
0x2a: {  	[tilespmem:s0+$0x1410] =	vst v0  }
.Ltmp0:
0x2b: {  	[tilespmem:s0+$0x1420] =	vst v0;
	(pc) =	sbr.rel @p1 .LBB2_2-.Ltmp0, $4  }
0x2c: {  	[tilespmem:s0+$0x1430] =	vst v0  }
0x2d: {  	[tilespmem:s0+$0x1440] =	vst v0  }
0x2e: {  	[tilespmem:s0+$0x1450] =	vst v0  }
0x2f: {  	[tilespmem:s0+$0x1460] =	vst v0;
	s0 =	sshra.s32 s10, $0x2;
	s10 =	sadd.s32 $0x200, s10  }
0x30: {  	[tilespmem:s0+$0x1470] =	vst v0  }
0x31: {  	[tilespmem:s0+$0x1400] =	vst v0  }
0x32: {  	[tilespmem:s0+$0x1410] =	vst v0  }
0x33: {  	[tilespmem:s0+$0x1420] =	vst v0  }
0x34: {  	[tilespmem:s0+$0x1430] =	vst v0  }
0x35: {  	[tilespmem:s0+$0x1440] =	vst v0  }
0x36: {  	[tilespmem:s0+$0x1450] =	vst v0  }
0x37: {  	[tilespmem:s0+$0x1460] =	vst v0  }
0x38: {  	[spmem:s5] =	stream.linear.scatter [tilespmem:s20], [sflag:$0x5], $0x3E80, $0x38;
	[tilespmem:$0x1CC80] =	vst v63  }
0x39: {  	_ =	swait.ge [sflag:s21], $0x3E80  }
0x3a: {  	[sflag:s21] =	ssyncset.done $0x0  }
0x3b: {  	[sflag:s21] =	ssyncadd.s32 $0xFFFFC180  }
0x3c: {  	[spmem:s6] =	stream.linear.scatter [tilespmem:s20], [sflag:$0x5], $0x3E80, $0x38;
	[tilespmem:$0x1CC80] =	vst v63  }
0x3d: {  	_ =	swait.ge [sflag:s21], $0x3E80  }
0x3e: {  	[sflag:s21] =	ssyncset.done $0x0  }
0x3f: {  	[sflag:s21] =	ssyncadd.s32 $0xFFFFC180  }
0x40: {  	[spmem:s7] =	stream.linear.scatter [tilespmem:s20], [sflag:$0x5], $0x3E80, $0x38;
	[tilespmem:$0x1CC80] =	vst v63  }
0x41: {  	_ =	swait.ge [sflag:s21], $0x3E80  }
0x42: {  	[sflag:s21] =	ssyncset.done $0x0  }
0x43: {  	[sflag:s21] =	ssyncadd.s32 $0xFFFFC180  }
0x44: {  	[spmem:s8] =	stream.linear.scatter [tilespmem:s20], [sflag:$0x5], $0x3E80, $0x38;
	[tilespmem:$0x1CC80] =	vst v63  }
0x45: {  	_ =	swait.ge [sflag:s21], $0x3E80  }
0x46: {  	[sflag:s21] =	ssyncset.done $0x0  }
0x47: {  	[sflag:s21] =	ssyncadd.s32 $0xFFFFC180  }
0x48: {  	[spmem:s9] =	stream.linear.scatter [tilespmem:s20], [sflag:$0x5], $0x3E80, $0x38;
	[tilespmem:$0x1CC80] =	vst v63  }
0x49: {  	_ =	swait.ge [sflag:s21], $0x3E80  }
0x4a: {  	[sflag:s21] =	ssyncset.done $0x0  }
0x4b: {  	[sflag:s21] =	ssyncadd.s32 $0xFFFFC180  }
0x4c: {  	[bflag:$0x0] =	sbarrier.arrive $0xFFFF  }
0x4d: {  	s16 =	rddreg [dreg:$0x9]  }
0x4e: {  	[tilespmem:s20], [sflag:$0x1] =	stream.linear.gather [hbm4b:s16+s2], $0x4000, $0x38;
	[tilespmem:$0x1CC80] =	vst v63  }
0x4f: {  	s17 =	rddreg [dreg:$0xa]  }
0x50: {  	[tilespmem:s22], [sflag:$0x2] =	stream.linear.gather [hbm4b:s17+s2], $0x4000, $0x38;
	[tilespmem:$0x1CC80] =	vst v63  }
0x51: {  	_ =	swait.ge [sflag:s23], $0x4000  }
0x52: {  	[sflag:s23] =	ssyncset.done $0x0  }
0x53: {  	[sflag:s23] =	ssyncadd.s32 $0xFFFFC000  }
0x54: {  	[spmem:s1] =	stream.indirect.scatter.add.f32 [tilespmem:s20], [sflag:$0x3], $0x80, s2, s24, $0xb8;
	[tilespmem:$0x1CC80] =	vst v63  }
0x55: {  	_ =	swait.ge [sflag:s25], $0x4000  }
0x56: {  	p2 =	sle.u32 s3, $0x2;
	[sflag:s25] =	ssyncset.done $0x0  }
0x57: {  	s0 =	simm.s32 @!p2 $0x3;
	[sflag:s25] =	ssyncadd.s32 $0xFFFFC000  }
0x58: {  	[spmem:s1] =	stream.indirect.scatter.add.f32 [tilespmem:s22], [sflag:$0x4], $0x80, s24, s24, $0xb8;
	[tilespmem:$0x1CC80] =	vst v63  }
0x59: {  	_ =	swait.ge @!p2 [sflag:s0], $0x4000  }
0x5a: {  	p1 =	sle.u32 s3, $0x3;
	s14 =	simm.s32 @!p2 $0x1400;
	[sflag:s0] =	ssyncset.done @!p2 $0x0  }
0x5b: {  	s10 =	simm.s32 @!p1 $0x4;
	[sflag:s0] =	ssyncadd.s32 @!p2 $0xFFFFC000;
	s0 =	simm.s32 @!p2 $0x0  }
0x5c: {  	[tilespmem:s14], [sflag:$0x1] =	stream.linear.gather @!p2 [hbm4b:s18+s0], $0x4000, $0x38;
	[tilespmem:$0x1CC80] =	vst v63  }
0x5d: {  	_ =	swait.ge @!p1 [sflag:s10], $0x4000  }
0x5e: {  	s15 =	simm.s32 $0x100;
	s12 =	simm.s32 @!p1 $0x5400;
	[sflag:s10] =	ssyncset.done @!p1 $0x0  }
0x5f: {  	s13 =	simm.s32 @!p2 $0x1;
	s0 =	simm.s32 @!p1 $0x0;
	[sflag:s10] =	ssyncadd.s32 @!p1 $0xFFFFC000  }
0x60: {  	[tilespmem:s12], [sflag:$0x2] =	stream.linear.gather @!p1 [hbm4b:s19+s0], $0x4000, $0x38;
	[tilespmem:$0x1CC80] =	vst v63  }
0x61: {  	s11 =	simm.s32 $0x5;
	s31 =	sadd.s32 $0x1000, s19;
	_ =	swait.ge @!p2 [sflag:s13], $0x4000  }
0x62: {  	s30 =	simm.s32 @!p2 $0x80;
	s10 =	simm.s32 $0x7;
	[sflag:s13] =	ssyncset.done @!p2 $0x0  }
0x63: {  	s0 =	sadd.s32 $0x1000, s18;
	[sflag:s13] =	ssyncadd.s32 @!p2 $0xFFFFC000;
	s13 =	simm.s32 @!p1 $0x2  }
0x64: {  	[spmem:s1] =	stream.indirect.scatter.add.f32 @!p2 [tilespmem:s14], [sflag:$0x3], $0x80, s15, s30, $0xb8;
	[tilespmem:$0x1CC80] =	vst v63  }
0x65: {  	s30 =	simm.s32 $0x200;
	s14 =	simm.s32 @!p1 $0x80;
	_ =	swait.ge @!p1 [sflag:s13], $0x4000  }
0x66: {  	p2 =	sle.u32 s3, $0x4;
	s15 =	simm.s32 @!p1 $0x180;
	[sflag:s13] =	ssyncset.done @!p1 $0x0  }
.LBB2_4:
0x67: {  	s16 =	simm.s32 @!p2 $0x3;
	[sflag:s13] =	ssyncadd.s32 @!p1 $0xFFFFC000  }
0x68: {  	s13 =	smov.u32 s10;
	s10 =	sadd.s32 $0x2, s10;
	s17 =	smov.u32 s30  }
0x69: {  	[spmem:s1] =	stream.indirect.scatter.add.f32 @!p1 [tilespmem:s12], [sflag:$0x4], $0x80, s15, s14, $0xb8;
	[tilespmem:$0x1CC80] =	vst v63  }
0x6a: {  	p3 =	sne.s32 s10, $0x29;
	_ =	swait.ge @!p2 [sflag:s16], $0x4000  }
0x6b: {  	s14 =	simm.s32 @!p2 $0x1400;
	p1 =	sge.u32 s11, s3;
	[sflag:s16] =	ssyncset.done @!p2 $0x0  }
0x6c: {  	s11 =	simm.s32 @!p2 $0x0;
	s15 =	simm.s32 @!p1 $0x4;
	[sflag:s16] =	ssyncadd.s32 @!p2 $0xFFFFC000  }
0x6d: {  	[tilespmem:s14], [sflag:$0x1] =	stream.linear.gather @!p2 [hbm4b:s0+s11], $0x4000, $0x38;
	[tilespmem:$0x1CC80] =	vst v63  }
0x6e: {  	s11 =	smov.u32 s13;
	_ =	swait.ge @!p1 [sflag:s15], $0x4000  }
0x6f: {  	s12 =	simm.s32 @!p1 $0x5400;
	[sflag:s15] =	ssyncset.done @!p1 $0x0  }
0x70: {  	s13 =	simm.s32 @!p1 $0x0;
	[sflag:s15] =	ssyncadd.s32 @!p1 $0xFFFFC000;
	s15 =	simm.s32 @!p2 $0x1  }
0x71: {  	[tilespmem:s12], [sflag:$0x2] =	stream.linear.gather @!p1 [hbm4b:s31+s13], $0x4000, $0x38;
	[tilespmem:$0x1CC80] =	vst v63  }
0x72: {  	s0 =	sadd.s32 $0x1000, s0;
	s31 =	sadd.s32 $0x1000, s31;
	_ =	swait.ge @!p2 [sflag:s15], $0x4000  }
.Ltmp1:
0x73: {  	s30 =	sadd.s32 $0x100, s30;
	[sflag:s15] =	ssyncset.done @!p2 $0x0;
	(pc) =	sbr.rel @p3 .LBB2_4-.Ltmp1, $4  }
0x74: {  	s13 =	simm.s32 @!p1 $0x2;
	[sflag:s15] =	ssyncadd.s32 @!p2 $0xFFFFC000;
	s15 =	simm.s32 @!p2 $0x80  }
0x75: {  	[spmem:s1] =	stream.indirect.scatter.add.f32 @!p2 [tilespmem:s14], [sflag:$0x3], $0x80, s17, s15, $0xb8;
	[tilespmem:$0x1CC80] =	vst v63  }
0x76: {  	s15 =	sadd.s32 $0xFFFFFFFF, s11;
	s14 =	simm.s32 @!p1 $0x80;
	_ =	swait.ge @!p1 [sflag:s13], $0x4000  }
0x77: {  	p2 =	sge.u32 s15, s3;
	s15 =	sadd.s32 @!p1 $0x80, s17;
	[sflag:s13] =	ssyncset.done @!p1 $0x0  }
0x78: {  	[sflag:s13] =	ssyncadd.s32 @!p1 $0xFFFFC000;
	s10 =	simm.s32 @!p2 $0x3  }
0x79: {  	[spmem:s1] =	stream.indirect.scatter.add.f32 @!p1 [tilespmem:s12], [sflag:$0x4], $0x80, s15, s14, $0xb8;
	[tilespmem:$0x1CC80] =	vst v63  }
0x7a: {  	_ =	swait.ge @!p2 [sflag:s10], $0x4000  }
0x7b: {  	p1 =	sge.u32 s11, s3;
	[sflag:s10] =	ssyncset.done @!p2 $0x0  }
0x7c: {  	s11 =	simm.s32 @!p2 $0x1400;
	[sflag:s10] =	ssyncadd.s32 @!p2 $0xFFFFC000;
	s10 =	simm.s32 @!p2 $0x0  }
0x7d: {  	[tilespmem:s11], [sflag:$0x1] =	stream.linear.gather @!p2 [hbm4b:s0+s10], $0x4000, $0x38;
	[tilespmem:$0x1CC80] =	vst v63  }
0x7e: {  	s0 =	simm.s32 @!p1 $0x4  }
0x7f: {  	_ =	swait.ge @!p1 [sflag:s0], $0x4000  }
0x80: {  	[sflag:s0] =	ssyncset.done @!p1 $0x0  }
0x81: {  	s10 =	simm.s32 @!p1 $0x5400;
	[sflag:s0] =	ssyncadd.s32 @!p1 $0xFFFFC000;
	s0 =	simm.s32 @!p1 $0x0  }
0x82: {  	[tilespmem:s10], [sflag:$0x2] =	stream.linear.gather @!p1 [hbm4b:s31+s0], $0x4000, $0x38;
	[tilespmem:$0x1CC80] =	vst v63  }
0x83: {  	s0 =	simm.s32 @!p2 $0x1  }
0x84: {  	_ =	swait.ge @!p2 [sflag:s0], $0x4000  }
0x85: {  	[sflag:s0] =	ssyncset.done @!p2 $0x0  }
0x86: {  	[sflag:s0] =	ssyncadd.s32 @!p2 $0xFFFFC000;
	s0 =	simm.s32 @!p2 $0x80  }
0x87: {  	[spmem:s1] =	stream.indirect.scatter.add.f32 @!p2 [tilespmem:s11], [sflag:$0x3], $0x80, s30, s0, $0xb8;
	[tilespmem:$0x1CC80] =	vst v63  }
0x88: {  	s0 =	simm.s32 @!p1 $0x2  }
0x89: {  	_ =	swait.ge @!p1 [sflag:s0], $0x4000  }
0x8a: {  	[sflag:s0] =	ssyncset.done @!p1 $0x0  }
0x8b: {  	s11 =	sadd.s32 @!p1 $0x80, s30;
	[sflag:s0] =	ssyncadd.s32 @!p1 $0xFFFFC000;
	s0 =	simm.s32 @!p1 $0x80  }
0x8c: {  	[spmem:s1] =	stream.indirect.scatter.add.f32 @!p1 [tilespmem:s10], [sflag:$0x4], $0x80, s11, s0, $0xb8;
	[tilespmem:$0x1CC80] =	vst v63  }
0x8d: {  	_ =	swait.ge [sflag:s26], $0x4000  }
0x8e: {  	[sflag:s26] =	ssyncset.done $0x0  }
0x8f: {  	[sflag:s26] =	ssyncadd.s32 $0xFFFFC000  }
0x90: {  	_ =	swait.ge [sflag:s28], $0x4000  }
0x91: {  	[sflag:s28] =	ssyncset.done $0x0  }
0x92: {  	[sflag:s28] =	ssyncadd.s32 $0xFFFFC000  }
0x93: {  	[bflag:$0x0] =	sbarrier.arrive $0xFFFF  }
0x94: {  	[tilespmem:s20], [sflag:$0x5] =	stream.linear.gather [spmem:s5], $0x3E80, $0x38;
	[tilespmem:$0x1CC80] =	vst v63  }
0x95: {  	_ =	swait.ge [sflag:s21], $0x3E80  }
0x96: {  	[sflag:s21] =	ssyncset.done $0x0  }
0x97: {  	s14 =	rddreg [dreg:$0x3];
	[sflag:s21] =	ssyncadd.s32 $0xFFFFC180  }
0x98: {  	[hbm4b:s14+s2] =	stream.linear.scatter [tilespmem:s20], [sflag:$0x5], $0x3E80, $0x38;
	[tilespmem:$0x1CC80] =	vst v63  }
0x99: {  	_ =	swait.ge [sflag:s21], $0x3E80  }
0x9a: {  	[sflag:s21] =	ssyncset.done $0x0  }
0x9b: {  	[sflag:s21] =	ssyncadd.s32 $0xFFFFC180  }
0x9c: {  	[tilespmem:s20], [sflag:$0x5] =	stream.linear.gather [spmem:s6], $0x3E80, $0x38;
	[tilespmem:$0x1CC80] =	vst v63  }
0x9d: {  	_ =	swait.ge [sflag:s21], $0x3E80  }
0x9e: {  	[sflag:s21] =	ssyncset.done $0x0  }
0x9f: {  	s15 =	rddreg [dreg:$0x4];
	[sflag:s21] =	ssyncadd.s32 $0xFFFFC180  }
0xa0: {  	[hbm4b:s15+s2] =	stream.linear.scatter [tilespmem:s20], [sflag:$0x5], $0x3E80, $0x38;
	[tilespmem:$0x1CC80] =	vst v63  }
0xa1: {  	_ =	swait.ge [sflag:s21], $0x3E80  }
0xa2: {  	[sflag:s21] =	ssyncset.done $0x0  }
0xa3: {  	[sflag:s21] =	ssyncadd.s32 $0xFFFFC180  }
0xa4: {  	[tilespmem:s20], [sflag:$0x5] =	stream.linear.gather [spmem:s7], $0x3E80, $0x38;
	[tilespmem:$0x1CC80] =	vst v63  }
0xa5: {  	_ =	swait.ge [sflag:s21], $0x3E80  }
0xa6: {  	[sflag:s21] =	ssyncset.done $0x0  }
0xa7: {  	s16 =	rddreg [dreg:$0x5];
	[sflag:s21] =	ssyncadd.s32 $0xFFFFC180  }
0xa8: {  	[hbm4b:s16+s2] =	stream.linear.scatter [tilespmem:s20], [sflag:$0x5], $0x3E80, $0x38;
	[tilespmem:$0x1CC80] =	vst v63  }
0xa9: {  	_ =	swait.ge [sflag:s21], $0x3E80  }
0xaa: {  	[sflag:s21] =	ssyncset.done $0x0  }
0xab: {  	[sflag:s21] =	ssyncadd.s32 $0xFFFFC180  }
0xac: {  	[tilespmem:s20], [sflag:$0x5] =	stream.linear.gather [spmem:s8], $0x3E80, $0x38;
	[tilespmem:$0x1CC80] =	vst v63  }
0xad: {  	_ =	swait.ge [sflag:s21], $0x3E80  }
0xae: {  	[sflag:s21] =	ssyncset.done $0x0  }
0xaf: {  	s17 =	rddreg [dreg:$0x6];
	[sflag:s21] =	ssyncadd.s32 $0xFFFFC180  }
0xb0: {  	[hbm4b:s17+s2] =	stream.linear.scatter [tilespmem:s20], [sflag:$0x5], $0x3E80, $0x38;
	[tilespmem:$0x1CC80] =	vst v63  }
0xb1: {  	_ =	swait.ge [sflag:s21], $0x3E80  }
0xb2: {  	[sflag:s21] =	ssyncset.done $0x0  }
0xb3: {  	[sflag:s21] =	ssyncadd.s32 $0xFFFFC180  }
0xb4: {  	[tilespmem:s20], [sflag:$0x5] =	stream.linear.gather [spmem:s9], $0x3E80, $0x38;
	[tilespmem:$0x1CC80] =	vst v63  }
0xb5: {  	_ =	swait.ge [sflag:s21], $0x3E80  }
0xb6: {  	[sflag:s21] =	ssyncset.done $0x0  }
0xb7: {  	s30 =	rddreg [dreg:$0x7];
	[sflag:s21] =	ssyncadd.s32 $0xFFFFC180  }
0xb8: {  	[hbm4b:s30+s2] =	stream.linear.scatter [tilespmem:s20], [sflag:$0x5], $0x3E80, $0x38;
	[tilespmem:$0x1CC80] =	vst v63  }
0xb9: {  	_ =	swait.ge [sflag:s21], $0x3E80  }
0xba: {  	s29 =	sadd.s32 $0x1, s29;
	s31 =	rddreg [dreg:$0x8]  }
0xbb: {  	p1 =	sne.s32 s29, s31  }
.Ltmp2:
0xbc: {  	_ = 	snop;
	(pc) =	sbr.rel @p1 .LBB2_1-.Ltmp2, $3  }
0xbd: {  	_ =	sdelay $0x1  }
0xbe: {  	[sflag:s21] =	ssyncset.done $0x0  }
0xbf: {  	[sflag:s21] =	ssyncadd.s32 $0xFFFFC180  }
0xc0: {  	_ =	sfence.sel $0x180000  }
0xc1: {  	[bflag:$0x0] =	sbarrier.arrive $0xFFFF  }
0xc2: {  	_ =	strace $0x90000050  }
0xc3: {  	[bflag:$0x2] =	sbarrier.arrive $0xFFFF  }
0xc4: {  	s0 =	rddreg [dreg:$0x2]  }
0xc5: {  	s0 =	sadd.s32 @!p0 $0x100000, s0  }
0xc6: {  	[sflag:s0] =	ssyncadd.tile.s32 @!p0 $0x1;
	_ =	shalt  }
.Lfunc_end2:
_tile_overlayer_lowered:
.L_overlay_start_2:
0xc7: {  	(tag) =	ssettag $0x2  }
0xc8: {  	s0 =	rddreg [dreg:$0x0];
	s2 =	stileid.u32  }
0xc9: {  	s1 =	rddreg [dreg:$0x1];
	p0 =	sne.s32 s2, $0x0  }
0xca: {  	s3 =	rddreg [dreg:$0x2];
	[bflag:$0x3] =	sbarrier.arrive $0xFFFF;
	s2 =	simm.s32 @!p0 $0x1C05  }
0xcb: {  	[timem:s3], [sflag:s2] =	dma.local @!p0 [hbm:s0], s1  }
0xcc: {  	s0 =	simm.s32 @!p0 $0x5  }
0xcd: {  	_ =	swait.ge @!p0 [sflag:s0], s1  }
0xce: {  	s1 =	ssub.s32 @!p0 $0x0, s1;
	[sflag:s0] =	ssyncset.done @!p0 $0x0  }
0xcf: {  	[sflag:s0] =	ssyncadd.s32 @!p0 s1  }
0xd0: {  	[bflag:$0x3] =	sbarrier.arrive $0xFFFF  }
0xd1: {  	_ =	shalt  }

// kernel: kernel.16.cloned.1.call-start
scs
__scs_entry_jumppad:
0x0: {  	(pc) =	sbr.rel $0x88, $3  }
0x1: {  	(tag) =	ssettag $0x0;
	lr =	simm.s32 $0x1  }
0x2: {  	[smem:$0x3F94] =	sst lr;
	_ =	strace $0xD0000000  }
0x3: {  	_ = 	snop  }
0x4: {  	_ = 	snop  }
0x5: {  	_ = 	snop  }
0x6: {  	_ = 	snop  }
0x7: {  	_ = 	snop  }
__scs_overlays_trampoline_lowered:
0x8: {  	[smem:$0x3FA3] =	sst s0  }
0x9: {  	[smem:$0x3FA4] =	sst s1  }
0xa: {  	[smem:$0x3FA5] =	sst s2  }
0xb: {  	[smem:$0x3FA6] =	sst s3  }
0xc: {  	[smem:$0x3FA7] =	sst s4  }
0xd: {  	[smem:$0x3FA8] =	sst s5  }
0xe: {  	[smem:$0x3FA9] =	sst s6  }
0xf: {  	[smem:$0x3FAA] =	sst s7  }
0x10: {  	[smem:$0x3FAB] =	sst s8  }
0x11: {  	[smem:$0x3FAC] =	sst s9;
	s0 =	simm.s32 @!p0 $0x0  }
0x12: {  	s1 =	sld [smem:$0x3F92];
	s0 =	simm.s32 @p0 $0x1  }
0x13: {  	[smem:$0x3FAD] =	sst s0;
	s0 =	simm.s32 @!p1 $0x0  }
0x14: {  	s2 =	sld [smem:$0x3F91];
	s0 =	simm.s32 @p1 $0x1  }
0x15: {  	[smem:$0x3FAE] =	sst s0;
	s0 =	simm.s32 @!p2 $0x0  }
0x16: {  	s3 =	sld [smem:$0x3FDB];
	s0 =	simm.s32 @p2 $0x1  }
0x17: {  	s4 =	simm.s32 $0x1BF5;
	[smem:$0x3FB0] =	sst s0  }
0x18: {  	s0 =	sld [smem:$0x3F93];
	_ =	swait.ge [sflag:s4], $0x0  }
0x19: {  	s7 =	sld [smem:$0x3F94]  }
0x1a: {  	s8 =	sadd.s32 $0xFFFFE003, lr  }
0x1b: {  	s9 =	sadd.s32 $0xFFFFFEF7, lr;
	s5 =	simm.s32 $0xFFFFFFFF;
	p2 =	slt.u32 s8, $0xFFFFF086  }
0x1c: {  	p1 =	slt.u32 s9, $0xF7A;
	s5 =	simm.s32 @!p2 $0x0  }
0x1d: {  	s5 =	simm.s32 @p1 $0x1;
	p0 =	seq.s32 s7, s2  }
0x1e: {  	s7 =	smul.u32 @!p0 $0xF7A, s2;
	p2 =	seq.s32 @!p0 s5, $0x0  }
0x1f: {  	s9 =	smul.u32 $0xF7A, s1;
	s8 =	simm.s32 @!p0 $0x1BF5;
	p2 =	por !p2, p0  }
0x20: {  	[sflag:s8] =	ssyncset.s32 @!p0 $0xFFFFF086;
	s6 =	sadd.s32 @!p0 s3, s7;
	s7 =	simm.s32 @!p0 $0x108  }
0x21: {  	s3 =	sadd.s32 s3, s9;
	s6 =	sadd.s32 @!p0 $0x88, s6;
	s7 =	simm.s32 @p2 $0x1082  }
0x22: {  	[simem:s7], [sflag:s8] =	dma.local @!p0 [hbm:s6], $0xF7A  }
0x23: {  	s9 =	sor.u32 $0xD0000000, s2;
	s6 =	simm.s32 $0x108;
	_ =	swait.ge @!p0 [sflag:s8], $0x0  }
0x24: {  	s3 =	sadd.s32 $0x88, s3;
	s6 =	simm.s32 @!p1 $0x1082;
	[sflag:s4] =	ssyncset.s32 $0xFFFFF086  }
0x25: {  	[simem:s6], [sflag:s4] =	dma.local [hbm:s3], $0xF7A  }
0x26: {  	[smem:$0x3F94] =	sst s1;
	(tag) =	ssettag s2;
	_ =	strace s9  }
0x27: {  	s1 =	sld [smem:$0x3FA4]  }
0x28: {  	s2 =	sld [smem:$0x3FA5]  }
0x29: {  	s4 =	sld [smem:$0x3FA7]  }
0x2a: {  	p0 =	seq.s32 s5, $0x0;
	s5 =	sld [smem:$0x3FA8]  }
0x2b: {  	s6 =	sld [smem:$0x3FA9]  }
0x2c: {  	s7 =	sld [smem:$0x3FAA]  }
0x2d: {  	s3 =	simm.s32 $0x108;
	s8 =	sld [smem:$0x3FAB]  }
0x2e: {  	s3 =	simm.s32 @!p0 $0x1082;
	s9 =	sld [smem:$0x3FAC]  }
0x2f: {  	lr =	sadd.s32 s0, s3;
	s0 =	sld [smem:$0x3FA3]  }
0x30: {  	s3 =	sld [smem:$0x3FA6]  }
0x31: {  	[smem:$0x3FAF] =	sst s10  }
0x32: {  	s10 =	sld [smem:$0x3FAD];
	_ =	sdelay $0x3  }
0x33: {  	p0 =	seq.s32 s10, $0x1;
	s10 =	sld [smem:$0x3FAF];
	_ =	sdelay $0x3  }
0x34: {  	[smem:$0x3FAF] =	sst s10  }
0x35: {  	s10 =	sld [smem:$0x3FAE];
	_ =	sdelay $0x3  }
0x36: {  	p1 =	seq.s32 s10, $0x1;
	s10 =	sld [smem:$0x3FAF];
	_ =	sdelay $0x3  }
0x37: {  	[smem:$0x3FAF] =	sst s10  }
0x38: {  	s10 =	sld [smem:$0x3FB0]  }
0x39: {  	_ = 	snop;
	(pc) =	sbr.ind lr, $3  }
0x3a: {  	_ = 	snop  }
0x3b: {  	_ = 	snop  }
0x3c: {  	p2 =	seq.s32 s10, $0x1;
	s10 =	sld [smem:$0x3FAF]  }
0x3d: {  	_ =	shalt  }
0x3e: {  	_ =	shalt  }
0x3f: {  	_ =	shalt  }
0x40: {  	_ =	shalt  }
0x41: {  	_ =	shalt  }
0x42: {  	_ =	shalt  }
0x43: {  	_ =	shalt  }
0x44: {  	_ =	shalt  }
0x45: {  	_ =	shalt  }
0x46: {  	_ =	shalt  }
0x47: {  	_ =	shalt  }
0x48: {  	_ =	shalt  }
0x49: {  	_ =	shalt  }
0x4a: {  	_ =	shalt  }
0x4b: {  	_ =	shalt  }
0x4c: {  	_ =	shalt  }
0x4d: {  	_ =	shalt  }
0x4e: {  	_ =	shalt  }
0x4f: {  	_ =	shalt  }
0x50: {  	_ =	shalt  }
0x51: {  	_ =	shalt  }
0x52: {  	_ =	shalt  }
0x53: {  	_ =	shalt  }
0x54: {  	_ =	shalt  }
0x55: {  	_ =	shalt  }
0x56: {  	_ =	shalt  }
0x57: {  	_ =	shalt  }
0x58: {  	_ =	shalt  }
0x59: {  	_ =	shalt  }
0x5a: {  	_ =	shalt  }
0x5b: {  	_ =	shalt  }
0x5c: {  	_ =	shalt  }
0x5d: {  	_ =	shalt  }
0x5e: {  	_ =	shalt  }
0x5f: {  	_ =	shalt  }
0x60: {  	_ =	shalt  }
0x61: {  	_ =	shalt  }
0x62: {  	_ =	shalt  }
0x63: {  	_ =	shalt  }
0x64: {  	_ =	shalt  }
0x65: {  	_ =	shalt  }
0x66: {  	_ =	shalt  }
0x67: {  	_ =	shalt  }
0x68: {  	_ =	shalt  }
0x69: {  	_ =	shalt  }
0x6a: {  	_ =	shalt  }
0x6b: {  	_ =	shalt  }
0x6c: {  	_ =	shalt  }
0x6d: {  	_ =	shalt  }
0x6e: {  	_ =	shalt  }
0x6f: {  	_ =	shalt  }
0x70: {  	_ =	shalt  }
0x71: {  	_ =	shalt  }
0x72: {  	_ =	shalt  }
0x73: {  	_ =	shalt  }
0x74: {  	_ =	shalt  }
0x75: {  	_ =	shalt  }
0x76: {  	_ =	shalt  }
0x77: {  	_ =	shalt  }
0x78: {  	_ =	shalt  }
0x79: {  	_ =	shalt  }
0x7a: {  	_ =	shalt  }
0x7b: {  	_ =	shalt  }
0x7c: {  	_ =	shalt  }
0x7d: {  	_ =	shalt  }
0x7e: {  	_ =	shalt  }
0x7f: {  	_ =	shalt  }
0x80: {  	_ =	shalt  }
0x81: {  	_ =	shalt  }
0x82: {  	_ =	shalt  }
0x83: {  	_ =	shalt  }
0x84: {  	_ =	shalt  }
0x85: {  	_ =	shalt  }
0x86: {  	_ =	shalt  }
0x87: {  	_ =	shalt  }
.Lfunc_end0:
.L_simem_size_0:
called_computation.2_lowered:
.L_overlay_start_0:
0x88: {  	s2 =	sld [smem:$0x3FD9]  }
0x89: {  	s3 =	sld [smem:$0x3FFE];
	_ =	sdelay $0x1  }
0x8a: {  	s1 =	srdreg.scid  }
0x8b: {  	s0 =	sand.u32 $0x1, s1  }
0x8c: {  	s16 =	sshll.u32 s0, $0xA;
	s2 =	sadd.s32 s3, s2  }
0x8d: {  	s2 =	sadd.s32 s2, s16  }
0x8e: {  	[smem:$0x3FBB] =	sst s2  }
0x8f: {  	_ = 	snop  }
0x90: {  	(tm) =	ssettm $0x1  }
0x91: {  	s17 =	sld [smem:$0x3FFB];
	_ =	sdelay $0x3  }
0x92: {  	_ =	strace s17  }
0x93: {  	s2 =	sld [smem:$0x3FFC];
	_ =	sdelay $0x3  }
0x94: {  	_ =	strace s2  }
0x95: {  	s2 =	sld [smem:$0x3FFD];
	_ =	sdelay $0x3  }
0x96: {  	_ =	strace s2  }
0x97: {  	_ =	strace $0x8FFFFFFF  }
0x98: {  	s18 =	sld [smem:$0x3FDB];
	_ =	sdelay $0x1  }
0x99: {  	s19 =	simm.s32 $_scs_section_size  }
0x9a: {  	s4 =	simm.s32 $_size__tile_overlayer_lowered;
	s5 =	simm.s32 $_tile_overlayer_lowered  }
0x9b: {  	s22 =	simm.s32 $0x1BFF;
	s21 =	sshll.u32 s5, $0x1;
	s2 =	sadd.s32 s19, s18  }
0x9c: {  	s6 =	simm.s32 $0x0;
	s20 =	sshll.u32 s4, $0x1;
	s4 =	sadd.s32 s21, s2  }
0x9d: {  	[timem:s6], [sflag:s22] =	dma.local [hbm:s4], s20  }
0x9e: {  	_ =	swait.ge [sflag:s22], s20  }
0x9f: {  	s3 =	ssub.s32 $0x0, s20;
	[sflag:s22] =	ssyncset.done $0x0  }
0xa0: {  	[sflag:s22] =	ssyncadd.s32 s3;
	_ =	sdelay $0x1  }
0xa1: {  	s23 =	simm.s32 $0x1B8B  }
0xa2: {  	_ =	swait.ge [sflag:s23], $0x1  }
0xa3: {  	[sflag:s23] =	ssyncset.done $0x0  }
0xa4: {  	s25 =	simm.s32 $0x1B8E;
	s24 =	sld [smem:$0x3FFE];
	[sflag:s23] =	ssyncadd.s32 $0xFFFFFFFF  }
0xa5: {  	s26 =	simm.s32 $execute0_lowered;
	[smem:$0x3FD2] =	sst s25  }
0xa6: {  	s4 =	sshll.u32 s26, $0x1;
	_ =	strace $0x80000046;
	[dreg:$0x1] =	wrdreg $0xFFFFFFFF  }
0xa7: {  	s28 =	simm.s32 $_size_execute0_lowered;
	s2 =	sadd.s32 s2, s4;
	[dreg:$0x0] =	wrdreg $0x0  }
0xa8: {  	s4 =	sshll.u32 s28, $0x1;
	[dreg:$0x2] =	wrdreg s2  }
0xa9: {  	[dreg:$0x3] =	wrdreg s4  }
0xaa: {  	[dreg:$0x4] =	wrdreg $0xC0  }
0xab: {  	_ =	task [dreg:s6], $0x5FFFF  }
0xac: {  	[dreg:$0x1] =	wrdreg $0xFFFFFFFF  }
0xad: {  	[dreg:$0x0] =	wrdreg $0x60  }
0xae: {  	[dreg:$0x2] =	wrdreg s24  }
0xaf: {  	[dreg:$0x3] =	wrdreg $0xA  }
0xb0: {  	_ =	task.clear_ibuf [dreg:s6], $0x4FFFF;
	_ =	strace $0x90000046  }
0xb1: {  	s29 =	simm.s32 $0xA;
	_ =	strace $0x80000048  }
0xb2: {  	_ =	swait.ge [sflag:s29], $0x1  }
0xb3: {  	[sflag:s29] =	ssyncadd.s32 $0xFFFFFFFF  }
0xb4: {  	_ =	strace $0x90000048  }
0xb5: {  	_ =	sfence  }
0xb6: {  	s30 =	sld [smem:$0x0];
	_ =	sdelay $0x2  }
0xb7: {  	s31 =	sshll.u32 s1, $0xD;
	s1 =	sshrl.u32 s1, $0x2  }
0xb8: {  	s3 =	sand.u32 $0x4000, s31;
	s1 =	sadd.s32 s1, s30  }
0xb9: {  	s0 =	sor.u32 s3, s0;
	s1 =	sshll.u32 s1, $0x11  }
0xba: {  	s0 =	sor.u32 s1, s0  }
0xbb: {  	s0 =	sadd.s32 $0x8F2B, s0  }
0xbc: {  	[sflag:s0] =	ssyncadd.remote.s32 $0x1  }
0xbd: {  	_ =	sfence.sel $0xFFFF  }
0xbe: {  	[dreg:$0x0] =	wrdreg $0xFFFFFFFF;
	(pc) =	sbr.abs _section_cstart, $3  }
0xbf: {  	[dreg:$0x1] =	wrdreg $0xFFFFFFFF  }
0xc0: {  	_ =	task.clear_ibuf [dreg:s6], $0x2FFFF;
	_ =	strace $0x9FFFFFFF  }
0xc1: {  	(tm) =	ssettm $0x7FFFFFFF  }
tec
execute0_lowered:
.L_overlay_start_1:
0x0: {  	(tag) =	ssettag $0x1  }
0x1: {  	s0 =	srdreg.scid;
	s5 =	stileid.u32  }
0x2: {  	s6 =	rddreg [dreg:$0x0];
	s20 =	simm.s32 $0x1;
	s21 =	simm.s32 $0x2  }
0x3: {  	s23 =	simm.s32 $0x3;
	s24 =	simm.s32 $0x4;
	s0 =	sand.u32 $0x1, s0  }
0x4: {  	s1 =	sshll.u32 s5, $0x1;
	s4 =	sadd.s32 $0x50A00, s6;
	s30 =	sadd.s32 $0x2600, s6  }
0x5: {  	p0 =	seq.s32 s5, $0x0;
	s2 =	sor.u32 s0, s1;
	s1 =	simm.s32 $0x0  }
0x6: {  	s0 =	ssub.s32 $0x2, s0;
	s3 =	smul.u32 $0x27, s2;
	[smem:$0x7FF] =	sst s1  }
0x7: {  	s2 =	smin.u32 s2, $0x2;
	s9 =	sshrl.u32 s0, $0x1;
	_ =	strace $0x80000047  }
0x8: {  	[dreg:$0x2] =	wrdreg s30;
	s0 =	ssub.s32 s0, s9;
	s2 =	sadd.s32 s2, s3  }
.Ltmp0:
0x9: {  	s0 =	smax.u32 s0, $0x1;
	s7 =	sshll.u32 s2, $0x4;
	(pc) =	sbr.rel .LBB2_1-.Ltmp0, $4  }
0xa: {  	s3 =	sadd.s32 $0x2800, s6;
	[dreg:$0x5] =	wrdreg s0;
	s8 =	sadd.s32 s7, s6  }
0xb: {  	s6 =	sadd.s32 $0x7CA00, s6;
	s7 =	simm.s32 $0x28;
	s31 =	sadd.s32 $0x2E800, s8  }
0xc: {  	s7 =	simm.s32 @!p0 $0x27;
	s8 =	sadd.s32 $0x33800, s8;
	[dreg:$0x3] =	wrdreg s31  }
0xd: {  	p0 =	sne.s32 s5, $0x0;
	[dreg:$0x4] =	wrdreg s8;
	s8 =	simm.s32 $0x0  }
.LBB2_11:
0xe: {  	s0 =	simm.s32 $0x5  }
0xf: {  	_ =	swait.ge [sflag:s0], $0x4000  }
0x10: {  	[sflag:s0] =	ssyncset.done $0x0  }
0x11: {  	s5 =	simm.s32 $0x6;
	[sflag:s0] =	ssyncadd.s32 $0xFFFFC000  }
0x12: {  	_ =	swait.ge [sflag:s5], $0x4000  }
0x13: {  	s8 =	rddreg [dreg:$0x6]  }
0x14: {  	s31 =	rddreg [dreg:$0x5];
	s8 =	sadd.s32 $0x1, s8  }
0x15: {  	p1 =	sne.s32 s8, s31  }
.Ltmp1:
0x16: {  	_ = 	snop;
	(pc) =	sbr.rel @!p1 .LBB2_12-.Ltmp1, $3  }
0x17: {  	_ =	sdelay $0x1  }
0x18: {  	[sflag:s5] =	ssyncset.done $0x0  }
0x19: {  	[sflag:s5] =	ssyncadd.s32 $0xFFFFC000  }
.LBB2_1:
0x1a: {  	[dreg:$0x6] =	wrdreg s8  }
0x1b: {  	s0 =	rddreg [dreg:$0x2];
	s5 =	simm.s32 $0x1C800;
	s18 =	simm.s32 $0x7  }
0x1c: {  	[tilespmem:s5], [sflag:$0x7] =	stream.linear.gather [hbm4b:s0+s1], $0x80, $0x38;
	[tilespmem:$0x1C880] =	vst v63  }
0x1d: {  	_ =	swait.ge [sflag:s18], $0x80  }
0x1e: {  	s0 =	simm.s32 @p0 $0x0;
	[sflag:s18] =	ssyncset.done $0x0  }
0x1f: {  	s5 =	simm.s32 @p0 $0x7;
	s9 =	rddreg [dreg:$0x3];
	[sflag:s18] =	ssyncadd.s32 $0xFFFFFF80  }
0x20: {  	[tilespmem:s0], [sflag:$0x7] =	stream.linear.gather @p0 [hbm4b:s9+s0], $0x1380, $0x38;
	[tilespmem:$0x1C880] =	vst v63  }
0x21: {  	_ =	swait.ge @p0 [sflag:s5], $0x1380  }
0x22: {  	[sflag:s5] =	ssyncset.done @p0 $0x0  }
0x23: {  	s8 =	simm.s32 @p0 $0x1400;
	s10 =	rddreg [dreg:$0x4];
	[sflag:s5] =	ssyncadd.s32 @p0 $0xFFFFEC80  }
0x24: {  	[tilespmem:s8], [sflag:$0x7] =	stream.linear.gather @p0 [hbm4b:s10+s0], $0x1380, $0x38;
	[tilespmem:$0x1C880] =	vst v63  }
0x25: {  	_ =	swait.ge @p0 [sflag:s5], $0x1380  }
0x26: {  	[sflag:s5] =	ssyncset.done @p0 $0x0  }
0x27: {  	s0 =	simm.s32 @!p0 $0x0;
	[sflag:s5] =	ssyncadd.s32 @p0 $0xFFFFEC80;
	s5 =	simm.s32 @!p0 $0x7  }
0x28: {  	[tilespmem:s0], [sflag:$0x7] =	stream.linear.gather @!p0 [hbm4b:s9+s0], $0x1400, $0x38;
	[tilespmem:$0x1C880] =	vst v63  }
0x29: {  	_ =	swait.ge @!p0 [sflag:s5], $0x1400  }
0x2a: {  	[sflag:s5] =	ssyncset.done @!p0 $0x0  }
0x2b: {  	s8 =	simm.s32 @!p0 $0x1400;
	[sflag:s5] =	ssyncadd.s32 @!p0 $0xFFFFEC00  }
0x2c: {  	[tilespmem:s8], [sflag:$0x7] =	stream.linear.gather @!p0 [hbm4b:s10+s0], $0x1400, $0x38;
	[tilespmem:$0x1C880] =	vst v63  }
0x2d: {  	_ =	swait.ge @!p0 [sflag:s5], $0x1400  }
0x2e: {  	[sflag:s5] =	ssyncset.done @!p0 $0x0  }
0x2f: {  	s19 =	simm.s32 $0x80;
	s22 =	simm.s32 $0x2800;
	[sflag:s5] =	ssyncadd.s32 @!p0 $0xFFFFEC00  }
0x30: {  	[tilespmem:s22], [sflag:$0x1] =	stream.indirect.gather [hbm4b:s3+s19], $0x90, s1, s19, $0xb8;
	[tilespmem:$0x1C880] =	vst v63  }
0x31: {  	s25 =	simm.s32 $0x1400;
	s26 =	simm.s32 $0x7000  }
0x32: {  	[tilespmem:s26], [sflag:$0x2] =	stream.indirect.gather [hbm4b:s4+s19], $0x90, s25, s19, $0xb8;
	[tilespmem:$0x1C880] =	vst v63  }
.Ltmp2:
0x33: {  	_ = 	snop;
	(pc) =	sbr.rel .LBB2_2-.Ltmp2, $4  }
0x34: {  	s28 =	simm.s32 $0xB800  }
0x35: {  	[tilespmem:s28], [sflag:$0x3] =	stream.indirect.gather [hbm4b:s3+s19], $0x90, s19, s19, $0xb8;
	[tilespmem:$0x1C880] =	vst v63  }
0x36: {  	s29 =	simm.s32 $0x1480;
	s31 =	simm.s32 $0x10000;
	s30 =	simm.s32 $0x0  }
0x37: {  	[tilespmem:s31], [sflag:$0x4] =	stream.indirect.gather [hbm4b:s4+s19], $0x90, s29, s19, $0xb8;
	[tilespmem:$0x1C880] =	vst v63  }
.LBB2_10:
0x38: {  	s0 =	sadd.s32 $0x3, s31  }
0x39: {  	p1 =	sge.u32 s0, s7  }
0x3a: {  	s0 =	sshll.u32 @!p1 s0, $0x7;
	s5 =	simm.s32 @!p1 $0x80;
	s8 =	simm.s32 @!p1 $0xB800  }
0x3b: {  	[tilespmem:s8], [sflag:$0x3] =	stream.indirect.gather @!p1 [hbm4b:s3+s5], $0x90, s0, s5, $0xb8;
	[tilespmem:$0x1C880] =	vst v63  }
0x3c: {  	s30 =	sadd.s32 $0x1, s30;
	s0 =	sadd.s32 @!p1 $0x1400, s0;
	s8 =	simm.s32 @!p1 $0x10000  }
0x3d: {  	[tilespmem:s8], [sflag:$0x4] =	stream.indirect.gather @!p1 [hbm4b:s4+s5], $0x90, s0, s5, $0xb8;
	[tilespmem:$0x1C880] =	vst v63  }
0x3e: {  	p1 =	sne.s32 s30, $0x14  }
.Ltmp3:
0x3f: {  	_ = 	snop;
	(pc) =	sbr.rel @!p1 .LBB2_11-.Ltmp3, $1  }
0x40: {  	_ =	sdelay $0x3  }
.LBB2_2:
0x41: {  	s31 =	sshll.u32 s30, $0x1  }
0x42: {  	p1 =	sge.u32 s31, s7  }
.Ltmp4:
0x43: {  	_ = 	snop;
	(pc) =	sbr.rel @p1 .LBB2_6-.Ltmp4, $1  }
0x44: {  	_ =	sdelay $0x3  }
0x45: {  	_ =	swait.ge [sflag:s20], $0x4800  }
0x46: {  	[sflag:s20] =	ssyncset.done $0x0  }
0x47: {  	[sflag:s20] =	ssyncadd.s32 $0xFFFFB800  }
0x48: {  	_ =	swait.ge [sflag:s21], $0x4800  }
0x49: {  	p1 =	seq.s32 s30, $0x0;
	[sflag:s21] =	ssyncset.done $0x0  }
0x4a: {  	s0 =	simm.s32 @!p1 $0x5;
	[sflag:s21] =	ssyncadd.s32 $0xFFFFB800  }
0x4b: {  	_ =	swait.ge @!p1 [sflag:s0], $0x4000  }
0x4c: {  	[sflag:s0] =	ssyncset.done @!p1 $0x0  }
0x4d: {  	s14 =	simm.s32 $0x2890;
	[sflag:s0] =	ssyncadd.s32 @!p1 $0xFFFFC000  }
0x4e: {  	s11 =	simm.s32 $0x7090;
	v0 =	vld [tilespmem:s14+$0x80]  }
0x4f: {  	v1 =	vld [tilespmem:s11+$0x80]  }
0x50: {  	v2 =	vld [tilespmem:s11+$0xFFFFFFF0]  }
0x51: {  	v3 =	vld [tilespmem:s14+$0xFFFFFFF0];
	_ =	sdelay $0x2  }
0x52: {  	v0 =	vsub.f32 v0, v1;
	_ =	sdelay $0x1  }
0x53: {  	v1 =	vsub.f32 v3, v2;
	v0 =	vmul.f32 v0, v0;
	_ =	sdelay $0x1  }
0x54: {  	v1 =	vmul.f32 v1, v1;
	(v2sf) =	vpush v0, $0x0  }
0x55: {  	(v2sf) =	vpush v0, $0x1  }
0x56: {  	(v2sf) =	vpush v1, $0x0  }
0x57: {  	(v2sf) =	vpush v0, $0x2;
	_ =	sdelay $0xa  }
0x58: {  	v2 =	vld [tilespmem:s14+$0x0]  }
0x59: {  	v3 =	vld [tilespmem:s11+$0x0];
	s17 =	spop (v2sf)  }
0x5a: {  	v0 =	vld [tilespmem:$0x1C800];
	s5 =	spop (v2sf)  }
0x5b: {  	s0 =	sadd.f32 s5, s17;
	s18 =	spop (v2sf)  }
0x5c: {  	s8 =	spop (v2sf)  }
0x5d: {  	s8 =	sadd.f32 s0, s8;
	_ =	sdelay $0x1  }
0x5e: {  	v2 =	vadd.f32 v3, v2;
	v3 =	vmul.f32 s8, v0;
	_ =	sdelay $0x1  }
0x5f: {  	v2 =	vadd.f32 v3, v2  }
0x60: {  	s0 =	simm.s32 $0x14880  }
0x61: {  	[tilespmem:s0+$0x0] =	vst v2  }
0x62: {  	v2 =	vld [tilespmem:s14+$0x10]  }
0x63: {  	v3 =	vld [tilespmem:s11+$0x10]  }
0x64: {  	v4 =	vld [tilespmem:$0x1C810];
	_ =	sdelay $0x2  }
0x65: {  	(v2sf) =	vpush v1, $0x1;
	_ =	sdelay $0x1  }
0x66: {  	(v2sf) =	vpush v1, $0x2;
	v1 =	vadd.f32 v3, v2;
	v2 =	vmul.f32 s8, v4;
	_ =	sdelay $0x1  }
0x67: {  	v1 =	vadd.f32 v2, v1  }
0x68: {  	s15 =	simm.s32 $0x29B0  }
0x69: {  	v5 =	vld [tilespmem:s15+$0x80];
	[tilespmem:s0+$0x10] =	vst v1  }
0x6a: {  	v1 =	vld [tilespmem:s14+$0x20]  }
0x6b: {  	v3 =	vld [tilespmem:s11+$0x20]  }
0x6c: {  	s16 =	simm.s32 $0x71B0;
	v4 =	vld [tilespmem:$0x1C820]  }
0x6d: {  	v6 =	vld [tilespmem:s16+$0x80]  }
0x6e: {  	v7 =	vld [tilespmem:s16+$0xFFFFFFF0]  }
0x6f: {  	v8 =	vld [tilespmem:s15+$0xFFFFFFF0]  }
0x70: {  	v9 =	vld [tilespmem:s11+$0xFFFFFF70]  }
0x71: {  	v2 =	vld [tilespmem:s14+$0xFFFFFF70];
	v1 =	vadd.f32 v3, v1;
	v3 =	vmul.f32 s8, v4  }
0x72: {  	s9 =	spop (v2sf)  }
0x73: {  	s5 =	sadd.f32 s9, s18;
	v4 =	vsub.f32 v5, v6;
	v1 =	vadd.f32 v3, v1  }
0x74: {  	s19 =	spop (v2sf)  }
0x75: {  	s17 =	sadd.f32 s5, s19;
	v3 =	vsub.f32 v8, v7;
	v4 =	vmul.f32 v4, v4;
	[tilespmem:s0+$0x20] =	vst v1  }
0x76: {  	v1 =	vadd.f32 v9, v2;
	v2 =	vld [tilespmem:s14+$0x30]  }
0x77: {  	v0 =	vmul.f32 s17, v0;
	v3 =	vmul.f32 v3, v3;
	(v2sf) =	vpush v4, $0x0;
	v5 =	vld [tilespmem:s11+$0x30]  }
0x78: {  	(v2sf) =	vpush v4, $0x1;
	v6 =	vld [tilespmem:$0x1C830]  }
0x79: {  	v0 =	vadd.f32 v0, v1;
	(v2sf) =	vpush v3, $0x0  }
0x7a: {  	(v2sf) =	vpush v4, $0x2  }
0x7b: {  	[tilespmem:s0+$0xFFFFFF80] =	vst v0  }
0x7c: {  	v0 =	vld [tilespmem:s14+$0xFFFFFF80]  }
0x7d: {  	v1 =	vld [tilespmem:s11+$0xFFFFFF80];
	v2 =	vadd.f32 v5, v2;
	v4 =	vmul.f32 s8, v6  }
0x7e: {  	v5 =	vld [tilespmem:$0x1C810]  }
0x7f: {  	v2 =	vadd.f32 v4, v2;
	_ =	sdelay $0x1  }
0x80: {  	(v2sf) =	vpush v3, $0x1;
	[tilespmem:s0+$0x30] =	vst v2  }
0x81: {  	v2 =	vld [tilespmem:s14+$0x40]  }
0x82: {  	(v2sf) =	vpush v3, $0x2;
	v0 =	vadd.f32 v1, v0;
	v1 =	vmul.f32 s17, v5;
	v3 =	vld [tilespmem:s11+$0x40]  }
0x83: {  	v4 =	vld [tilespmem:$0x1C840]  }
0x84: {  	v5 =	vld [tilespmem:s15+$0x0];
	v0 =	vadd.f32 v1, v0  }
0x85: {  	v1 =	vld [tilespmem:$0x1C800];
	s22 =	spop (v2sf)  }
0x86: {  	[tilespmem:s0+$0xFFFFFF90] =	vst v0;
	v0 =	vld [tilespmem:s16+$0x0];
	s25 =	spop (v2sf)  }
0x87: {  	v6 =	vld [tilespmem:s14+$0xFFFFFF90];
	s5 =	sadd.f32 s25, s22;
	s26 =	spop (v2sf)  }
0x88: {  	v7 =	vld [tilespmem:s11+$0xFFFFFF90];
	v2 =	vadd.f32 v3, v2;
	v3 =	vmul.f32 s8, v4;
	s10 =	spop (v2sf)  }
0x89: {  	v4 =	vld [tilespmem:$0x1C820];
	s18 =	sadd.f32 s5, s10  }
0x8a: {  	v2 =	vadd.f32 v3, v2  }
0x8b: {  	v8 =	vld [tilespmem:s16+$0xFFFFFF70];
	v0 =	vadd.f32 v0, v5;
	v5 =	vmul.f32 s18, v1  }
0x8c: {  	v3 =	vld [tilespmem:s15+$0xFFFFFF70];
	[tilespmem:s0+$0x40] =	vst v2  }
0x8d: {  	v2 =	vld [tilespmem:s14+$0x50];
	v0 =	vadd.f32 v5, v0  }
0x8e: {  	s19 =	simm.s32 $0x14980;
	v4 =	vmul.f32 s17, v4;
	v5 =	vadd.f32 v7, v6;
	v6 =	vld [tilespmem:s11+$0x50]  }
0x8f: {  	s12 =	spop (v2sf);
	[tilespmem:s19+$0x0] =	vst v0;
	v0 =	vld [tilespmem:$0x1C850]  }
0x90: {  	s5 =	sadd.f32 s12, s26;
	v4 =	vadd.f32 v4, v5;
	v5 =	vld [tilespmem:s15+$0x10]  }
0x91: {  	s13 =	spop (v2sf);
	v7 =	vld [tilespmem:s16+$0x10]  }
0x92: {  	s10 =	simm.s32 $0x2AD0;
	s5 =	sadd.f32 s5, s13;
	[tilespmem:s0+$0xFFFFFFA0] =	vst v4;
	v4 =	vld [tilespmem:$0x1C810]  }
0x93: {  	v11 =	vld [tilespmem:s10+$0x80];
	s26 =	simm.s32 $0x72D0  }
0x94: {  	v12 =	vld [tilespmem:s26+$0xFFFFFFF0];
	v3 =	vadd.f32 v8, v3;
	v1 =	vmul.f32 s5, v1  }
0x95: {  	v48 =	vld [tilespmem:s26+$0xFFFFFF70];
	v2 =	vadd.f32 v6, v2;
	v0 =	vmul.f32 s8, v0  }
0x96: {  	v1 =	vadd.f32 v1, v3;
	v8 =	vld [tilespmem:s14+$0xFFFFFFA0]  }
0x97: {  	v3 =	vld [tilespmem:s11+$0xFFFFFFA0];
	v5 =	vadd.f32 v7, v5;
	v0 =	vadd.f32 v0, v2;
	v4 =	vmul.f32 s18, v4  }
0x98: {  	v6 =	vld [tilespmem:$0x1C830];
	[tilespmem:s19+$0xFFFFFF80] =	vst v1  }
0x99: {  	v1 =	vld [tilespmem:s15+$0xFFFFFF80];
	[tilespmem:s0+$0x50] =	vst v0;
	v0 =	vadd.f32 v4, v5  }
0x9a: {  	v7 =	vld [tilespmem:$0x1C810]  }
0x9b: {  	v4 =	vld [tilespmem:s14+$0x60];
	[tilespmem:s19+$0x10] =	vst v0  }
0x9c: {  	v45 =	vld [tilespmem:s15+$0x20]  }
0x9d: {  	v10 =	vld [tilespmem:s16+$0x20]  }
0x9e: {  	v3 =	vadd.f32 v3, v8;
	v6 =	vmul.f32 s17, v6;
	v8 =	vld [tilespmem:$0x1C820]  }
0x9f: {  	v5 =	vld [tilespmem:s11+$0x60]  }
0xa0: {  	v3 =	vadd.f32 v6, v3;
	v6 =	vld [tilespmem:s26+$0x80]  }
0xa1: {  	v0 =	vld [tilespmem:$0x1C860]  }
0xa2: {  	[tilespmem:s0+$0xFFFFFFB0] =	vst v3;
	v3 =	vld [tilespmem:s10+$0xFFFFFFF0]  }
0xa3: {  	v2 =	vld [tilespmem:s16+$0xFFFFFF80];
	v9 =	vadd.f32 v10, v45;
	v8 =	vmul.f32 s18, v8  }
0xa4: {  	v13 =	vld [tilespmem:s14+$0xFFFFFFB0]  }
0xa5: {  	v46 =	vld [tilespmem:s11+$0xFFFFFFB0];
	v6 =	vsub.f32 v11, v6;
	v8 =	vadd.f32 v8, v9  }
0xa6: {  	v47 =	vld [tilespmem:$0x1C840];
	v4 =	vadd.f32 v5, v4;
	v0 =	vmul.f32 s8, v0  }
0xa7: {  	v5 =	vld [tilespmem:s10+$0xFFFFFF70];
	v3 =	vsub.f32 v3, v12;
	v6 =	vmul.f32 v6, v6;
	[tilespmem:s19+$0x20] =	vst v8  }
0xa8: {  	v1 =	vadd.f32 v2, v1;
	v0 =	vadd.f32 v0, v4;
	v4 =	vmul.f32 s5, v7;
	v2 =	vld [tilespmem:s15+$0x30]  }
0xa9: {  	v3 =	vmul.f32 v3, v3;
	(v2sf) =	vpush v6, $0x0;
	v7 =	vld [tilespmem:s16+$0x30]  }
0xaa: {  	[tilespmem:s0+$0x60] =	vst v0;
	(v2sf) =	vpush v6, $0x1;
	v1 =	vadd.f32 v4, v1;
	v0 =	vld [tilespmem:$0x1C830]  }
0xab: {  	v49 =	vmul.f32 s17, v47;
	v4 =	vld [tilespmem:s14+$0x70];
	(v2sf) =	vpush v3, $0x0;
	v8 =	vadd.f32 v46, v13  }
0xac: {  	v50 =	vld [tilespmem:s11+$0x70];
	(v2sf) =	vpush v6, $0x2;
	[tilespmem:s19+$0xFFFFFF90] =	vst v1  }
0xad: {  	(v2sf) =	vpush v3, $0x1;
	v6 =	vadd.f32 v49, v8;
	v8 =	vld [tilespmem:s15+$0xFFFFFF90]  }
0xae: {  	v51 =	vld [tilespmem:s16+$0xFFFFFF90]  }
0xaf: {  	(v2sf) =	vpush v3, $0x2;
	v3 =	vld [tilespmem:$0x1C820];
	v2 =	vadd.f32 v7, v2;
	v0 =	vmul.f32 s18, v0  }
0xb0: {  	v1 =	vld [tilespmem:$0x1C870];
	[tilespmem:s0+$0xFFFFFFC0] =	vst v6  }
0xb1: {  	v6 =	vld [tilespmem:s14+$0xFFFFFFC0];
	v0 =	vadd.f32 v0, v2  }
0xb2: {  	v7 =	vld [tilespmem:$0x1C850]  }
0xb3: {  	v2 =	vld [tilespmem:s11+$0xFFFFFFC0];
	[tilespmem:s19+$0x30] =	vst v0  }
0xb4: {  	v8 =	vadd.f32 v51, v8;
	v3 =	vmul.f32 s5, v3;
	v0 =	vld [tilespmem:s15+$0x40]  }
0xb5: {  	v52 =	vld [tilespmem:s16+$0x40]  }
0xb6: {  	v3 =	vadd.f32 v3, v8;
	v53 =	vld [tilespmem:$0x1C840]  }
0xb7: {  	v8 =	vld [tilespmem:$0x1C800]  }
0xb8: {  	[tilespmem:s19+$0xFFFFFFA0] =	vst v3;
	v3 =	vld [tilespmem:s26+$0x0];
	v2 =	vadd.f32 v2, v6;
	v6 =	vmul.f32 s17, v7;
	s22 =	spop (v2sf)  }
0xb9: {  	v7 =	vld [tilespmem:s10+$0x0];
	s12 =	spop (v2sf)  }
0xba: {  	v54 =	vld [tilespmem:s16+$0xFFFFFFA0];
	v2 =	vadd.f32 v6, v2;
	s9 =	sadd.f32 s12, s22;
	s25 =	spop (v2sf)  }
0xbb: {  	v6 =	vld [tilespmem:s15+$0xFFFFFFA0];
	s13 =	spop (v2sf);
	v0 =	vadd.f32 v52, v0;
	v55 =	vmul.f32 s18, v53  }
0xbc: {  	[tilespmem:s0+$0xFFFFFFD0] =	vst v2;
	s13 =	sadd.f32 s9, s13;
	s22 =	spop (v2sf);
	v2 =	vld [tilespmem:$0x1C830]  }
0xbd: {  	s9 =	sadd.f32 s22, s25;
	v0 =	vadd.f32 v55, v0;
	v56 =	vld [tilespmem:s14+$0xFFFFFFD0]  }
0xbe: {  	s25 =	spop (v2sf);
	v3 =	vadd.f32 v3, v7;
	v57 =	vld [tilespmem:s11+$0xFFFFFFD0];
	v7 =	vmul.f32 s13, v8  }
0xbf: {  	s28 =	sadd.f32 s9, s25;
	[tilespmem:s19+$0x40] =	vst v0;
	v0 =	vld [tilespmem:$0x1C860]  }
0xc0: {  	v3 =	vadd.f32 v7, v3;
	v7 =	vld [tilespmem:s15+$0x50]  }
0xc1: {  	v5 =	vadd.f32 v48, v5;
	s12 =	simm.s32 $0x14A80;
	v58 =	vld [tilespmem:s16+$0x50];
	v8 =	vmul.f32 s28, v8  }
0xc2: {  	[tilespmem:s12+$0x0] =	vst v3;
	v3 =	vld [tilespmem:$0x1C850]  }
0xc3: {  	v5 =	vadd.f32 v8, v5;
	v8 =	vld [tilespmem:s10+$0x10]  }
0xc4: {  	v6 =	vadd.f32 v54, v6;
	v2 =	vmul.f32 s5, v2;
	v59 =	vld [tilespmem:s26+$0x10]  }
0xc5: {  	[tilespmem:s12+$0xFFFFFF80] =	vst v5;
	v5 =	vld [tilespmem:$0x1C810]  }
0xc6: {  	v2 =	vadd.f32 v2, v6;
	v6 =	vld [tilespmem:s10+$0xFFFFFF80]  }
0xc7: {  	v7 =	vadd.f32 v58, v7;
	v60 =	vld [tilespmem:s26+$0xFFFFFF80];
	v3 =	vmul.f32 s18, v3  }
0xc8: {  	[tilespmem:s19+$0xFFFFFFB0] =	vst v2;
	v2 =	vld [tilespmem:$0x1C810]  }
0xc9: {  	v61 =	vld [tilespmem:s16+$0xFFFFFFB0];
	v3 =	vadd.f32 v3, v7  }
0xca: {  	v62 =	vld [tilespmem:$0x1C840];
	v8 =	vadd.f32 v59, v8;
	v5 =	vmul.f32 s13, v5  }
0xcb: {  	v4 =	vadd.f32 v50, v4;
	v1 =	vmul.f32 s8, v1;
	v7 =	vld [tilespmem:s15+$0xFFFFFFB0];
	[tilespmem:s19+$0x50] =	vst v3  }
0xcc: {  	v63 =	vmul.f32 s17, v0;
	v3 =	vadd.f32 v57, v56;
	v5 =	vadd.f32 v5, v8;
	v0 =	vld [tilespmem:s15+$0x60]  }
0xcd: {  	v4 =	vadd.f32 v1, v4;
	v6 =	vadd.f32 v60, v6;
	v8 =	vmul.f32 s28, v2;
	v1 =	vld [tilespmem:s16+$0x60]  }
0xce: {  	v2 =	vld [tilespmem:$0x1C860];
	v3 =	vadd.f32 v63, v3;
	[tilespmem:s12+$0x10] =	vst v5  }
0xcf: {  	[tilespmem:s0+$0x70] =	vst v4;
	v8 =	vadd.f32 v8, v6;
	v5 =	vld [tilespmem:s10+$0x20]  }
0xd0: {  	v4 =	vmul.f32 s5, v62;
	[tilespmem:s0+$0xFFFFFFE0] =	vst v3;
	v6 =	vld [tilespmem:s26+$0x20];
	v3 =	vadd.f32 v61, v7  }
0xd1: {  	s29 =	simm.s32 $0x2BF0;
	s8 =	simm.s32 $0x72D0;
	s9 =	simm.s32 $0x4;
	v7 =	vld [tilespmem:$0x1C820];
	[tilespmem:s12+$0xFFFFFF90] =	vst v8  }
.LBB2_4:
0xd2: {  	v8 =	vld [tilespmem:s29+$0x80];
	s26 =	sadd.s32 $0x120, s26;
	v3 =	vadd.f32 v4, v3  }
0xd3: {  	v0 =	vadd.f32 v1, v0;
	v4 =	vld [tilespmem:s26+$0x80];
	v1 =	vmul.f32 s18, v2  }
0xd4: {  	v2 =	vld [tilespmem:s26+$0xFFFFFFF0];
	[tilespmem:s19+$0xFFFFFFC0] =	vst v3  }
0xd5: {  	v3 =	vld [tilespmem:s29+$0xFFFFFFF0];
	v0 =	vadd.f32 v1, v0  }
0xd6: {  	v5 =	vadd.f32 v6, v5;
	v1 =	vld [tilespmem:s29+$0xFFFFFF70];
	v6 =	vmul.f32 s13, v7  }
0xd7: {  	v7 =	vld [tilespmem:s26+$0xFFFFFF70];
	[tilespmem:s19+$0x60] =	vst v0  }
0xd8: {  	v0 =	vsub.f32 v8, v4;
	v4 =	vadd.f32 v6, v5;
	v5 =	vld [tilespmem:s15+$0x70]  }
0xd9: {  	v6 =	vld [tilespmem:s16+$0x70]  }
0xda: {  	v2 =	vsub.f32 v3, v2;
	v0 =	vmul.f32 v0, v0;
	[tilespmem:s12+$0x20] =	vst v4;
	v3 =	vld [tilespmem:$0x1C870]  }
0xdb: {  	v4 =	vld [tilespmem:s10+$0x30]  }
0xdc: {  	v2 =	vmul.f32 v2, v2;
	v1 =	vadd.f32 v7, v1;
	(v2sf) =	vpush v0, $0x0;
	v7 =	vld [tilespmem:s8+$0x30]  }
0xdd: {  	(v2sf) =	vpush v0, $0x1;
	v8 =	vld [tilespmem:$0x1C830]  }
0xde: {  	(v2sf) =	vpush v2, $0x0;
	v9 =	vld [tilespmem:s10+$0xFFFFFF90]  }
0xdf: {  	v5 =	vadd.f32 v6, v5;
	(v2sf) =	vpush v0, $0x2;
	v0 =	vld [tilespmem:s8+$0xFFFFFF90];
	v3 =	vmul.f32 s18, v3;
	s18 =	smov.u32 s13  }
0xe0: {  	(v2sf) =	vpush v2, $0x1;
	v6 =	vld [tilespmem:$0x1C820]  }
0xe1: {  	(v2sf) =	vpush v2, $0x2;
	v2 =	vld [tilespmem:s15+$0xFFFFFFC0];
	v3 =	vadd.f32 v3, v5  }
0xe2: {  	s9 =	sadd.s32 $0x2, s9;
	v4 =	vadd.f32 v7, v4;
	v5 =	vmul.f32 s18, v8;
	v7 =	vld [tilespmem:s16+$0xFFFFFFC0]  }
0xe3: {  	p1 =	slt.u32 s9, $0x7E;
	v8 =	vld [tilespmem:$0x1C850];
	[tilespmem:s19+$0x70] =	vst v3  }
0xe4: {  	v0 =	vadd.f32 v0, v9;
	v3 =	vadd.f32 v5, v4;
	v4 =	vld [tilespmem:s14+$0xFFFFFFE0];
	s14 =	smov.u32 s15;
	s15 =	smov.u32 s10;
	s10 =	smov.u32 s29  }
0xe5: {  	v5 =	vmul.f32 s28, v6;
	v6 =	vld [tilespmem:s11+$0xFFFFFFE0];
	s11 =	smov.u32 s16;
	s16 =	smov.u32 s8;
	s8 =	smov.u32 s26  }
0xe6: {  	[tilespmem:s12+$0x30] =	vst v3;
	v3 =	vld [tilespmem:$0x1C870]  }
0xe7: {  	v0 =	vadd.f32 v5, v0;
	v5 =	vld [tilespmem:s15+$0x40];
	v2 =	vadd.f32 v7, v2  }
0xe8: {  	v7 =	vld [tilespmem:s16+$0x40];
	v8 =	vmul.f32 s5, v8  }
0xe9: {  	[tilespmem:s12+$0xFFFFFFA0] =	vst v0;
	v0 =	vld [tilespmem:$0x1C840]  }
0xea: {  	v9 =	vld [tilespmem:$0x1C800];
	v2 =	vadd.f32 v8, v2;
	v4 =	vadd.f32 v6, v4  }
0xeb: {  	v6 =	vld [tilespmem:s29+$0x0];
	s13 =	spop (v2sf);
	v3 =	vmul.f32 s17, v3;
	s17 =	smov.u32 s5;
	s5 =	smov.u32 s28  }
0xec: {  	v8 =	vld [tilespmem:s26+$0x0];
	s22 =	spop (v2sf);
	[tilespmem:s19+$0xFFFFFFD0] =	vst v2  }
0xed: {  	s13 =	sadd.f32 s22, s13;
	s22 =	spop (v2sf);
	v2 =	vld [tilespmem:s15+$0xFFFFFFA0];
	v3 =	vadd.f32 v3, v4  }
0xee: {  	v5 =	vadd.f32 v7, v5;
	s28 =	spop (v2sf);
	v4 =	vld [tilespmem:s16+$0xFFFFFFA0];
	v0 =	vmul.f32 s18, v0  }
0xef: {  	s13 =	sadd.f32 s13, s28;
	s28 =	spop (v2sf);
	v7 =	vld [tilespmem:$0x1C830];
	[tilespmem:s0+$0xFFFFFFF0] =	vst v3;
	s0 =	smov.u32 s19  }
0xf0: {  	s19 =	smov.u32 s12;
	s22 =	sadd.f32 s28, s22;
	s28 =	spop (v2sf);
	v0 =	vadd.f32 v0, v5;
	v3 =	vld [tilespmem:s14+$0xFFFFFFD0]  }
0xf1: {  	v5 =	vadd.f32 v8, v6;
	v6 =	vmul.f32 s13, v9;
	v8 =	vld [tilespmem:s11+$0xFFFFFFD0]  }
0xf2: {  	s28 =	sadd.f32 s22, s28;
	[tilespmem:s12+$0x40] =	vst v0;
	v0 =	vld [tilespmem:$0x1C860]  }
0xf3: {  	v5 =	vadd.f32 v6, v5;
	v2 =	vadd.f32 v4, v2;
	v4 =	vld [tilespmem:s15+$0x50]  }
0xf4: {  	s12 =	sadd.s32 $0x100, s12;
	v6 =	vmul.f32 s28, v9;
	v7 =	vmul.f32 s5, v7;
	v9 =	vld [tilespmem:s16+$0x50]  }
0xf5: {  	[tilespmem:s12+$0x0] =	vst v5;
	v5 =	vld [tilespmem:$0x1C850]  }
0xf6: {  	v1 =	vadd.f32 v6, v1;
	v6 =	vld [tilespmem:s29+$0x10];
	v2 =	vadd.f32 v7, v2  }
0xf7: {  	v3 =	vadd.f32 v8, v3;
	v7 =	vld [tilespmem:s26+$0x10];
	v0 =	vmul.f32 s17, v0  }
0xf8: {  	[tilespmem:s12+$0xFFFFFF80] =	vst v1;
	v1 =	vld [tilespmem:$0x1C810]  }
0xf9: {  	v8 =	vld [tilespmem:s29+$0xFFFFFF80];
	[tilespmem:s19+$0xFFFFFFB0] =	vst v2;
	v0 =	vadd.f32 v0, v3  }
0xfa: {  	v3 =	vadd.f32 v9, v4;
	v2 =	vld [tilespmem:s26+$0xFFFFFF80];
	v4 =	vmul.f32 s18, v5  }
0xfb: {  	v5 =	vld [tilespmem:$0x1C810];
	[tilespmem:s0+$0xFFFFFFE0] =	vst v0  }
0xfc: {  	v9 =	vld [tilespmem:s15+$0xFFFFFFB0];
	v0 =	vadd.f32 v4, v3  }
0xfd: {  	v3 =	vadd.f32 v7, v6;
	v1 =	vmul.f32 s13, v1;
	v4 =	vld [tilespmem:s16+$0xFFFFFFB0]  }
0xfe: {  	v7 =	vld [tilespmem:$0x1C840];
	[tilespmem:s19+$0x50] =	vst v0  }
0xff: {  	v6 =	vadd.f32 v2, v8;
	v2 =	vadd.f32 v1, v3;
	v0 =	vld [tilespmem:s15+$0x60]  }
.Ltmp5:
0x100: {  	v3 =	vmul.f32 s28, v5;
	v1 =	vld [tilespmem:s16+$0x60];
	(pc) =	sbr.rel @p1 .LBB2_4-.Ltmp5, $4  }
0x101: {  	[tilespmem:s12+$0x10] =	vst v2;
	v2 =	vld [tilespmem:$0x1C860]  }
0x102: {  	v8 =	vadd.f32 v3, v6;
	v5 =	vld [tilespmem:s29+$0x20];
	v3 =	vadd.f32 v4, v9  }
0x103: {  	v6 =	vld [tilespmem:s26+$0x20];
	v4 =	vmul.f32 s5, v7  }
0x104: {  	s29 =	sadd.s32 $0x120, s29;
	[tilespmem:s12+$0xFFFFFF90] =	vst v8;
	v7 =	vld [tilespmem:$0x1C820]  }
0x105: {  	v8 =	vld [tilespmem:s10+$0xFFFFFF90]  }
0x106: {  	v17 =	vld [tilespmem:s8+$0xFFFFFF90]  }
0x107: {  	v9 =	vld [tilespmem:$0x1C820];
	_ =	sdelay $0x1  }
0x108: {  	v5 =	vadd.f32 v6, v5;
	v16 =	vmul.f32 s13, v7;
	_ =	sdelay $0x1  }
0x109: {  	v5 =	vadd.f32 v16, v5  }
0x10a: {  	v7 =	vadd.f32 v17, v8;
	v19 =	vmul.f32 s28, v9  }
0x10b: {  	[tilespmem:s12+$0x20] =	vst v5  }
0x10c: {  	v7 =	vadd.f32 v19, v7;
	v5 =	vld [tilespmem:s10+$0x30]  }
0x10d: {  	v18 =	vld [tilespmem:s8+$0x30]  }
0x10e: {  	v20 =	vld [tilespmem:$0x1C830];
	[tilespmem:s12+$0xFFFFFFA0] =	vst v7  }
0x10f: {  	v7 =	vld [tilespmem:s10+$0xFFFFFFA0]  }
0x110: {  	v22 =	vld [tilespmem:s8+$0xFFFFFFA0]  }
0x111: {  	v23 =	vld [tilespmem:$0x1C830];
	_ =	sdelay $0x1  }
0x112: {  	v5 =	vadd.f32 v18, v5;
	v21 =	vmul.f32 s13, v20;
	_ =	sdelay $0x1  }
0x113: {  	v5 =	vadd.f32 v21, v5  }
0x114: {  	v7 =	vadd.f32 v22, v7;
	v25 =	vmul.f32 s28, v23  }
0x115: {  	[tilespmem:s12+$0x30] =	vst v5  }
0x116: {  	v7 =	vadd.f32 v25, v7;
	v5 =	vld [tilespmem:s10+$0x40]  }
0x117: {  	v24 =	vld [tilespmem:s8+$0x40]  }
0x118: {  	v26 =	vld [tilespmem:$0x1C840];
	[tilespmem:s12+$0xFFFFFFB0] =	vst v7  }
0x119: {  	v7 =	vld [tilespmem:s10+$0xFFFFFFB0]  }
0x11a: {  	v28 =	vld [tilespmem:s8+$0xFFFFFFB0]  }
0x11b: {  	v29 =	vld [tilespmem:$0x1C840]  }
0x11c: {  	v3 =	vadd.f32 v4, v3  }
0x11d: {  	v5 =	vadd.f32 v24, v5;
	v27 =	vmul.f32 s13, v26  }
0x11e: {  	[tilespmem:s19+$0xFFFFFFC0] =	vst v3  }
0x11f: {  	v34 =	vld [tilespmem:s15+$0xFFFFFFC0];
	v5 =	vadd.f32 v27, v5  }
0x120: {  	v36 =	vld [tilespmem:s16+$0xFFFFFFC0];
	v31 =	vadd.f32 v28, v7;
	v32 =	vmul.f32 s28, v29  }
0x121: {  	v37 =	vld [tilespmem:$0x1C850];
	[tilespmem:s12+$0x40] =	vst v5  }
0x122: {  	v6 =	vadd.f32 v32, v31;
	v30 =	vld [tilespmem:s10+$0x50]  }
0x123: {  	v5 =	vld [tilespmem:s8+$0x50]  }
0x124: {  	v33 =	vld [tilespmem:$0x1C850];
	[tilespmem:s12+$0xFFFFFFC0] =	vst v6  }
0x125: {  	v38 =	vld [tilespmem:s10+$0xFFFFFFC0]  }
0x126: {  	v35 =	vmul.f32 s18, v2;
	v2 =	vadd.f32 v36, v34;
	v7 =	vmul.f32 s5, v37;
	v39 =	vld [tilespmem:s8+$0xFFFFFFC0]  }
0x127: {  	v40 =	vld [tilespmem:$0x1C850]  }
0x128: {  	v0 =	vadd.f32 v1, v0;
	v11 =	vld [tilespmem:s14+$0xFFFFFFE0];
	v2 =	vadd.f32 v7, v2  }
0x129: {  	v50 =	vld [tilespmem:s11+$0xFFFFFFE0];
	v4 =	vadd.f32 v5, v30;
	v3 =	vmul.f32 s13, v33  }
0x12a: {  	v52 =	vld [tilespmem:$0x1C870];
	v0 =	vadd.f32 v35, v0;
	[tilespmem:s19+$0xFFFFFFD0] =	vst v2  }
0x12b: {  	v46 =	vld [tilespmem:s15+$0xFFFFFFD0];
	v3 =	vadd.f32 v3, v4  }
0x12c: {  	[tilespmem:s19+$0x60] =	vst v0;
	v47 =	vld [tilespmem:s16+$0xFFFFFFD0];
	v1 =	vadd.f32 v39, v38;
	v0 =	vmul.f32 s28, v40  }
0x12d: {  	v48 =	vld [tilespmem:$0x1C860];
	[tilespmem:s12+$0x50] =	vst v3  }
0x12e: {  	v0 =	vadd.f32 v0, v1;
	v3 =	vld [tilespmem:s10+$0x60]  }
0x12f: {  	v44 =	vld [tilespmem:s8+$0x60]  }
0x130: {  	v45 =	vld [tilespmem:$0x1C860];
	[tilespmem:s12+$0xFFFFFFD0] =	vst v0  }
0x131: {  	v0 =	vld [tilespmem:s10+$0xFFFFFFD0]  }
0x132: {  	v51 =	vmul.f32 s5, v48;
	v1 =	vadd.f32 v47, v46;
	v49 =	vld [tilespmem:s8+$0xFFFFFFD0]  }
0x133: {  	v10 =	vld [tilespmem:$0x1C860]  }
0x134: {  	v41 =	vld [tilespmem:s15+$0x70];
	v1 =	vadd.f32 v51, v1  }
0x135: {  	v42 =	vld [tilespmem:s16+$0x70];
	v3 =	vadd.f32 v44, v3;
	v2 =	vmul.f32 s13, v45  }
0x136: {  	v43 =	vld [tilespmem:$0x1C870];
	[tilespmem:s19+$0xFFFFFFE0] =	vst v1  }
0x137: {  	v56 =	vld [tilespmem:s15+$0xFFFFFFE0];
	v2 =	vadd.f32 v2, v3  }
0x138: {  	v57 =	vld [tilespmem:s16+$0xFFFFFFE0];
	v0 =	vadd.f32 v49, v0;
	v54 =	vmul.f32 s28, v10  }
0x139: {  	v12 =	vld [tilespmem:$0x1C870];
	[tilespmem:s12+$0x60] =	vst v2  }
0x13a: {  	v0 =	vadd.f32 v54, v0;
	v2 =	vld [tilespmem:s10+$0x70]  }
0x13b: {  	v53 =	vld [tilespmem:s8+$0x70]  }
0x13c: {  	v55 =	vld [tilespmem:$0x1C870];
	[tilespmem:s12+$0xFFFFFFE0] =	vst v0  }
0x13d: {  	v0 =	vld [tilespmem:s10+$0xFFFFFFE0]  }
0x13e: {  	v13 =	vld [tilespmem:s8+$0xFFFFFFE0]  }
0x13f: {  	v14 =	vld [tilespmem:$0x1C870]  }
0x140: {  	v58 =	vmul.f32 s18, v43;
	v4 =	vadd.f32 v42, v41  }
0x141: {  	v59 =	vmul.f32 s17, v52;
	v3 =	vadd.f32 v50, v11  }
0x142: {  	v4 =	vadd.f32 v58, v4;
	v60 =	vadd.f32 v57, v56;
	v61 =	vmul.f32 s5, v12  }
0x143: {  	v3 =	vadd.f32 v59, v3;
	v2 =	vadd.f32 v53, v2;
	v1 =	vmul.f32 s13, v55  }
0x144: {  	[tilespmem:s19+$0x70] =	vst v4;
	v63 =	vadd.f32 v61, v60;
	v0 =	vadd.f32 v13, v0;
	v62 =	vmul.f32 s28, v14  }
0x145: {  	[tilespmem:s0+$0xFFFFFFF0] =	vst v3;
	s28 =	sadd.s32 s2, s31;
	v1 =	vadd.f32 v1, v2  }
0x146: {  	[tilespmem:s19+$0xFFFFFFF0] =	vst v63;
	s0 =	sshll.u32 s28, $0xB;
	v0 =	vadd.f32 v62, v0  }
0x147: {  	s0 =	sand.u32 $0x1FFFF800, s0;
	[tilespmem:s12+$0x70] =	vst v1  }
0x148: {  	s29 =	simm.s32 $0x14800;
	s0 =	sadd.s32 s6, s0;
	[tilespmem:s12+$0xFFFFFFF0] =	vst v0  }
0x149: {  	[hbm4b:s0+s1] =	stream.linear.scatter [tilespmem:s29], [sflag:$0x5], $0x4000, $0x38;
	[tilespmem:$0x1C880] =	vst v63  }
.LBB2_6:
0x14a: {  	s0 =	sadd.s32 $0x2, s31  }
0x14b: {  	p1 =	sge.u32 s0, s7  }
0x14c: {  	s0 =	sshll.u32 @!p1 s0, $0x7;
	s5 =	simm.s32 @!p1 $0x80;
	s8 =	simm.s32 @!p1 $0x2800  }
0x14d: {  	[tilespmem:s8], [sflag:$0x1] =	stream.indirect.gather @!p1 [hbm4b:s3+s5], $0x90, s0, s5, $0xb8;
	[tilespmem:$0x1C880] =	vst v63  }
0x14e: {  	s0 =	sadd.s32 @!p1 $0x1400, s0;
	s8 =	simm.s32 @!p1 $0x7000  }
0x14f: {  	[tilespmem:s8], [sflag:$0x2] =	stream.indirect.gather @!p1 [hbm4b:s4+s5], $0x90, s0, s5, $0xb8;
	[tilespmem:$0x1C880] =	vst v63  }
0x150: {  	s0 =	sor.u32 $0x1, s31  }
0x151: {  	p1 =	sge.u32 s0, s7  }
.Ltmp6:
0x152: {  	_ = 	snop;
	(pc) =	sbr.rel @p1 .LBB2_10-.Ltmp6, $1  }
0x153: {  	_ =	sdelay $0x3  }
0x154: {  	_ =	swait.ge [sflag:s23], $0x4800  }
0x155: {  	[sflag:s23] =	ssyncset.done $0x0  }
0x156: {  	[sflag:s23] =	ssyncadd.s32 $0xFFFFB800  }
0x157: {  	_ =	swait.ge [sflag:s24], $0x4800  }
0x158: {  	p1 =	seq.s32 s30, $0x0;
	[sflag:s24] =	ssyncset.done $0x0  }
0x159: {  	s5 =	simm.s32 @!p1 $0x6;
	[sflag:s24] =	ssyncadd.s32 $0xFFFFB800  }
0x15a: {  	_ =	swait.ge @!p1 [sflag:s5], $0x4000  }
0x15b: {  	[sflag:s5] =	ssyncset.done @!p1 $0x0  }
0x15c: {  	s15 =	simm.s32 $0xB890;
	[sflag:s5] =	ssyncadd.s32 @!p1 $0xFFFFC000  }
0x15d: {  	s14 =	simm.s32 $0x10090;
	v0 =	vld [tilespmem:s15+$0x80]  }
0x15e: {  	v1 =	vld [tilespmem:s14+$0x80]  }
0x15f: {  	v2 =	vld [tilespmem:s14+$0xFFFFFFF0]  }
0x160: {  	v3 =	vld [tilespmem:s15+$0xFFFFFFF0];
	_ =	sdelay $0x2  }
0x161: {  	v0 =	vsub.f32 v0, v1;
	_ =	sdelay $0x1  }
0x162: {  	v1 =	vsub.f32 v3, v2;
	v0 =	vmul.f32 v0, v0;
	_ =	sdelay $0x1  }
0x163: {  	v1 =	vmul.f32 v1, v1;
	(v2sf) =	vpush v0, $0x0  }
0x164: {  	(v2sf) =	vpush v0, $0x1  }
0x165: {  	(v2sf) =	vpush v1, $0x0  }
0x166: {  	(v2sf) =	vpush v0, $0x2;
	_ =	sdelay $0xa  }
0x167: {  	v2 =	vld [tilespmem:s15+$0x0]  }
0x168: {  	v3 =	vld [tilespmem:s14+$0x0];
	s19 =	spop (v2sf)  }
0x169: {  	v0 =	vld [tilespmem:$0x1C800];
	s8 =	spop (v2sf)  }
0x16a: {  	s5 =	sadd.f32 s8, s19;
	s22 =	spop (v2sf)  }
0x16b: {  	s9 =	spop (v2sf)  }
0x16c: {  	s9 =	sadd.f32 s5, s9;
	_ =	sdelay $0x1  }
0x16d: {  	v2 =	vadd.f32 v3, v2;
	v3 =	vmul.f32 s9, v0;
	_ =	sdelay $0x1  }
0x16e: {  	v2 =	vadd.f32 v3, v2  }
0x16f: {  	s11 =	simm.s32 $0x18880  }
0x170: {  	[tilespmem:s11+$0x0] =	vst v2  }
0x171: {  	v2 =	vld [tilespmem:s15+$0x10]  }
0x172: {  	v3 =	vld [tilespmem:s14+$0x10]  }
0x173: {  	v4 =	vld [tilespmem:$0x1C810];
	_ =	sdelay $0x2  }
0x174: {  	(v2sf) =	vpush v1, $0x1;
	_ =	sdelay $0x1  }
0x175: {  	(v2sf) =	vpush v1, $0x2;
	v1 =	vadd.f32 v3, v2;
	v2 =	vmul.f32 s9, v4;
	_ =	sdelay $0x1  }
0x176: {  	v1 =	vadd.f32 v2, v1  }
0x177: {  	s16 =	simm.s32 $0xB9B0  }
0x178: {  	v5 =	vld [tilespmem:s16+$0x80];
	[tilespmem:s11+$0x10] =	vst v1  }
0x179: {  	v1 =	vld [tilespmem:s15+$0x20]  }
0x17a: {  	v3 =	vld [tilespmem:s14+$0x20]  }
0x17b: {  	s17 =	simm.s32 $0x101B0;
	v4 =	vld [tilespmem:$0x1C820]  }
0x17c: {  	v6 =	vld [tilespmem:s17+$0x80]  }
0x17d: {  	v7 =	vld [tilespmem:s17+$0xFFFFFFF0]  }
0x17e: {  	v8 =	vld [tilespmem:s16+$0xFFFFFFF0]  }
0x17f: {  	v9 =	vld [tilespmem:s14+$0xFFFFFF70]  }
0x180: {  	v2 =	vld [tilespmem:s15+$0xFFFFFF70];
	v1 =	vadd.f32 v3, v1;
	v3 =	vmul.f32 s9, v4  }
0x181: {  	s25 =	spop (v2sf)  }
0x182: {  	s5 =	sadd.f32 s25, s22;
	v4 =	vsub.f32 v5, v6;
	v1 =	vadd.f32 v3, v1  }
0x183: {  	s26 =	spop (v2sf)  }
0x184: {  	s18 =	sadd.f32 s5, s26;
	v3 =	vsub.f32 v8, v7;
	v4 =	vmul.f32 v4, v4;
	[tilespmem:s11+$0x20] =	vst v1  }
0x185: {  	v1 =	vadd.f32 v9, v2;
	v2 =	vld [tilespmem:s15+$0x30]  }
0x186: {  	v0 =	vmul.f32 s18, v0;
	v3 =	vmul.f32 v3, v3;
	(v2sf) =	vpush v4, $0x0;
	v5 =	vld [tilespmem:s14+$0x30]  }
0x187: {  	(v2sf) =	vpush v4, $0x1;
	v6 =	vld [tilespmem:$0x1C830]  }
0x188: {  	v0 =	vadd.f32 v0, v1;
	(v2sf) =	vpush v3, $0x0  }
0x189: {  	(v2sf) =	vpush v4, $0x2  }
0x18a: {  	[tilespmem:s11+$0xFFFFFF80] =	vst v0  }
0x18b: {  	v0 =	vld [tilespmem:s15+$0xFFFFFF80]  }
0x18c: {  	v1 =	vld [tilespmem:s14+$0xFFFFFF80];
	v2 =	vadd.f32 v5, v2;
	v4 =	vmul.f32 s9, v6  }
0x18d: {  	v5 =	vld [tilespmem:$0x1C810]  }
0x18e: {  	v2 =	vadd.f32 v4, v2;
	_ =	sdelay $0x1  }
0x18f: {  	(v2sf) =	vpush v3, $0x1;
	[tilespmem:s11+$0x30] =	vst v2  }
0x190: {  	v2 =	vld [tilespmem:s15+$0x40]  }
0x191: {  	(v2sf) =	vpush v3, $0x2;
	v0 =	vadd.f32 v1, v0;
	v1 =	vmul.f32 s18, v5;
	v3 =	vld [tilespmem:s14+$0x40]  }
0x192: {  	v4 =	vld [tilespmem:$0x1C840]  }
0x193: {  	v5 =	vld [tilespmem:s16+$0x0];
	v0 =	vadd.f32 v1, v0  }
0x194: {  	v1 =	vld [tilespmem:$0x1C800];
	s8 =	spop (v2sf)  }
0x195: {  	[tilespmem:s11+$0xFFFFFF90] =	vst v0;
	v0 =	vld [tilespmem:s17+$0x0];
	s10 =	spop (v2sf)  }
0x196: {  	v6 =	vld [tilespmem:s15+$0xFFFFFF90];
	s5 =	sadd.f32 s10, s8;
	s12 =	spop (v2sf)  }
0x197: {  	v7 =	vld [tilespmem:s14+$0xFFFFFF90];
	v2 =	vadd.f32 v3, v2;
	v3 =	vmul.f32 s9, v4;
	s10 =	spop (v2sf)  }
0x198: {  	v4 =	vld [tilespmem:$0x1C820];
	s19 =	sadd.f32 s5, s10  }
0x199: {  	v2 =	vadd.f32 v3, v2  }
0x19a: {  	v8 =	vld [tilespmem:s17+$0xFFFFFF70];
	v0 =	vadd.f32 v0, v5;
	v5 =	vmul.f32 s19, v1  }
0x19b: {  	v3 =	vld [tilespmem:s16+$0xFFFFFF70];
	[tilespmem:s11+$0x40] =	vst v2  }
0x19c: {  	v2 =	vld [tilespmem:s15+$0x50];
	v0 =	vadd.f32 v5, v0  }
0x19d: {  	s5 =	simm.s32 $0x18980;
	v4 =	vmul.f32 s18, v4;
	v5 =	vadd.f32 v7, v6;
	v6 =	vld [tilespmem:s14+$0x50]  }
0x19e: {  	s13 =	spop (v2sf);
	[tilespmem:s5+$0x0] =	vst v0;
	v0 =	vld [tilespmem:$0x1C850]  }
0x19f: {  	s8 =	sadd.f32 s13, s12;
	v4 =	vadd.f32 v4, v5;
	v5 =	vld [tilespmem:s16+$0x10]  }
0x1a0: {  	s22 =	spop (v2sf);
	v7 =	vld [tilespmem:s17+$0x10]  }
0x1a1: {  	s28 =	simm.s32 $0x102D0;
	s10 =	sadd.f32 s8, s22;
	[tilespmem:s11+$0xFFFFFFA0] =	vst v4;
	v4 =	vld [tilespmem:$0x1C810]  }
0x1a2: {  	v12 =	vld [tilespmem:s28+$0xFFFFFFF0]  }
0x1a3: {  	v48 =	vld [tilespmem:s28+$0xFFFFFF70];
	s12 =	simm.s32 $0xBAD0;
	v3 =	vadd.f32 v8, v3;
	v1 =	vmul.f32 s10, v1  }
0x1a4: {  	v11 =	vld [tilespmem:s12+$0x80];
	v2 =	vadd.f32 v6, v2;
	v0 =	vmul.f32 s9, v0  }
0x1a5: {  	v1 =	vadd.f32 v1, v3;
	v8 =	vld [tilespmem:s15+$0xFFFFFFA0]  }
0x1a6: {  	v3 =	vld [tilespmem:s14+$0xFFFFFFA0];
	v5 =	vadd.f32 v7, v5;
	v0 =	vadd.f32 v0, v2;
	v4 =	vmul.f32 s19, v4  }
0x1a7: {  	v6 =	vld [tilespmem:$0x1C830];
	[tilespmem:s5+$0xFFFFFF80] =	vst v1  }
0x1a8: {  	v1 =	vld [tilespmem:s16+$0xFFFFFF80];
	[tilespmem:s11+$0x50] =	vst v0;
	v0 =	vadd.f32 v4, v5  }
0x1a9: {  	v7 =	vld [tilespmem:$0x1C810]  }
0x1aa: {  	v4 =	vld [tilespmem:s15+$0x60];
	[tilespmem:s5+$0x10] =	vst v0  }
0x1ab: {  	v45 =	vld [tilespmem:s16+$0x20]  }
0x1ac: {  	v10 =	vld [tilespmem:s17+$0x20]  }
0x1ad: {  	v3 =	vadd.f32 v3, v8;
	v6 =	vmul.f32 s18, v6;
	v8 =	vld [tilespmem:$0x1C820]  }
0x1ae: {  	v5 =	vld [tilespmem:s14+$0x60]  }
0x1af: {  	v3 =	vadd.f32 v6, v3;
	v6 =	vld [tilespmem:s28+$0x80]  }
0x1b0: {  	v0 =	vld [tilespmem:$0x1C860]  }
0x1b1: {  	[tilespmem:s11+$0xFFFFFFB0] =	vst v3;
	v3 =	vld [tilespmem:s12+$0xFFFFFFF0]  }
0x1b2: {  	v2 =	vld [tilespmem:s17+$0xFFFFFF80];
	v9 =	vadd.f32 v10, v45;
	v8 =	vmul.f32 s19, v8  }
0x1b3: {  	v13 =	vld [tilespmem:s15+$0xFFFFFFB0]  }
0x1b4: {  	v46 =	vld [tilespmem:s14+$0xFFFFFFB0];
	v6 =	vsub.f32 v11, v6;
	v8 =	vadd.f32 v8, v9  }
0x1b5: {  	v47 =	vld [tilespmem:$0x1C840];
	v4 =	vadd.f32 v5, v4;
	v0 =	vmul.f32 s9, v0  }
0x1b6: {  	v5 =	vld [tilespmem:s12+$0xFFFFFF70];
	v3 =	vsub.f32 v3, v12;
	v6 =	vmul.f32 v6, v6;
	[tilespmem:s5+$0x20] =	vst v8  }
0x1b7: {  	v1 =	vadd.f32 v2, v1;
	v0 =	vadd.f32 v0, v4;
	v4 =	vmul.f32 s10, v7;
	v2 =	vld [tilespmem:s16+$0x30]  }
0x1b8: {  	v3 =	vmul.f32 v3, v3;
	(v2sf) =	vpush v6, $0x0;
	v7 =	vld [tilespmem:s17+$0x30]  }
0x1b9: {  	[tilespmem:s11+$0x60] =	vst v0;
	(v2sf) =	vpush v6, $0x1;
	v1 =	vadd.f32 v4, v1;
	v0 =	vld [tilespmem:$0x1C830]  }
0x1ba: {  	v49 =	vmul.f32 s18, v47;
	v4 =	vld [tilespmem:s15+$0x70];
	(v2sf) =	vpush v3, $0x0;
	v8 =	vadd.f32 v46, v13  }
0x1bb: {  	v50 =	vld [tilespmem:s14+$0x70];
	(v2sf) =	vpush v6, $0x2;
	[tilespmem:s5+$0xFFFFFF90] =	vst v1  }
0x1bc: {  	(v2sf) =	vpush v3, $0x1;
	v6 =	vadd.f32 v49, v8;
	v8 =	vld [tilespmem:s16+$0xFFFFFF90]  }
0x1bd: {  	v51 =	vld [tilespmem:s17+$0xFFFFFF90]  }
0x1be: {  	(v2sf) =	vpush v3, $0x2;
	v3 =	vld [tilespmem:$0x1C820];
	v2 =	vadd.f32 v7, v2;
	v0 =	vmul.f32 s19, v0  }
0x1bf: {  	v1 =	vld [tilespmem:$0x1C870];
	[tilespmem:s11+$0xFFFFFFC0] =	vst v6  }
0x1c0: {  	v6 =	vld [tilespmem:s15+$0xFFFFFFC0];
	v0 =	vadd.f32 v0, v2  }
0x1c1: {  	v7 =	vld [tilespmem:$0x1C850]  }
0x1c2: {  	v2 =	vld [tilespmem:s14+$0xFFFFFFC0];
	[tilespmem:s5+$0x30] =	vst v0  }
0x1c3: {  	v8 =	vadd.f32 v51, v8;
	v3 =	vmul.f32 s10, v3;
	v0 =	vld [tilespmem:s16+$0x40]  }
0x1c4: {  	v52 =	vld [tilespmem:s17+$0x40]  }
0x1c5: {  	v3 =	vadd.f32 v3, v8;
	v53 =	vld [tilespmem:$0x1C840]  }
0x1c6: {  	v8 =	vld [tilespmem:$0x1C800]  }
0x1c7: {  	[tilespmem:s5+$0xFFFFFFA0] =	vst v3;
	v3 =	vld [tilespmem:s28+$0x0];
	v2 =	vadd.f32 v2, v6;
	v6 =	vmul.f32 s18, v7;
	s25 =	spop (v2sf)  }
0x1c8: {  	v7 =	vld [tilespmem:s12+$0x0];
	s13 =	spop (v2sf)  }
0x1c9: {  	v54 =	vld [tilespmem:s17+$0xFFFFFFA0];
	v2 =	vadd.f32 v6, v2;
	s8 =	sadd.f32 s13, s25;
	s26 =	spop (v2sf)  }
0x1ca: {  	v6 =	vld [tilespmem:s16+$0xFFFFFFA0];
	s22 =	spop (v2sf);
	v0 =	vadd.f32 v52, v0;
	v55 =	vmul.f32 s19, v53  }
0x1cb: {  	[tilespmem:s11+$0xFFFFFFD0] =	vst v2;
	s8 =	sadd.f32 s8, s22;
	s25 =	spop (v2sf);
	v2 =	vld [tilespmem:$0x1C830]  }
0x1cc: {  	s13 =	sadd.f32 s25, s26;
	v0 =	vadd.f32 v55, v0;
	v56 =	vld [tilespmem:s15+$0xFFFFFFD0]  }
0x1cd: {  	s26 =	spop (v2sf);
	v3 =	vadd.f32 v3, v7;
	v57 =	vld [tilespmem:s14+$0xFFFFFFD0];
	v7 =	vmul.f32 s8, v8  }
0x1ce: {  	s13 =	sadd.f32 s13, s26;
	[tilespmem:s5+$0x40] =	vst v0;
	v0 =	vld [tilespmem:$0x1C860]  }
0x1cf: {  	v3 =	vadd.f32 v7, v3;
	v7 =	vld [tilespmem:s16+$0x50]  }
0x1d0: {  	v5 =	vadd.f32 v48, v5;
	s26 =	simm.s32 $0x18A80;
	v58 =	vld [tilespmem:s17+$0x50];
	v8 =	vmul.f32 s13, v8  }
0x1d1: {  	[tilespmem:s26+$0x0] =	vst v3;
	v3 =	vld [tilespmem:$0x1C850]  }
0x1d2: {  	v5 =	vadd.f32 v8, v5;
	v8 =	vld [tilespmem:s12+$0x10]  }
0x1d3: {  	v6 =	vadd.f32 v54, v6;
	v2 =	vmul.f32 s10, v2;
	v59 =	vld [tilespmem:s28+$0x10]  }
0x1d4: {  	[tilespmem:s26+$0xFFFFFF80] =	vst v5;
	v5 =	vld [tilespmem:$0x1C810]  }
0x1d5: {  	v2 =	vadd.f32 v2, v6;
	v6 =	vld [tilespmem:s12+$0xFFFFFF80]  }
0x1d6: {  	v7 =	vadd.f32 v58, v7;
	v60 =	vld [tilespmem:s28+$0xFFFFFF80];
	v3 =	vmul.f32 s19, v3  }
0x1d7: {  	[tilespmem:s5+$0xFFFFFFB0] =	vst v2;
	v2 =	vld [tilespmem:$0x1C810]  }
0x1d8: {  	v61 =	vld [tilespmem:s17+$0xFFFFFFB0];
	v3 =	vadd.f32 v3, v7  }
0x1d9: {  	v62 =	vld [tilespmem:$0x1C840];
	v8 =	vadd.f32 v59, v8;
	v5 =	vmul.f32 s8, v5  }
0x1da: {  	v4 =	vadd.f32 v50, v4;
	v1 =	vmul.f32 s9, v1;
	v7 =	vld [tilespmem:s16+$0xFFFFFFB0];
	[tilespmem:s5+$0x50] =	vst v3  }
0x1db: {  	v63 =	vmul.f32 s18, v0;
	v3 =	vadd.f32 v57, v56;
	v5 =	vadd.f32 v5, v8;
	v0 =	vld [tilespmem:s16+$0x60]  }
0x1dc: {  	v4 =	vadd.f32 v1, v4;
	v6 =	vadd.f32 v60, v6;
	v8 =	vmul.f32 s13, v2;
	v1 =	vld [tilespmem:s17+$0x60]  }
0x1dd: {  	v2 =	vld [tilespmem:$0x1C860];
	v3 =	vadd.f32 v63, v3;
	[tilespmem:s26+$0x10] =	vst v5  }
0x1de: {  	[tilespmem:s11+$0x70] =	vst v4;
	v8 =	vadd.f32 v8, v6;
	v5 =	vld [tilespmem:s12+$0x20]  }
0x1df: {  	v4 =	vmul.f32 s10, v62;
	[tilespmem:s11+$0xFFFFFFE0] =	vst v3;
	v6 =	vld [tilespmem:s28+$0x20];
	v3 =	vadd.f32 v61, v7  }
0x1e0: {  	s29 =	simm.s32 $0x4;
	s9 =	simm.s32 $0x102D0;
	s22 =	simm.s32 $0xBBF0;
	v7 =	vld [tilespmem:$0x1C820];
	[tilespmem:s26+$0xFFFFFF90] =	vst v8  }
.LBB2_8:
0x1e1: {  	v8 =	vld [tilespmem:s22+$0x80];
	s28 =	sadd.s32 $0x120, s28;
	v3 =	vadd.f32 v4, v3  }
0x1e2: {  	v0 =	vadd.f32 v1, v0;
	v4 =	vld [tilespmem:s28+$0x80];
	v1 =	vmul.f32 s19, v2  }
0x1e3: {  	v2 =	vld [tilespmem:s28+$0xFFFFFFF0];
	[tilespmem:s5+$0xFFFFFFC0] =	vst v3  }
0x1e4: {  	v3 =	vld [tilespmem:s22+$0xFFFFFFF0];
	v0 =	vadd.f32 v1, v0  }
0x1e5: {  	v5 =	vadd.f32 v6, v5;
	v1 =	vld [tilespmem:s22+$0xFFFFFF70];
	v6 =	vmul.f32 s8, v7  }
0x1e6: {  	v7 =	vld [tilespmem:s28+$0xFFFFFF70];
	[tilespmem:s5+$0x60] =	vst v0  }
0x1e7: {  	v0 =	vsub.f32 v8, v4;
	v4 =	vadd.f32 v6, v5;
	v5 =	vld [tilespmem:s16+$0x70]  }
0x1e8: {  	v6 =	vld [tilespmem:s17+$0x70]  }
0x1e9: {  	v2 =	vsub.f32 v3, v2;
	v0 =	vmul.f32 v0, v0;
	[tilespmem:s26+$0x20] =	vst v4;
	v3 =	vld [tilespmem:$0x1C870]  }
0x1ea: {  	v4 =	vld [tilespmem:s12+$0x30]  }
0x1eb: {  	v2 =	vmul.f32 v2, v2;
	v1 =	vadd.f32 v7, v1;
	(v2sf) =	vpush v0, $0x0;
	v7 =	vld [tilespmem:s9+$0x30]  }
0x1ec: {  	(v2sf) =	vpush v0, $0x1;
	v8 =	vld [tilespmem:$0x1C830]  }
0x1ed: {  	(v2sf) =	vpush v2, $0x0;
	v9 =	vld [tilespmem:s12+$0xFFFFFF90]  }
0x1ee: {  	v5 =	vadd.f32 v6, v5;
	(v2sf) =	vpush v0, $0x2;
	v0 =	vld [tilespmem:s9+$0xFFFFFF90];
	v3 =	vmul.f32 s19, v3;
	s19 =	smov.u32 s8  }
0x1ef: {  	(v2sf) =	vpush v2, $0x1;
	v6 =	vld [tilespmem:$0x1C820]  }
0x1f0: {  	(v2sf) =	vpush v2, $0x2;
	v2 =	vld [tilespmem:s16+$0xFFFFFFC0];
	v3 =	vadd.f32 v3, v5  }
0x1f1: {  	s29 =	sadd.s32 $0x2, s29;
	v4 =	vadd.f32 v7, v4;
	v5 =	vmul.f32 s19, v8;
	v7 =	vld [tilespmem:s17+$0xFFFFFFC0]  }
0x1f2: {  	p1 =	slt.u32 s29, $0x7E;
	v8 =	vld [tilespmem:$0x1C850];
	[tilespmem:s5+$0x70] =	vst v3  }
0x1f3: {  	v0 =	vadd.f32 v0, v9;
	v3 =	vadd.f32 v5, v4;
	v4 =	vld [tilespmem:s15+$0xFFFFFFE0];
	s15 =	smov.u32 s16;
	s16 =	smov.u32 s12;
	s12 =	smov.u32 s22  }
0x1f4: {  	v5 =	vmul.f32 s13, v6;
	v6 =	vld [tilespmem:s14+$0xFFFFFFE0];
	s14 =	smov.u32 s17;
	s17 =	smov.u32 s9;
	s9 =	smov.u32 s28  }
0x1f5: {  	[tilespmem:s26+$0x30] =	vst v3;
	v3 =	vld [tilespmem:$0x1C870]  }
0x1f6: {  	v0 =	vadd.f32 v5, v0;
	v5 =	vld [tilespmem:s16+$0x40];
	v2 =	vadd.f32 v7, v2  }
0x1f7: {  	v7 =	vld [tilespmem:s17+$0x40];
	v8 =	vmul.f32 s10, v8  }
0x1f8: {  	[tilespmem:s26+$0xFFFFFFA0] =	vst v0;
	v0 =	vld [tilespmem:$0x1C840]  }
0x1f9: {  	v9 =	vld [tilespmem:$0x1C800];
	v2 =	vadd.f32 v8, v2;
	v4 =	vadd.f32 v6, v4  }
0x1fa: {  	v6 =	vld [tilespmem:s22+$0x0];
	s8 =	spop (v2sf);
	v3 =	vmul.f32 s18, v3;
	s18 =	smov.u32 s10;
	s10 =	smov.u32 s13  }
0x1fb: {  	v8 =	vld [tilespmem:s28+$0x0];
	s13 =	spop (v2sf);
	[tilespmem:s5+$0xFFFFFFD0] =	vst v2  }
0x1fc: {  	s8 =	sadd.f32 s13, s8;
	s13 =	spop (v2sf);
	v2 =	vld [tilespmem:s16+$0xFFFFFFA0];
	v3 =	vadd.f32 v3, v4  }
0x1fd: {  	v5 =	vadd.f32 v7, v5;
	s25 =	spop (v2sf);
	v4 =	vld [tilespmem:s17+$0xFFFFFFA0];
	v0 =	vmul.f32 s19, v0  }
0x1fe: {  	s8 =	sadd.f32 s8, s25;
	s25 =	spop (v2sf);
	v7 =	vld [tilespmem:$0x1C830];
	[tilespmem:s11+$0xFFFFFFF0] =	vst v3;
	s11 =	smov.u32 s5  }
0x1ff: {  	s5 =	smov.u32 s26;
	s13 =	sadd.f32 s25, s13;
	s25 =	spop (v2sf);
	v0 =	vadd.f32 v0, v5;
	v3 =	vld [tilespmem:s15+$0xFFFFFFD0]  }
0x200: {  	v5 =	vadd.f32 v8, v6;
	v6 =	vmul.f32 s8, v9;
	v8 =	vld [tilespmem:s14+$0xFFFFFFD0]  }
0x201: {  	s13 =	sadd.f32 s13, s25;
	[tilespmem:s26+$0x40] =	vst v0;
	v0 =	vld [tilespmem:$0x1C860]  }
0x202: {  	v5 =	vadd.f32 v6, v5;
	v2 =	vadd.f32 v4, v2;
	v4 =	vld [tilespmem:s16+$0x50]  }
0x203: {  	s26 =	sadd.s32 $0x100, s26;
	v6 =	vmul.f32 s13, v9;
	v7 =	vmul.f32 s10, v7;
	v9 =	vld [tilespmem:s17+$0x50]  }
0x204: {  	[tilespmem:s26+$0x0] =	vst v5;
	v5 =	vld [tilespmem:$0x1C850]  }
0x205: {  	v1 =	vadd.f32 v6, v1;
	v6 =	vld [tilespmem:s22+$0x10];
	v2 =	vadd.f32 v7, v2  }
0x206: {  	v3 =	vadd.f32 v8, v3;
	v7 =	vld [tilespmem:s28+$0x10];
	v0 =	vmul.f32 s18, v0  }
0x207: {  	[tilespmem:s26+$0xFFFFFF80] =	vst v1;
	v1 =	vld [tilespmem:$0x1C810]  }
0x208: {  	v8 =	vld [tilespmem:s22+$0xFFFFFF80];
	[tilespmem:s5+$0xFFFFFFB0] =	vst v2;
	v0 =	vadd.f32 v0, v3  }
0x209: {  	v3 =	vadd.f32 v9, v4;
	v2 =	vld [tilespmem:s28+$0xFFFFFF80];
	v4 =	vmul.f32 s19, v5  }
0x20a: {  	v5 =	vld [tilespmem:$0x1C810];
	[tilespmem:s11+$0xFFFFFFE0] =	vst v0  }
0x20b: {  	v9 =	vld [tilespmem:s16+$0xFFFFFFB0];
	v0 =	vadd.f32 v4, v3  }
0x20c: {  	v3 =	vadd.f32 v7, v6;
	v1 =	vmul.f32 s8, v1;
	v4 =	vld [tilespmem:s17+$0xFFFFFFB0]  }
0x20d: {  	v7 =	vld [tilespmem:$0x1C840];
	[tilespmem:s5+$0x50] =	vst v0  }
0x20e: {  	v6 =	vadd.f32 v2, v8;
	v2 =	vadd.f32 v1, v3;
	v0 =	vld [tilespmem:s16+$0x60]  }
.Ltmp7:
0x20f: {  	v3 =	vmul.f32 s13, v5;
	v1 =	vld [tilespmem:s17+$0x60];
	(pc) =	sbr.rel @p1 .LBB2_8-.Ltmp7, $4  }
0x210: {  	[tilespmem:s26+$0x10] =	vst v2;
	v2 =	vld [tilespmem:$0x1C860]  }
0x211: {  	v8 =	vadd.f32 v3, v6;
	v5 =	vld [tilespmem:s22+$0x20];
	v3 =	vadd.f32 v4, v9  }
0x212: {  	v6 =	vld [tilespmem:s28+$0x20];
	v4 =	vmul.f32 s10, v7  }
0x213: {  	s22 =	sadd.s32 $0x120, s22;
	[tilespmem:s26+$0xFFFFFF90] =	vst v8;
	v7 =	vld [tilespmem:$0x1C820]  }
0x214: {  	v8 =	vld [tilespmem:s12+$0xFFFFFF90]  }
0x215: {  	v17 =	vld [tilespmem:s9+$0xFFFFFF90]  }
0x216: {  	v9 =	vld [tilespmem:$0x1C820];
	_ =	sdelay $0x1  }
0x217: {  	v5 =	vadd.f32 v6, v5;
	v16 =	vmul.f32 s8, v7;
	_ =	sdelay $0x1  }
0x218: {  	v5 =	vadd.f32 v16, v5  }
0x219: {  	v7 =	vadd.f32 v17, v8;
	v19 =	vmul.f32 s13, v9  }
0x21a: {  	[tilespmem:s26+$0x20] =	vst v5  }
0x21b: {  	v7 =	vadd.f32 v19, v7;
	v5 =	vld [tilespmem:s12+$0x30]  }
0x21c: {  	v18 =	vld [tilespmem:s9+$0x30]  }
0x21d: {  	v20 =	vld [tilespmem:$0x1C830];
	[tilespmem:s26+$0xFFFFFFA0] =	vst v7  }
0x21e: {  	v7 =	vld [tilespmem:s12+$0xFFFFFFA0]  }
0x21f: {  	v22 =	vld [tilespmem:s9+$0xFFFFFFA0]  }
0x220: {  	v23 =	vld [tilespmem:$0x1C830];
	_ =	sdelay $0x1  }
0x221: {  	v5 =	vadd.f32 v18, v5;
	v21 =	vmul.f32 s8, v20;
	_ =	sdelay $0x1  }
0x222: {  	v5 =	vadd.f32 v21, v5  }
0x223: {  	v7 =	vadd.f32 v22, v7;
	v25 =	vmul.f32 s13, v23  }
0x224: {  	[tilespmem:s26+$0x30] =	vst v5  }
0x225: {  	v7 =	vadd.f32 v25, v7;
	v5 =	vld [tilespmem:s12+$0x40]  }
0x226: {  	v24 =	vld [tilespmem:s9+$0x40]  }
0x227: {  	v26 =	vld [tilespmem:$0x1C840];
	[tilespmem:s26+$0xFFFFFFB0] =	vst v7  }
0x228: {  	v7 =	vld [tilespmem:s12+$0xFFFFFFB0]  }
0x229: {  	v28 =	vld [tilespmem:s9+$0xFFFFFFB0]  }
0x22a: {  	v29 =	vld [tilespmem:$0x1C840]  }
0x22b: {  	v3 =	vadd.f32 v4, v3  }
0x22c: {  	v5 =	vadd.f32 v24, v5;
	v27 =	vmul.f32 s8, v26  }
0x22d: {  	[tilespmem:s5+$0xFFFFFFC0] =	vst v3  }
0x22e: {  	v34 =	vld [tilespmem:s16+$0xFFFFFFC0];
	v5 =	vadd.f32 v27, v5  }
0x22f: {  	v36 =	vld [tilespmem:s17+$0xFFFFFFC0];
	v31 =	vadd.f32 v28, v7;
	v32 =	vmul.f32 s13, v29  }
0x230: {  	v37 =	vld [tilespmem:$0x1C850];
	[tilespmem:s26+$0x40] =	vst v5  }
0x231: {  	v6 =	vadd.f32 v32, v31;
	v30 =	vld [tilespmem:s12+$0x50]  }
0x232: {  	v5 =	vld [tilespmem:s9+$0x50]  }
0x233: {  	v33 =	vld [tilespmem:$0x1C850];
	[tilespmem:s26+$0xFFFFFFC0] =	vst v6  }
0x234: {  	v38 =	vld [tilespmem:s12+$0xFFFFFFC0]  }
0x235: {  	v35 =	vmul.f32 s19, v2;
	v2 =	vadd.f32 v36, v34;
	v7 =	vmul.f32 s10, v37;
	v39 =	vld [tilespmem:s9+$0xFFFFFFC0]  }
0x236: {  	v40 =	vld [tilespmem:$0x1C850]  }
0x237: {  	v0 =	vadd.f32 v1, v0;
	v11 =	vld [tilespmem:s15+$0xFFFFFFE0];
	v2 =	vadd.f32 v7, v2  }
0x238: {  	v50 =	vld [tilespmem:s14+$0xFFFFFFE0];
	v4 =	vadd.f32 v5, v30;
	v3 =	vmul.f32 s8, v33  }
0x239: {  	v52 =	vld [tilespmem:$0x1C870];
	v0 =	vadd.f32 v35, v0;
	[tilespmem:s5+$0xFFFFFFD0] =	vst v2  }
0x23a: {  	v46 =	vld [tilespmem:s16+$0xFFFFFFD0];
	v3 =	vadd.f32 v3, v4  }
0x23b: {  	[tilespmem:s5+$0x60] =	vst v0;
	v47 =	vld [tilespmem:s17+$0xFFFFFFD0];
	v1 =	vadd.f32 v39, v38;
	v0 =	vmul.f32 s13, v40  }
0x23c: {  	v48 =	vld [tilespmem:$0x1C860];
	[tilespmem:s26+$0x50] =	vst v3  }
0x23d: {  	v0 =	vadd.f32 v0, v1;
	v3 =	vld [tilespmem:s12+$0x60]  }
0x23e: {  	v44 =	vld [tilespmem:s9+$0x60]  }
0x23f: {  	v45 =	vld [tilespmem:$0x1C860];
	[tilespmem:s26+$0xFFFFFFD0] =	vst v0  }
0x240: {  	v0 =	vld [tilespmem:s12+$0xFFFFFFD0]  }
0x241: {  	v51 =	vmul.f32 s10, v48;
	v1 =	vadd.f32 v47, v46;
	v49 =	vld [tilespmem:s9+$0xFFFFFFD0]  }
0x242: {  	v10 =	vld [tilespmem:$0x1C860]  }
0x243: {  	v41 =	vld [tilespmem:s16+$0x70];
	v1 =	vadd.f32 v51, v1  }
0x244: {  	v42 =	vld [tilespmem:s17+$0x70];
	v3 =	vadd.f32 v44, v3;
	v2 =	vmul.f32 s8, v45  }
0x245: {  	v43 =	vld [tilespmem:$0x1C870];
	[tilespmem:s5+$0xFFFFFFE0] =	vst v1  }
0x246: {  	v56 =	vld [tilespmem:s16+$0xFFFFFFE0];
	v2 =	vadd.f32 v2, v3  }
0x247: {  	v57 =	vld [tilespmem:s17+$0xFFFFFFE0];
	v0 =	vadd.f32 v49, v0;
	v54 =	vmul.f32 s13, v10  }
0x248: {  	v12 =	vld [tilespmem:$0x1C870];
	[tilespmem:s26+$0x60] =	vst v2  }
0x249: {  	v0 =	vadd.f32 v54, v0;
	v2 =	vld [tilespmem:s12+$0x70]  }
0x24a: {  	v53 =	vld [tilespmem:s9+$0x70]  }
0x24b: {  	v55 =	vld [tilespmem:$0x1C870];
	[tilespmem:s26+$0xFFFFFFE0] =	vst v0  }
0x24c: {  	v0 =	vld [tilespmem:s12+$0xFFFFFFE0]  }
0x24d: {  	v13 =	vld [tilespmem:s9+$0xFFFFFFE0]  }
0x24e: {  	v14 =	vld [tilespmem:$0x1C870]  }
0x24f: {  	v58 =	vmul.f32 s19, v43;
	v4 =	vadd.f32 v42, v41  }
0x250: {  	v59 =	vmul.f32 s18, v52;
	v3 =	vadd.f32 v50, v11  }
0x251: {  	v4 =	vadd.f32 v58, v4;
	v60 =	vadd.f32 v57, v56;
	v61 =	vmul.f32 s10, v12  }
0x252: {  	v3 =	vadd.f32 v59, v3;
	v2 =	vadd.f32 v53, v2;
	v1 =	vmul.f32 s8, v55  }
0x253: {  	[tilespmem:s5+$0x70] =	vst v4;
	v63 =	vadd.f32 v61, v60;
	v0 =	vadd.f32 v13, v0;
	v62 =	vmul.f32 s13, v14  }
.Ltmp8:
0x254: {  	s0 =	sadd.s32 s2, s0;
	[tilespmem:s11+$0xFFFFFFF0] =	vst v3;
	v1 =	vadd.f32 v1, v2;
	(pc) =	sbr.rel .LBB2_10-.Ltmp8, $4  }
0x255: {  	s0 =	sshll.u32 s0, $0xB;
	[tilespmem:s5+$0xFFFFFFF0] =	vst v63;
	v0 =	vadd.f32 v62, v0  }
0x256: {  	s0 =	sand.u32 $0x1FFFF800, s0;
	[tilespmem:s26+$0x70] =	vst v1  }
0x257: {  	s29 =	simm.s32 $0x18800;
	s0 =	sadd.s32 s6, s0;
	[tilespmem:s26+$0xFFFFFFF0] =	vst v0  }
0x258: {  	[hbm4b:s0+s1] =	stream.linear.scatter [tilespmem:s29], [sflag:$0x6], $0x4000, $0x38;
	[tilespmem:$0x1C880] =	vst v63  }
.LBB2_12:
0x259: {  	_ =	sfence.sel $0x180000  }
0x25a: {  	[bflag:$0x0] =	sbarrier.arrive $0xFFFF  }
0x25b: {  	_ =	strace $0x90000047  }
0x25c: {  	[bflag:$0x2] =	sbarrier.arrive $0xFFFF  }
0x25d: {  	s0 =	rddreg [dreg:$0x1]  }
0x25e: {  	s0 =	sadd.s32 @!p0 $0x100000, s0  }
0x25f: {  	[sflag:s0] =	ssyncadd.tile.s32 @!p0 $0x1;
	_ =	shalt  }
.Lfunc_end2:
_tile_overlayer_lowered:
.L_overlay_start_2:
0x260: {  	(tag) =	ssettag $0x2  }
0x261: {  	s0 =	rddreg [dreg:$0x0];
	s2 =	stileid.u32  }
0x262: {  	s1 =	rddreg [dreg:$0x1];
	p0 =	sne.s32 s2, $0x0  }
0x263: {  	s3 =	rddreg [dreg:$0x2];
	[bflag:$0x3] =	sbarrier.arrive $0xFFFF;
	s2 =	simm.s32 @!p0 $0x1C07  }
0x264: {  	[timem:s3], [sflag:s2] =	dma.local @!p0 [hbm:s0], s1  }
0x265: {  	s0 =	simm.s32 @!p0 $0x7  }
0x266: {  	_ =	swait.ge @!p0 [sflag:s0], s1  }
0x267: {  	s1 =	ssub.s32 @!p0 $0x0, s1;
	[sflag:s0] =	ssyncset.done @!p0 $0x0  }
0x268: {  	[sflag:s0] =	ssyncadd.s32 @!p0 s1  }
0x269: {  	[bflag:$0x3] =	sbarrier.arrive $0xFFFF  }
0x26a: {  	_ =	shalt  }

// kernel: kernel.19.cloned.1.call-start
scs
__scs_entry_jumppad:
0x0: {  	(pc) =	sbr.rel $0x88, $3  }
0x1: {  	(tag) =	ssettag $0x0;
	lr =	simm.s32 $0x1  }
0x2: {  	[smem:$0x3F94] =	sst lr;
	_ =	strace $0xD0000000  }
0x3: {  	_ = 	snop  }
0x4: {  	_ = 	snop  }
0x5: {  	_ = 	snop  }
0x6: {  	_ = 	snop  }
0x7: {  	_ = 	snop  }
__scs_overlays_trampoline_lowered:
0x8: {  	[smem:$0x3FA3] =	sst s0  }
0x9: {  	[smem:$0x3FA4] =	sst s1  }
0xa: {  	[smem:$0x3FA5] =	sst s2  }
0xb: {  	[smem:$0x3FA6] =	sst s3  }
0xc: {  	[smem:$0x3FA7] =	sst s4  }
0xd: {  	[smem:$0x3FA8] =	sst s5  }
0xe: {  	[smem:$0x3FA9] =	sst s6  }
0xf: {  	[smem:$0x3FAA] =	sst s7  }
0x10: {  	[smem:$0x3FAB] =	sst s8  }
0x11: {  	[smem:$0x3FAC] =	sst s9;
	s0 =	simm.s32 @!p0 $0x0  }
0x12: {  	s1 =	sld [smem:$0x3F92];
	s0 =	simm.s32 @p0 $0x1  }
0x13: {  	[smem:$0x3FAD] =	sst s0;
	s0 =	simm.s32 @!p1 $0x0  }
0x14: {  	s2 =	sld [smem:$0x3F91];
	s0 =	simm.s32 @p1 $0x1  }
0x15: {  	[smem:$0x3FAE] =	sst s0;
	s0 =	simm.s32 @!p2 $0x0  }
0x16: {  	s3 =	sld [smem:$0x3FDB];
	s0 =	simm.s32 @p2 $0x1  }
0x17: {  	s4 =	simm.s32 $0x1BF5;
	[smem:$0x3FB0] =	sst s0  }
0x18: {  	s0 =	sld [smem:$0x3F93];
	_ =	swait.ge [sflag:s4], $0x0  }
0x19: {  	s7 =	sld [smem:$0x3F94]  }
0x1a: {  	s8 =	sadd.s32 $0xFFFFE003, lr  }
0x1b: {  	s9 =	sadd.s32 $0xFFFFFEF7, lr;
	s5 =	simm.s32 $0xFFFFFFFF;
	p2 =	slt.u32 s8, $0xFFFFF086  }
0x1c: {  	p1 =	slt.u32 s9, $0xF7A;
	s5 =	simm.s32 @!p2 $0x0  }
0x1d: {  	s5 =	simm.s32 @p1 $0x1;
	p0 =	seq.s32 s7, s2  }
0x1e: {  	s7 =	smul.u32 @!p0 $0xF7A, s2;
	p2 =	seq.s32 @!p0 s5, $0x0  }
0x1f: {  	s9 =	smul.u32 $0xF7A, s1;
	s8 =	simm.s32 @!p0 $0x1BF5;
	p2 =	por !p2, p0  }
0x20: {  	[sflag:s8] =	ssyncset.s32 @!p0 $0xFFFFF086;
	s6 =	sadd.s32 @!p0 s3, s7;
	s7 =	simm.s32 @!p0 $0x108  }
0x21: {  	s3 =	sadd.s32 s3, s9;
	s6 =	sadd.s32 @!p0 $0x88, s6;
	s7 =	simm.s32 @p2 $0x1082  }
0x22: {  	[simem:s7], [sflag:s8] =	dma.local @!p0 [hbm:s6], $0xF7A  }
0x23: {  	s9 =	sor.u32 $0xD0000000, s2;
	s6 =	simm.s32 $0x108;
	_ =	swait.ge @!p0 [sflag:s8], $0x0  }
0x24: {  	s3 =	sadd.s32 $0x88, s3;
	s6 =	simm.s32 @!p1 $0x1082;
	[sflag:s4] =	ssyncset.s32 $0xFFFFF086  }
0x25: {  	[simem:s6], [sflag:s4] =	dma.local [hbm:s3], $0xF7A  }
0x26: {  	[smem:$0x3F94] =	sst s1;
	(tag) =	ssettag s2;
	_ =	strace s9  }
0x27: {  	s1 =	sld [smem:$0x3FA4]  }
0x28: {  	s2 =	sld [smem:$0x3FA5]  }
0x29: {  	s4 =	sld [smem:$0x3FA7]  }
0x2a: {  	p0 =	seq.s32 s5, $0x0;
	s5 =	sld [smem:$0x3FA8]  }
0x2b: {  	s6 =	sld [smem:$0x3FA9]  }
0x2c: {  	s7 =	sld [smem:$0x3FAA]  }
0x2d: {  	s3 =	simm.s32 $0x108;
	s8 =	sld [smem:$0x3FAB]  }
0x2e: {  	s3 =	simm.s32 @!p0 $0x1082;
	s9 =	sld [smem:$0x3FAC]  }
0x2f: {  	lr =	sadd.s32 s0, s3;
	s0 =	sld [smem:$0x3FA3]  }
0x30: {  	s3 =	sld [smem:$0x3FA6]  }
0x31: {  	[smem:$0x3FAF] =	sst s10  }
0x32: {  	s10 =	sld [smem:$0x3FAD];
	_ =	sdelay $0x3  }
0x33: {  	p0 =	seq.s32 s10, $0x1;
	s10 =	sld [smem:$0x3FAF];
	_ =	sdelay $0x3  }
0x34: {  	[smem:$0x3FAF] =	sst s10  }
0x35: {  	s10 =	sld [smem:$0x3FAE];
	_ =	sdelay $0x3  }
0x36: {  	p1 =	seq.s32 s10, $0x1;
	s10 =	sld [smem:$0x3FAF];
	_ =	sdelay $0x3  }
0x37: {  	[smem:$0x3FAF] =	sst s10  }
0x38: {  	s10 =	sld [smem:$0x3FB0]  }
0x39: {  	_ = 	snop;
	(pc) =	sbr.ind lr, $3  }
0x3a: {  	_ = 	snop  }
0x3b: {  	_ = 	snop  }
0x3c: {  	p2 =	seq.s32 s10, $0x1;
	s10 =	sld [smem:$0x3FAF]  }
0x3d: {  	_ =	shalt  }
0x3e: {  	_ =	shalt  }
0x3f: {  	_ =	shalt  }
0x40: {  	_ =	shalt  }
0x41: {  	_ =	shalt  }
0x42: {  	_ =	shalt  }
0x43: {  	_ =	shalt  }
0x44: {  	_ =	shalt  }
0x45: {  	_ =	shalt  }
0x46: {  	_ =	shalt  }
0x47: {  	_ =	shalt  }
0x48: {  	_ =	shalt  }
0x49: {  	_ =	shalt  }
0x4a: {  	_ =	shalt  }
0x4b: {  	_ =	shalt  }
0x4c: {  	_ =	shalt  }
0x4d: {  	_ =	shalt  }
0x4e: {  	_ =	shalt  }
0x4f: {  	_ =	shalt  }
0x50: {  	_ =	shalt  }
0x51: {  	_ =	shalt  }
0x52: {  	_ =	shalt  }
0x53: {  	_ =	shalt  }
0x54: {  	_ =	shalt  }
0x55: {  	_ =	shalt  }
0x56: {  	_ =	shalt  }
0x57: {  	_ =	shalt  }
0x58: {  	_ =	shalt  }
0x59: {  	_ =	shalt  }
0x5a: {  	_ =	shalt  }
0x5b: {  	_ =	shalt  }
0x5c: {  	_ =	shalt  }
0x5d: {  	_ =	shalt  }
0x5e: {  	_ =	shalt  }
0x5f: {  	_ =	shalt  }
0x60: {  	_ =	shalt  }
0x61: {  	_ =	shalt  }
0x62: {  	_ =	shalt  }
0x63: {  	_ =	shalt  }
0x64: {  	_ =	shalt  }
0x65: {  	_ =	shalt  }
0x66: {  	_ =	shalt  }
0x67: {  	_ =	shalt  }
0x68: {  	_ =	shalt  }
0x69: {  	_ =	shalt  }
0x6a: {  	_ =	shalt  }
0x6b: {  	_ =	shalt  }
0x6c: {  	_ =	shalt  }
0x6d: {  	_ =	shalt  }
0x6e: {  	_ =	shalt  }
0x6f: {  	_ =	shalt  }
0x70: {  	_ =	shalt  }
0x71: {  	_ =	shalt  }
0x72: {  	_ =	shalt  }
0x73: {  	_ =	shalt  }
0x74: {  	_ =	shalt  }
0x75: {  	_ =	shalt  }
0x76: {  	_ =	shalt  }
0x77: {  	_ =	shalt  }
0x78: {  	_ =	shalt  }
0x79: {  	_ =	shalt  }
0x7a: {  	_ =	shalt  }
0x7b: {  	_ =	shalt  }
0x7c: {  	_ =	shalt  }
0x7d: {  	_ =	shalt  }
0x7e: {  	_ =	shalt  }
0x7f: {  	_ =	shalt  }
0x80: {  	_ =	shalt  }
0x81: {  	_ =	shalt  }
0x82: {  	_ =	shalt  }
0x83: {  	_ =	shalt  }
0x84: {  	_ =	shalt  }
0x85: {  	_ =	shalt  }
0x86: {  	_ =	shalt  }
0x87: {  	_ =	shalt  }
.Lfunc_end0:
.L_simem_size_0:
called_computation.3_lowered:
.L_overlay_start_0:
0x88: {  	s2 =	sld [smem:$0x3FD9]  }
0x89: {  	s3 =	sld [smem:$0x3FFE];
	_ =	sdelay $0x1  }
0x8a: {  	s1 =	srdreg.scid  }
0x8b: {  	s0 =	sand.u32 $0x1, s1  }
0x8c: {  	s17 =	sshll.u32 s0, $0xA;
	s2 =	sadd.s32 s3, s2  }
0x8d: {  	s2 =	sadd.s32 s2, s17  }
0x8e: {  	[smem:$0x3FBB] =	sst s2  }
0x8f: {  	_ = 	snop  }
0x90: {  	(tm) =	ssettm $0x1  }
0x91: {  	s18 =	sld [smem:$0x3FFB];
	_ =	sdelay $0x3  }
0x92: {  	_ =	strace s18  }
0x93: {  	s2 =	sld [smem:$0x3FFC];
	_ =	sdelay $0x3  }
0x94: {  	_ =	strace s2  }
0x95: {  	s2 =	sld [smem:$0x3FFD];
	_ =	sdelay $0x3  }
0x96: {  	_ =	strace s2  }
0x97: {  	_ =	strace $0x8FFFFFFF  }
0x98: {  	s19 =	sld [smem:$0x3FDB];
	_ =	sdelay $0x1  }
0x99: {  	s20 =	simm.s32 $_scs_section_size  }
0x9a: {  	s4 =	simm.s32 $_size__tile_overlayer_lowered;
	s5 =	simm.s32 $_tile_overlayer_lowered  }
0x9b: {  	s6 =	simm.s32 $0x1BFF;
	s21 =	sshll.u32 s5, $0x1;
	s3 =	sadd.s32 s20, s19  }
0x9c: {  	s22 =	simm.s32 $0x0;
	s4 =	sshll.u32 s4, $0x1;
	s5 =	sadd.s32 s21, s3  }
0x9d: {  	[timem:s22], [sflag:s6] =	dma.local [hbm:s5], s4  }
0x9e: {  	_ =	swait.ge [sflag:s6], s4  }
0x9f: {  	s4 =	ssub.s32 $0x0, s4;
	[sflag:s6] =	ssyncset.done $0x0  }
0xa0: {  	[sflag:s6] =	ssyncadd.s32 s4;
	_ =	sdelay $0x1  }
0xa1: {  	s23 =	simm.s32 $0x1B8B  }
0xa2: {  	_ =	swait.ge [sflag:s23], $0x1  }
0xa3: {  	[sflag:s23] =	ssyncset.done $0x0  }
0xa4: {  	[sflag:s23] =	ssyncadd.s32 $0xFFFFFFFF  }
0xa5: {  	s4 =	sld [smem:$0x0]  }
0xa6: {  	s5 =	sand.u32 $0xFFFFFFFE, s1  }
0xa7: {  	p0 =	sne.s32 s1, s5  }
0xa8: {  	s5 =	sshll.u32 @p0 s5, $0xE  }
0xa9: {  	s5 =	sadd.s32 @p0 $0x11B8D, s5;
	s6 =	sshll.u32 @p0 s4, $0x11  }
0xaa: {  	s5 =	sor.u32 @p0 s6, s5  }
0xab: {  	[sflag:s5] =	ssyncadd.remote.s32 @p0 $0x1;
	_ =	sdelay $0x1  }
0xac: {  	s5 =	simm.s32 @p0 $0x1B8D  }
0xad: {  	_ =	swait.eq @p0 [sflag:s5], $0x1  }
0xae: {  	[sflag:s5] =	ssyncadd.s32 @p0 $0xFFFFFFFF  }
0xaf: {  	s6 =	sshll.u32 @!p0 s1, $0xE  }
0xb0: {  	s6 =	sor.u32 @!p0 $0x4000, s6;
	s5 =	simm.s32 @!p0 $0x1B8D  }
0xb1: {  	s4 =	sshll.u32 @!p0 s4, $0x11;
	s6 =	sadd.s32 @!p0 $0x11B8D, s6;
	_ =	swait.eq @!p0 [sflag:s5], $0x1  }
0xb2: {  	s4 =	sor.u32 @!p0 s4, s6;
	[sflag:s5] =	ssyncadd.s32 @!p0 $0xFFFFFFFF  }
0xb3: {  	s25 =	simm.s32 $0x1B8E;
	s24 =	sld [smem:$0x3FFE];
	[sflag:s4] =	ssyncadd.remote.s32 @!p0 $0x1  }
0xb4: {  	s26 =	simm.s32 $execute0_lowered;
	[smem:$0x3FD2] =	sst s25  }
0xb5: {  	s5 =	sshll.u32 s26, $0x1;
	_ =	strace $0x8000004C;
	[dreg:$0x1] =	wrdreg $0xFFFFFFFF  }
0xb6: {  	s28 =	simm.s32 $_size_execute0_lowered;
	s3 =	sadd.s32 s3, s5;
	[dreg:$0x0] =	wrdreg $0x0  }
0xb7: {  	s5 =	sshll.u32 s28, $0x1;
	[dreg:$0x2] =	wrdreg s3  }
0xb8: {  	[dreg:$0x3] =	wrdreg s5  }
0xb9: {  	[dreg:$0x4] =	wrdreg $0xC0  }
0xba: {  	_ =	task [dreg:s22], $0x5FFFF  }
0xbb: {  	[dreg:$0x1] =	wrdreg $0xFFFFFFFF  }
0xbc: {  	[dreg:$0x0] =	wrdreg $0x60  }
0xbd: {  	[dreg:$0x2] =	wrdreg s24  }
0xbe: {  	[dreg:$0x3] =	wrdreg $0x94000  }
0xbf: {  	[dreg:$0x4] =	wrdreg $0xA  }
0xc0: {  	_ =	task.clear_ibuf [dreg:s22], $0x5FFFF;
	_ =	strace $0x9000004C  }
0xc1: {  	s29 =	simm.s32 $0xA;
	_ =	strace $0x8000004E  }
0xc2: {  	_ =	swait.ge [sflag:s29], $0x1  }
0xc3: {  	[sflag:s29] =	ssyncadd.s32 $0xFFFFFFFF  }
0xc4: {  	_ =	strace $0x9000004E  }
0xc5: {  	_ =	sfence  }
0xc6: {  	s30 =	sld [smem:$0x0];
	_ =	sdelay $0x2  }
0xc7: {  	s31 =	sshll.u32 s1, $0xD;
	s1 =	sshrl.u32 s1, $0x2  }
0xc8: {  	s4 =	sand.u32 $0x4000, s31;
	s1 =	sadd.s32 s1, s30  }
0xc9: {  	s0 =	sor.u32 s4, s0;
	s1 =	sshll.u32 s1, $0x11  }
0xca: {  	s0 =	sor.u32 s1, s0  }
0xcb: {  	s0 =	sadd.s32 $0x8F2B, s0  }
0xcc: {  	[sflag:s0] =	ssyncadd.remote.s32 $0x1  }
0xcd: {  	_ =	sfence.sel $0xFFFF  }
0xce: {  	[dreg:$0x0] =	wrdreg $0xFFFFFFFF;
	(pc) =	sbr.abs _section_cstart, $3  }
0xcf: {  	[dreg:$0x1] =	wrdreg $0xFFFFFFFF  }
0xd0: {  	_ =	task.clear_ibuf [dreg:s22], $0x2FFFF;
	_ =	strace $0x9FFFFFFF  }
0xd1: {  	(tm) =	ssettm $0x7FFFFFFF  }
tec
execute0_lowered:
.L_overlay_start_1:
0x0: {  	(tag) =	ssettag $0x1  }
0x1: {  	s1 =	srdreg.scid  }
0x2: {  	s0 =	stileid.u32;
	s3 =	rddreg [dreg:$0x0];
	s2 =	simm.s32 $0x0  }
0x3: {  	s28 =	simm.s32 $0x4;
	s10 =	sand.u32 $0x1, s1;
	s1 =	rddreg [dreg:$0x1]  }
0x4: {  	s29 =	simm.s32 $0x0;
	s16 =	sshll.u32 s0, $0x1;
	[smem:$0x7FF] =	sst s2  }
0x5: {  	s13 =	sadd.s32 $0x55EA00, s3;
	s14 =	sadd.s32 $0x7CA00, s3;
	s9 =	smul.u32 $0x13880, s0  }
0x6: {  	p0 =	seq.s32 s0, $0x0;
	s23 =	smul.u32 $0x4E, s0;
	s4 =	sor.u32 s10, s16  }
0x7: {  	_ =	strace $0x8000004D;
	s18 =	ssub.s32 $0x2, s10;
	s5 =	smul.u32 $0x27, s4  }
0x8: {  	s11 =	smin.u32 s4, $0x2;
	s19 =	sshrl.u32 s18, $0x1;
	s16 =	sadd.s32 $0x3E80, s9  }
0x9: {  	s21 =	sadd.s32 $0xFA00, s9;
	s15 =	ssub.s32 s18, s19;
	s18 =	smul.u32 $0x138800, s10  }
0xa: {  	s6 =	sadd.s32 s16, s1;
	s19 =	sadd.s32 $0xBB80, s9;
	s10 =	smul.u32 $0x27, s10  }
0xb: {  	s12 =	sadd.s32 s11, s5;
	s5 =	sadd.s32 s9, s1;
	s8 =	sadd.s32 s19, s1  }
0xc: {  	s30 =	smax.u32 s15, $0x1;
	s17 =	sshll.u32 s12, $0x4;
	s20 =	sadd.s32 s9, s18  }
0xd: {  	s16 =	sadd.s32 s18, s16;
	s22 =	sadd.s32 s18, s19;
	s25 =	sadd.s32 s18, s21  }
0xe: {  	s12 =	sshll.u32 s12, $0xB;
	s10 =	sadd.s32 s10, s23;
	[dreg:$0x8] =	wrdreg s30  }
0xf: {  	s23 =	simm.s32 $0x1;
	s4 =	sadd.s32 s17, s3;
	s3 =	simm.s32 $0x28  }
0x10: {  	s17 =	sadd.s32 $0x7D00, s9;
	s20 =	sshrl.u32 s20, $0x3;
	s16 =	sshrl.u32 s16, $0x3  }
0x11: {  	s9 =	sadd.s32 s21, s1;
	s26 =	sadd.s32 $0x800, s12;
	s10 =	sadd.s32 s11, s10  }
0x12: {  	s12 =	sadd.s32 s13, s12;
	s21 =	simm.s32 $0x5;
	s3 =	simm.s32 @!p0 $0x27  }
0x13: {  	s4 =	sadd.s32 $0x2E800, s4;
	s7 =	sadd.s32 s17, s1;
	s20 =	sadd.s32 s14, s20  }
0x14: {  	s16 =	sadd.s32 s14, s16;
	s31 =	sand.u32 $0x1FFFF800, s26;
	[dreg:$0x9] =	wrdreg s12  }
0x15: {  	s10 =	sshll.u32 s10, $0xB;
	p0 =	sne.s32 s0, $0x0;
	[dreg:$0x3] =	wrdreg s20  }
0x16: {  	s26 =	simm.s32 $0x3;
	[dreg:$0x4] =	wrdreg s16;
	s20 =	sadd.s32 s18, s17  }
0x17: {  	s17 =	sshrl.u32 s22, $0x3;
	s11 =	sadd.s32 s13, s31;
	s10 =	sadd.s32 s10, s13  }
0x18: {  	s22 =	simm.s32 $0x5400;
	s16 =	sshrl.u32 s20, $0x3;
	s24 =	sadd.s32 s14, s17  }
0x19: {  	[dreg:$0xa] =	wrdreg s11;
	s18 =	sadd.s32 $0x1000, s10;
	s16 =	sadd.s32 s14, s16  }
0x1a: {  	s19 =	sadd.s32 $0x1800, s10;
	[dreg:$0x5] =	wrdreg s16;
	s16 =	sshrl.u32 s25, $0x3  }
0x1b: {  	s20 =	simm.s32 $0x1400;
	[dreg:$0x6] =	wrdreg s24;
	s14 =	sadd.s32 s14, s16  }
0x1c: {  	v0 =	vimm.f32 $0.0e+00;
	s24 =	simm.s32 $0x80;
	s25 =	simm.s32 $0x2;
	[dreg:$0x7] =	wrdreg s14  }
.LBB2_1:
0x1d: {  	s0 =	simm.s32 @p0 $0x0  }
0x1e: {  	[tilespmem:s0], [sflag:$0x5] =	stream.linear.gather @p0 [hbm4b:s4+s0], $0x1380, $0x38;
	[tilespmem:$0x1CC80] =	vst v63  }
0x1f: {  	s0 =	simm.s32 @p0 $0x5  }
0x20: {  	_ =	swait.ge @p0 [sflag:s0], $0x1380  }
0x21: {  	[sflag:s0] =	ssyncset.done @p0 $0x0  }
0x22: {  	[sflag:s0] =	ssyncadd.s32 @p0 $0xFFFFEC80;
	s0 =	simm.s32 @!p0 $0x0  }
0x23: {  	[tilespmem:s0], [sflag:$0x5] =	stream.linear.gather @!p0 [hbm4b:s4+s0], $0x1400, $0x38;
	[tilespmem:$0x1CC80] =	vst v63  }
0x24: {  	s0 =	simm.s32 @!p0 $0x5  }
0x25: {  	_ =	swait.ge @!p0 [sflag:s0], $0x1400  }
0x26: {  	[sflag:s0] =	ssyncset.done @!p0 $0x0  }
0x27: {  	s10 =	simm.s32 $0x200;
	[sflag:s0] =	ssyncadd.s32 @!p0 $0xFFFFEC00;
	s0 =	simm.s32 $0x0  }
.LBB2_2:
0x28: {  	p1 =	sne.s32 s10, $0xF800;
	[tilespmem:s0+$0x1470] =	vst v0  }
0x29: {  	[tilespmem:s0+$0x1400] =	vst v0  }
0x2a: {  	[tilespmem:s0+$0x1410] =	vst v0  }
.Ltmp0:
0x2b: {  	[tilespmem:s0+$0x1420] =	vst v0;
	(pc) =	sbr.rel @p1 .LBB2_2-.Ltmp0, $4  }
0x2c: {  	[tilespmem:s0+$0x1430] =	vst v0  }
0x2d: {  	[tilespmem:s0+$0x1440] =	vst v0  }
0x2e: {  	[tilespmem:s0+$0x1450] =	vst v0  }
0x2f: {  	[tilespmem:s0+$0x1460] =	vst v0;
	s0 =	sshra.s32 s10, $0x2;
	s10 =	sadd.s32 $0x200, s10  }
0x30: {  	[tilespmem:s0+$0x1470] =	vst v0  }
0x31: {  	[tilespmem:s0+$0x1400] =	vst v0  }
0x32: {  	[tilespmem:s0+$0x1410] =	vst v0  }
0x33: {  	[tilespmem:s0+$0x1420] =	vst v0  }
0x34: {  	[tilespmem:s0+$0x1430] =	vst v0  }
0x35: {  	[tilespmem:s0+$0x1440] =	vst v0  }
0x36: {  	[tilespmem:s0+$0x1450] =	vst v0  }
0x37: {  	[tilespmem:s0+$0x1460] =	vst v0  }
0x38: {  	[spmem:s5] =	stream.linear.scatter [tilespmem:s20], [sflag:$0x5], $0x3E80, $0x38;
	[tilespmem:$0x1CC80] =	vst v63  }
0x39: {  	_ =	swait.ge [sflag:s21], $0x3E80  }
0x3a: {  	[sflag:s21] =	ssyncset.done $0x0  }
0x3b: {  	[sflag:s21] =	ssyncadd.s32 $0xFFFFC180  }
0x3c: {  	[spmem:s6] =	stream.linear.scatter [tilespmem:s20], [sflag:$0x5], $0x3E80, $0x38;
	[tilespmem:$0x1CC80] =	vst v63  }
0x3d: {  	_ =	swait.ge [sflag:s21], $0x3E80  }
0x3e: {  	[sflag:s21] =	ssyncset.done $0x0  }
0x3f: {  	[sflag:s21] =	ssyncadd.s32 $0xFFFFC180  }
0x40: {  	[spmem:s7] =	stream.linear.scatter [tilespmem:s20], [sflag:$0x5], $0x3E80, $0x38;
	[tilespmem:$0x1CC80] =	vst v63  }
0x41: {  	_ =	swait.ge [sflag:s21], $0x3E80  }
0x42: {  	[sflag:s21] =	ssyncset.done $0x0  }
0x43: {  	[sflag:s21] =	ssyncadd.s32 $0xFFFFC180  }
0x44: {  	[spmem:s8] =	stream.linear.scatter [tilespmem:s20], [sflag:$0x5], $0x3E80, $0x38;
	[tilespmem:$0x1CC80] =	vst v63  }
0x45: {  	_ =	swait.ge [sflag:s21], $0x3E80  }
0x46: {  	[sflag:s21] =	ssyncset.done $0x0  }
0x47: {  	[sflag:s21] =	ssyncadd.s32 $0xFFFFC180  }
0x48: {  	[spmem:s9] =	stream.linear.scatter [tilespmem:s20], [sflag:$0x5], $0x3E80, $0x38;
	[tilespmem:$0x1CC80] =	vst v63  }
0x49: {  	_ =	swait.ge [sflag:s21], $0x3E80  }
0x4a: {  	[sflag:s21] =	ssyncset.done $0x0  }
0x4b: {  	[sflag:s21] =	ssyncadd.s32 $0xFFFFC180  }
0x4c: {  	[bflag:$0x0] =	sbarrier.arrive $0xFFFF  }
0x4d: {  	s16 =	rddreg [dreg:$0x9]  }
0x4e: {  	[tilespmem:s20], [sflag:$0x1] =	stream.linear.gather [hbm4b:s16+s2], $0x4000, $0x38;
	[tilespmem:$0x1CC80] =	vst v63  }
0x4f: {  	s17 =	rddreg [dreg:$0xa]  }
0x50: {  	[tilespmem:s22], [sflag:$0x2] =	stream.linear.gather [hbm4b:s17+s2], $0x4000, $0x38;
	[tilespmem:$0x1CC80] =	vst v63  }
0x51: {  	_ =	swait.ge [sflag:s23], $0x4000  }
0x52: {  	[sflag:s23] =	ssyncset.done $0x0  }
0x53: {  	[sflag:s23] =	ssyncadd.s32 $0xFFFFC000  }
0x54: {  	[spmem:s1] =	stream.indirect.scatter.add.f32 [tilespmem:s20], [sflag:$0x3], $0x80, s2, s24, $0xb8;
	[tilespmem:$0x1CC80] =	vst v63  }
0x55: {  	_ =	swait.ge [sflag:s25], $0x4000  }
0x56: {  	p2 =	sle.u32 s3, $0x2;
	[sflag:s25] =	ssyncset.done $0x0  }
0x57: {  	s0 =	simm.s32 @!p2 $0x3;
	[sflag:s25] =	ssyncadd.s32 $0xFFFFC000  }
0x58: {  	[spmem:s1] =	stream.indirect.scatter.add.f32 [tilespmem:s22], [sflag:$0x4], $0x80, s24, s24, $0xb8;
	[tilespmem:$0x1CC80] =	vst v63  }
0x59: {  	_ =	swait.ge @!p2 [sflag:s0], $0x4000  }
0x5a: {  	p1 =	sle.u32 s3, $0x3;
	s14 =	simm.s32 @!p2 $0x1400;
	[sflag:s0] =	ssyncset.done @!p2 $0x0  }
0x5b: {  	s10 =	simm.s32 @!p1 $0x4;
	[sflag:s0] =	ssyncadd.s32 @!p2 $0xFFFFC000;
	s0 =	simm.s32 @!p2 $0x0  }
0x5c: {  	[tilespmem:s14], [sflag:$0x1] =	stream.linear.gather @!p2 [hbm4b:s18+s0], $0x4000, $0x38;
	[tilespmem:$0x1CC80] =	vst v63  }
0x5d: {  	_ =	swait.ge @!p1 [sflag:s10], $0x4000  }
0x5e: {  	s15 =	simm.s32 $0x100;
	s12 =	simm.s32 @!p1 $0x5400;
	[sflag:s10] =	ssyncset.done @!p1 $0x0  }
0x5f: {  	s13 =	simm.s32 @!p2 $0x1;
	s0 =	simm.s32 @!p1 $0x0;
	[sflag:s10] =	ssyncadd.s32 @!p1 $0xFFFFC000  }
0x60: {  	[tilespmem:s12], [sflag:$0x2] =	stream.linear.gather @!p1 [hbm4b:s19+s0], $0x4000, $0x38;
	[tilespmem:$0x1CC80] =	vst v63  }
0x61: {  	s11 =	simm.s32 $0x5;
	s31 =	sadd.s32 $0x1000, s19;
	_ =	swait.ge @!p2 [sflag:s13], $0x4000  }
0x62: {  	s30 =	simm.s32 @!p2 $0x80;
	s10 =	simm.s32 $0x7;
	[sflag:s13] =	ssyncset.done @!p2 $0x0  }
0x63: {  	s0 =	sadd.s32 $0x1000, s18;
	[sflag:s13] =	ssyncadd.s32 @!p2 $0xFFFFC000;
	s13 =	simm.s32 @!p1 $0x2  }
0x64: {  	[spmem:s1] =	stream.indirect.scatter.add.f32 @!p2 [tilespmem:s14], [sflag:$0x3], $0x80, s15, s30, $0xb8;
	[tilespmem:$0x1CC80] =	vst v63  }
0x65: {  	s30 =	simm.s32 $0x200;
	s14 =	simm.s32 @!p1 $0x80;
	_ =	swait.ge @!p1 [sflag:s13], $0x4000  }
0x66: {  	p2 =	sle.u32 s3, $0x4;
	s15 =	simm.s32 @!p1 $0x180;
	[sflag:s13] =	ssyncset.done @!p1 $0x0  }
.LBB2_4:
0x67: {  	s16 =	simm.s32 @!p2 $0x3;
	[sflag:s13] =	ssyncadd.s32 @!p1 $0xFFFFC000  }
0x68: {  	s13 =	smov.u32 s10;
	s10 =	sadd.s32 $0x2, s10;
	s17 =	smov.u32 s30  }
0x69: {  	[spmem:s1] =	stream.indirect.scatter.add.f32 @!p1 [tilespmem:s12], [sflag:$0x4], $0x80, s15, s14, $0xb8;
	[tilespmem:$0x1CC80] =	vst v63  }
0x6a: {  	p3 =	sne.s32 s10, $0x29;
	_ =	swait.ge @!p2 [sflag:s16], $0x4000  }
0x6b: {  	s14 =	simm.s32 @!p2 $0x1400;
	p1 =	sge.u32 s11, s3;
	[sflag:s16] =	ssyncset.done @!p2 $0x0  }
0x6c: {  	s11 =	simm.s32 @!p2 $0x0;
	s15 =	simm.s32 @!p1 $0x4;
	[sflag:s16] =	ssyncadd.s32 @!p2 $0xFFFFC000  }
0x6d: {  	[tilespmem:s14], [sflag:$0x1] =	stream.linear.gather @!p2 [hbm4b:s0+s11], $0x4000, $0x38;
	[tilespmem:$0x1CC80] =	vst v63  }
0x6e: {  	s11 =	smov.u32 s13;
	_ =	swait.ge @!p1 [sflag:s15], $0x4000  }
0x6f: {  	s12 =	simm.s32 @!p1 $0x5400;
	[sflag:s15] =	ssyncset.done @!p1 $0x0  }
0x70: {  	s13 =	simm.s32 @!p1 $0x0;
	[sflag:s15] =	ssyncadd.s32 @!p1 $0xFFFFC000;
	s15 =	simm.s32 @!p2 $0x1  }
0x71: {  	[tilespmem:s12], [sflag:$0x2] =	stream.linear.gather @!p1 [hbm4b:s31+s13], $0x4000, $0x38;
	[tilespmem:$0x1CC80] =	vst v63  }
0x72: {  	s0 =	sadd.s32 $0x1000, s0;
	s31 =	sadd.s32 $0x1000, s31;
	_ =	swait.ge @!p2 [sflag:s15], $0x4000  }
.Ltmp1:
0x73: {  	s30 =	sadd.s32 $0x100, s30;
	[sflag:s15] =	ssyncset.done @!p2 $0x0;
	(pc) =	sbr.rel @p3 .LBB2_4-.Ltmp1, $4  }
0x74: {  	s13 =	simm.s32 @!p1 $0x2;
	[sflag:s15] =	ssyncadd.s32 @!p2 $0xFFFFC000;
	s15 =	simm.s32 @!p2 $0x80  }
0x75: {  	[spmem:s1] =	stream.indirect.scatter.add.f32 @!p2 [tilespmem:s14], [sflag:$0x3], $0x80, s17, s15, $0xb8;
	[tilespmem:$0x1CC80] =	vst v63  }
0x76: {  	s15 =	sadd.s32 $0xFFFFFFFF, s11;
	s14 =	simm.s32 @!p1 $0x80;
	_ =	swait.ge @!p1 [sflag:s13], $0x4000  }
0x77: {  	p2 =	sge.u32 s15, s3;
	s15 =	sadd.s32 @!p1 $0x80, s17;
	[sflag:s13] =	ssyncset.done @!p1 $0x0  }
0x78: {  	[sflag:s13] =	ssyncadd.s32 @!p1 $0xFFFFC000;
	s10 =	simm.s32 @!p2 $0x3  }
0x79: {  	[spmem:s1] =	stream.indirect.scatter.add.f32 @!p1 [tilespmem:s12], [sflag:$0x4], $0x80, s15, s14, $0xb8;
	[tilespmem:$0x1CC80] =	vst v63  }
0x7a: {  	_ =	swait.ge @!p2 [sflag:s10], $0x4000  }
0x7b: {  	p1 =	sge.u32 s11, s3;
	[sflag:s10] =	ssyncset.done @!p2 $0x0  }
0x7c: {  	s11 =	simm.s32 @!p2 $0x1400;
	[sflag:s10] =	ssyncadd.s32 @!p2 $0xFFFFC000;
	s10 =	simm.s32 @!p2 $0x0  }
0x7d: {  	[tilespmem:s11], [sflag:$0x1] =	stream.linear.gather @!p2 [hbm4b:s0+s10], $0x4000, $0x38;
	[tilespmem:$0x1CC80] =	vst v63  }
0x7e: {  	s0 =	simm.s32 @!p1 $0x4  }
0x7f: {  	_ =	swait.ge @!p1 [sflag:s0], $0x4000  }
0x80: {  	[sflag:s0] =	ssyncset.done @!p1 $0x0  }
0x81: {  	s10 =	simm.s32 @!p1 $0x5400;
	[sflag:s0] =	ssyncadd.s32 @!p1 $0xFFFFC000;
	s0 =	simm.s32 @!p1 $0x0  }
0x82: {  	[tilespmem:s10], [sflag:$0x2] =	stream.linear.gather @!p1 [hbm4b:s31+s0], $0x4000, $0x38;
	[tilespmem:$0x1CC80] =	vst v63  }
0x83: {  	s0 =	simm.s32 @!p2 $0x1  }
0x84: {  	_ =	swait.ge @!p2 [sflag:s0], $0x4000  }
0x85: {  	[sflag:s0] =	ssyncset.done @!p2 $0x0  }
0x86: {  	[sflag:s0] =	ssyncadd.s32 @!p2 $0xFFFFC000;
	s0 =	simm.s32 @!p2 $0x80  }
0x87: {  	[spmem:s1] =	stream.indirect.scatter.add.f32 @!p2 [tilespmem:s11], [sflag:$0x3], $0x80, s30, s0, $0xb8;
	[tilespmem:$0x1CC80] =	vst v63  }
0x88: {  	s0 =	simm.s32 @!p1 $0x2  }
0x89: {  	_ =	swait.ge @!p1 [sflag:s0], $0x4000  }
0x8a: {  	[sflag:s0] =	ssyncset.done @!p1 $0x0  }
0x8b: {  	s11 =	sadd.s32 @!p1 $0x80, s30;
	[sflag:s0] =	ssyncadd.s32 @!p1 $0xFFFFC000;
	s0 =	simm.s32 @!p1 $0x80  }
0x8c: {  	[spmem:s1] =	stream.indirect.scatter.add.f32 @!p1 [tilespmem:s10], [sflag:$0x4], $0x80, s11, s0, $0xb8;
	[tilespmem:$0x1CC80] =	vst v63  }
0x8d: {  	_ =	swait.ge [sflag:s26], $0x4000  }
0x8e: {  	[sflag:s26] =	ssyncset.done $0x0  }
0x8f: {  	[sflag:s26] =	ssyncadd.s32 $0xFFFFC000  }
0x90: {  	_ =	swait.ge [sflag:s28], $0x4000  }
0x91: {  	[sflag:s28] =	ssyncset.done $0x0  }
0x92: {  	[sflag:s28] =	ssyncadd.s32 $0xFFFFC000  }
0x93: {  	[bflag:$0x0] =	sbarrier.arrive $0xFFFF  }
0x94: {  	[tilespmem:s20], [sflag:$0x5] =	stream.linear.gather [spmem:s5], $0x3E80, $0x38;
	[tilespmem:$0x1CC80] =	vst v63  }
0x95: {  	_ =	swait.ge [sflag:s21], $0x3E80  }
0x96: {  	[sflag:s21] =	ssyncset.done $0x0  }
0x97: {  	s14 =	rddreg [dreg:$0x3];
	[sflag:s21] =	ssyncadd.s32 $0xFFFFC180  }
0x98: {  	[hbm4b:s14+s2] =	stream.linear.scatter [tilespmem:s20], [sflag:$0x5], $0x3E80, $0x38;
	[tilespmem:$0x1CC80] =	vst v63  }
0x99: {  	_ =	swait.ge [sflag:s21], $0x3E80  }
0x9a: {  	[sflag:s21] =	ssyncset.done $0x0  }
0x9b: {  	[sflag:s21] =	ssyncadd.s32 $0xFFFFC180  }
0x9c: {  	[tilespmem:s20], [sflag:$0x5] =	stream.linear.gather [spmem:s6], $0x3E80, $0x38;
	[tilespmem:$0x1CC80] =	vst v63  }
0x9d: {  	_ =	swait.ge [sflag:s21], $0x3E80  }
0x9e: {  	[sflag:s21] =	ssyncset.done $0x0  }
0x9f: {  	s15 =	rddreg [dreg:$0x4];
	[sflag:s21] =	ssyncadd.s32 $0xFFFFC180  }
0xa0: {  	[hbm4b:s15+s2] =	stream.linear.scatter [tilespmem:s20], [sflag:$0x5], $0x3E80, $0x38;
	[tilespmem:$0x1CC80] =	vst v63  }
0xa1: {  	_ =	swait.ge [sflag:s21], $0x3E80  }
0xa2: {  	[sflag:s21] =	ssyncset.done $0x0  }
0xa3: {  	[sflag:s21] =	ssyncadd.s32 $0xFFFFC180  }
0xa4: {  	[tilespmem:s20], [sflag:$0x5] =	stream.linear.gather [spmem:s7], $0x3E80, $0x38;
	[tilespmem:$0x1CC80] =	vst v63  }
0xa5: {  	_ =	swait.ge [sflag:s21], $0x3E80  }
0xa6: {  	[sflag:s21] =	ssyncset.done $0x0  }
0xa7: {  	s16 =	rddreg [dreg:$0x5];
	[sflag:s21] =	ssyncadd.s32 $0xFFFFC180  }
0xa8: {  	[hbm4b:s16+s2] =	stream.linear.scatter [tilespmem:s20], [sflag:$0x5], $0x3E80, $0x38;
	[tilespmem:$0x1CC80] =	vst v63  }
0xa9: {  	_ =	swait.ge [sflag:s21], $0x3E80  }
0xaa: {  	[sflag:s21] =	ssyncset.done $0x0  }
0xab: {  	[sflag:s21] =	ssyncadd.s32 $0xFFFFC180  }
0xac: {  	[tilespmem:s20], [sflag:$0x5] =	stream.linear.gather [spmem:s8], $0x3E80, $0x38;
	[tilespmem:$0x1CC80] =	vst v63  }
0xad: {  	_ =	swait.ge [sflag:s21], $0x3E80  }
0xae: {  	[sflag:s21] =	ssyncset.done $0x0  }
0xaf: {  	s17 =	rddreg [dreg:$0x6];
	[sflag:s21] =	ssyncadd.s32 $0xFFFFC180  }
0xb0: {  	[hbm4b:s17+s2] =	stream.linear.scatter [tilespmem:s20], [sflag:$0x5], $0x3E80, $0x38;
	[tilespmem:$0x1CC80] =	vst v63  }
0xb1: {  	_ =	swait.ge [sflag:s21], $0x3E80  }
0xb2: {  	[sflag:s21] =	ssyncset.done $0x0  }
0xb3: {  	[sflag:s21] =	ssyncadd.s32 $0xFFFFC180  }
0xb4: {  	[tilespmem:s20], [sflag:$0x5] =	stream.linear.gather [spmem:s9], $0x3E80, $0x38;
	[tilespmem:$0x1CC80] =	vst v63  }
0xb5: {  	_ =	swait.ge [sflag:s21], $0x3E80  }
0xb6: {  	[sflag:s21] =	ssyncset.done $0x0  }
0xb7: {  	s30 =	rddreg [dreg:$0x7];
	[sflag:s21] =	ssyncadd.s32 $0xFFFFC180  }
0xb8: {  	[hbm4b:s30+s2] =	stream.linear.scatter [tilespmem:s20], [sflag:$0x5], $0x3E80, $0x38;
	[tilespmem:$0x1CC80] =	vst v63  }
0xb9: {  	_ =	swait.ge [sflag:s21], $0x3E80  }
0xba: {  	s29 =	sadd.s32 $0x1, s29;
	s31 =	rddreg [dreg:$0x8]  }
0xbb: {  	p1 =	sne.s32 s29, s31  }
.Ltmp2:
0xbc: {  	_ = 	snop;
	(pc) =	sbr.rel @p1 .LBB2_1-.Ltmp2, $3  }
0xbd: {  	_ =	sdelay $0x1  }
0xbe: {  	[sflag:s21] =	ssyncset.done $0x0  }
0xbf: {  	[sflag:s21] =	ssyncadd.s32 $0xFFFFC180  }
0xc0: {  	_ =	sfence.sel $0x180000  }
0xc1: {  	[bflag:$0x0] =	sbarrier.arrive $0xFFFF  }
0xc2: {  	_ =	strace $0x9000004D  }
0xc3: {  	[bflag:$0x2] =	sbarrier.arrive $0xFFFF  }
0xc4: {  	s0 =	rddreg [dreg:$0x2]  }
0xc5: {  	s0 =	sadd.s32 @!p0 $0x100000, s0  }
0xc6: {  	[sflag:s0] =	ssyncadd.tile.s32 @!p0 $0x1;
	_ =	shalt  }
.Lfunc_end2:
_tile_overlayer_lowered:
.L_overlay_start_2:
0xc7: {  	(tag) =	ssettag $0x2  }
0xc8: {  	s0 =	rddreg [dreg:$0x0];
	s2 =	stileid.u32  }
0xc9: {  	s1 =	rddreg [dreg:$0x1];
	p0 =	sne.s32 s2, $0x0  }
0xca: {  	s3 =	rddreg [dreg:$0x2];
	[bflag:$0x3] =	sbarrier.arrive $0xFFFF;
	s2 =	simm.s32 @!p0 $0x1C05  }
0xcb: {  	[timem:s3], [sflag:s2] =	dma.local @!p0 [hbm:s0], s1  }
0xcc: {  	s0 =	simm.s32 @!p0 $0x5  }
0xcd: {  	_ =	swait.ge @!p0 [sflag:s0], s1  }
0xce: {  	s1 =	ssub.s32 @!p0 $0x0, s1;
	[sflag:s0] =	ssyncset.done @!p0 $0x0  }
0xcf: {  	[sflag:s0] =	ssyncadd.s32 @!p0 s1  }
0xd0: {  	[bflag:$0x3] =	sbarrier.arrive $0xFFFF  }
0xd1: {  	_ =	shalt  }

</sc_bundles>
